<compile_context>
chip_gen: v7x
topology: tpu7x:2x2x1
jax: 0.10.2.dev20260603
libtpu: 0.0.44.dev20260713+nightly
codegen_flags: <defaults>
</compile_context>

<pallas_src>
import functools

import jax
import jax.numpy as jnp
from jax import lax
from jax.experimental import pallas as pl
from jax.experimental.pallas import tpu as pltpu
from jax.experimental.pallas import tpu_sc as plsc

_NEG_INF = float("-inf")
_NPAD = 10240
_CH = 128



def _segsum_sc(vals, srci, dsti, zeros, f, etot):
    npad = _NPAD
    cpt = etot // (32 * _CH)
    ept = etot // 32
    rpt = npad // 16
    mesh = plsc.VectorSubcoreMesh(core_axis_name="c", subcore_axis_name="s")

    @functools.partial(
        pl.kernel,
        out_type=jax.ShapeDtypeStruct((2, npad, f), jnp.float32),
        mesh=mesh,
        scratch_types=[
            [pltpu.VMEM((_CH,), jnp.int32)] * 3,
            [pltpu.VMEM((_CH,), jnp.int32)] * 3,
            [pltpu.VMEM((_CH, f), jnp.float32)] * 3,
            pltpu.VMEM_SHARED((npad, f), jnp.float32),
            [pltpu.SemaphoreType.DMA] * 3,
            [pltpu.SemaphoreType.DMA] * 3,
        ],
        compiler_params=pltpu.CompilerParams(use_tc_tiling_on_sc=False),
    )
    def k(vals_h, srci_h, dsti_h, zeros_h, out_h,
          sidxs, didxs, rows, acc, gsems, ssems):
        cid = lax.axis_index("c")
        sid = lax.axis_index("s")
        wid = sid * 2 + cid
        pltpu.sync_copy(zeros_h.at[pl.ds(sid * rpt, rpt)],
                        acc.at[pl.ds(sid * rpt, rpt)])
        plsc.subcore_barrier()

        def load_issue(j, b):
            base = wid * ept + j * _CH
            pltpu.sync_copy(srci_h.at[pl.ds(base, _CH)], sidxs[b])
            pltpu.sync_copy(dsti_h.at[pl.ds(base, _CH)], didxs[b])
            pltpu.async_copy(vals_h.at[sidxs[b]], rows[b], gsems[b])

        def wait_scat(b):
            pltpu.make_async_copy(rows[b], acc.at[didxs[b]],
                                  ssems[b]).wait()

        load_issue(0, 0)
        load_issue(1, 1)

        def body(j3, carry):
            for b3 in range(3):
                j = j3 * 3 + b3
                b = b3 % 3
                bn = (b3 + 2) % 3
                pltpu.make_async_copy(vals_h.at[sidxs[b]], rows[b],
                                      gsems[b]).wait()
                pltpu.async_copy(rows[b], acc.at[didxs[b]], ssems[b],
                                 add=True)

                @pl.when(j + 2 < cpt)
                def _next():
                    @pl.when(j >= 1)
                    def _w():
                        wait_scat(bn)

                    load_issue(j + 2, bn)
            return carry

        lax.fori_loop(0, cpt // 3, body, 0)
        for b in range(3):
            wait_scat(b)
        plsc.subcore_barrier()
        pltpu.sync_copy(acc.at[pl.ds(sid * rpt, rpt)],
                        out_h.at[cid, pl.ds(sid * rpt, rpt)])

    return k(vals, srci, dsti, zeros)


def _deg_sc(dsti, ones_rows, zeros, etot):
    npad = _NPAD
    cpt = etot // (32 * _CH)
    ept = etot // 32
    rpt = npad // 16
    mesh = plsc.VectorSubcoreMesh(core_axis_name="c", subcore_axis_name="s")

    @functools.partial(
        pl.kernel,
        out_type=jax.ShapeDtypeStruct((2, npad, 16), jnp.float32),
        mesh=mesh,
        scratch_types=[
            pltpu.VMEM((_CH,), jnp.int32),
            pltpu.VMEM((_CH, 16), jnp.float32),
            pltpu.VMEM_SHARED((npad, 16), jnp.float32),
        ],
        compiler_params=pltpu.CompilerParams(use_tc_tiling_on_sc=False),
    )
    def k(dsti_h, ones_h, zeros_h, out_h, didx, rows, acc):
        cid = lax.axis_index("c")
        sid = lax.axis_index("s")
        wid = sid * 2 + cid
        pltpu.sync_copy(ones_h, rows)
        pltpu.sync_copy(zeros_h.at[pl.ds(sid * rpt, rpt)],
                        acc.at[pl.ds(sid * rpt, rpt)])
        plsc.subcore_barrier()

        def body(j, carry):
            base = wid * ept + j * _CH
            pltpu.sync_copy(dsti_h.at[pl.ds(base, _CH)], didx)
            pltpu.sync_copy(rows, acc.at[didx], add=True)
            return carry

        lax.fori_loop(0, cpt, body, 0)
        plsc.subcore_barrier()
        pltpu.sync_copy(acc.at[pl.ds(sid * rpt, rpt)],
                        out_h.at[cid, pl.ds(sid * rpt, rpt)])

    return k(dsti, ones_rows, zeros)


def _gat_edge_sc(asT, adT, cT, srci, dsti, zeros16, etot):
    npad = _NPAD
    cpt = etot // (32 * _CH)
    ept = etot // 32
    rpt = npad // 16
    mesh = plsc.VectorSubcoreMesh(core_axis_name="c", subcore_axis_name="s")

    @functools.partial(
        pl.kernel,
        out_type=[
            jax.ShapeDtypeStruct((etot, 16), jnp.float32),
            jax.ShapeDtypeStruct((2, npad, 16), jnp.float32),
        ],
        mesh=mesh,
        scratch_types=[
            [pltpu.VMEM((_CH,), jnp.int32)] * 2,
            [pltpu.VMEM((_CH,), jnp.int32)] * 2,
            [pltpu.VMEM((_CH, 16), jnp.float32)] * 2,
            [pltpu.VMEM((_CH, 16), jnp.float32)] * 2,
            [pltpu.VMEM((_CH, 16), jnp.float32)] * 2,
            [pltpu.VMEM((_CH, 16), jnp.float32)] * 2,
            pltpu.VMEM_SHARED((npad, 16), jnp.float32),
            [pltpu.SemaphoreType.DMA] * 2,
        ],
        compiler_params=pltpu.CompilerParams(use_tc_tiling_on_sc=False),
    )
    def k(as_h, ad_h, c_h, srci_h, dsti_h, zeros_h, ex_h, dn_h,
          sidxs, didxs, ars, brs, crs, exbs, acc, gsems):
        cid = lax.axis_index("c")
        sid = lax.axis_index("s")
        wid = sid * 2 + cid
        pltpu.sync_copy(zeros_h.at[pl.ds(sid * rpt, rpt)],
                        acc.at[pl.ds(sid * rpt, rpt)])
        plsc.subcore_barrier()
        mask = lax.iota(jnp.int32, 16) < 4

        def load_issue(j, b):
            base = wid * ept + j * _CH
            pltpu.sync_copy(srci_h.at[pl.ds(base, _CH)], sidxs[b])
            pltpu.sync_copy(dsti_h.at[pl.ds(base, _CH)], didxs[b])
            pltpu.async_copy(as_h.at[sidxs[b]], ars[b], gsems[b])
            pltpu.async_copy(ad_h.at[didxs[b]], brs[b], gsems[b])
            pltpu.async_copy(c_h.at[didxs[b]], crs[b], gsems[b])

        def wait_gathers(b):
            pltpu.make_async_copy(as_h.at[sidxs[b]], ars[b],
                                  gsems[b]).wait()
            pltpu.make_async_copy(ad_h.at[didxs[b]], brs[b],
                                  gsems[b]).wait()
            pltpu.make_async_copy(c_h.at[didxs[b]], crs[b],
                                  gsems[b]).wait()

        load_issue(0, 0)
        load_issue(1, 1)

        def body(j2, carry):
            for b in range(2):
                j = j2 * 2 + b
                base = wid * ept + j * _CH
                wait_gathers(b)
                ar, br, cr, exb = ars[b], brs[b], crs[b], exbs[b]

                @plsc.parallel_loop(0, _CH, 1, unroll=4)
                def inner(e):
                    pre = ar[e, :] + br[e, :]
                    alpha = jnp.maximum(pre, 0.2 * pre)
                    exv = jnp.exp(alpha - cr[e, :])
                    exb[e, :] = jnp.where(mask, exv, 0.0)

                pltpu.sync_copy(exb, ex_h.at[pl.ds(base, _CH)])
                pltpu.sync_copy(exb, acc.at[didxs[b]], add=True)

                @pl.when(j + 2 < cpt)
                def _next():
                    load_issue(j + 2, b)
            return carry

        lax.fori_loop(0, cpt // 2, body, 0)
        plsc.subcore_barrier()
        pltpu.sync_copy(acc.at[pl.ds(sid * rpt, rpt)],
                        dn_h.at[cid, pl.ds(sid * rpt, rpt)])

    return k(asT, adT, cT, srci, dsti, zeros16)


def _gat_agg_sc(xq0, xq1, xq2, xq3, ex, srci, dsti, zeros128, etot):
    npad = _NPAD
    ept = etot // 16
    cpt = ept // _CH
    rpt = npad // 16
    mesh = plsc.VectorSubcoreMesh(core_axis_name="c", subcore_axis_name="s")

    @functools.partial(
        pl.kernel,
        out_type=jax.ShapeDtypeStruct((2, 2, npad, 128), jnp.float32),
        mesh=mesh,
        scratch_types=[
            pltpu.VMEM((_CH,), jnp.int32),
            pltpu.VMEM((_CH,), jnp.int32),
            pltpu.VMEM((_CH,), jnp.int32),
            pltpu.VMEM((_CH,), jnp.int32),
            pltpu.VMEM((_CH, 32), jnp.float32),
            pltpu.VMEM((_CH, 32), jnp.float32),
            [pltpu.VMEM((_CH, 16), jnp.float32)] * 2,
            pltpu.VMEM((_CH, 128), jnp.float32),
            pltpu.VMEM((_CH, 128), jnp.float32),
            pltpu.VMEM_SHARED((npad, 128), jnp.float32),
            pltpu.SemaphoreType.DMA,
            pltpu.SemaphoreType.DMA,
            pltpu.SemaphoreType.DMA,
            pltpu.SemaphoreType.DMA,
            [pltpu.SemaphoreType.DMA] * 2,
        ],
        compiler_params=pltpu.CompilerParams(use_tc_tiling_on_sc=False),
    )
    def k(x0_h, x1_h, x2_h, x3_h, ex_h, srci_h, dsti_h, zeros_h, out_h,
          sidx0, sidx1, didx0, didx1, xg0, xg1, exgs, scb0, scb1, acc,
          sem0, sem1, ssem0, ssem1, esems):
        cid = lax.axis_index("c")
        sid = lax.axis_index("s")
        sidxs = (sidx0, sidx1)
        didxs = (didx0, didx1)
        xgs = (xg0, xg1)
        scbs = (scb0, scb1)
        sems = (sem0, sem1)
        ssems = (ssem0, ssem1)

        for p in range(2):
            xq_h = (x0_h, x2_h) if p == 0 else (x1_h, x3_h)
            pltpu.sync_copy(zeros_h.at[pl.ds(sid * rpt, rpt)],
                            acc.at[pl.ds(sid * rpt, rpt)])
            plsc.subcore_barrier()

            def load_sidx(j, b):
                base = sid * ept + j * _CH
                pltpu.sync_copy(srci_h.at[pl.ds(base, _CH)], sidxs[b])

            def load_didx(j, b):
                base = sid * ept + j * _CH
                pltpu.sync_copy(dsti_h.at[pl.ds(base, _CH)], didxs[b])

            def issue(b, q0_h, q1_h):
                @pl.when(cid == 0)
                def _a():
                    pltpu.async_copy(q0_h.at[sidxs[b]], xgs[b], sems[b])

                @pl.when(cid == 1)
                def _b():
                    pltpu.async_copy(q1_h.at[sidxs[b]], xgs[b], sems[b])

            def wait(b, q0_h, q1_h):
                @pl.when(cid == 0)
                def _a():
                    pltpu.make_async_copy(q0_h.at[sidxs[b]], xgs[b],
                                          sems[b]).wait()

                @pl.when(cid == 1)
                def _b():
                    pltpu.make_async_copy(q1_h.at[sidxs[b]], xgs[b],
                                          sems[b]).wait()

            def issue_ex(j, b):
                base = sid * ept + j * _CH
                pltpu.async_copy(ex_h.at[pl.ds(base, _CH)], exgs[b],
                                 esems[b])

            def wait_ex(j, b):
                base = sid * ept + j * _CH
                pltpu.make_async_copy(ex_h.at[pl.ds(base, _CH)], exgs[b],
                                      esems[b]).wait()

            q0_h, q1_h = xq_h
            load_sidx(0, 0)
            issue(0, q0_h, q1_h)
            issue_ex(0, 0)
            load_sidx(1, 1)
            issue(1, q0_h, q1_h)
            issue_ex(1, 1)

            def body(j2, carry):
                for b in range(2):
                    j = j2 * 2 + b
                    base = sid * ept + j * _CH
                    wait(b, q0_h, q1_h)
                    wait_ex(j, b)
                    exg = exgs[b]
                    xg = xgs[b]
                    scb = scbs[b]

                    @pl.when(j >= 2)
                    def _drain():
                        pltpu.make_async_copy(scb, acc.at[didxs[b]],
                                              ssems[b]).wait()

                    @plsc.parallel_loop(0, _CH, 1, unroll=8)
                    def inner(e):
                        exv = exg[e, :]
                        v0 = xg[e, pl.ds(0, 16)]
                        v1 = xg[e, pl.ds(16, 16)]
                        for hh in range(4):
                            w = exv[hh]
                            scb[e, pl.ds(hh * 32, 16)] = v0 * w
                            scb[e, pl.ds(hh * 32 + 16, 16)] = v1 * w

                    load_didx(j, b)
                    pltpu.async_copy(scb, acc.at[didxs[b]], ssems[b],
                                     add=True)

                    @pl.when(j + 2 < cpt)
                    def _next():
                        load_sidx(j + 2, b)
                        issue(b, q0_h, q1_h)
                        issue_ex(j + 2, b)
                return carry

            lax.fori_loop(0, cpt // 2, body, 0)
            for b in range(2):
                pltpu.make_async_copy(scbs[b], acc.at[didxs[b]],
                                      ssems[b]).wait()
            plsc.subcore_barrier()
            pltpu.sync_copy(acc.at[pl.ds(sid * rpt, rpt)],
                            out_h.at[cid, p, pl.ds(sid * rpt, rpt)])
            plsc.subcore_barrier()

    return k(xq0, xq1, xq2, xq3, ex, srci, dsti, zeros128)



def _gcn_dense_body(p_ref, dinv_ref, w_ref, b_ref, out_ref):
    s = (p_ref[0] + p_ref[1]) * dinv_ref[...]
    h = jnp.dot(s, w_ref[...], preferred_element_type=jnp.float32)
    h = jnp.maximum(h + b_ref[...], 0.0)
    out_ref[...] = h * dinv_ref[...]


def _gcn_dense(p, dinv, w, b, blk=1280):
    npad, fin = p.shape[1], p.shape[2]
    fout = w.shape[1]
    return pl.pallas_call(
        _gcn_dense_body,
        grid=(npad // blk,),
        in_specs=[
            pl.BlockSpec((2, blk, fin), lambda i: (0, i, 0)),
            pl.BlockSpec((blk, 1), lambda i: (i, 0)),
            pl.BlockSpec((fin, fout), lambda i: (0, 0)),
            pl.BlockSpec((1, fout), lambda i: (0, 0)),
        ],
        out_specs=pl.BlockSpec((blk, fout), lambda i: (i, 0)),
        out_shape=jax.ShapeDtypeStruct((npad, fout), jnp.float32),
    )(p, dinv, w, b)


def _gat_prep_body(p_ref, dinv_ref, w_ref, b_ref, avs_ref, avd_ref,
                   x2_ref, as_ref, ad_ref, c_ref):
    s = (p_ref[0] + p_ref[1]) * dinv_ref[...]
    x2 = jnp.dot(s, w_ref[...], preferred_element_type=jnp.float32)
    x2 = jnp.maximum(x2 + b_ref[...], 0.0)
    x2_ref[...] = x2
    a_s = jnp.dot(x2, avs_ref[...], preferred_element_type=jnp.float32)
    a_d = jnp.dot(x2, avd_ref[...], preferred_element_type=jnp.float32)
    pre = a_s + a_d
    c = jnp.maximum(pre, 0.2 * pre)
    z = jnp.zeros((a_s.shape[0], 12), jnp.float32)
    as_ref[...] = jnp.concatenate([a_s, z], axis=1)
    ad_ref[...] = jnp.concatenate([a_d, z], axis=1)
    c_ref[...] = jnp.concatenate([c, z], axis=1)


def _gat_prep(p, dinv, w, b, avs, avd, blk=1280):
    npad, fin = p.shape[1], p.shape[2]
    fout = w.shape[1]
    return pl.pallas_call(
        _gat_prep_body,
        grid=(npad // blk,),
        in_specs=[
            pl.BlockSpec((2, blk, fin), lambda i: (0, i, 0)),
            pl.BlockSpec((blk, 1), lambda i: (i, 0)),
            pl.BlockSpec((fin, fout), lambda i: (0, 0)),
            pl.BlockSpec((1, fout), lambda i: (0, 0)),
            pl.BlockSpec((fout, 4), lambda i: (0, 0)),
            pl.BlockSpec((fout, 4), lambda i: (0, 0)),
        ],
        out_specs=[
            pl.BlockSpec((blk, fout), lambda i: (i, 0)),
            pl.BlockSpec((blk, 16), lambda i: (i, 0)),
            pl.BlockSpec((blk, 16), lambda i: (i, 0)),
            pl.BlockSpec((blk, 16), lambda i: (i, 0)),
        ],
        out_shape=[
            jax.ShapeDtypeStruct((npad, fout), jnp.float32),
            jax.ShapeDtypeStruct((npad, 16), jnp.float32),
            jax.ShapeDtypeStruct((npad, 16), jnp.float32),
            jax.ShapeDtypeStruct((npad, 16), jnp.float32),
        ],
    )(p, dinv, w, b, avs, avd)


def _tail_body(a3_ref, dp_ref, w3s_ref, b3_ref, gw1_ref, gb1_ref, gw2_ref,
               gb2_ref, mw_ref, mb_ref, h_ref, g_ref, m_s, s_s, g_s):
    i = pl.program_id(0)
    nblk = pl.num_programs(0)

    @pl.when(i == 0)
    def _init():
        m_s[0, 0] = _NEG_INF
        s_s[0, 0] = 0.0
        g_s[...] = jnp.zeros_like(g_s)

    d = dp_ref[0] + dp_ref[1]
    r = 1.0 / (d + 1e-16)
    hid = h_ref.shape[1]
    acc = jnp.zeros((a3_ref.shape[1], hid), jnp.float32)
    for hh in range(4):
        sc = a3_ref[hh] * r[:, hh:hh + 1]
        acc = acc + jnp.dot(sc, w3s_ref[hh * 128:(hh + 1) * 128, :],
                            preferred_element_type=jnp.float32)
    h = acc * 0.25 + b3_ref[...]
    h_ref[...] = h

    z1 = jnp.maximum(
        jnp.dot(h, gw1_ref[...], preferred_element_type=jnp.float32)
        + gb1_ref[...], 0.0)
    z = jnp.dot(z1, gw2_ref[...], preferred_element_type=jnp.float32)
    z = z + gb2_ref[0, 0]

    blk_max = jnp.max(z)
    m_old = m_s[0, 0]
    m_new = jnp.maximum(m_old, blk_max)
    corr = jnp.exp(m_old - m_new)
    p = jnp.exp(z - m_new)
    s_s[0, 0] = s_s[0, 0] * corr + jnp.sum(p)
    g_s[...] = g_s[...] * corr + jnp.sum(p * h, axis=0, keepdims=True)
    m_s[0, 0] = m_new

    @pl.when(i == nblk - 1)
    def _fin():
        g = g_s[...] / s_s[0, 0]
        g = jnp.dot(g, mw_ref[...], preferred_element_type=jnp.float32)
        g_ref[...] = jnp.maximum(g + mb_ref[...], 0.0)


def _tail(a3, dp, w3s, b3, gw1, gb1, gw2, gb2, mw, mb, n, blk=400):
    hid = w3s.shape[1]
    return pl.pallas_call(
        _tail_body,
        grid=(n // blk,),
        in_specs=[
            pl.BlockSpec((4, blk, 128), lambda i: (0, i, 0)),
            pl.BlockSpec((2, blk, 16), lambda i: (0, i, 0)),
            pl.BlockSpec((512, hid), lambda i: (0, 0)),
            pl.BlockSpec((1, hid), lambda i: (0, 0)),
            pl.BlockSpec((hid, hid), lambda i: (0, 0)),
            pl.BlockSpec((1, hid), lambda i: (0, 0)),
            pl.BlockSpec((hid, 1), lambda i: (0, 0)),
            pl.BlockSpec((1, 1), lambda i: (0, 0)),
            pl.BlockSpec((hid, hid), lambda i: (0, 0)),
            pl.BlockSpec((1, hid), lambda i: (0, 0)),
        ],
        out_specs=[
            pl.BlockSpec((blk, hid), lambda i: (i, 0)),
            pl.BlockSpec((1, hid), lambda i: (0, 0)),
        ],
        out_shape=[
            jax.ShapeDtypeStruct((n, hid), jnp.float32),
            jax.ShapeDtypeStruct((1, hid), jnp.float32),
        ],
        scratch_shapes=[
            pltpu.SMEM((1, 1), jnp.float32),
            pltpu.SMEM((1, 1), jnp.float32),
            pltpu.VMEM((1, hid), jnp.float32),
        ],
    )(a3, dp, w3s, b3, gw1, gb1, gw2, gb2, mw, mb)



def kernel(x, edge_index, W1, b1, W2, b2, W3, att_src, att_dst, b3,
           gate_W1, gate_b1, gate_W2, gate_b2, mlp_W, mlp_b):
    n = x.shape[0]
    heads, hidden = att_src.shape
    in2 = W3.shape[0]
    npad = _NPAD

    loop = jnp.arange(n, dtype=jnp.int32)
    src = jnp.concatenate([edge_index[0], loop])
    dst = jnp.concatenate([edge_index[1], loop])
    e_real = src.shape[0]
    etot = ((e_real + 4095) // 4096) * 4096
    padn = etot - e_real
    srcp = jnp.concatenate([src, jnp.zeros((padn,), jnp.int32)])
    dstp = jnp.concatenate([dst, jnp.full((padn,), n, jnp.int32)])

    zeros16 = jnp.zeros((npad, 16), jnp.float32)
    zeros64 = jnp.zeros((npad, 64), jnp.float32)
    ones16 = jnp.ones((_CH, 16), jnp.float32)

    degp = _deg_sc(dstp, ones16, zeros16, etot)
    deg = degp[0, :, 0] + degp[1, :, 0]
    dinv = lax.rsqrt(jnp.maximum(deg, 1e-12))
    dinv2 = dinv[:, None]

    xs16 = jnp.zeros((npad, 16), jnp.float32)
    xs16 = xs16.at[:n, :3].set(x * dinv2[:n])
    agg1 = _segsum_sc(xs16, srcp, dstp, zeros16, 16, etot)
    w1p = jnp.zeros((16, 64), jnp.float32).at[:3].set(W1)
    x1s = _gcn_dense(agg1, dinv2, w1p, b1.reshape(1, 64))

    agg2 = _segsum_sc(x1s, srcp, dstp, zeros64, 64, etot)
    w3r = W3.reshape(in2, heads, hidden)
    avs = jnp.einsum("khj,hj->kh", w3r, att_src)
    avd = jnp.einsum("khj,hj->kh", w3r, att_dst)
    x2, asT, adT, cT = _gat_prep(agg2, dinv2, W2, b2.reshape(1, in2),
                                 avs, avd)

    exT, dpart = _gat_edge_sc(asT, adT, cT, srcp, dstp, zeros16, etot)
    zeros128 = jnp.zeros((npad, 128), jnp.float32)
    xq = [x2[:, 32 * q:32 * (q + 1)] for q in range(4)]
    aq = _gat_agg_sc(xq[0], xq[1], xq[2], xq[3], exT, srcp, dstp,
                     zeros128, etot)
    a3 = aq.reshape(4, npad, 4, 32).transpose(2, 1, 0, 3).reshape(
        4, npad, 128)

    w3s = w3r.transpose(1, 0, 2).reshape(heads * in2, hidden)
    h, g = _tail(a3, dpart, w3s, b3.reshape(1, hidden),
                 gate_W1, gate_b1.reshape(1, hidden),
                 gate_W2, gate_b2.reshape(1, 1),
                 mlp_W, mlp_b.reshape(1, hidden), n)
    return (g, h)

# --- scband reference (transcript-rebuilt; emitter-appended) ---
"""Pipeline reference for scband-mesh-encoder-5385888989266 (READ-ONLY COPY).

The authoritative reference and input builder live on the scoring server;
editing this copy changes nothing except your own understanding.
"""

import jax, jax.numpy as jnp
import numpy as np

N = 10000
E = 160000
IN_DIM = 3
HIDDEN = 256
OUT_DIM = 256
HEADS = 4


def setup_inputs(seed: int = 0):
    key = jax.random.key(seed)
    ks = jax.random.split(key, 20)

    def p(k, shape, scale=None):
        if scale is None:
            scale = 1.0 / np.sqrt(shape[0])
        return jax.random.normal(k, shape, dtype=jnp.float32) * scale

    inp = {}
    inp["x"] = jax.random.normal(ks[0], (N, IN_DIM), dtype=jnp.float32)
    inp["edge_index"] = jax.random.randint(ks[1], (2, E), 0, N, dtype=jnp.int32)
    inp["W1"] = p(ks[2], (IN_DIM, 64))
    inp["b1"] = jnp.zeros((64,), dtype=jnp.float32)
    inp["W2"] = p(ks[3], (64, 128))
    inp["b2"] = jnp.zeros((128,), dtype=jnp.float32)
    inp["W3"] = p(ks[4], (128, HEADS * HIDDEN))
    inp["att_src"] = p(ks[5], (HEADS, HIDDEN), 0.1)
    inp["att_dst"] = p(ks[6], (HEADS, HIDDEN), 0.1)
    inp["b3"] = jnp.zeros((HIDDEN,), dtype=jnp.float32)
    inp["gate_W1"] = p(ks[7], (HIDDEN, HIDDEN))
    inp["gate_b1"] = jnp.zeros((HIDDEN,), dtype=jnp.float32)
    inp["gate_W2"] = p(ks[8], (HIDDEN, 1))
    inp["gate_b2"] = jnp.zeros((1,), dtype=jnp.float32)
    inp["mlp_W"] = p(ks[9], (HIDDEN, OUT_DIM))
    inp["mlp_b"] = jnp.zeros((OUT_DIM,), dtype=jnp.float32)
    return inp


def _add_self_loops(edge_index, n):
    loop = jnp.arange(n, dtype=edge_index.dtype)
    src = jnp.concatenate([edge_index[0], loop])
    dst = jnp.concatenate([edge_index[1], loop])
    return src, dst


def _gcn_conv(x, src, dst, W, b, n):
    h = x @ W
    deg = jax.ops.segment_sum(jnp.ones(src.shape[0], dtype=x.dtype), dst, num_segments=n)
    dinv = jnp.where(deg > 0, jax.lax.rsqrt(jnp.maximum(deg, 1e-12)), 0.0)
    norm = dinv[src] * dinv[dst]
    out = jax.ops.segment_sum(h[src] * norm[:, None], dst, num_segments=n)
    return out + b


def _gat_conv(x, src, dst, W, att_src, att_dst, b, n):
    h = (x @ W).reshape(n, HEADS, HIDDEN)
    a_src = jnp.sum(h * att_src[None, :, :], axis=-1)
    a_dst = jnp.sum(h * att_dst[None, :, :], axis=-1)
    alpha = jax.nn.leaky_relu(a_src[src] + a_dst[dst], negative_slope=0.2)
    m = jax.ops.segment_max(alpha, dst, num_segments=n)
    ex = jnp.exp(alpha - m[dst])
    denom = jax.ops.segment_sum(ex, dst, num_segments=n)
    w = ex / (denom[dst] + 1e-16)
    outs = []
    for hh in range(HEADS):
        msg = h[:, hh, :][src] * w[:, hh:hh + 1]
        outs.append(jax.ops.segment_sum(msg, dst, num_segments=n))
    out = jnp.mean(jnp.stack(outs, axis=1), axis=1)
    return out + b


def reference(x, edge_index, W1, b1, W2, b2, W3, att_src, att_dst, b3, gate_W1, gate_b1, gate_W2, gate_b2, mlp_W, mlp_b):
    n = x.shape[0]
    src, dst = _add_self_loops(edge_index, n)
    h = jax.nn.relu(_gcn_conv(x, src, dst, W1, b1, n))
    h = jax.nn.relu(_gcn_conv(h, src, dst, W2, b2, n))
    h = _gat_conv(h, src, dst, W3, att_src, att_dst, b3, n)
    gate = jax.nn.relu(h @ gate_W1 + gate_b1) @ gate_W2 + gate_b2
    a = jax.nn.softmax(gate, axis=0)
    g = jnp.sum(a * h, axis=0, keepdims=True)
    g = jax.nn.relu(g @ mlp_W + mlp_b)
    return (g, h)

if __name__ == "__main__":
    import jax
    _d = setup_inputs()
    print(jax.jit(kernel)(*tuple(_d.values())))

</pallas_src>

<mosaic_0001>
#map = affine_map<(d0, d1) -> (0)>
#map1 = affine_map<(d0, d1) -> (0, 0)>
#map2 = affine_map<(d0, d1) -> (0, 0, 0)>
module attributes {stable_mosaic.version = 14 : i64} {
  func.func @k(%arg0: i32, %arg1: i32, %arg2: memref<172032xi32, #tpu.memory_space<hbm>>, %arg3: memref<128x16xf32, #tpu.memory_space<hbm>>, %arg4: memref<10240x16xf32, #tpu.memory_space<hbm>>, %arg5: memref<2x10240x16xf32, #tpu.memory_space<hbm>>, %arg6: memref<128xi32, #tpu.memory_space<vmem>>, %arg7: memref<128x16xf32, #tpu.memory_space<vmem>>, %arg8: memref<10240x16xf32, #tpu.memory_space<vmem_shared>>) attributes {dimension_semantics = [#tpu.dimension_semantics<core_parallel>, #tpu.dimension_semantics<subcore_parallel>], iteration_bounds = array<i64: 2, 16>, scalar_prefetch = 0 : i64, scratch_operands = 3 : i64, tpu.core_type = #tpu.core_type<sc_vector_subcore>, window_params = [{transform_indices = #map}, {transform_indices = #map1}, {transform_indices = #map1}, {transform_indices = #map2}]} {
    %mul3A = arith.constant 2 : i32
    %mul3A_0 = arith.muli %arg1, %mul3A : i32
    %add3A = arith.addi %mul3A_0, %arg0 : i32
    "tpu.region"() ({
      %run_scoped3A = tpu.sem_alloc : memref<!tpu.dma_semaphore, #tpu.memory_space<semaphore_mem>>
      tpu.enqueue_dma source(%arg3 : memref<128x16xf32, #tpu.memory_space<hbm>>) target(%arg7 : memref<128x16xf32, #tpu.memory_space<vmem>>) target_semaphore(%run_scoped3A : memref<!tpu.dma_semaphore, #tpu.memory_space<semaphore_mem>>)
      tpu.wait_dma2 semaphore(%run_scoped3A : memref<!tpu.dma_semaphore, #tpu.memory_space<semaphore_mem>>) src(%arg3 : memref<128x16xf32, #tpu.memory_space<hbm>>) dst(%arg7 : memref<128x16xf32, #tpu.memory_space<vmem>>)
      tpu.yield
    }) : () -> ()
    %mul3A_1 = arith.constant 640 : i32
    %mul3A_2 = arith.muli %arg1, %mul3A_1 : i32
    %mul3A_3 = arith.constant 640 : i32
    %mul3A_4 = arith.muli %arg1, %mul3A_3 : i32
    "tpu.region"() ({
      %run_scoped3A = tpu.sem_alloc : memref<!tpu.dma_semaphore, #tpu.memory_space<semaphore_mem>>
      %dma_start3A = arith.constant 0 : i32
      %dma_start3A_15 = tpu.memref_slice %arg8[%mul3A_4, %dma_start3A] : memref<10240x16xf32, #tpu.memory_space<vmem_shared>> -> memref<640x16xf32, #tpu.memory_space<vmem_shared>>
      %dma_start3A_16 = arith.constant 0 : i32
      %dma_start3A_17 = tpu.memref_slice %arg4[%mul3A_2, %dma_start3A_16] : memref<10240x16xf32, #tpu.memory_space<hbm>> -> memref<640x16xf32, #tpu.memory_space<hbm>>
      tpu.enqueue_dma source(%dma_start3A_17 : memref<640x16xf32, #tpu.memory_space<hbm>>) target(%dma_start3A_15 : memref<640x16xf32, #tpu.memory_space<vmem_shared>>) target_semaphore(%run_scoped3A : memref<!tpu.dma_semaphore, #tpu.memory_space<semaphore_mem>>)
      %dma_wait3A = arith.constant 0 : i32
      %dma_wait3A_18 = tpu.memref_slice %arg8[%mul3A_4, %dma_wait3A] : memref<10240x16xf32, #tpu.memory_space<vmem_shared>> -> memref<640x16xf32, #tpu.memory_space<vmem_shared>>
      %dma_wait3A_19 = arith.constant 0 : i32
      %dma_wait3A_20 = tpu.memref_slice %arg4[%mul3A_2, %dma_wait3A_19] : memref<10240x16xf32, #tpu.memory_space<hbm>> -> memref<640x16xf32, #tpu.memory_space<hbm>>
      tpu.wait_dma2 semaphore(%run_scoped3A : memref<!tpu.dma_semaphore, #tpu.memory_space<semaphore_mem>>) src(%dma_wait3A_20 : memref<640x16xf32, #tpu.memory_space<hbm>>) dst(%dma_wait3A_18 : memref<640x16xf32, #tpu.memory_space<vmem_shared>>)
      tpu.yield
    }) : () -> ()
    %barrier3A = arith.constant 0 : index
    tpu.barrier barrier_id(%barrier3A)
    %scan3A = arith.constant 0 : i32
    %scan3A_5 = arith.constant 0 : i32
    %scan3A_6 = arith.constant 42 : i32
    %scan3A_7 = arith.addi %scan3A_5, %scan3A_6 : i32
    %scan3A_8 = arith.constant 1 : i32
    scf.for %scan3A_15 = %scan3A_5 to %scan3A_7 step %scan3A_8  : i32 {
      %mul3A_16 = arith.constant 5376 : i32
      %mul3A_17 = arith.muli %add3A, %mul3A_16 : i32
      %mul3A_18 = arith.constant 128 : i32
      %mul3A_19 = arith.muli %scan3A_15, %mul3A_18 : i32
      %add3A_20 = arith.addi %mul3A_17, %mul3A_19 : i32
      "tpu.region"() ({
        %run_scoped3A = tpu.sem_alloc : memref<!tpu.dma_semaphore, #tpu.memory_space<semaphore_mem>>
        %dma_start3A = tpu.memref_slice %arg2[%add3A_20] : memref<172032xi32, #tpu.memory_space<hbm>> -> memref<128xi32, #tpu.memory_space<hbm>>
        %dma_start3A_21 = tpu.memref_slice %arg2[%add3A_20] : memref<172032xi32, #tpu.memory_space<hbm>> -> memref<128xi32, #tpu.memory_space<hbm>>
        tpu.enqueue_dma source(%dma_start3A_21 : memref<128xi32, #tpu.memory_space<hbm>>) target(%arg6 : memref<128xi32, #tpu.memory_space<vmem>>) target_semaphore(%run_scoped3A : memref<!tpu.dma_semaphore, #tpu.memory_space<semaphore_mem>>)
        %dma_wait3A = tpu.memref_slice %arg2[%add3A_20] : memref<172032xi32, #tpu.memory_space<hbm>> -> memref<128xi32, #tpu.memory_space<hbm>>
        %dma_wait3A_22 = tpu.memref_slice %arg2[%add3A_20] : memref<172032xi32, #tpu.memory_space<hbm>> -> memref<128xi32, #tpu.memory_space<hbm>>
        tpu.wait_dma2 semaphore(%run_scoped3A : memref<!tpu.dma_semaphore, #tpu.memory_space<semaphore_mem>>) src(%dma_wait3A_22 : memref<128xi32, #tpu.memory_space<hbm>>) dst(%arg6 : memref<128xi32, #tpu.memory_space<vmem>>)
        tpu.yield
      }) : () -> ()
      "tpu.region"() ({
        %run_scoped3A = tpu.sem_alloc : memref<!tpu.dma_semaphore, #tpu.memory_space<semaphore_mem>>
        %dma_start3A = arith.constant 0 : i32
        %dma_start3A_21 = arith.constant 0 : i32
        %dma_start3A_22 = tpu.memref_slice %arg8[%dma_start3A, %dma_start3A_21] : memref<10240x16xf32, #tpu.memory_space<vmem_shared>> -> memref<10240x16xf32, #tpu.memory_space<vmem_shared>>
        tpu.enqueue_indirect_dma source(%arg7 : memref<128x16xf32, #tpu.memory_space<vmem>>) target(%dma_start3A_22 : memref<10240x16xf32, #tpu.memory_space<vmem_shared>>) offsets(%arg6 : memref<128xi32, #tpu.memory_space<vmem>>) semaphore(%run_scoped3A : memref<!tpu.dma_semaphore, #tpu.memory_space<semaphore_mem>>) {add = true}
        %dma_wait3A = arith.constant 0 : i32
        %dma_wait3A_23 = arith.constant 0 : i32
        %dma_wait3A_24 = tpu.memref_slice %arg8[%dma_wait3A, %dma_wait3A_23] : memref<10240x16xf32, #tpu.memory_space<vmem_shared>> -> memref<10240x16xf32, #tpu.memory_space<vmem_shared>>
        tpu.wait_indirect_dma semaphore(%run_scoped3A : memref<!tpu.dma_semaphore, #tpu.memory_space<semaphore_mem>>) src(%arg7 : memref<128x16xf32, #tpu.memory_space<vmem>>) dst(%dma_wait3A_24 : memref<10240x16xf32, #tpu.memory_space<vmem_shared>>)
        tpu.yield
      }) : () -> ()
    }
    %scan3A_9 = arith.constant 42 : i32
    %barrier3A_10 = arith.constant 0 : index
    tpu.barrier barrier_id(%barrier3A_10)
    %mul3A_11 = arith.constant 640 : i32
    %mul3A_12 = arith.muli %arg1, %mul3A_11 : i32
    %mul3A_13 = arith.constant 640 : i32
    %mul3A_14 = arith.muli %arg1, %mul3A_13 : i32
    "tpu.region"() ({
      %run_scoped3A = tpu.sem_alloc : memref<!tpu.dma_semaphore, #tpu.memory_space<semaphore_mem>>
      %dma_start3A = arith.constant 0 : i32
      %dma_start3A_15 = tpu.memref_slice %arg5[%arg0, %mul3A_14, %dma_start3A] : memref<2x10240x16xf32, #tpu.memory_space<hbm>> -> memref<1x640x16xf32, #tpu.memory_space<hbm>>
      %dma_start3A_16 = tpu.memref_squeeze %dma_start3A_15 : memref<1x640x16xf32, #tpu.memory_space<hbm>> -> memref<640x16xf32, #tpu.memory_space<hbm>>
      %dma_start3A_17 = arith.constant 0 : i32
      %dma_start3A_18 = tpu.memref_slice %arg8[%mul3A_12, %dma_start3A_17] : memref<10240x16xf32, #tpu.memory_space<vmem_shared>> -> memref<640x16xf32, #tpu.memory_space<vmem_shared>>
      tpu.enqueue_dma source(%dma_start3A_18 : memref<640x16xf32, #tpu.memory_space<vmem_shared>>) target(%dma_start3A_16 : memref<640x16xf32, #tpu.memory_space<hbm>>) target_semaphore(%run_scoped3A : memref<!tpu.dma_semaphore, #tpu.memory_space<semaphore_mem>>)
      %dma_wait3A = arith.constant 0 : i32
      %dma_wait3A_19 = tpu.memref_slice %arg5[%arg0, %mul3A_14, %dma_wait3A] : memref<2x10240x16xf32, #tpu.memory_space<hbm>> -> memref<1x640x16xf32, #tpu.memory_space<hbm>>
      %dma_wait3A_20 = tpu.memref_squeeze %dma_wait3A_19 : memref<1x640x16xf32, #tpu.memory_space<hbm>> -> memref<640x16xf32, #tpu.memory_space<hbm>>
      %dma_wait3A_21 = arith.constant 0 : i32
      %dma_wait3A_22 = tpu.memref_slice %arg8[%mul3A_12, %dma_wait3A_21] : memref<10240x16xf32, #tpu.memory_space<vmem_shared>> -> memref<640x16xf32, #tpu.memory_space<vmem_shared>>
      tpu.wait_dma2 semaphore(%run_scoped3A : memref<!tpu.dma_semaphore, #tpu.memory_space<semaphore_mem>>) src(%dma_wait3A_22 : memref<640x16xf32, #tpu.memory_space<vmem_shared>>) dst(%dma_wait3A_20 : memref<640x16xf32, #tpu.memory_space<hbm>>)
      tpu.yield
    }) : () -> ()
    return
  }
}

#map = affine_map<(d0, d1) -> (0, 0)>
#map1 = affine_map<(d0, d1) -> (0)>
#map2 = affine_map<(d0, d1) -> (0, 0, 0)>
module attributes {stable_mosaic.version = 14 : i64} {
  func.func @k(%arg0: i32, %arg1: i32, %arg2: memref<10240x16xf32, #tpu.memory_space<hbm>>, %arg3: memref<10240x16xf32, #tpu.memory_space<hbm>>, %arg4: memref<10240x16xf32, #tpu.memory_space<hbm>>, %arg5: memref<172032xi32, #tpu.memory_space<hbm>>, %arg6: memref<172032xi32, #tpu.memory_space<hbm>>, %arg7: memref<10240x16xf32, #tpu.memory_space<hbm>>, %arg8: memref<172032x16xf32, #tpu.memory_space<hbm>>, %arg9: memref<2x10240x16xf32, #tpu.memory_space<hbm>>, %arg10: memref<128xi32, #tpu.memory_space<vmem>>, %arg11: memref<128xi32, #tpu.memory_space<vmem>>, %arg12: memref<128xi32, #tpu.memory_space<vmem>>, %arg13: memref<128xi32, #tpu.memory_space<vmem>>, %arg14: memref<128x16xf32, #tpu.memory_space<vmem>>, %arg15: memref<128x16xf32, #tpu.memory_space<vmem>>, %arg16: memref<128x16xf32, #tpu.memory_space<vmem>>, %arg17: memref<128x16xf32, #tpu.memory_space<vmem>>, %arg18: memref<128x16xf32, #tpu.memory_space<vmem>>, %arg19: memref<128x16xf32, #tpu.memory_space<vmem>>, %arg20: memref<128x16xf32, #tpu.memory_space<vmem>>, %arg21: memref<128x16xf32, #tpu.memory_space<vmem>>, %arg22: memref<10240x16xf32, #tpu.memory_space<vmem_shared>>, %arg23: memref<!tpu.dma_semaphore, #tpu.memory_space<semaphore_mem>>, %arg24: memref<!tpu.dma_semaphore, #tpu.memory_space<semaphore_mem>>) attributes {dimension_semantics = [#tpu.dimension_semantics<core_parallel>, #tpu.dimension_semantics<subcore_parallel>], iteration_bounds = array<i64: 2, 16>, scalar_prefetch = 0 : i64, scratch_operands = 15 : i64, tpu.core_type = #tpu.core_type<sc_vector_subcore>, window_params = [{transform_indices = #map}, {transform_indices = #map}, {transform_indices = #map}, {transform_indices = #map1}, {transform_indices = #map1}, {transform_indices = #map}, {transform_indices = #map}, {transform_indices = #map2}]} {
    %mul3A = arith.constant 2 : i32
    %mul3A_0 = arith.muli %arg1, %mul3A : i32
    %add3A = arith.addi %mul3A_0, %arg0 : i32
    %mul3A_1 = arith.constant 640 : i32
    %mul3A_2 = arith.muli %arg1, %mul3A_1 : i32
    %mul3A_3 = arith.constant 640 : i32
    %mul3A_4 = arith.muli %arg1, %mul3A_3 : i32
    "tpu.region"() ({
      %run_scoped3A = tpu.sem_alloc : memref<!tpu.dma_semaphore, #tpu.memory_space<semaphore_mem>>
      %dma_start3A_42 = arith.constant 0 : i32
      %dma_start3A_43 = tpu.memref_slice %arg22[%mul3A_4, %dma_start3A_42] : memref<10240x16xf32, #tpu.memory_space<vmem_shared>> -> memref<640x16xf32, #tpu.memory_space<vmem_shared>>
      %dma_start3A_44 = arith.constant 0 : i32
      %dma_start3A_45 = tpu.memref_slice %arg7[%mul3A_2, %dma_start3A_44] : memref<10240x16xf32, #tpu.memory_space<hbm>> -> memref<640x16xf32, #tpu.memory_space<hbm>>
      tpu.enqueue_dma source(%dma_start3A_45 : memref<640x16xf32, #tpu.memory_space<hbm>>) target(%dma_start3A_43 : memref<640x16xf32, #tpu.memory_space<vmem_shared>>) target_semaphore(%run_scoped3A : memref<!tpu.dma_semaphore, #tpu.memory_space<semaphore_mem>>)
      %dma_wait3A = arith.constant 0 : i32
      %dma_wait3A_46 = tpu.memref_slice %arg22[%mul3A_4, %dma_wait3A] : memref<10240x16xf32, #tpu.memory_space<vmem_shared>> -> memref<640x16xf32, #tpu.memory_space<vmem_shared>>
      %dma_wait3A_47 = arith.constant 0 : i32
      %dma_wait3A_48 = tpu.memref_slice %arg7[%mul3A_2, %dma_wait3A_47] : memref<10240x16xf32, #tpu.memory_space<hbm>> -> memref<640x16xf32, #tpu.memory_space<hbm>>
      tpu.wait_dma2 semaphore(%run_scoped3A : memref<!tpu.dma_semaphore, #tpu.memory_space<semaphore_mem>>) src(%dma_wait3A_48 : memref<640x16xf32, #tpu.memory_space<hbm>>) dst(%dma_wait3A_46 : memref<640x16xf32, #tpu.memory_space<vmem_shared>>)
      tpu.yield
    }) : () -> ()
    %barrier3A = arith.constant 0 : index
    tpu.barrier barrier_id(%barrier3A)
    %iota3A = tpu.iota {dimensions = array<i32: 0>} : vector<16xi32>
    %lt3A = arith.constant 4 : i32
    %lt3A_5 = vector.broadcast %lt3A : i32 to vector<16xi32>
    %lt3A_6 = arith.cmpi slt, %iota3A, %lt3A_5 : vector<16xi32>
    %mul3A_7 = arith.constant 5376 : i32
    %mul3A_8 = arith.muli %add3A, %mul3A_7 : i32
    %add3A_9 = arith.constant 0 : i32
    %add3A_10 = arith.addi %mul3A_8, %add3A_9 : i32
    "tpu.region"() ({
      %run_scoped3A = tpu.sem_alloc : memref<!tpu.dma_semaphore, #tpu.memory_space<semaphore_mem>>
      %dma_start3A_42 = tpu.memref_slice %arg5[%add3A_10] : memref<172032xi32, #tpu.memory_space<hbm>> -> memref<128xi32, #tpu.memory_space<hbm>>
      %dma_start3A_43 = tpu.memref_slice %arg5[%add3A_10] : memref<172032xi32, #tpu.memory_space<hbm>> -> memref<128xi32, #tpu.memory_space<hbm>>
      tpu.enqueue_dma source(%dma_start3A_43 : memref<128xi32, #tpu.memory_space<hbm>>) target(%arg10 : memref<128xi32, #tpu.memory_space<vmem>>) target_semaphore(%run_scoped3A : memref<!tpu.dma_semaphore, #tpu.memory_space<semaphore_mem>>)
      %dma_wait3A = tpu.memref_slice %arg5[%add3A_10] : memref<172032xi32, #tpu.memory_space<hbm>> -> memref<128xi32, #tpu.memory_space<hbm>>
      %dma_wait3A_44 = tpu.memref_slice %arg5[%add3A_10] : memref<172032xi32, #tpu.memory_space<hbm>> -> memref<128xi32, #tpu.memory_space<hbm>>
      tpu.wait_dma2 semaphore(%run_scoped3A : memref<!tpu.dma_semaphore, #tpu.memory_space<semaphore_mem>>) src(%dma_wait3A_44 : memref<128xi32, #tpu.memory_space<hbm>>) dst(%arg10 : memref<128xi32, #tpu.memory_space<vmem>>)
      tpu.yield
    }) : () -> ()
    "tpu.region"() ({
      %run_scoped3A = tpu.sem_alloc : memref<!tpu.dma_semaphore, #tpu.memory_space<semaphore_mem>>
      %dma_start3A_42 = tpu.memref_slice %arg6[%add3A_10] : memref<172032xi32, #tpu.memory_space<hbm>> -> memref<128xi32, #tpu.memory_space<hbm>>
      %dma_start3A_43 = tpu.memref_slice %arg6[%add3A_10] : memref<172032xi32, #tpu.memory_space<hbm>> -> memref<128xi32, #tpu.memory_space<hbm>>
      tpu.enqueue_dma source(%dma_start3A_43 : memref<128xi32, #tpu.memory_space<hbm>>) target(%arg12 : memref<128xi32, #tpu.memory_space<vmem>>) target_semaphore(%run_scoped3A : memref<!tpu.dma_semaphore, #tpu.memory_space<semaphore_mem>>)
      %dma_wait3A = tpu.memref_slice %arg6[%add3A_10] : memref<172032xi32, #tpu.memory_space<hbm>> -> memref<128xi32, #tpu.memory_space<hbm>>
      %dma_wait3A_44 = tpu.memref_slice %arg6[%add3A_10] : memref<172032xi32, #tpu.memory_space<hbm>> -> memref<128xi32, #tpu.memory_space<hbm>>
      tpu.wait_dma2 semaphore(%run_scoped3A : memref<!tpu.dma_semaphore, #tpu.memory_space<semaphore_mem>>) src(%dma_wait3A_44 : memref<128xi32, #tpu.memory_space<hbm>>) dst(%arg12 : memref<128xi32, #tpu.memory_space<vmem>>)
      tpu.yield
    }) : () -> ()
    %dma_start3A = arith.constant 0 : i32
    %dma_start3A_11 = arith.constant 0 : i32
    %dma_start3A_12 = tpu.memref_slice %arg2[%dma_start3A, %dma_start3A_11] : memref<10240x16xf32, #tpu.memory_space<hbm>> -> memref<10240x16xf32, #tpu.memory_space<hbm>>
    tpu.enqueue_indirect_dma source(%dma_start3A_12 : memref<10240x16xf32, #tpu.memory_space<hbm>>) target(%arg14 : memref<128x16xf32, #tpu.memory_space<vmem>>) offsets(%arg10 : memref<128xi32, #tpu.memory_space<vmem>>) semaphore(%arg23 : memref<!tpu.dma_semaphore, #tpu.memory_space<semaphore_mem>>)
    %dma_start3A_13 = arith.constant 0 : i32
    %dma_start3A_14 = arith.constant 0 : i32
    %dma_start3A_15 = tpu.memref_slice %arg3[%dma_start3A_13, %dma_start3A_14] : memref<10240x16xf32, #tpu.memory_space<hbm>> -> memref<10240x16xf32, #tpu.memory_space<hbm>>
    tpu.enqueue_indirect_dma source(%dma_start3A_15 : memref<10240x16xf32, #tpu.memory_space<hbm>>) target(%arg16 : memref<128x16xf32, #tpu.memory_space<vmem>>) offsets(%arg12 : memref<128xi32, #tpu.memory_space<vmem>>) semaphore(%arg23 : memref<!tpu.dma_semaphore, #tpu.memory_space<semaphore_mem>>)
    %dma_start3A_16 = arith.constant 0 : i32
    %dma_start3A_17 = arith.constant 0 : i32
    %dma_start3A_18 = tpu.memref_slice %arg4[%dma_start3A_16, %dma_start3A_17] : memref<10240x16xf32, #tpu.memory_space<hbm>> -> memref<10240x16xf32, #tpu.memory_space<hbm>>
    tpu.enqueue_indirect_dma source(%dma_start3A_18 : memref<10240x16xf32, #tpu.memory_space<hbm>>) target(%arg18 : memref<128x16xf32, #tpu.memory_space<vmem>>) offsets(%arg12 : memref<128xi32, #tpu.memory_space<vmem>>) semaphore(%arg23 : memref<!tpu.dma_semaphore, #tpu.memory_space<semaphore_mem>>)
    %mul3A_19 = arith.constant 5376 : i32
    %mul3A_20 = arith.muli %add3A, %mul3A_19 : i32
    %add3A_21 = arith.constant 128 : i32
    %add3A_22 = arith.addi %mul3A_20, %add3A_21 : i32
    "tpu.region"() ({
      %run_scoped3A = tpu.sem_alloc : memref<!tpu.dma_semaphore, #tpu.memory_space<semaphore_mem>>
      %dma_start3A_42 = tpu.memref_slice %arg5[%add3A_22] : memref<172032xi32, #tpu.memory_space<hbm>> -> memref<128xi32, #tpu.memory_space<hbm>>
      %dma_start3A_43 = tpu.memref_slice %arg5[%add3A_22] : memref<172032xi32, #tpu.memory_space<hbm>> -> memref<128xi32, #tpu.memory_space<hbm>>
      tpu.enqueue_dma source(%dma_start3A_43 : memref<128xi32, #tpu.memory_space<hbm>>) target(%arg11 : memref<128xi32, #tpu.memory_space<vmem>>) target_semaphore(%run_scoped3A : memref<!tpu.dma_semaphore, #tpu.memory_space<semaphore_mem>>)
      %dma_wait3A = tpu.memref_slice %arg5[%add3A_22] : memref<172032xi32, #tpu.memory_space<hbm>> -> memref<128xi32, #tpu.memory_space<hbm>>
      %dma_wait3A_44 = tpu.memref_slice %arg5[%add3A_22] : memref<172032xi32, #tpu.memory_space<hbm>> -> memref<128xi32, #tpu.memory_space<hbm>>
      tpu.wait_dma2 semaphore(%run_scoped3A : memref<!tpu.dma_semaphore, #tpu.memory_space<semaphore_mem>>) src(%dma_wait3A_44 : memref<128xi32, #tpu.memory_space<hbm>>) dst(%arg11 : memref<128xi32, #tpu.memory_space<vmem>>)
      tpu.yield
    }) : () -> ()
    "tpu.region"() ({
      %run_scoped3A = tpu.sem_alloc : memref<!tpu.dma_semaphore, #tpu.memory_space<semaphore_mem>>
      %dma_start3A_42 = tpu.memref_slice %arg6[%add3A_22] : memref<172032xi32, #tpu.memory_space<hbm>> -> memref<128xi32, #tpu.memory_space<hbm>>
      %dma_start3A_43 = tpu.memref_slice %arg6[%add3A_22] : memref<172032xi32, #tpu.memory_space<hbm>> -> memref<128xi32, #tpu.memory_space<hbm>>
      tpu.enqueue_dma source(%dma_start3A_43 : memref<128xi32, #tpu.memory_space<hbm>>) target(%arg13 : memref<128xi32, #tpu.memory_space<vmem>>) target_semaphore(%run_scoped3A : memref<!tpu.dma_semaphore, #tpu.memory_space<semaphore_mem>>)
      %dma_wait3A = tpu.memref_slice %arg6[%add3A_22] : memref<172032xi32, #tpu.memory_space<hbm>> -> memref<128xi32, #tpu.memory_space<hbm>>
      %dma_wait3A_44 = tpu.memref_slice %arg6[%add3A_22] : memref<172032xi32, #tpu.memory_space<hbm>> -> memref<128xi32, #tpu.memory_space<hbm>>
      tpu.wait_dma2 semaphore(%run_scoped3A : memref<!tpu.dma_semaphore, #tpu.memory_space<semaphore_mem>>) src(%dma_wait3A_44 : memref<128xi32, #tpu.memory_space<hbm>>) dst(%arg13 : memref<128xi32, #tpu.memory_space<vmem>>)
      tpu.yield
    }) : () -> ()
    %dma_start3A_23 = arith.constant 0 : i32
    %dma_start3A_24 = arith.constant 0 : i32
    %dma_start3A_25 = tpu.memref_slice %arg2[%dma_start3A_23, %dma_start3A_24] : memref<10240x16xf32, #tpu.memory_space<hbm>> -> memref<10240x16xf32, #tpu.memory_space<hbm>>
    tpu.enqueue_indirect_dma source(%dma_start3A_25 : memref<10240x16xf32, #tpu.memory_space<hbm>>) target(%arg15 : memref<128x16xf32, #tpu.memory_space<vmem>>) offsets(%arg11 : memref<128xi32, #tpu.memory_space<vmem>>) semaphore(%arg24 : memref<!tpu.dma_semaphore, #tpu.memory_space<semaphore_mem>>)
    %dma_start3A_26 = arith.constant 0 : i32
    %dma_start3A_27 = arith.constant 0 : i32
    %dma_start3A_28 = tpu.memref_slice %arg3[%dma_start3A_26, %dma_start3A_27] : memref<10240x16xf32, #tpu.memory_space<hbm>> -> memref<10240x16xf32, #tpu.memory_space<hbm>>
    tpu.enqueue_indirect_dma source(%dma_start3A_28 : memref<10240x16xf32, #tpu.memory_space<hbm>>) target(%arg17 : memref<128x16xf32, #tpu.memory_space<vmem>>) offsets(%arg13 : memref<128xi32, #tpu.memory_space<vmem>>) semaphore(%arg24 : memref<!tpu.dma_semaphore, #tpu.memory_space<semaphore_mem>>)
    %dma_start3A_29 = arith.constant 0 : i32
    %dma_start3A_30 = arith.constant 0 : i32
    %dma_start3A_31 = tpu.memref_slice %arg4[%dma_start3A_29, %dma_start3A_30] : memref<10240x16xf32, #tpu.memory_space<hbm>> -> memref<10240x16xf32, #tpu.memory_space<hbm>>
    tpu.enqueue_indirect_dma source(%dma_start3A_31 : memref<10240x16xf32, #tpu.memory_space<hbm>>) target(%arg19 : memref<128x16xf32, #tpu.memory_space<vmem>>) offsets(%arg13 : memref<128xi32, #tpu.memory_space<vmem>>) semaphore(%arg24 : memref<!tpu.dma_semaphore, #tpu.memory_space<semaphore_mem>>)
    %scan3A = arith.constant 0 : i32
    %scan3A_32 = arith.constant 0 : i32
    %scan3A_33 = arith.constant 21 : i32
    %scan3A_34 = arith.addi %scan3A_32, %scan3A_33 : i32
    %scan3A_35 = arith.constant 1 : i32
    scf.for %scan3A_42 = %scan3A_32 to %scan3A_34 step %scan3A_35  : i32 {
      %mul3A_43 = arith.constant 2 : i32
      %mul3A_44 = arith.muli %scan3A_42, %mul3A_43 : i32
      %add3A_45 = arith.constant 0 : i32
      %add3A_46 = arith.addi %mul3A_44, %add3A_45 : i32
      %mul3A_47 = arith.constant 5376 : i32
      %mul3A_48 = arith.muli %add3A, %mul3A_47 : i32
      %mul3A_49 = arith.constant 128 : i32
      %mul3A_50 = arith.muli %add3A_46, %mul3A_49 : i32
      %add3A_51 = arith.addi %mul3A_48, %mul3A_50 : i32
      %dma_wait3A = arith.constant 0 : i32
      %dma_wait3A_52 = arith.constant 0 : i32
      %dma_wait3A_53 = tpu.memref_slice %arg2[%dma_wait3A, %dma_wait3A_52] : memref<10240x16xf32, #tpu.memory_space<hbm>> -> memref<10240x16xf32, #tpu.memory_space<hbm>>
      tpu.wait_indirect_dma semaphore(%arg23 : memref<!tpu.dma_semaphore, #tpu.memory_space<semaphore_mem>>) src(%dma_wait3A_53 : memref<10240x16xf32, #tpu.memory_space<hbm>>) dst(%arg14 : memref<128x16xf32, #tpu.memory_space<vmem>>)
      %dma_wait3A_54 = arith.constant 0 : i32
      %dma_wait3A_55 = arith.constant 0 : i32
      %dma_wait3A_56 = tpu.memref_slice %arg3[%dma_wait3A_54, %dma_wait3A_55] : memref<10240x16xf32, #tpu.memory_space<hbm>> -> memref<10240x16xf32, #tpu.memory_space<hbm>>
      tpu.wait_indirect_dma semaphore(%arg23 : memref<!tpu.dma_semaphore, #tpu.memory_space<semaphore_mem>>) src(%dma_wait3A_56 : memref<10240x16xf32, #tpu.memory_space<hbm>>) dst(%arg16 : memref<128x16xf32, #tpu.memory_space<vmem>>)
      %dma_wait3A_57 = arith.constant 0 : i32
      %dma_wait3A_58 = arith.constant 0 : i32
      %dma_wait3A_59 = tpu.memref_slice %arg4[%dma_wait3A_57, %dma_wait3A_58] : memref<10240x16xf32, #tpu.memory_space<hbm>> -> memref<10240x16xf32, #tpu.memory_space<hbm>>
      tpu.wait_indirect_dma semaphore(%arg23 : memref<!tpu.dma_semaphore, #tpu.memory_space<semaphore_mem>>) src(%dma_wait3A_59 : memref<10240x16xf32, #tpu.memory_space<hbm>>) dst(%arg18 : memref<128x16xf32, #tpu.memory_space<vmem>>)
      %parallel_loop3A = arith.constant 0 : i32
      %parallel_loop3A_60 = arith.constant 128 : i32
      %parallel_loop3A_61 = arith.constant 1 : i32
      scf.for %parallel_loop3A_95 = %parallel_loop3A to %parallel_loop3A_60 step %parallel_loop3A_61  : i32 {
        %parallel_loop3A_96 = arith.index_cast %parallel_loop3A_95 : i32 to index
        %parallel_loop3A_97 = arith.constant 0 : index
        %parallel_loop3A_98 = tpu.vector_load %arg14[%parallel_loop3A_96, %parallel_loop3A_97] {strides = array<i32>} : memref<128x16xf32, #tpu.memory_space<vmem>>, vector<1x16xf32>,
        %parallel_loop3A_99 = vector.shape_cast %parallel_loop3A_98 : vector<1x16xf32> to vector<16xf32>
        %parallel_loop3A_100 = arith.index_cast %parallel_loop3A_95 : i32 to index
        %parallel_loop3A_101 = arith.constant 0 : index
        %parallel_loop3A_102 = tpu.vector_load %arg16[%parallel_loop3A_100, %parallel_loop3A_101] {strides = array<i32>} : memref<128x16xf32, #tpu.memory_space<vmem>>, vector<1x16xf32>,
        %parallel_loop3A_103 = vector.shape_cast %parallel_loop3A_102 : vector<1x16xf32> to vector<16xf32>
        %parallel_loop3A_104 = arith.addf %parallel_loop3A_99, %parallel_loop3A_103 : vector<16xf32>
        %parallel_loop3A_105 = arith.constant 2.000000e-01 : f32
        %parallel_loop3A_106 = vector.broadcast %parallel_loop3A_105 : f32 to vector<16xf32>
        %parallel_loop3A_107 = arith.mulf %parallel_loop3A_106, %parallel_loop3A_104 : vector<16xf32>
        %parallel_loop3A_108 = arith.maximumf %parallel_loop3A_104, %parallel_loop3A_107 : vector<16xf32>
        %parallel_loop3A_109 = arith.index_cast %parallel_loop3A_95 : i32 to index
        %parallel_loop3A_110 = arith.constant 0 : index
        %parallel_loop3A_111 = tpu.vector_load %arg18[%parallel_loop3A_109, %parallel_loop3A_110] {strides = array<i32>} : memref<128x16xf32, #tpu.memory_space<vmem>>, vector<1x16xf32>,
        %parallel_loop3A_112 = vector.shape_cast %parallel_loop3A_111 : vector<1x16xf32> to vector<16xf32>
        %parallel_loop3A_113 = arith.subf %parallel_loop3A_108, %parallel_loop3A_112 : vector<16xf32>
        %parallel_loop3A_114 = math.exp %parallel_loop3A_113 : vector<16xf32>
        %parallel_loop3A_115 = arith.constant 0.000000e+00 : f32
        %parallel_loop3A_116 = vector.broadcast %parallel_loop3A_115 : f32 to vector<16xf32>
        %parallel_loop3A_117 = arith.select %lt3A_6, %parallel_loop3A_114, %parallel_loop3A_116 : vector<16xi1>, vector<16xf32>
        %parallel_loop3A_118 = arith.index_cast %parallel_loop3A_95 : i32 to index
        %parallel_loop3A_119 = arith.constant 0 : index
        %parallel_loop3A_120 = tpu.vector_load %arg20[%parallel_loop3A_118, %parallel_loop3A_119] {strides = array<i32>} : memref<128x16xf32, #tpu.memory_space<vmem>>, vector<1x16xf32>,
        %parallel_loop3A_121 = vector.shape_cast %parallel_loop3A_120 : vector<1x16xf32> to vector<16xf32>
        %parallel_loop3A_122 = vector.shape_cast %parallel_loop3A_117 : vector<16xf32> to vector<1x16xf32>
        tpu.vector_store %arg20[%parallel_loop3A_118, %parallel_loop3A_119], %parallel_loop3A_122 {strides = array<i32>} : memref<128x16xf32, #tpu.memory_space<vmem>>, vector<1x16xf32>,
      } {sc.loop_unroll_factor = 4 : i64, sc.parallel_access}
      "tpu.region"() ({
        %run_scoped3A = tpu.sem_alloc : memref<!tpu.dma_semaphore, #tpu.memory_space<semaphore_mem>>
        %dma_start3A_95 = arith.constant 0 : i32
        %dma_start3A_96 = tpu.memref_slice %arg8[%add3A_51, %dma_start3A_95] : memref<172032x16xf32, #tpu.memory_space<hbm>> -> memref<128x16xf32, #tpu.memory_space<hbm>>
        %dma_start3A_97 = arith.constant 0 : i32
        %dma_start3A_98 = tpu.memref_slice %arg8[%add3A_51, %dma_start3A_97] : memref<172032x16xf32, #tpu.memory_space<hbm>> -> memref<128x16xf32, #tpu.memory_space<hbm>>
        tpu.enqueue_dma source(%arg20 : memref<128x16xf32, #tpu.memory_space<vmem>>) target(%dma_start3A_98 : memref<128x16xf32, #tpu.memory_space<hbm>>) target_semaphore(%run_scoped3A : memref<!tpu.dma_semaphore, #tpu.memory_space<semaphore_mem>>)
        %dma_wait3A_99 = arith.constant 0 : i32
        %dma_wait3A_100 = tpu.memref_slice %arg8[%add3A_51, %dma_wait3A_99] : memref<172032x16xf32, #tpu.memory_space<hbm>> -> memref<128x16xf32, #tpu.memory_space<hbm>>
        %dma_wait3A_101 = arith.constant 0 : i32
        %dma_wait3A_102 = tpu.memref_slice %arg8[%add3A_51, %dma_wait3A_101] : memref<172032x16xf32, #tpu.memory_space<hbm>> -> memref<128x16xf32, #tpu.memory_space<hbm>>
        tpu.wait_dma2 semaphore(%run_scoped3A : memref<!tpu.dma_semaphore, #tpu.memory_space<semaphore_mem>>) src(%arg20 : memref<128x16xf32, #tpu.memory_space<vmem>>) dst(%dma_wait3A_102 : memref<128x16xf32, #tpu.memory_space<hbm>>)
        tpu.yield
      }) : () -> ()
      "tpu.region"() ({
        %run_scoped3A = tpu.sem_alloc : memref<!tpu.dma_semaphore, #tpu.memory_space<semaphore_mem>>
        %dma_start3A_95 = arith.constant 0 : i32
        %dma_start3A_96 = arith.constant 0 : i32
        %dma_start3A_97 = tpu.memref_slice %arg22[%dma_start3A_95, %dma_start3A_96] : memref<10240x16xf32, #tpu.memory_space<vmem_shared>> -> memref<10240x16xf32, #tpu.memory_space<vmem_shared>>
        tpu.enqueue_indirect_dma source(%arg20 : memref<128x16xf32, #tpu.memory_space<vmem>>) target(%dma_start3A_97 : memref<10240x16xf32, #tpu.memory_space<vmem_shared>>) offsets(%arg12 : memref<128xi32, #tpu.memory_space<vmem>>) semaphore(%run_scoped3A : memref<!tpu.dma_semaphore, #tpu.memory_space<semaphore_mem>>) {add = true}
        %dma_wait3A_98 = arith.constant 0 : i32
        %dma_wait3A_99 = arith.constant 0 : i32
        %dma_wait3A_100 = tpu.memref_slice %arg22[%dma_wait3A_98, %dma_wait3A_99] : memref<10240x16xf32, #tpu.memory_space<vmem_shared>> -> memref<10240x16xf32, #tpu.memory_space<vmem_shared>>
        tpu.wait_indirect_dma semaphore(%run_scoped3A : memref<!tpu.dma_semaphore, #tpu.memory_space<semaphore_mem>>) src(%arg20 : memref<128x16xf32, #tpu.memory_space<vmem>>) dst(%dma_wait3A_100 : memref<10240x16xf32, #tpu.memory_space<vmem_shared>>)
        tpu.yield
      }) : () -> ()
      %add3A_62 = arith.constant 2 : i32
      %add3A_63 = arith.addi %add3A_46, %add3A_62 : i32
      %lt3A_64 = arith.constant 42 : i32
      %lt3A_65 = arith.cmpi slt, %add3A_63, %lt3A_64 : i32
      %convert_element_type3A = arith.extui %lt3A_65 : i1 to i32
      %cond3A = arith.constant 0 : i32
      %cond3A_66 = arith.cmpi ne, %convert_element_type3A, %cond3A : i32
      scf.if %cond3A_66 {
        %add3A_95 = arith.constant 2 : i32
        %add3A_96 = arith.addi %add3A_46, %add3A_95 : i32
        %mul3A_97 = arith.constant 5376 : i32
        %mul3A_98 = arith.muli %add3A, %mul3A_97 : i32
        %mul3A_99 = arith.constant 128 : i32
        %mul3A_100 = arith.muli %add3A_96, %mul3A_99 : i32
        %add3A_101 = arith.addi %mul3A_98, %mul3A_100 : i32
        "tpu.region"() ({
          %run_scoped3A = tpu.sem_alloc : memref<!tpu.dma_semaphore, #tpu.memory_space<semaphore_mem>>
          %dma_start3A_111 = tpu.memref_slice %arg5[%add3A_101] : memref<172032xi32, #tpu.memory_space<hbm>> -> memref<128xi32, #tpu.memory_space<hbm>>
          %dma_start3A_112 = tpu.memref_slice %arg5[%add3A_101] : memref<172032xi32, #tpu.memory_space<hbm>> -> memref<128xi32, #tpu.memory_space<hbm>>
          tpu.enqueue_dma source(%dma_start3A_112 : memref<128xi32, #tpu.memory_space<hbm>>) target(%arg10 : memref<128xi32, #tpu.memory_space<vmem>>) target_semaphore(%run_scoped3A : memref<!tpu.dma_semaphore, #tpu.memory_space<semaphore_mem>>)
          %dma_wait3A_113 = tpu.memref_slice %arg5[%add3A_101] : memref<172032xi32, #tpu.memory_space<hbm>> -> memref<128xi32, #tpu.memory_space<hbm>>
          %dma_wait3A_114 = tpu.memref_slice %arg5[%add3A_101] : memref<172032xi32, #tpu.memory_space<hbm>> -> memref<128xi32, #tpu.memory_space<hbm>>
          tpu.wait_dma2 semaphore(%run_scoped3A : memref<!tpu.dma_semaphore, #tpu.memory_space<semaphore_mem>>) src(%dma_wait3A_114 : memref<128xi32, #tpu.memory_space<hbm>>) dst(%arg10 : memref<128xi32, #tpu.memory_space<vmem>>)
          tpu.yield
        }) : () -> ()
        "tpu.region"() ({
          %run_scoped3A = tpu.sem_alloc : memref<!tpu.dma_semaphore, #tpu.memory_space<semaphore_mem>>
          %dma_start3A_111 = tpu.memref_slice %arg6[%add3A_101] : memref<172032xi32, #tpu.memory_space<hbm>> -> memref<128xi32, #tpu.memory_space<hbm>>
          %dma_start3A_112 = tpu.memref_slice %arg6[%add3A_101] : memref<172032xi32, #tpu.memory_space<hbm>> -> memref<128xi32, #tpu.memory_space<hbm>>
          tpu.enqueue_dma source(%dma_start3A_112 : memref<128xi32, #tpu.memory_space<hbm>>) target(%arg12 : memref<128xi32, #tpu.memory_space<vmem>>) target_semaphore(%run_scoped3A : memref<!tpu.dma_semaphore, #tpu.memory_space<semaphore_mem>>)
          %dma_wait3A_113 = tpu.memref_slice %arg6[%add3A_101] : memref<172032xi32, #tpu.memory_space<hbm>> -> memref<128xi32, #tpu.memory_space<hbm>>
          %dma_wait3A_114 = tpu.memref_slice %arg6[%add3A_101] : memref<172032xi32, #tpu.memory_space<hbm>> -> memref<128xi32, #tpu.memory_space<hbm>>
          tpu.wait_dma2 semaphore(%run_scoped3A : memref<!tpu.dma_semaphore, #tpu.memory_space<semaphore_mem>>) src(%dma_wait3A_114 : memref<128xi32, #tpu.memory_space<hbm>>) dst(%arg12 : memref<128xi32, #tpu.memory_space<vmem>>)
          tpu.yield
        }) : () -> ()
        %dma_start3A_102 = arith.constant 0 : i32
        %dma_start3A_103 = arith.constant 0 : i32
        %dma_start3A_104 = tpu.memref_slice %arg2[%dma_start3A_102, %dma_start3A_103] : memref<10240x16xf32, #tpu.memory_space<hbm>> -> memref<10240x16xf32, #tpu.memory_space<hbm>>
        tpu.enqueue_indirect_dma source(%dma_start3A_104 : memref<10240x16xf32, #tpu.memory_space<hbm>>) target(%arg14 : memref<128x16xf32, #tpu.memory_space<vmem>>) offsets(%arg10 : memref<128xi32, #tpu.memory_space<vmem>>) semaphore(%arg23 : memref<!tpu.dma_semaphore, #tpu.memory_space<semaphore_mem>>)
        %dma_start3A_105 = arith.constant 0 : i32
        %dma_start3A_106 = arith.constant 0 : i32
        %dma_start3A_107 = tpu.memref_slice %arg3[%dma_start3A_105, %dma_start3A_106] : memref<10240x16xf32, #tpu.memory_space<hbm>> -> memref<10240x16xf32, #tpu.memory_space<hbm>>
        tpu.enqueue_indirect_dma source(%dma_start3A_107 : memref<10240x16xf32, #tpu.memory_space<hbm>>) target(%arg16 : memref<128x16xf32, #tpu.memory_space<vmem>>) offsets(%arg12 : memref<128xi32, #tpu.memory_space<vmem>>) semaphore(%arg23 : memref<!tpu.dma_semaphore, #tpu.memory_space<semaphore_mem>>)
        %dma_start3A_108 = arith.constant 0 : i32
        %dma_start3A_109 = arith.constant 0 : i32
        %dma_start3A_110 = tpu.memref_slice %arg4[%dma_start3A_108, %dma_start3A_109] : memref<10240x16xf32, #tpu.memory_space<hbm>> -> memref<10240x16xf32, #tpu.memory_space<hbm>>
        tpu.enqueue_indirect_dma source(%dma_start3A_110 : memref<10240x16xf32, #tpu.memory_space<hbm>>) target(%arg18 : memref<128x16xf32, #tpu.memory_space<vmem>>) offsets(%arg12 : memref<128xi32, #tpu.memory_space<vmem>>) semaphore(%arg23 : memref<!tpu.dma_semaphore, #tpu.memory_space<semaphore_mem>>)
      } else {
      }
      %mul3A_67 = arith.constant 2 : i32
      %mul3A_68 = arith.muli %scan3A_42, %mul3A_67 : i32
      %add3A_69 = arith.constant 1 : i32
      %add3A_70 = arith.addi %mul3A_68, %add3A_69 : i32
      %mul3A_71 = arith.constant 5376 : i32
      %mul3A_72 = arith.muli %add3A, %mul3A_71 : i32
      %mul3A_73 = arith.constant 128 : i32
      %mul3A_74 = arith.muli %add3A_70, %mul3A_73 : i32
      %add3A_75 = arith.addi %mul3A_72, %mul3A_74 : i32
      %dma_wait3A_76 = arith.constant 0 : i32
      %dma_wait3A_77 = arith.constant 0 : i32
      %dma_wait3A_78 = tpu.memref_slice %arg2[%dma_wait3A_76, %dma_wait3A_77] : memref<10240x16xf32, #tpu.memory_space<hbm>> -> memref<10240x16xf32, #tpu.memory_space<hbm>>
      tpu.wait_indirect_dma semaphore(%arg24 : memref<!tpu.dma_semaphore, #tpu.memory_space<semaphore_mem>>) src(%dma_wait3A_78 : memref<10240x16xf32, #tpu.memory_space<hbm>>) dst(%arg15 : memref<128x16xf32, #tpu.memory_space<vmem>>)
      %dma_wait3A_79 = arith.constant 0 : i32
      %dma_wait3A_80 = arith.constant 0 : i32
      %dma_wait3A_81 = tpu.memref_slice %arg3[%dma_wait3A_79, %dma_wait3A_80] : memref<10240x16xf32, #tpu.memory_space<hbm>> -> memref<10240x16xf32, #tpu.memory_space<hbm>>
      tpu.wait_indirect_dma semaphore(%arg24 : memref<!tpu.dma_semaphore, #tpu.memory_space<semaphore_mem>>) src(%dma_wait3A_81 : memref<10240x16xf32, #tpu.memory_space<hbm>>) dst(%arg17 : memref<128x16xf32, #tpu.memory_space<vmem>>)
      %dma_wait3A_82 = arith.constant 0 : i32
      %dma_wait3A_83 = arith.constant 0 : i32
      %dma_wait3A_84 = tpu.memref_slice %arg4[%dma_wait3A_82, %dma_wait3A_83] : memref<10240x16xf32, #tpu.memory_space<hbm>> -> memref<10240x16xf32, #tpu.memory_space<hbm>>
      tpu.wait_indirect_dma semaphore(%arg24 : memref<!tpu.dma_semaphore, #tpu.memory_space<semaphore_mem>>) src(%dma_wait3A_84 : memref<10240x16xf32, #tpu.memory_space<hbm>>) dst(%arg19 : memref<128x16xf32, #tpu.memory_space<vmem>>)
      %parallel_loop3A_85 = arith.constant 0 : i32
      %parallel_loop3A_86 = arith.constant 128 : i32
      %parallel_loop3A_87 = arith.constant 1 : i32
      scf.for %parallel_loop3A_95 = %parallel_loop3A_85 to %parallel_loop3A_86 step %parallel_loop3A_87  : i32 {
        %parallel_loop3A_96 = arith.index_cast %parallel_loop3A_95 : i32 to index
        %parallel_loop3A_97 = arith.constant 0 : index
        %parallel_loop3A_98 = tpu.vector_load %arg15[%parallel_loop3A_96, %parallel_loop3A_97] {strides = array<i32>} : memref<128x16xf32, #tpu.memory_space<vmem>>, vector<1x16xf32>,
        %parallel_loop3A_99 = vector.shape_cast %parallel_loop3A_98 : vector<1x16xf32> to vector<16xf32>
        %parallel_loop3A_100 = arith.index_cast %parallel_loop3A_95 : i32 to index
        %parallel_loop3A_101 = arith.constant 0 : index
        %parallel_loop3A_102 = tpu.vector_load %arg17[%parallel_loop3A_100, %parallel_loop3A_101] {strides = array<i32>} : memref<128x16xf32, #tpu.memory_space<vmem>>, vector<1x16xf32>,
        %parallel_loop3A_103 = vector.shape_cast %parallel_loop3A_102 : vector<1x16xf32> to vector<16xf32>
        %parallel_loop3A_104 = arith.addf %parallel_loop3A_99, %parallel_loop3A_103 : vector<16xf32>
        %parallel_loop3A_105 = arith.constant 2.000000e-01 : f32
        %parallel_loop3A_106 = vector.broadcast %parallel_loop3A_105 : f32 to vector<16xf32>
        %parallel_loop3A_107 = arith.mulf %parallel_loop3A_106, %parallel_loop3A_104 : vector<16xf32>
        %parallel_loop3A_108 = arith.maximumf %parallel_loop3A_104, %parallel_loop3A_107 : vector<16xf32>
        %parallel_loop3A_109 = arith.index_cast %parallel_loop3A_95 : i32 to index
        %parallel_loop3A_110 = arith.constant 0 : index
        %parallel_loop3A_111 = tpu.vector_load %arg19[%parallel_loop3A_109, %parallel_loop3A_110] {strides = array<i32>} : memref<128x16xf32, #tpu.memory_space<vmem>>, vector<1x16xf32>,
        %parallel_loop3A_112 = vector.shape_cast %parallel_loop3A_111 : vector<1x16xf32> to vector<16xf32>
        %parallel_loop3A_113 = arith.subf %parallel_loop3A_108, %parallel_loop3A_112 : vector<16xf32>
        %parallel_loop3A_114 = math.exp %parallel_loop3A_113 : vector<16xf32>
        %parallel_loop3A_115 = arith.constant 0.000000e+00 : f32
        %parallel_loop3A_116 = vector.broadcast %parallel_loop3A_115 : f32 to vector<16xf32>
        %parallel_loop3A_117 = arith.select %lt3A_6, %parallel_loop3A_114, %parallel_loop3A_116 : vector<16xi1>, vector<16xf32>
        %parallel_loop3A_118 = arith.index_cast %parallel_loop3A_95 : i32 to index
        %parallel_loop3A_119 = arith.constant 0 : index
        %parallel_loop3A_120 = tpu.vector_load %arg21[%parallel_loop3A_118, %parallel_loop3A_119] {strides = array<i32>} : memref<128x16xf32, #tpu.memory_space<vmem>>, vector<1x16xf32>,
        %parallel_loop3A_121 = vector.shape_cast %parallel_loop3A_120 : vector<1x16xf32> to vector<16xf32>
        %parallel_loop3A_122 = vector.shape_cast %parallel_loop3A_117 : vector<16xf32> to vector<1x16xf32>
        tpu.vector_store %arg21[%parallel_loop3A_118, %parallel_loop3A_119], %parallel_loop3A_122 {strides = array<i32>} : memref<128x16xf32, #tpu.memory_space<vmem>>, vector<1x16xf32>,
      } {sc.loop_unroll_factor = 4 : i64, sc.parallel_access}
      "tpu.region"() ({
        %run_scoped3A = tpu.sem_alloc : memref<!tpu.dma_semaphore, #tpu.memory_space<semaphore_mem>>
        %dma_start3A_95 = arith.constant 0 : i32
        %dma_start3A_96 = tpu.memref_slice %arg8[%add3A_75, %dma_start3A_95] : memref<172032x16xf32, #tpu.memory_space<hbm>> -> memref<128x16xf32, #tpu.memory_space<hbm>>
        %dma_start3A_97 = arith.constant 0 : i32
        %dma_start3A_98 = tpu.memref_slice %arg8[%add3A_75, %dma_start3A_97] : memref<172032x16xf32, #tpu.memory_space<hbm>> -> memref<128x16xf32, #tpu.memory_space<hbm>>
        tpu.enqueue_dma source(%arg21 : memref<128x16xf32, #tpu.memory_space<vmem>>) target(%dma_start3A_98 : memref<128x16xf32, #tpu.memory_space<hbm>>) target_semaphore(%run_scoped3A : memref<!tpu.dma_semaphore, #tpu.memory_space<semaphore_mem>>)
        %dma_wait3A_99 = arith.constant 0 : i32
        %dma_wait3A_100 = tpu.memref_slice %arg8[%add3A_75, %dma_wait3A_99] : memref<172032x16xf32, #tpu.memory_space<hbm>> -> memref<128x16xf32, #tpu.memory_space<hbm>>
        %dma_wait3A_101 = arith.constant 0 : i32
        %dma_wait3A_102 = tpu.memref_slice %arg8[%add3A_75, %dma_wait3A_101] : memref<172032x16xf32, #tpu.memory_space<hbm>> -> memref<128x16xf32, #tpu.memory_space<hbm>>
        tpu.wait_dma2 semaphore(%run_scoped3A : memref<!tpu.dma_semaphore, #tpu.memory_space<semaphore_mem>>) src(%arg21 : memref<128x16xf32, #tpu.memory_space<vmem>>) dst(%dma_wait3A_102 : memref<128x16xf32, #tpu.memory_space<hbm>>)
        tpu.yield
      }) : () -> ()
      "tpu.region"() ({
        %run_scoped3A = tpu.sem_alloc : memref<!tpu.dma_semaphore, #tpu.memory_space<semaphore_mem>>
        %dma_start3A_95 = arith.constant 0 : i32
        %dma_start3A_96 = arith.constant 0 : i32
        %dma_start3A_97 = tpu.memref_slice %arg22[%dma_start3A_95, %dma_start3A_96] : memref<10240x16xf32, #tpu.memory_space<vmem_shared>> -> memref<10240x16xf32, #tpu.memory_space<vmem_shared>>
        tpu.enqueue_indirect_dma source(%arg21 : memref<128x16xf32, #tpu.memory_space<vmem>>) target(%dma_start3A_97 : memref<10240x16xf32, #tpu.memory_space<vmem_shared>>) offsets(%arg13 : memref<128xi32, #tpu.memory_space<vmem>>) semaphore(%run_scoped3A : memref<!tpu.dma_semaphore, #tpu.memory_space<semaphore_mem>>) {add = true}
        %dma_wait3A_98 = arith.constant 0 : i32
        %dma_wait3A_99 = arith.constant 0 : i32
        %dma_wait3A_100 = tpu.memref_slice %arg22[%dma_wait3A_98, %dma_wait3A_99] : memref<10240x16xf32, #tpu.memory_space<vmem_shared>> -> memref<10240x16xf32, #tpu.memory_space<vmem_shared>>
        tpu.wait_indirect_dma semaphore(%run_scoped3A : memref<!tpu.dma_semaphore, #tpu.memory_space<semaphore_mem>>) src(%arg21 : memref<128x16xf32, #tpu.memory_space<vmem>>) dst(%dma_wait3A_100 : memref<10240x16xf32, #tpu.memory_space<vmem_shared>>)
        tpu.yield
      }) : () -> ()
      %add3A_88 = arith.constant 2 : i32
      %add3A_89 = arith.addi %add3A_70, %add3A_88 : i32
      %lt3A_90 = arith.constant 42 : i32
      %lt3A_91 = arith.cmpi slt, %add3A_89, %lt3A_90 : i32
      %convert_element_type3A_92 = arith.extui %lt3A_91 : i1 to i32
      %cond3A_93 = arith.constant 0 : i32
      %cond3A_94 = arith.cmpi ne, %convert_element_type3A_92, %cond3A_93 : i32
      scf.if %cond3A_94 {
        %add3A_95 = arith.constant 2 : i32
        %add3A_96 = arith.addi %add3A_70, %add3A_95 : i32
        %mul3A_97 = arith.constant 5376 : i32
        %mul3A_98 = arith.muli %add3A, %mul3A_97 : i32
        %mul3A_99 = arith.constant 128 : i32
        %mul3A_100 = arith.muli %add3A_96, %mul3A_99 : i32
        %add3A_101 = arith.addi %mul3A_98, %mul3A_100 : i32
        "tpu.region"() ({
          %run_scoped3A = tpu.sem_alloc : memref<!tpu.dma_semaphore, #tpu.memory_space<semaphore_mem>>
          %dma_start3A_111 = tpu.memref_slice %arg5[%add3A_101] : memref<172032xi32, #tpu.memory_space<hbm>> -> memref<128xi32, #tpu.memory_space<hbm>>
          %dma_start3A_112 = tpu.memref_slice %arg5[%add3A_101] : memref<172032xi32, #tpu.memory_space<hbm>> -> memref<128xi32, #tpu.memory_space<hbm>>
          tpu.enqueue_dma source(%dma_start3A_112 : memref<128xi32, #tpu.memory_space<hbm>>) target(%arg11 : memref<128xi32, #tpu.memory_space<vmem>>) target_semaphore(%run_scoped3A : memref<!tpu.dma_semaphore, #tpu.memory_space<semaphore_mem>>)
          %dma_wait3A_113 = tpu.memref_slice %arg5[%add3A_101] : memref<172032xi32, #tpu.memory_space<hbm>> -> memref<128xi32, #tpu.memory_space<hbm>>
          %dma_wait3A_114 = tpu.memref_slice %arg5[%add3A_101] : memref<172032xi32, #tpu.memory_space<hbm>> -> memref<128xi32, #tpu.memory_space<hbm>>
          tpu.wait_dma2 semaphore(%run_scoped3A : memref<!tpu.dma_semaphore, #tpu.memory_space<semaphore_mem>>) src(%dma_wait3A_114 : memref<128xi32, #tpu.memory_space<hbm>>) dst(%arg11 : memref<128xi32, #tpu.memory_space<vmem>>)
          tpu.yield
        }) : () -> ()
        "tpu.region"() ({
          %run_scoped3A = tpu.sem_alloc : memref<!tpu.dma_semaphore, #tpu.memory_space<semaphore_mem>>
          %dma_start3A_111 = tpu.memref_slice %arg6[%add3A_101] : memref<172032xi32, #tpu.memory_space<hbm>> -> memref<128xi32, #tpu.memory_space<hbm>>
          %dma_start3A_112 = tpu.memref_slice %arg6[%add3A_101] : memref<172032xi32, #tpu.memory_space<hbm>> -> memref<128xi32, #tpu.memory_space<hbm>>
          tpu.enqueue_dma source(%dma_start3A_112 : memref<128xi32, #tpu.memory_space<hbm>>) target(%arg13 : memref<128xi32, #tpu.memory_space<vmem>>) target_semaphore(%run_scoped3A : memref<!tpu.dma_semaphore, #tpu.memory_space<semaphore_mem>>)
          %dma_wait3A_113 = tpu.memref_slice %arg6[%add3A_101] : memref<172032xi32, #tpu.memory_space<hbm>> -> memref<128xi32, #tpu.memory_space<hbm>>
          %dma_wait3A_114 = tpu.memref_slice %arg6[%add3A_101] : memref<172032xi32, #tpu.memory_space<hbm>> -> memref<128xi32, #tpu.memory_space<hbm>>
          tpu.wait_dma2 semaphore(%run_scoped3A : memref<!tpu.dma_semaphore, #tpu.memory_space<semaphore_mem>>) src(%dma_wait3A_114 : memref<128xi32, #tpu.memory_space<hbm>>) dst(%arg13 : memref<128xi32, #tpu.memory_space<vmem>>)
          tpu.yield
        }) : () -> ()
        %dma_start3A_102 = arith.constant 0 : i32
        %dma_start3A_103 = arith.constant 0 : i32
        %dma_start3A_104 = tpu.memref_slice %arg2[%dma_start3A_102, %dma_start3A_103] : memref<10240x16xf32, #tpu.memory_space<hbm>> -> memref<10240x16xf32, #tpu.memory_space<hbm>>
        tpu.enqueue_indirect_dma source(%dma_start3A_104 : memref<10240x16xf32, #tpu.memory_space<hbm>>) target(%arg15 : memref<128x16xf32, #tpu.memory_space<vmem>>) offsets(%arg11 : memref<128xi32, #tpu.memory_space<vmem>>) semaphore(%arg24 : memref<!tpu.dma_semaphore, #tpu.memory_space<semaphore_mem>>)
        %dma_start3A_105 = arith.constant 0 : i32
        %dma_start3A_106 = arith.constant 0 : i32
        %dma_start3A_107 = tpu.memref_slice %arg3[%dma_start3A_105, %dma_start3A_106] : memref<10240x16xf32, #tpu.memory_space<hbm>> -> memref<10240x16xf32, #tpu.memory_space<hbm>>
        tpu.enqueue_indirect_dma source(%dma_start3A_107 : memref<10240x16xf32, #tpu.memory_space<hbm>>) target(%arg17 : memref<128x16xf32, #tpu.memory_space<vmem>>) offsets(%arg13 : memref<128xi32, #tpu.memory_space<vmem>>) semaphore(%arg24 : memref<!tpu.dma_semaphore, #tpu.memory_space<semaphore_mem>>)
        %dma_start3A_108 = arith.constant 0 : i32
        %dma_start3A_109 = arith.constant 0 : i32
        %dma_start3A_110 = tpu.memref_slice %arg4[%dma_start3A_108, %dma_start3A_109] : memref<10240x16xf32, #tpu.memory_space<hbm>> -> memref<10240x16xf32, #tpu.memory_space<hbm>>
        tpu.enqueue_indirect_dma source(%dma_start3A_110 : memref<10240x16xf32, #tpu.memory_space<hbm>>) target(%arg19 : memref<128x16xf32, #tpu.memory_space<vmem>>) offsets(%arg13 : memref<128xi32, #tpu.memory_space<vmem>>) semaphore(%arg24 : memref<!tpu.dma_semaphore, #tpu.memory_space<semaphore_mem>>)
      } else {
      }
    }
    %scan3A_36 = arith.constant 21 : i32
    %barrier3A_37 = arith.constant 0 : index
    tpu.barrier barrier_id(%barrier3A_37)
    %mul3A_38 = arith.constant 640 : i32
    %mul3A_39 = arith.muli %arg1, %mul3A_38 : i32
    %mul3A_40 = arith.constant 640 : i32
    %mul3A_41 = arith.muli %arg1, %mul3A_40 : i32
    "tpu.region"() ({
      %run_scoped3A = tpu.sem_alloc : memref<!tpu.dma_semaphore, #tpu.memory_space<semaphore_mem>>
      %dma_start3A_42 = arith.constant 0 : i32
      %dma_start3A_43 = tpu.memref_slice %arg9[%arg0, %mul3A_41, %dma_start3A_42] : memref<2x10240x16xf32, #tpu.memory_space<hbm>> -> memref<1x640x16xf32, #tpu.memory_space<hbm>>
      %dma_start3A_44 = tpu.memref_squeeze %dma_start3A_43 : memref<1x640x16xf32, #tpu.memory_space<hbm>> -> memref<640x16xf32, #tpu.memory_space<hbm>>
      %dma_start3A_45 = arith.constant 0 : i32
      %dma_start3A_46 = tpu.memref_slice %arg22[%mul3A_39, %dma_start3A_45] : memref<10240x16xf32, #tpu.memory_space<vmem_shared>> -> memref<640x16xf32, #tpu.memory_space<vmem_shared>>
      tpu.enqueue_dma source(%dma_start3A_46 : memref<640x16xf32, #tpu.memory_space<vmem_shared>>) target(%dma_start3A_44 : memref<640x16xf32, #tpu.memory_space<hbm>>) target_semaphore(%run_scoped3A : memref<!tpu.dma_semaphore, #tpu.memory_space<semaphore_mem>>)
      %dma_wait3A = arith.constant 0 : i32
      %dma_wait3A_47 = tpu.memref_slice %arg9[%arg0, %mul3A_41, %dma_wait3A] : memref<2x10240x16xf32, #tpu.memory_space<hbm>> -> memref<1x640x16xf32, #tpu.memory_space<hbm>>
      %dma_wait3A_48 = tpu.memref_squeeze %dma_wait3A_47 : memref<1x640x16xf32, #tpu.memory_space<hbm>> -> memref<640x16xf32, #tpu.memory_space<hbm>>
      %dma_wait3A_49 = arith.constant 0 : i32
      %dma_wait3A_50 = tpu.memref_slice %arg22[%mul3A_39, %dma_wait3A_49] : memref<10240x16xf32, #tpu.memory_space<vmem_shared>> -> memref<640x16xf32, #tpu.memory_space<vmem_shared>>
      tpu.wait_dma2 semaphore(%run_scoped3A : memref<!tpu.dma_semaphore, #tpu.memory_space<semaphore_mem>>) src(%dma_wait3A_50 : memref<640x16xf32, #tpu.memory_space<vmem_shared>>) dst(%dma_wait3A_48 : memref<640x16xf32, #tpu.memory_space<hbm>>)
      tpu.yield
    }) : () -> ()
    return
  }
}

#map = affine_map<(d0, d1) -> (0, 0)>
#map1 = affine_map<(d0, d1) -> (0)>
#map2 = affine_map<(d0, d1) -> (0, 0, 0)>
module attributes {stable_mosaic.version = 14 : i64} {
  func.func @k(%arg0: i32, %arg1: i32, %arg2: memref<10240x64xf32, #tpu.memory_space<hbm>>, %arg3: memref<172032xi32, #tpu.memory_space<hbm>>, %arg4: memref<172032xi32, #tpu.memory_space<hbm>>, %arg5: memref<10240x64xf32, #tpu.memory_space<hbm>>, %arg6: memref<2x10240x64xf32, #tpu.memory_space<hbm>>, %arg7: memref<128xi32, #tpu.memory_space<vmem>>, %arg8: memref<128xi32, #tpu.memory_space<vmem>>, %arg9: memref<128xi32, #tpu.memory_space<vmem>>, %arg10: memref<128xi32, #tpu.memory_space<vmem>>, %arg11: memref<128xi32, #tpu.memory_space<vmem>>, %arg12: memref<128xi32, #tpu.memory_space<vmem>>, %arg13: memref<128x64xf32, #tpu.memory_space<vmem>>, %arg14: memref<128x64xf32, #tpu.memory_space<vmem>>, %arg15: memref<128x64xf32, #tpu.memory_space<vmem>>, %arg16: memref<10240x64xf32, #tpu.memory_space<vmem_shared>>, %arg17: memref<!tpu.dma_semaphore, #tpu.memory_space<semaphore_mem>>, %arg18: memref<!tpu.dma_semaphore, #tpu.memory_space<semaphore_mem>>, %arg19: memref<!tpu.dma_semaphore, #tpu.memory_space<semaphore_mem>>, %arg20: memref<!tpu.dma_semaphore, #tpu.memory_space<semaphore_mem>>, %arg21: memref<!tpu.dma_semaphore, #tpu.memory_space<semaphore_mem>>, %arg22: memref<!tpu.dma_semaphore, #tpu.memory_space<semaphore_mem>>) attributes {dimension_semantics = [#tpu.dimension_semantics<core_parallel>, #tpu.dimension_semantics<subcore_parallel>], iteration_bounds = array<i64: 2, 16>, scalar_prefetch = 0 : i64, scratch_operands = 16 : i64, tpu.core_type = #tpu.core_type<sc_vector_subcore>, window_params = [{transform_indices = #map}, {transform_indices = #map1}, {transform_indices = #map1}, {transform_indices = #map}, {transform_indices = #map2}]} {
    %mul3A = arith.constant 2 : i32
    %mul3A_0 = arith.muli %arg1, %mul3A : i32
    %add3A = arith.addi %mul3A_0, %arg0 : i32
    %mul3A_1 = arith.constant 640 : i32
    %mul3A_2 = arith.muli %arg1, %mul3A_1 : i32
    %mul3A_3 = arith.constant 640 : i32
    %mul3A_4 = arith.muli %arg1, %mul3A_3 : i32
    "tpu.region"() ({
      %run_scoped3A = tpu.sem_alloc : memref<!tpu.dma_semaphore, #tpu.memory_space<semaphore_mem>>
      %dma_start3A_36 = arith.constant 0 : i32
      %dma_start3A_37 = tpu.memref_slice %arg16[%mul3A_4, %dma_start3A_36] : memref<10240x64xf32, #tpu.memory_space<vmem_shared>> -> memref<640x64xf32, #tpu.memory_space<vmem_shared>>
      %dma_start3A_38 = arith.constant 0 : i32
      %dma_start3A_39 = tpu.memref_slice %arg5[%mul3A_2, %dma_start3A_38] : memref<10240x64xf32, #tpu.memory_space<hbm>> -> memref<640x64xf32, #tpu.memory_space<hbm>>
      tpu.enqueue_dma source(%dma_start3A_39 : memref<640x64xf32, #tpu.memory_space<hbm>>) target(%dma_start3A_37 : memref<640x64xf32, #tpu.memory_space<vmem_shared>>) target_semaphore(%run_scoped3A : memref<!tpu.dma_semaphore, #tpu.memory_space<semaphore_mem>>)
      %dma_wait3A_40 = arith.constant 0 : i32
      %dma_wait3A_41 = tpu.memref_slice %arg16[%mul3A_4, %dma_wait3A_40] : memref<10240x64xf32, #tpu.memory_space<vmem_shared>> -> memref<640x64xf32, #tpu.memory_space<vmem_shared>>
      %dma_wait3A_42 = arith.constant 0 : i32
      %dma_wait3A_43 = tpu.memref_slice %arg5[%mul3A_2, %dma_wait3A_42] : memref<10240x64xf32, #tpu.memory_space<hbm>> -> memref<640x64xf32, #tpu.memory_space<hbm>>
      tpu.wait_dma2 semaphore(%run_scoped3A : memref<!tpu.dma_semaphore, #tpu.memory_space<semaphore_mem>>) src(%dma_wait3A_43 : memref<640x64xf32, #tpu.memory_space<hbm>>) dst(%dma_wait3A_41 : memref<640x64xf32, #tpu.memory_space<vmem_shared>>)
      tpu.yield
    }) : () -> ()
    %barrier3A = arith.constant 0 : index
    tpu.barrier barrier_id(%barrier3A)
    %mul3A_5 = arith.constant 5376 : i32
    %mul3A_6 = arith.muli %add3A, %mul3A_5 : i32
    %add3A_7 = arith.constant 0 : i32
    %add3A_8 = arith.addi %mul3A_6, %add3A_7 : i32
    "tpu.region"() ({
      %run_scoped3A = tpu.sem_alloc : memref<!tpu.dma_semaphore, #tpu.memory_space<semaphore_mem>>
      %dma_start3A_36 = tpu.memref_slice %arg3[%add3A_8] : memref<172032xi32, #tpu.memory_space<hbm>> -> memref<128xi32, #tpu.memory_space<hbm>>
      %dma_start3A_37 = tpu.memref_slice %arg3[%add3A_8] : memref<172032xi32, #tpu.memory_space<hbm>> -> memref<128xi32, #tpu.memory_space<hbm>>
      tpu.enqueue_dma source(%dma_start3A_37 : memref<128xi32, #tpu.memory_space<hbm>>) target(%arg7 : memref<128xi32, #tpu.memory_space<vmem>>) target_semaphore(%run_scoped3A : memref<!tpu.dma_semaphore, #tpu.memory_space<semaphore_mem>>)
      %dma_wait3A_38 = tpu.memref_slice %arg3[%add3A_8] : memref<172032xi32, #tpu.memory_space<hbm>> -> memref<128xi32, #tpu.memory_space<hbm>>
      %dma_wait3A_39 = tpu.memref_slice %arg3[%add3A_8] : memref<172032xi32, #tpu.memory_space<hbm>> -> memref<128xi32, #tpu.memory_space<hbm>>
      tpu.wait_dma2 semaphore(%run_scoped3A : memref<!tpu.dma_semaphore, #tpu.memory_space<semaphore_mem>>) src(%dma_wait3A_39 : memref<128xi32, #tpu.memory_space<hbm>>) dst(%arg7 : memref<128xi32, #tpu.memory_space<vmem>>)
      tpu.yield
    }) : () -> ()
    "tpu.region"() ({
      %run_scoped3A = tpu.sem_alloc : memref<!tpu.dma_semaphore, #tpu.memory_space<semaphore_mem>>
      %dma_start3A_36 = tpu.memref_slice %arg4[%add3A_8] : memref<172032xi32, #tpu.memory_space<hbm>> -> memref<128xi32, #tpu.memory_space<hbm>>
      %dma_start3A_37 = tpu.memref_slice %arg4[%add3A_8] : memref<172032xi32, #tpu.memory_space<hbm>> -> memref<128xi32, #tpu.memory_space<hbm>>
      tpu.enqueue_dma source(%dma_start3A_37 : memref<128xi32, #tpu.memory_space<hbm>>) target(%arg10 : memref<128xi32, #tpu.memory_space<vmem>>) target_semaphore(%run_scoped3A : memref<!tpu.dma_semaphore, #tpu.memory_space<semaphore_mem>>)
      %dma_wait3A_38 = tpu.memref_slice %arg4[%add3A_8] : memref<172032xi32, #tpu.memory_space<hbm>> -> memref<128xi32, #tpu.memory_space<hbm>>
      %dma_wait3A_39 = tpu.memref_slice %arg4[%add3A_8] : memref<172032xi32, #tpu.memory_space<hbm>> -> memref<128xi32, #tpu.memory_space<hbm>>
      tpu.wait_dma2 semaphore(%run_scoped3A : memref<!tpu.dma_semaphore, #tpu.memory_space<semaphore_mem>>) src(%dma_wait3A_39 : memref<128xi32, #tpu.memory_space<hbm>>) dst(%arg10 : memref<128xi32, #tpu.memory_space<vmem>>)
      tpu.yield
    }) : () -> ()
    %dma_start3A = arith.constant 0 : i32
    %dma_start3A_9 = arith.constant 0 : i32
    %dma_start3A_10 = tpu.memref_slice %arg2[%dma_start3A, %dma_start3A_9] : memref<10240x64xf32, #tpu.memory_space<hbm>> -> memref<10240x64xf32, #tpu.memory_space<hbm>>
    tpu.enqueue_indirect_dma source(%dma_start3A_10 : memref<10240x64xf32, #tpu.memory_space<hbm>>) target(%arg13 : memref<128x64xf32, #tpu.memory_space<vmem>>) offsets(%arg7 : memref<128xi32, #tpu.memory_space<vmem>>) semaphore(%arg17 : memref<!tpu.dma_semaphore, #tpu.memory_space<semaphore_mem>>)
    %mul3A_11 = arith.constant 5376 : i32
    %mul3A_12 = arith.muli %add3A, %mul3A_11 : i32
    %add3A_13 = arith.constant 128 : i32
    %add3A_14 = arith.addi %mul3A_12, %add3A_13 : i32
    "tpu.region"() ({
      %run_scoped3A = tpu.sem_alloc : memref<!tpu.dma_semaphore, #tpu.memory_space<semaphore_mem>>
      %dma_start3A_36 = tpu.memref_slice %arg3[%add3A_14] : memref<172032xi32, #tpu.memory_space<hbm>> -> memref<128xi32, #tpu.memory_space<hbm>>
      %dma_start3A_37 = tpu.memref_slice %arg3[%add3A_14] : memref<172032xi32, #tpu.memory_space<hbm>> -> memref<128xi32, #tpu.memory_space<hbm>>
      tpu.enqueue_dma source(%dma_start3A_37 : memref<128xi32, #tpu.memory_space<hbm>>) target(%arg8 : memref<128xi32, #tpu.memory_space<vmem>>) target_semaphore(%run_scoped3A : memref<!tpu.dma_semaphore, #tpu.memory_space<semaphore_mem>>)
      %dma_wait3A_38 = tpu.memref_slice %arg3[%add3A_14] : memref<172032xi32, #tpu.memory_space<hbm>> -> memref<128xi32, #tpu.memory_space<hbm>>
      %dma_wait3A_39 = tpu.memref_slice %arg3[%add3A_14] : memref<172032xi32, #tpu.memory_space<hbm>> -> memref<128xi32, #tpu.memory_space<hbm>>
      tpu.wait_dma2 semaphore(%run_scoped3A : memref<!tpu.dma_semaphore, #tpu.memory_space<semaphore_mem>>) src(%dma_wait3A_39 : memref<128xi32, #tpu.memory_space<hbm>>) dst(%arg8 : memref<128xi32, #tpu.memory_space<vmem>>)
      tpu.yield
    }) : () -> ()
    "tpu.region"() ({
      %run_scoped3A = tpu.sem_alloc : memref<!tpu.dma_semaphore, #tpu.memory_space<semaphore_mem>>
      %dma_start3A_36 = tpu.memref_slice %arg4[%add3A_14] : memref<172032xi32, #tpu.memory_space<hbm>> -> memref<128xi32, #tpu.memory_space<hbm>>
      %dma_start3A_37 = tpu.memref_slice %arg4[%add3A_14] : memref<172032xi32, #tpu.memory_space<hbm>> -> memref<128xi32, #tpu.memory_space<hbm>>
      tpu.enqueue_dma source(%dma_start3A_37 : memref<128xi32, #tpu.memory_space<hbm>>) target(%arg11 : memref<128xi32, #tpu.memory_space<vmem>>) target_semaphore(%run_scoped3A : memref<!tpu.dma_semaphore, #tpu.memory_space<semaphore_mem>>)
      %dma_wait3A_38 = tpu.memref_slice %arg4[%add3A_14] : memref<172032xi32, #tpu.memory_space<hbm>> -> memref<128xi32, #tpu.memory_space<hbm>>
      %dma_wait3A_39 = tpu.memref_slice %arg4[%add3A_14] : memref<172032xi32, #tpu.memory_space<hbm>> -> memref<128xi32, #tpu.memory_space<hbm>>
      tpu.wait_dma2 semaphore(%run_scoped3A : memref<!tpu.dma_semaphore, #tpu.memory_space<semaphore_mem>>) src(%dma_wait3A_39 : memref<128xi32, #tpu.memory_space<hbm>>) dst(%arg11 : memref<128xi32, #tpu.memory_space<vmem>>)
      tpu.yield
    }) : () -> ()
    %dma_start3A_15 = arith.constant 0 : i32
    %dma_start3A_16 = arith.constant 0 : i32
    %dma_start3A_17 = tpu.memref_slice %arg2[%dma_start3A_15, %dma_start3A_16] : memref<10240x64xf32, #tpu.memory_space<hbm>> -> memref<10240x64xf32, #tpu.memory_space<hbm>>
    tpu.enqueue_indirect_dma source(%dma_start3A_17 : memref<10240x64xf32, #tpu.memory_space<hbm>>) target(%arg14 : memref<128x64xf32, #tpu.memory_space<vmem>>) offsets(%arg8 : memref<128xi32, #tpu.memory_space<vmem>>) semaphore(%arg18 : memref<!tpu.dma_semaphore, #tpu.memory_space<semaphore_mem>>)
    %scan3A = arith.constant 0 : i32
    %scan3A_18 = arith.constant 0 : i32
    %scan3A_19 = arith.constant 14 : i32
    %scan3A_20 = arith.addi %scan3A_18, %scan3A_19 : i32
    %scan3A_21 = arith.constant 1 : i32
    scf.for %scan3A_36 = %scan3A_18 to %scan3A_20 step %scan3A_21  : i32 {
      %mul3A_37 = arith.constant 3 : i32
      %mul3A_38 = arith.muli %scan3A_36, %mul3A_37 : i32
      %add3A_39 = arith.constant 0 : i32
      %add3A_40 = arith.addi %mul3A_38, %add3A_39 : i32
      %dma_wait3A_41 = arith.constant 0 : i32
      %dma_wait3A_42 = arith.constant 0 : i32
      %dma_wait3A_43 = tpu.memref_slice %arg2[%dma_wait3A_41, %dma_wait3A_42] : memref<10240x64xf32, #tpu.memory_space<hbm>> -> memref<10240x64xf32, #tpu.memory_space<hbm>>
      tpu.wait_indirect_dma semaphore(%arg17 : memref<!tpu.dma_semaphore, #tpu.memory_space<semaphore_mem>>) src(%dma_wait3A_43 : memref<10240x64xf32, #tpu.memory_space<hbm>>) dst(%arg13 : memref<128x64xf32, #tpu.memory_space<vmem>>)
      %dma_start3A_44 = arith.constant 0 : i32
      %dma_start3A_45 = arith.constant 0 : i32
      %dma_start3A_46 = tpu.memref_slice %arg16[%dma_start3A_44, %dma_start3A_45] : memref<10240x64xf32, #tpu.memory_space<vmem_shared>> -> memref<10240x64xf32, #tpu.memory_space<vmem_shared>>
      tpu.enqueue_indirect_dma source(%arg13 : memref<128x64xf32, #tpu.memory_space<vmem>>) target(%dma_start3A_46 : memref<10240x64xf32, #tpu.memory_space<vmem_shared>>) offsets(%arg10 : memref<128xi32, #tpu.memory_space<vmem>>) semaphore(%arg20 : memref<!tpu.dma_semaphore, #tpu.memory_space<semaphore_mem>>) {add = true}
      %add3A_47 = arith.constant 2 : i32
      %add3A_48 = arith.addi %add3A_40, %add3A_47 : i32
      %lt3A = arith.constant 42 : i32
      %lt3A_49 = arith.cmpi slt, %add3A_48, %lt3A : i32
      %convert_element_type3A = arith.extui %lt3A_49 : i1 to i32
      %cond3A = arith.constant 0 : i32
      %cond3A_50 = arith.cmpi ne, %convert_element_type3A, %cond3A : i32
      scf.if %cond3A_50 {
        %ge3A = arith.constant 1 : i32
        %ge3A_85 = arith.cmpi sge, %add3A_40, %ge3A : i32
        %convert_element_type3A_86 = arith.extui %ge3A_85 : i1 to i32
        %cond3A_87 = arith.constant 0 : i32
        %cond3A_88 = arith.cmpi ne, %convert_element_type3A_86, %cond3A_87 : i32
        scf.if %cond3A_88 {
          %dma_wait3A_99 = arith.constant 0 : i32
          %dma_wait3A_100 = arith.constant 0 : i32
          %dma_wait3A_101 = tpu.memref_slice %arg16[%dma_wait3A_99, %dma_wait3A_100] : memref<10240x64xf32, #tpu.memory_space<vmem_shared>> -> memref<10240x64xf32, #tpu.memory_space<vmem_shared>>
          tpu.wait_indirect_dma semaphore(%arg22 : memref<!tpu.dma_semaphore, #tpu.memory_space<semaphore_mem>>) src(%arg15 : memref<128x64xf32, #tpu.memory_space<vmem>>) dst(%dma_wait3A_101 : memref<10240x64xf32, #tpu.memory_space<vmem_shared>>)
        } else {
        }
        %add3A_89 = arith.constant 2 : i32
        %add3A_90 = arith.addi %add3A_40, %add3A_89 : i32
        %mul3A_91 = arith.constant 5376 : i32
        %mul3A_92 = arith.muli %add3A, %mul3A_91 : i32
        %mul3A_93 = arith.constant 128 : i32
        %mul3A_94 = arith.muli %add3A_90, %mul3A_93 : i32
        %add3A_95 = arith.addi %mul3A_92, %mul3A_94 : i32
        "tpu.region"() ({
          %run_scoped3A = tpu.sem_alloc : memref<!tpu.dma_semaphore, #tpu.memory_space<semaphore_mem>>
          %dma_start3A_99 = tpu.memref_slice %arg3[%add3A_95] : memref<172032xi32, #tpu.memory_space<hbm>> -> memref<128xi32, #tpu.memory_space<hbm>>
          %dma_start3A_100 = tpu.memref_slice %arg3[%add3A_95] : memref<172032xi32, #tpu.memory_space<hbm>> -> memref<128xi32, #tpu.memory_space<hbm>>
          tpu.enqueue_dma source(%dma_start3A_100 : memref<128xi32, #tpu.memory_space<hbm>>) target(%arg9 : memref<128xi32, #tpu.memory_space<vmem>>) target_semaphore(%run_scoped3A : memref<!tpu.dma_semaphore, #tpu.memory_space<semaphore_mem>>)
          %dma_wait3A_101 = tpu.memref_slice %arg3[%add3A_95] : memref<172032xi32, #tpu.memory_space<hbm>> -> memref<128xi32, #tpu.memory_space<hbm>>
          %dma_wait3A_102 = tpu.memref_slice %arg3[%add3A_95] : memref<172032xi32, #tpu.memory_space<hbm>> -> memref<128xi32, #tpu.memory_space<hbm>>
          tpu.wait_dma2 semaphore(%run_scoped3A : memref<!tpu.dma_semaphore, #tpu.memory_space<semaphore_mem>>) src(%dma_wait3A_102 : memref<128xi32, #tpu.memory_space<hbm>>) dst(%arg9 : memref<128xi32, #tpu.memory_space<vmem>>)
          tpu.yield
        }) : () -> ()
        "tpu.region"() ({
          %run_scoped3A = tpu.sem_alloc : memref<!tpu.dma_semaphore, #tpu.memory_space<semaphore_mem>>
          %dma_start3A_99 = tpu.memref_slice %arg4[%add3A_95] : memref<172032xi32, #tpu.memory_space<hbm>> -> memref<128xi32, #tpu.memory_space<hbm>>
          %dma_start3A_100 = tpu.memref_slice %arg4[%add3A_95] : memref<172032xi32, #tpu.memory_space<hbm>> -> memref<128xi32, #tpu.memory_space<hbm>>
          tpu.enqueue_dma source(%dma_start3A_100 : memref<128xi32, #tpu.memory_space<hbm>>) target(%arg12 : memref<128xi32, #tpu.memory_space<vmem>>) target_semaphore(%run_scoped3A : memref<!tpu.dma_semaphore, #tpu.memory_space<semaphore_mem>>)
          %dma_wait3A_101 = tpu.memref_slice %arg4[%add3A_95] : memref<172032xi32, #tpu.memory_space<hbm>> -> memref<128xi32, #tpu.memory_space<hbm>>
          %dma_wait3A_102 = tpu.memref_slice %arg4[%add3A_95] : memref<172032xi32, #tpu.memory_space<hbm>> -> memref<128xi32, #tpu.memory_space<hbm>>
          tpu.wait_dma2 semaphore(%run_scoped3A : memref<!tpu.dma_semaphore, #tpu.memory_space<semaphore_mem>>) src(%dma_wait3A_102 : memref<128xi32, #tpu.memory_space<hbm>>) dst(%arg12 : memref<128xi32, #tpu.memory_space<vmem>>)
          tpu.yield
        }) : () -> ()
        %dma_start3A_96 = arith.constant 0 : i32
        %dma_start3A_97 = arith.constant 0 : i32
        %dma_start3A_98 = tpu.memref_slice %arg2[%dma_start3A_96, %dma_start3A_97] : memref<10240x64xf32, #tpu.memory_space<hbm>> -> memref<10240x64xf32, #tpu.memory_space<hbm>>
        tpu.enqueue_indirect_dma source(%dma_start3A_98 : memref<10240x64xf32, #tpu.memory_space<hbm>>) target(%arg15 : memref<128x64xf32, #tpu.memory_space<vmem>>) offsets(%arg9 : memref<128xi32, #tpu.memory_space<vmem>>) semaphore(%arg19 : memref<!tpu.dma_semaphore, #tpu.memory_space<semaphore_mem>>)
      } else {
      }
      %mul3A_51 = arith.constant 3 : i32
      %mul3A_52 = arith.muli %scan3A_36, %mul3A_51 : i32
      %add3A_53 = arith.constant 1 : i32
      %add3A_54 = arith.addi %mul3A_52, %add3A_53 : i32
      %dma_wait3A_55 = arith.constant 0 : i32
      %dma_wait3A_56 = arith.constant 0 : i32
      %dma_wait3A_57 = tpu.memref_slice %arg2[%dma_wait3A_55, %dma_wait3A_56] : memref<10240x64xf32, #tpu.memory_space<hbm>> -> memref<10240x64xf32, #tpu.memory_space<hbm>>
      tpu.wait_indirect_dma semaphore(%arg18 : memref<!tpu.dma_semaphore, #tpu.memory_space<semaphore_mem>>) src(%dma_wait3A_57 : memref<10240x64xf32, #tpu.memory_space<hbm>>) dst(%arg14 : memref<128x64xf32, #tpu.memory_space<vmem>>)
      %dma_start3A_58 = arith.constant 0 : i32
      %dma_start3A_59 = arith.constant 0 : i32
      %dma_start3A_60 = tpu.memref_slice %arg16[%dma_start3A_58, %dma_start3A_59] : memref<10240x64xf32, #tpu.memory_space<vmem_shared>> -> memref<10240x64xf32, #tpu.memory_space<vmem_shared>>
      tpu.enqueue_indirect_dma source(%arg14 : memref<128x64xf32, #tpu.memory_space<vmem>>) target(%dma_start3A_60 : memref<10240x64xf32, #tpu.memory_space<vmem_shared>>) offsets(%arg11 : memref<128xi32, #tpu.memory_space<vmem>>) semaphore(%arg21 : memref<!tpu.dma_semaphore, #tpu.memory_space<semaphore_mem>>) {add = true}
      %add3A_61 = arith.constant 2 : i32
      %add3A_62 = arith.addi %add3A_54, %add3A_61 : i32
      %lt3A_63 = arith.constant 42 : i32
      %lt3A_64 = arith.cmpi slt, %add3A_62, %lt3A_63 : i32
      %convert_element_type3A_65 = arith.extui %lt3A_64 : i1 to i32
      %cond3A_66 = arith.constant 0 : i32
      %cond3A_67 = arith.cmpi ne, %convert_element_type3A_65, %cond3A_66 : i32
      scf.if %cond3A_67 {
        %ge3A = arith.constant 1 : i32
        %ge3A_85 = arith.cmpi sge, %add3A_54, %ge3A : i32
        %convert_element_type3A_86 = arith.extui %ge3A_85 : i1 to i32
        %cond3A_87 = arith.constant 0 : i32
        %cond3A_88 = arith.cmpi ne, %convert_element_type3A_86, %cond3A_87 : i32
        scf.if %cond3A_88 {
          %dma_wait3A_99 = arith.constant 0 : i32
          %dma_wait3A_100 = arith.constant 0 : i32
          %dma_wait3A_101 = tpu.memref_slice %arg16[%dma_wait3A_99, %dma_wait3A_100] : memref<10240x64xf32, #tpu.memory_space<vmem_shared>> -> memref<10240x64xf32, #tpu.memory_space<vmem_shared>>
          tpu.wait_indirect_dma semaphore(%arg20 : memref<!tpu.dma_semaphore, #tpu.memory_space<semaphore_mem>>) src(%arg13 : memref<128x64xf32, #tpu.memory_space<vmem>>) dst(%dma_wait3A_101 : memref<10240x64xf32, #tpu.memory_space<vmem_shared>>)
        } else {
        }
        %add3A_89 = arith.constant 2 : i32
        %add3A_90 = arith.addi %add3A_54, %add3A_89 : i32
        %mul3A_91 = arith.constant 5376 : i32
        %mul3A_92 = arith.muli %add3A, %mul3A_91 : i32
        %mul3A_93 = arith.constant 128 : i32
        %mul3A_94 = arith.muli %add3A_90, %mul3A_93 : i32
        %add3A_95 = arith.addi %mul3A_92, %mul3A_94 : i32
        "tpu.region"() ({
          %run_scoped3A = tpu.sem_alloc : memref<!tpu.dma_semaphore, #tpu.memory_space<semaphore_mem>>
          %dma_start3A_99 = tpu.memref_slice %arg3[%add3A_95] : memref<172032xi32, #tpu.memory_space<hbm>> -> memref<128xi32, #tpu.memory_space<hbm>>
          %dma_start3A_100 = tpu.memref_slice %arg3[%add3A_95] : memref<172032xi32, #tpu.memory_space<hbm>> -> memref<128xi32, #tpu.memory_space<hbm>>
          tpu.enqueue_dma source(%dma_start3A_100 : memref<128xi32, #tpu.memory_space<hbm>>) target(%arg7 : memref<128xi32, #tpu.memory_space<vmem>>) target_semaphore(%run_scoped3A : memref<!tpu.dma_semaphore, #tpu.memory_space<semaphore_mem>>)
          %dma_wait3A_101 = tpu.memref_slice %arg3[%add3A_95] : memref<172032xi32, #tpu.memory_space<hbm>> -> memref<128xi32, #tpu.memory_space<hbm>>
          %dma_wait3A_102 = tpu.memref_slice %arg3[%add3A_95] : memref<172032xi32, #tpu.memory_space<hbm>> -> memref<128xi32, #tpu.memory_space<hbm>>
          tpu.wait_dma2 semaphore(%run_scoped3A : memref<!tpu.dma_semaphore, #tpu.memory_space<semaphore_mem>>) src(%dma_wait3A_102 : memref<128xi32, #tpu.memory_space<hbm>>) dst(%arg7 : memref<128xi32, #tpu.memory_space<vmem>>)
          tpu.yield
        }) : () -> ()
        "tpu.region"() ({
          %run_scoped3A = tpu.sem_alloc : memref<!tpu.dma_semaphore, #tpu.memory_space<semaphore_mem>>
          %dma_start3A_99 = tpu.memref_slice %arg4[%add3A_95] : memref<172032xi32, #tpu.memory_space<hbm>> -> memref<128xi32, #tpu.memory_space<hbm>>
          %dma_start3A_100 = tpu.memref_slice %arg4[%add3A_95] : memref<172032xi32, #tpu.memory_space<hbm>> -> memref<128xi32, #tpu.memory_space<hbm>>
          tpu.enqueue_dma source(%dma_start3A_100 : memref<128xi32, #tpu.memory_space<hbm>>) target(%arg10 : memref<128xi32, #tpu.memory_space<vmem>>) target_semaphore(%run_scoped3A : memref<!tpu.dma_semaphore, #tpu.memory_space<semaphore_mem>>)
          %dma_wait3A_101 = tpu.memref_slice %arg4[%add3A_95] : memref<172032xi32, #tpu.memory_space<hbm>> -> memref<128xi32, #tpu.memory_space<hbm>>
          %dma_wait3A_102 = tpu.memref_slice %arg4[%add3A_95] : memref<172032xi32, #tpu.memory_space<hbm>> -> memref<128xi32, #tpu.memory_space<hbm>>
          tpu.wait_dma2 semaphore(%run_scoped3A : memref<!tpu.dma_semaphore, #tpu.memory_space<semaphore_mem>>) src(%dma_wait3A_102 : memref<128xi32, #tpu.memory_space<hbm>>) dst(%arg10 : memref<128xi32, #tpu.memory_space<vmem>>)
          tpu.yield
        }) : () -> ()
        %dma_start3A_96 = arith.constant 0 : i32
        %dma_start3A_97 = arith.constant 0 : i32
        %dma_start3A_98 = tpu.memref_slice %arg2[%dma_start3A_96, %dma_start3A_97] : memref<10240x64xf32, #tpu.memory_space<hbm>> -> memref<10240x64xf32, #tpu.memory_space<hbm>>
        tpu.enqueue_indirect_dma source(%dma_start3A_98 : memref<10240x64xf32, #tpu.memory_space<hbm>>) target(%arg13 : memref<128x64xf32, #tpu.memory_space<vmem>>) offsets(%arg7 : memref<128xi32, #tpu.memory_space<vmem>>) semaphore(%arg17 : memref<!tpu.dma_semaphore, #tpu.memory_space<semaphore_mem>>)
      } else {
      }
      %mul3A_68 = arith.constant 3 : i32
      %mul3A_69 = arith.muli %scan3A_36, %mul3A_68 : i32
      %add3A_70 = arith.constant 2 : i32
      %add3A_71 = arith.addi %mul3A_69, %add3A_70 : i32
      %dma_wait3A_72 = arith.constant 0 : i32
      %dma_wait3A_73 = arith.constant 0 : i32
      %dma_wait3A_74 = tpu.memref_slice %arg2[%dma_wait3A_72, %dma_wait3A_73] : memref<10240x64xf32, #tpu.memory_space<hbm>> -> memref<10240x64xf32, #tpu.memory_space<hbm>>
      tpu.wait_indirect_dma semaphore(%arg19 : memref<!tpu.dma_semaphore, #tpu.memory_space<semaphore_mem>>) src(%dma_wait3A_74 : memref<10240x64xf32, #tpu.memory_space<hbm>>) dst(%arg15 : memref<128x64xf32, #tpu.memory_space<vmem>>)
      %dma_start3A_75 = arith.constant 0 : i32
      %dma_start3A_76 = arith.constant 0 : i32
      %dma_start3A_77 = tpu.memref_slice %arg16[%dma_start3A_75, %dma_start3A_76] : memref<10240x64xf32, #tpu.memory_space<vmem_shared>> -> memref<10240x64xf32, #tpu.memory_space<vmem_shared>>
      tpu.enqueue_indirect_dma source(%arg15 : memref<128x64xf32, #tpu.memory_space<vmem>>) target(%dma_start3A_77 : memref<10240x64xf32, #tpu.memory_space<vmem_shared>>) offsets(%arg12 : memref<128xi32, #tpu.memory_space<vmem>>) semaphore(%arg22 : memref<!tpu.dma_semaphore, #tpu.memory_space<semaphore_mem>>) {add = true}
      %add3A_78 = arith.constant 2 : i32
      %add3A_79 = arith.addi %add3A_71, %add3A_78 : i32
      %lt3A_80 = arith.constant 42 : i32
      %lt3A_81 = arith.cmpi slt, %add3A_79, %lt3A_80 : i32
      %convert_element_type3A_82 = arith.extui %lt3A_81 : i1 to i32
      %cond3A_83 = arith.constant 0 : i32
      %cond3A_84 = arith.cmpi ne, %convert_element_type3A_82, %cond3A_83 : i32
      scf.if %cond3A_84 {
        %ge3A = arith.constant 1 : i32
        %ge3A_85 = arith.cmpi sge, %add3A_71, %ge3A : i32
        %convert_element_type3A_86 = arith.extui %ge3A_85 : i1 to i32
        %cond3A_87 = arith.constant 0 : i32
        %cond3A_88 = arith.cmpi ne, %convert_element_type3A_86, %cond3A_87 : i32
        scf.if %cond3A_88 {
          %dma_wait3A_99 = arith.constant 0 : i32
          %dma_wait3A_100 = arith.constant 0 : i32
          %dma_wait3A_101 = tpu.memref_slice %arg16[%dma_wait3A_99, %dma_wait3A_100] : memref<10240x64xf32, #tpu.memory_space<vmem_shared>> -> memref<10240x64xf32, #tpu.memory_space<vmem_shared>>
          tpu.wait_indirect_dma semaphore(%arg21 : memref<!tpu.dma_semaphore, #tpu.memory_space<semaphore_mem>>) src(%arg14 : memref<128x64xf32, #tpu.memory_space<vmem>>) dst(%dma_wait3A_101 : memref<10240x64xf32, #tpu.memory_space<vmem_shared>>)
        } else {
        }
        %add3A_89 = arith.constant 2 : i32
        %add3A_90 = arith.addi %add3A_71, %add3A_89 : i32
        %mul3A_91 = arith.constant 5376 : i32
        %mul3A_92 = arith.muli %add3A, %mul3A_91 : i32
        %mul3A_93 = arith.constant 128 : i32
        %mul3A_94 = arith.muli %add3A_90, %mul3A_93 : i32
        %add3A_95 = arith.addi %mul3A_92, %mul3A_94 : i32
        "tpu.region"() ({
          %run_scoped3A = tpu.sem_alloc : memref<!tpu.dma_semaphore, #tpu.memory_space<semaphore_mem>>
          %dma_start3A_99 = tpu.memref_slice %arg3[%add3A_95] : memref<172032xi32, #tpu.memory_space<hbm>> -> memref<128xi32, #tpu.memory_space<hbm>>
          %dma_start3A_100 = tpu.memref_slice %arg3[%add3A_95] : memref<172032xi32, #tpu.memory_space<hbm>> -> memref<128xi32, #tpu.memory_space<hbm>>
          tpu.enqueue_dma source(%dma_start3A_100 : memref<128xi32, #tpu.memory_space<hbm>>) target(%arg8 : memref<128xi32, #tpu.memory_space<vmem>>) target_semaphore(%run_scoped3A : memref<!tpu.dma_semaphore, #tpu.memory_space<semaphore_mem>>)
          %dma_wait3A_101 = tpu.memref_slice %arg3[%add3A_95] : memref<172032xi32, #tpu.memory_space<hbm>> -> memref<128xi32, #tpu.memory_space<hbm>>
          %dma_wait3A_102 = tpu.memref_slice %arg3[%add3A_95] : memref<172032xi32, #tpu.memory_space<hbm>> -> memref<128xi32, #tpu.memory_space<hbm>>
          tpu.wait_dma2 semaphore(%run_scoped3A : memref<!tpu.dma_semaphore, #tpu.memory_space<semaphore_mem>>) src(%dma_wait3A_102 : memref<128xi32, #tpu.memory_space<hbm>>) dst(%arg8 : memref<128xi32, #tpu.memory_space<vmem>>)
          tpu.yield
        }) : () -> ()
        "tpu.region"() ({
          %run_scoped3A = tpu.sem_alloc : memref<!tpu.dma_semaphore, #tpu.memory_space<semaphore_mem>>
          %dma_start3A_99 = tpu.memref_slice %arg4[%add3A_95] : memref<172032xi32, #tpu.memory_space<hbm>> -> memref<128xi32, #tpu.memory_space<hbm>>
          %dma_start3A_100 = tpu.memref_slice %arg4[%add3A_95] : memref<172032xi32, #tpu.memory_space<hbm>> -> memref<128xi32, #tpu.memory_space<hbm>>
          tpu.enqueue_dma source(%dma_start3A_100 : memref<128xi32, #tpu.memory_space<hbm>>) target(%arg11 : memref<128xi32, #tpu.memory_space<vmem>>) target_semaphore(%run_scoped3A : memref<!tpu.dma_semaphore, #tpu.memory_space<semaphore_mem>>)
          %dma_wait3A_101 = tpu.memref_slice %arg4[%add3A_95] : memref<172032xi32, #tpu.memory_space<hbm>> -> memref<128xi32, #tpu.memory_space<hbm>>
          %dma_wait3A_102 = tpu.memref_slice %arg4[%add3A_95] : memref<172032xi32, #tpu.memory_space<hbm>> -> memref<128xi32, #tpu.memory_space<hbm>>
          tpu.wait_dma2 semaphore(%run_scoped3A : memref<!tpu.dma_semaphore, #tpu.memory_space<semaphore_mem>>) src(%dma_wait3A_102 : memref<128xi32, #tpu.memory_space<hbm>>) dst(%arg11 : memref<128xi32, #tpu.memory_space<vmem>>)
          tpu.yield
        }) : () -> ()
        %dma_start3A_96 = arith.constant 0 : i32
        %dma_start3A_97 = arith.constant 0 : i32
        %dma_start3A_98 = tpu.memref_slice %arg2[%dma_start3A_96, %dma_start3A_97] : memref<10240x64xf32, #tpu.memory_space<hbm>> -> memref<10240x64xf32, #tpu.memory_space<hbm>>
        tpu.enqueue_indirect_dma source(%dma_start3A_98 : memref<10240x64xf32, #tpu.memory_space<hbm>>) target(%arg14 : memref<128x64xf32, #tpu.memory_space<vmem>>) offsets(%arg8 : memref<128xi32, #tpu.memory_space<vmem>>) semaphore(%arg18 : memref<!tpu.dma_semaphore, #tpu.memory_space<semaphore_mem>>)
      } else {
      }
    }
    %scan3A_22 = arith.constant 14 : i32
    %dma_wait3A = arith.constant 0 : i32
    %dma_wait3A_23 = arith.constant 0 : i32
    %dma_wait3A_24 = tpu.memref_slice %arg16[%dma_wait3A, %dma_wait3A_23] : memref<10240x64xf32, #tpu.memory_space<vmem_shared>> -> memref<10240x64xf32, #tpu.memory_space<vmem_shared>>
    tpu.wait_indirect_dma semaphore(%arg20 : memref<!tpu.dma_semaphore, #tpu.memory_space<semaphore_mem>>) src(%arg13 : memref<128x64xf32, #tpu.memory_space<vmem>>) dst(%dma_wait3A_24 : memref<10240x64xf32, #tpu.memory_space<vmem_shared>>)
    %dma_wait3A_25 = arith.constant 0 : i32
    %dma_wait3A_26 = arith.constant 0 : i32
    %dma_wait3A_27 = tpu.memref_slice %arg16[%dma_wait3A_25, %dma_wait3A_26] : memref<10240x64xf32, #tpu.memory_space<vmem_shared>> -> memref<10240x64xf32, #tpu.memory_space<vmem_shared>>
    tpu.wait_indirect_dma semaphore(%arg21 : memref<!tpu.dma_semaphore, #tpu.memory_space<semaphore_mem>>) src(%arg14 : memref<128x64xf32, #tpu.memory_space<vmem>>) dst(%dma_wait3A_27 : memref<10240x64xf32, #tpu.memory_space<vmem_shared>>)
    %dma_wait3A_28 = arith.constant 0 : i32
    %dma_wait3A_29 = arith.constant 0 : i32
    %dma_wait3A_30 = tpu.memref_slice %arg16[%dma_wait3A_28, %dma_wait3A_29] : memref<10240x64xf32, #tpu.memory_space<vmem_shared>> -> memref<10240x64xf32, #tpu.memory_space<vmem_shared>>
    tpu.wait_indirect_dma semaphore(%arg22 : memref<!tpu.dma_semaphore, #tpu.memory_space<semaphore_mem>>) src(%arg15 : memref<128x64xf32, #tpu.memory_space<vmem>>) dst(%dma_wait3A_30 : memref<10240x64xf32, #tpu.memory_space<vmem_shared>>)
    %barrier3A_31 = arith.constant 0 : index
    tpu.barrier barrier_id(%barrier3A_31)
    %mul3A_32 = arith.constant 640 : i32
    %mul3A_33 = arith.muli %arg1, %mul3A_32 : i32
    %mul3A_34 = arith.constant 640 : i32
    %mul3A_35 = arith.muli %arg1, %mul3A_34 : i32
    "tpu.region"() ({
      %run_scoped3A = tpu.sem_alloc : memref<!tpu.dma_semaphore, #tpu.memory_space<semaphore_mem>>
      %dma_start3A_36 = arith.constant 0 : i32
      %dma_start3A_37 = tpu.memref_slice %arg6[%arg0, %mul3A_35, %dma_start3A_36] : memref<2x10240x64xf32, #tpu.memory_space<hbm>> -> memref<1x640x64xf32, #tpu.memory_space<hbm>>
      %dma_start3A_38 = tpu.memref_squeeze %dma_start3A_37 : memref<1x640x64xf32, #tpu.memory_space<hbm>> -> memref<640x64xf32, #tpu.memory_space<hbm>>
      %dma_start3A_39 = arith.constant 0 : i32
      %dma_start3A_40 = tpu.memref_slice %arg16[%mul3A_33, %dma_start3A_39] : memref<10240x64xf32, #tpu.memory_space<vmem_shared>> -> memref<640x64xf32, #tpu.memory_space<vmem_shared>>
      tpu.enqueue_dma source(%dma_start3A_40 : memref<640x64xf32, #tpu.memory_space<vmem_shared>>) target(%dma_start3A_38 : memref<640x64xf32, #tpu.memory_space<hbm>>) target_semaphore(%run_scoped3A : memref<!tpu.dma_semaphore, #tpu.memory_space<semaphore_mem>>)
      %dma_wait3A_41 = arith.constant 0 : i32
      %dma_wait3A_42 = tpu.memref_slice %arg6[%arg0, %mul3A_35, %dma_wait3A_41] : memref<2x10240x64xf32, #tpu.memory_space<hbm>> -> memref<1x640x64xf32, #tpu.memory_space<hbm>>
      %dma_wait3A_43 = tpu.memref_squeeze %dma_wait3A_42 : memref<1x640x64xf32, #tpu.memory_space<hbm>> -> memref<640x64xf32, #tpu.memory_space<hbm>>
      %dma_wait3A_44 = arith.constant 0 : i32
      %dma_wait3A_45 = tpu.memref_slice %arg16[%mul3A_33, %dma_wait3A_44] : memref<10240x64xf32, #tpu.memory_space<vmem_shared>> -> memref<640x64xf32, #tpu.memory_space<vmem_shared>>
      tpu.wait_dma2 semaphore(%run_scoped3A : memref<!tpu.dma_semaphore, #tpu.memory_space<semaphore_mem>>) src(%dma_wait3A_45 : memref<640x64xf32, #tpu.memory_space<vmem_shared>>) dst(%dma_wait3A_43 : memref<640x64xf32, #tpu.memory_space<hbm>>)
      tpu.yield
    }) : () -> ()
    return
  }
}

#map = affine_map<(d0, d1) -> (0, 0)>
#map1 = affine_map<(d0, d1) -> (0)>
#map2 = affine_map<(d0, d1) -> (0, 0, 0)>
module attributes {stable_mosaic.version = 14 : i64} {
  func.func @k(%arg0: i32, %arg1: i32, %arg2: memref<10240x16xf32, #tpu.memory_space<hbm>>, %arg3: memref<172032xi32, #tpu.memory_space<hbm>>, %arg4: memref<172032xi32, #tpu.memory_space<hbm>>, %arg5: memref<10240x16xf32, #tpu.memory_space<hbm>>, %arg6: memref<2x10240x16xf32, #tpu.memory_space<hbm>>, %arg7: memref<128xi32, #tpu.memory_space<vmem>>, %arg8: memref<128xi32, #tpu.memory_space<vmem>>, %arg9: memref<128xi32, #tpu.memory_space<vmem>>, %arg10: memref<128xi32, #tpu.memory_space<vmem>>, %arg11: memref<128xi32, #tpu.memory_space<vmem>>, %arg12: memref<128xi32, #tpu.memory_space<vmem>>, %arg13: memref<128x16xf32, #tpu.memory_space<vmem>>, %arg14: memref<128x16xf32, #tpu.memory_space<vmem>>, %arg15: memref<128x16xf32, #tpu.memory_space<vmem>>, %arg16: memref<10240x16xf32, #tpu.memory_space<vmem_shared>>, %arg17: memref<!tpu.dma_semaphore, #tpu.memory_space<semaphore_mem>>, %arg18: memref<!tpu.dma_semaphore, #tpu.memory_space<semaphore_mem>>, %arg19: memref<!tpu.dma_semaphore, #tpu.memory_space<semaphore_mem>>, %arg20: memref<!tpu.dma_semaphore, #tpu.memory_space<semaphore_mem>>, %arg21: memref<!tpu.dma_semaphore, #tpu.memory_space<semaphore_mem>>, %arg22: memref<!tpu.dma_semaphore, #tpu.memory_space<semaphore_mem>>) attributes {dimension_semantics = [#tpu.dimension_semantics<core_parallel>, #tpu.dimension_semantics<subcore_parallel>], iteration_bounds = array<i64: 2, 16>, scalar_prefetch = 0 : i64, scratch_operands = 16 : i64, tpu.core_type = #tpu.core_type<sc_vector_subcore>, window_params = [{transform_indices = #map}, {transform_indices = #map1}, {transform_indices = #map1}, {transform_indices = #map}, {transform_indices = #map2}]} {
    %mul3A = arith.constant 2 : i32
    %mul3A_0 = arith.muli %arg1, %mul3A : i32
    %add3A = arith.addi %mul3A_0, %arg0 : i32
    %mul3A_1 = arith.constant 640 : i32
    %mul3A_2 = arith.muli %arg1, %mul3A_1 : i32
    %mul3A_3 = arith.constant 640 : i32
    %mul3A_4 = arith.muli %arg1, %mul3A_3 : i32
    "tpu.region"() ({
      %run_scoped3A = tpu.sem_alloc : memref<!tpu.dma_semaphore, #tpu.memory_space<semaphore_mem>>
      %dma_start3A_36 = arith.constant 0 : i32
      %dma_start3A_37 = tpu.memref_slice %arg16[%mul3A_4, %dma_start3A_36] : memref<10240x16xf32, #tpu.memory_space<vmem_shared>> -> memref<640x16xf32, #tpu.memory_space<vmem_shared>>
      %dma_start3A_38 = arith.constant 0 : i32
      %dma_start3A_39 = tpu.memref_slice %arg5[%mul3A_2, %dma_start3A_38] : memref<10240x16xf32, #tpu.memory_space<hbm>> -> memref<640x16xf32, #tpu.memory_space<hbm>>
      tpu.enqueue_dma source(%dma_start3A_39 : memref<640x16xf32, #tpu.memory_space<hbm>>) target(%dma_start3A_37 : memref<640x16xf32, #tpu.memory_space<vmem_shared>>) target_semaphore(%run_scoped3A : memref<!tpu.dma_semaphore, #tpu.memory_space<semaphore_mem>>)
      %dma_wait3A_40 = arith.constant 0 : i32
      %dma_wait3A_41 = tpu.memref_slice %arg16[%mul3A_4, %dma_wait3A_40] : memref<10240x16xf32, #tpu.memory_space<vmem_shared>> -> memref<640x16xf32, #tpu.memory_space<vmem_shared>>
      %dma_wait3A_42 = arith.constant 0 : i32
      %dma_wait3A_43 = tpu.memref_slice %arg5[%mul3A_2, %dma_wait3A_42] : memref<10240x16xf32, #tpu.memory_space<hbm>> -> memref<640x16xf32, #tpu.memory_space<hbm>>
      tpu.wait_dma2 semaphore(%run_scoped3A : memref<!tpu.dma_semaphore, #tpu.memory_space<semaphore_mem>>) src(%dma_wait3A_43 : memref<640x16xf32, #tpu.memory_space<hbm>>) dst(%dma_wait3A_41 : memref<640x16xf32, #tpu.memory_space<vmem_shared>>)
      tpu.yield
    }) : () -> ()
    %barrier3A = arith.constant 0 : index
    tpu.barrier barrier_id(%barrier3A)
    %mul3A_5 = arith.constant 5376 : i32
    %mul3A_6 = arith.muli %add3A, %mul3A_5 : i32
    %add3A_7 = arith.constant 0 : i32
    %add3A_8 = arith.addi %mul3A_6, %add3A_7 : i32
    "tpu.region"() ({
      %run_scoped3A = tpu.sem_alloc : memref<!tpu.dma_semaphore, #tpu.memory_space<semaphore_mem>>
      %dma_start3A_36 = tpu.memref_slice %arg3[%add3A_8] : memref<172032xi32, #tpu.memory_space<hbm>> -> memref<128xi32, #tpu.memory_space<hbm>>
      %dma_start3A_37 = tpu.memref_slice %arg3[%add3A_8] : memref<172032xi32, #tpu.memory_space<hbm>> -> memref<128xi32, #tpu.memory_space<hbm>>
      tpu.enqueue_dma source(%dma_start3A_37 : memref<128xi32, #tpu.memory_space<hbm>>) target(%arg7 : memref<128xi32, #tpu.memory_space<vmem>>) target_semaphore(%run_scoped3A : memref<!tpu.dma_semaphore, #tpu.memory_space<semaphore_mem>>)
      %dma_wait3A_38 = tpu.memref_slice %arg3[%add3A_8] : memref<172032xi32, #tpu.memory_space<hbm>> -> memref<128xi32, #tpu.memory_space<hbm>>
      %dma_wait3A_39 = tpu.memref_slice %arg3[%add3A_8] : memref<172032xi32, #tpu.memory_space<hbm>> -> memref<128xi32, #tpu.memory_space<hbm>>
      tpu.wait_dma2 semaphore(%run_scoped3A : memref<!tpu.dma_semaphore, #tpu.memory_space<semaphore_mem>>) src(%dma_wait3A_39 : memref<128xi32, #tpu.memory_space<hbm>>) dst(%arg7 : memref<128xi32, #tpu.memory_space<vmem>>)
      tpu.yield
    }) : () -> ()
    "tpu.region"() ({
      %run_scoped3A = tpu.sem_alloc : memref<!tpu.dma_semaphore, #tpu.memory_space<semaphore_mem>>
      %dma_start3A_36 = tpu.memref_slice %arg4[%add3A_8] : memref<172032xi32, #tpu.memory_space<hbm>> -> memref<128xi32, #tpu.memory_space<hbm>>
      %dma_start3A_37 = tpu.memref_slice %arg4[%add3A_8] : memref<172032xi32, #tpu.memory_space<hbm>> -> memref<128xi32, #tpu.memory_space<hbm>>
      tpu.enqueue_dma source(%dma_start3A_37 : memref<128xi32, #tpu.memory_space<hbm>>) target(%arg10 : memref<128xi32, #tpu.memory_space<vmem>>) target_semaphore(%run_scoped3A : memref<!tpu.dma_semaphore, #tpu.memory_space<semaphore_mem>>)
      %dma_wait3A_38 = tpu.memref_slice %arg4[%add3A_8] : memref<172032xi32, #tpu.memory_space<hbm>> -> memref<128xi32, #tpu.memory_space<hbm>>
      %dma_wait3A_39 = tpu.memref_slice %arg4[%add3A_8] : memref<172032xi32, #tpu.memory_space<hbm>> -> memref<128xi32, #tpu.memory_space<hbm>>
      tpu.wait_dma2 semaphore(%run_scoped3A : memref<!tpu.dma_semaphore, #tpu.memory_space<semaphore_mem>>) src(%dma_wait3A_39 : memref<128xi32, #tpu.memory_space<hbm>>) dst(%arg10 : memref<128xi32, #tpu.memory_space<vmem>>)
      tpu.yield
    }) : () -> ()
    %dma_start3A = arith.constant 0 : i32
    %dma_start3A_9 = arith.constant 0 : i32
    %dma_start3A_10 = tpu.memref_slice %arg2[%dma_start3A, %dma_start3A_9] : memref<10240x16xf32, #tpu.memory_space<hbm>> -> memref<10240x16xf32, #tpu.memory_space<hbm>>
    tpu.enqueue_indirect_dma source(%dma_start3A_10 : memref<10240x16xf32, #tpu.memory_space<hbm>>) target(%arg13 : memref<128x16xf32, #tpu.memory_space<vmem>>) offsets(%arg7 : memref<128xi32, #tpu.memory_space<vmem>>) semaphore(%arg17 : memref<!tpu.dma_semaphore, #tpu.memory_space<semaphore_mem>>)
    %mul3A_11 = arith.constant 5376 : i32
    %mul3A_12 = arith.muli %add3A, %mul3A_11 : i32
    %add3A_13 = arith.constant 128 : i32
    %add3A_14 = arith.addi %mul3A_12, %add3A_13 : i32
    "tpu.region"() ({
      %run_scoped3A = tpu.sem_alloc : memref<!tpu.dma_semaphore, #tpu.memory_space<semaphore_mem>>
      %dma_start3A_36 = tpu.memref_slice %arg3[%add3A_14] : memref<172032xi32, #tpu.memory_space<hbm>> -> memref<128xi32, #tpu.memory_space<hbm>>
      %dma_start3A_37 = tpu.memref_slice %arg3[%add3A_14] : memref<172032xi32, #tpu.memory_space<hbm>> -> memref<128xi32, #tpu.memory_space<hbm>>
      tpu.enqueue_dma source(%dma_start3A_37 : memref<128xi32, #tpu.memory_space<hbm>>) target(%arg8 : memref<128xi32, #tpu.memory_space<vmem>>) target_semaphore(%run_scoped3A : memref<!tpu.dma_semaphore, #tpu.memory_space<semaphore_mem>>)
      %dma_wait3A_38 = tpu.memref_slice %arg3[%add3A_14] : memref<172032xi32, #tpu.memory_space<hbm>> -> memref<128xi32, #tpu.memory_space<hbm>>
      %dma_wait3A_39 = tpu.memref_slice %arg3[%add3A_14] : memref<172032xi32, #tpu.memory_space<hbm>> -> memref<128xi32, #tpu.memory_space<hbm>>
      tpu.wait_dma2 semaphore(%run_scoped3A : memref<!tpu.dma_semaphore, #tpu.memory_space<semaphore_mem>>) src(%dma_wait3A_39 : memref<128xi32, #tpu.memory_space<hbm>>) dst(%arg8 : memref<128xi32, #tpu.memory_space<vmem>>)
      tpu.yield
    }) : () -> ()
    "tpu.region"() ({
      %run_scoped3A = tpu.sem_alloc : memref<!tpu.dma_semaphore, #tpu.memory_space<semaphore_mem>>
      %dma_start3A_36 = tpu.memref_slice %arg4[%add3A_14] : memref<172032xi32, #tpu.memory_space<hbm>> -> memref<128xi32, #tpu.memory_space<hbm>>
      %dma_start3A_37 = tpu.memref_slice %arg4[%add3A_14] : memref<172032xi32, #tpu.memory_space<hbm>> -> memref<128xi32, #tpu.memory_space<hbm>>
      tpu.enqueue_dma source(%dma_start3A_37 : memref<128xi32, #tpu.memory_space<hbm>>) target(%arg11 : memref<128xi32, #tpu.memory_space<vmem>>) target_semaphore(%run_scoped3A : memref<!tpu.dma_semaphore, #tpu.memory_space<semaphore_mem>>)
      %dma_wait3A_38 = tpu.memref_slice %arg4[%add3A_14] : memref<172032xi32, #tpu.memory_space<hbm>> -> memref<128xi32, #tpu.memory_space<hbm>>
      %dma_wait3A_39 = tpu.memref_slice %arg4[%add3A_14] : memref<172032xi32, #tpu.memory_space<hbm>> -> memref<128xi32, #tpu.memory_space<hbm>>
      tpu.wait_dma2 semaphore(%run_scoped3A : memref<!tpu.dma_semaphore, #tpu.memory_space<semaphore_mem>>) src(%dma_wait3A_39 : memref<128xi32, #tpu.memory_space<hbm>>) dst(%arg11 : memref<128xi32, #tpu.memory_space<vmem>>)
      tpu.yield
    }) : () -> ()
    %dma_start3A_15 = arith.constant 0 : i32
    %dma_start3A_16 = arith.constant 0 : i32
    %dma_start3A_17 = tpu.memref_slice %arg2[%dma_start3A_15, %dma_start3A_16] : memref<10240x16xf32, #tpu.memory_space<hbm>> -> memref<10240x16xf32, #tpu.memory_space<hbm>>
    tpu.enqueue_indirect_dma source(%dma_start3A_17 : memref<10240x16xf32, #tpu.memory_space<hbm>>) target(%arg14 : memref<128x16xf32, #tpu.memory_space<vmem>>) offsets(%arg8 : memref<128xi32, #tpu.memory_space<vmem>>) semaphore(%arg18 : memref<!tpu.dma_semaphore, #tpu.memory_space<semaphore_mem>>)
    %scan3A = arith.constant 0 : i32
    %scan3A_18 = arith.constant 0 : i32
    %scan3A_19 = arith.constant 14 : i32
    %scan3A_20 = arith.addi %scan3A_18, %scan3A_19 : i32
    %scan3A_21 = arith.constant 1 : i32
    scf.for %scan3A_36 = %scan3A_18 to %scan3A_20 step %scan3A_21  : i32 {
      %mul3A_37 = arith.constant 3 : i32
      %mul3A_38 = arith.muli %scan3A_36, %mul3A_37 : i32
      %add3A_39 = arith.constant 0 : i32
      %add3A_40 = arith.addi %mul3A_38, %add3A_39 : i32
      %dma_wait3A_41 = arith.constant 0 : i32
      %dma_wait3A_42 = arith.constant 0 : i32
      %dma_wait3A_43 = tpu.memref_slice %arg2[%dma_wait3A_41, %dma_wait3A_42] : memref<10240x16xf32, #tpu.memory_space<hbm>> -> memref<10240x16xf32, #tpu.memory_space<hbm>>
      tpu.wait_indirect_dma semaphore(%arg17 : memref<!tpu.dma_semaphore, #tpu.memory_space<semaphore_mem>>) src(%dma_wait3A_43 : memref<10240x16xf32, #tpu.memory_space<hbm>>) dst(%arg13 : memref<128x16xf32, #tpu.memory_space<vmem>>)
      %dma_start3A_44 = arith.constant 0 : i32
      %dma_start3A_45 = arith.constant 0 : i32
      %dma_start3A_46 = tpu.memref_slice %arg16[%dma_start3A_44, %dma_start3A_45] : memref<10240x16xf32, #tpu.memory_space<vmem_shared>> -> memref<10240x16xf32, #tpu.memory_space<vmem_shared>>
      tpu.enqueue_indirect_dma source(%arg13 : memref<128x16xf32, #tpu.memory_space<vmem>>) target(%dma_start3A_46 : memref<10240x16xf32, #tpu.memory_space<vmem_shared>>) offsets(%arg10 : memref<128xi32, #tpu.memory_space<vmem>>) semaphore(%arg20 : memref<!tpu.dma_semaphore, #tpu.memory_space<semaphore_mem>>) {add = true}
      %add3A_47 = arith.constant 2 : i32
      %add3A_48 = arith.addi %add3A_40, %add3A_47 : i32
      %lt3A = arith.constant 42 : i32
      %lt3A_49 = arith.cmpi slt, %add3A_48, %lt3A : i32
      %convert_element_type3A = arith.extui %lt3A_49 : i1 to i32
      %cond3A = arith.constant 0 : i32
      %cond3A_50 = arith.cmpi ne, %convert_element_type3A, %cond3A : i32
      scf.if %cond3A_50 {
        %ge3A = arith.constant 1 : i32
        %ge3A_85 = arith.cmpi sge, %add3A_40, %ge3A : i32
        %convert_element_type3A_86 = arith.extui %ge3A_85 : i1 to i32
        %cond3A_87 = arith.constant 0 : i32
        %cond3A_88 = arith.cmpi ne, %convert_element_type3A_86, %cond3A_87 : i32
        scf.if %cond3A_88 {
          %dma_wait3A_99 = arith.constant 0 : i32
          %dma_wait3A_100 = arith.constant 0 : i32
          %dma_wait3A_101 = tpu.memref_slice %arg16[%dma_wait3A_99, %dma_wait3A_100] : memref<10240x16xf32, #tpu.memory_space<vmem_shared>> -> memref<10240x16xf32, #tpu.memory_space<vmem_shared>>
          tpu.wait_indirect_dma semaphore(%arg22 : memref<!tpu.dma_semaphore, #tpu.memory_space<semaphore_mem>>) src(%arg15 : memref<128x16xf32, #tpu.memory_space<vmem>>) dst(%dma_wait3A_101 : memref<10240x16xf32, #tpu.memory_space<vmem_shared>>)
        } else {
        }
        %add3A_89 = arith.constant 2 : i32
        %add3A_90 = arith.addi %add3A_40, %add3A_89 : i32
        %mul3A_91 = arith.constant 5376 : i32
        %mul3A_92 = arith.muli %add3A, %mul3A_91 : i32
        %mul3A_93 = arith.constant 128 : i32
        %mul3A_94 = arith.muli %add3A_90, %mul3A_93 : i32
        %add3A_95 = arith.addi %mul3A_92, %mul3A_94 : i32
        "tpu.region"() ({
          %run_scoped3A = tpu.sem_alloc : memref<!tpu.dma_semaphore, #tpu.memory_space<semaphore_mem>>
          %dma_start3A_99 = tpu.memref_slice %arg3[%add3A_95] : memref<172032xi32, #tpu.memory_space<hbm>> -> memref<128xi32, #tpu.memory_space<hbm>>
          %dma_start3A_100 = tpu.memref_slice %arg3[%add3A_95] : memref<172032xi32, #tpu.memory_space<hbm>> -> memref<128xi32, #tpu.memory_space<hbm>>
          tpu.enqueue_dma source(%dma_start3A_100 : memref<128xi32, #tpu.memory_space<hbm>>) target(%arg9 : memref<128xi32, #tpu.memory_space<vmem>>) target_semaphore(%run_scoped3A : memref<!tpu.dma_semaphore, #tpu.memory_space<semaphore_mem>>)
          %dma_wait3A_101 = tpu.memref_slice %arg3[%add3A_95] : memref<172032xi32, #tpu.memory_space<hbm>> -> memref<128xi32, #tpu.memory_space<hbm>>
          %dma_wait3A_102 = tpu.memref_slice %arg3[%add3A_95] : memref<172032xi32, #tpu.memory_space<hbm>> -> memref<128xi32, #tpu.memory_space<hbm>>
          tpu.wait_dma2 semaphore(%run_scoped3A : memref<!tpu.dma_semaphore, #tpu.memory_space<semaphore_mem>>) src(%dma_wait3A_102 : memref<128xi32, #tpu.memory_space<hbm>>) dst(%arg9 : memref<128xi32, #tpu.memory_space<vmem>>)
          tpu.yield
        }) : () -> ()
        "tpu.region"() ({
          %run_scoped3A = tpu.sem_alloc : memref<!tpu.dma_semaphore, #tpu.memory_space<semaphore_mem>>
          %dma_start3A_99 = tpu.memref_slice %arg4[%add3A_95] : memref<172032xi32, #tpu.memory_space<hbm>> -> memref<128xi32, #tpu.memory_space<hbm>>
          %dma_start3A_100 = tpu.memref_slice %arg4[%add3A_95] : memref<172032xi32, #tpu.memory_space<hbm>> -> memref<128xi32, #tpu.memory_space<hbm>>
          tpu.enqueue_dma source(%dma_start3A_100 : memref<128xi32, #tpu.memory_space<hbm>>) target(%arg12 : memref<128xi32, #tpu.memory_space<vmem>>) target_semaphore(%run_scoped3A : memref<!tpu.dma_semaphore, #tpu.memory_space<semaphore_mem>>)
          %dma_wait3A_101 = tpu.memref_slice %arg4[%add3A_95] : memref<172032xi32, #tpu.memory_space<hbm>> -> memref<128xi32, #tpu.memory_space<hbm>>
          %dma_wait3A_102 = tpu.memref_slice %arg4[%add3A_95] : memref<172032xi32, #tpu.memory_space<hbm>> -> memref<128xi32, #tpu.memory_space<hbm>>
          tpu.wait_dma2 semaphore(%run_scoped3A : memref<!tpu.dma_semaphore, #tpu.memory_space<semaphore_mem>>) src(%dma_wait3A_102 : memref<128xi32, #tpu.memory_space<hbm>>) dst(%arg12 : memref<128xi32, #tpu.memory_space<vmem>>)
          tpu.yield
        }) : () -> ()
        %dma_start3A_96 = arith.constant 0 : i32
        %dma_start3A_97 = arith.constant 0 : i32
        %dma_start3A_98 = tpu.memref_slice %arg2[%dma_start3A_96, %dma_start3A_97] : memref<10240x16xf32, #tpu.memory_space<hbm>> -> memref<10240x16xf32, #tpu.memory_space<hbm>>
        tpu.enqueue_indirect_dma source(%dma_start3A_98 : memref<10240x16xf32, #tpu.memory_space<hbm>>) target(%arg15 : memref<128x16xf32, #tpu.memory_space<vmem>>) offsets(%arg9 : memref<128xi32, #tpu.memory_space<vmem>>) semaphore(%arg19 : memref<!tpu.dma_semaphore, #tpu.memory_space<semaphore_mem>>)
      } else {
      }
      %mul3A_51 = arith.constant 3 : i32
      %mul3A_52 = arith.muli %scan3A_36, %mul3A_51 : i32
      %add3A_53 = arith.constant 1 : i32
      %add3A_54 = arith.addi %mul3A_52, %add3A_53 : i32
      %dma_wait3A_55 = arith.constant 0 : i32
      %dma_wait3A_56 = arith.constant 0 : i32
      %dma_wait3A_57 = tpu.memref_slice %arg2[%dma_wait3A_55, %dma_wait3A_56] : memref<10240x16xf32, #tpu.memory_space<hbm>> -> memref<10240x16xf32, #tpu.memory_space<hbm>>
      tpu.wait_indirect_dma semaphore(%arg18 : memref<!tpu.dma_semaphore, #tpu.memory_space<semaphore_mem>>) src(%dma_wait3A_57 : memref<10240x16xf32, #tpu.memory_space<hbm>>) dst(%arg14 : memref<128x16xf32, #tpu.memory_space<vmem>>)
      %dma_start3A_58 = arith.constant 0 : i32
      %dma_start3A_59 = arith.constant 0 : i32
      %dma_start3A_60 = tpu.memref_slice %arg16[%dma_start3A_58, %dma_start3A_59] : memref<10240x16xf32, #tpu.memory_space<vmem_shared>> -> memref<10240x16xf32, #tpu.memory_space<vmem_shared>>
      tpu.enqueue_indirect_dma source(%arg14 : memref<128x16xf32, #tpu.memory_space<vmem>>) target(%dma_start3A_60 : memref<10240x16xf32, #tpu.memory_space<vmem_shared>>) offsets(%arg11 : memref<128xi32, #tpu.memory_space<vmem>>) semaphore(%arg21 : memref<!tpu.dma_semaphore, #tpu.memory_space<semaphore_mem>>) {add = true}
      %add3A_61 = arith.constant 2 : i32
      %add3A_62 = arith.addi %add3A_54, %add3A_61 : i32
      %lt3A_63 = arith.constant 42 : i32
      %lt3A_64 = arith.cmpi slt, %add3A_62, %lt3A_63 : i32
      %convert_element_type3A_65 = arith.extui %lt3A_64 : i1 to i32
      %cond3A_66 = arith.constant 0 : i32
      %cond3A_67 = arith.cmpi ne, %convert_element_type3A_65, %cond3A_66 : i32
      scf.if %cond3A_67 {
        %ge3A = arith.constant 1 : i32
        %ge3A_85 = arith.cmpi sge, %add3A_54, %ge3A : i32
        %convert_element_type3A_86 = arith.extui %ge3A_85 : i1 to i32
        %cond3A_87 = arith.constant 0 : i32
        %cond3A_88 = arith.cmpi ne, %convert_element_type3A_86, %cond3A_87 : i32
        scf.if %cond3A_88 {
          %dma_wait3A_99 = arith.constant 0 : i32
          %dma_wait3A_100 = arith.constant 0 : i32
          %dma_wait3A_101 = tpu.memref_slice %arg16[%dma_wait3A_99, %dma_wait3A_100] : memref<10240x16xf32, #tpu.memory_space<vmem_shared>> -> memref<10240x16xf32, #tpu.memory_space<vmem_shared>>
          tpu.wait_indirect_dma semaphore(%arg20 : memref<!tpu.dma_semaphore, #tpu.memory_space<semaphore_mem>>) src(%arg13 : memref<128x16xf32, #tpu.memory_space<vmem>>) dst(%dma_wait3A_101 : memref<10240x16xf32, #tpu.memory_space<vmem_shared>>)
        } else {
        }
        %add3A_89 = arith.constant 2 : i32
        %add3A_90 = arith.addi %add3A_54, %add3A_89 : i32
        %mul3A_91 = arith.constant 5376 : i32
        %mul3A_92 = arith.muli %add3A, %mul3A_91 : i32
        %mul3A_93 = arith.constant 128 : i32
        %mul3A_94 = arith.muli %add3A_90, %mul3A_93 : i32
        %add3A_95 = arith.addi %mul3A_92, %mul3A_94 : i32
        "tpu.region"() ({
          %run_scoped3A = tpu.sem_alloc : memref<!tpu.dma_semaphore, #tpu.memory_space<semaphore_mem>>
          %dma_start3A_99 = tpu.memref_slice %arg3[%add3A_95] : memref<172032xi32, #tpu.memory_space<hbm>> -> memref<128xi32, #tpu.memory_space<hbm>>
          %dma_start3A_100 = tpu.memref_slice %arg3[%add3A_95] : memref<172032xi32, #tpu.memory_space<hbm>> -> memref<128xi32, #tpu.memory_space<hbm>>
          tpu.enqueue_dma source(%dma_start3A_100 : memref<128xi32, #tpu.memory_space<hbm>>) target(%arg7 : memref<128xi32, #tpu.memory_space<vmem>>) target_semaphore(%run_scoped3A : memref<!tpu.dma_semaphore, #tpu.memory_space<semaphore_mem>>)
          %dma_wait3A_101 = tpu.memref_slice %arg3[%add3A_95] : memref<172032xi32, #tpu.memory_space<hbm>> -> memref<128xi32, #tpu.memory_space<hbm>>
          %dma_wait3A_102 = tpu.memref_slice %arg3[%add3A_95] : memref<172032xi32, #tpu.memory_space<hbm>> -> memref<128xi32, #tpu.memory_space<hbm>>
          tpu.wait_dma2 semaphore(%run_scoped3A : memref<!tpu.dma_semaphore, #tpu.memory_space<semaphore_mem>>) src(%dma_wait3A_102 : memref<128xi32, #tpu.memory_space<hbm>>) dst(%arg7 : memref<128xi32, #tpu.memory_space<vmem>>)
          tpu.yield
        }) : () -> ()
        "tpu.region"() ({
          %run_scoped3A = tpu.sem_alloc : memref<!tpu.dma_semaphore, #tpu.memory_space<semaphore_mem>>
          %dma_start3A_99 = tpu.memref_slice %arg4[%add3A_95] : memref<172032xi32, #tpu.memory_space<hbm>> -> memref<128xi32, #tpu.memory_space<hbm>>
          %dma_start3A_100 = tpu.memref_slice %arg4[%add3A_95] : memref<172032xi32, #tpu.memory_space<hbm>> -> memref<128xi32, #tpu.memory_space<hbm>>
          tpu.enqueue_dma source(%dma_start3A_100 : memref<128xi32, #tpu.memory_space<hbm>>) target(%arg10 : memref<128xi32, #tpu.memory_space<vmem>>) target_semaphore(%run_scoped3A : memref<!tpu.dma_semaphore, #tpu.memory_space<semaphore_mem>>)
          %dma_wait3A_101 = tpu.memref_slice %arg4[%add3A_95] : memref<172032xi32, #tpu.memory_space<hbm>> -> memref<128xi32, #tpu.memory_space<hbm>>
          %dma_wait3A_102 = tpu.memref_slice %arg4[%add3A_95] : memref<172032xi32, #tpu.memory_space<hbm>> -> memref<128xi32, #tpu.memory_space<hbm>>
          tpu.wait_dma2 semaphore(%run_scoped3A : memref<!tpu.dma_semaphore, #tpu.memory_space<semaphore_mem>>) src(%dma_wait3A_102 : memref<128xi32, #tpu.memory_space<hbm>>) dst(%arg10 : memref<128xi32, #tpu.memory_space<vmem>>)
          tpu.yield
        }) : () -> ()
        %dma_start3A_96 = arith.constant 0 : i32
        %dma_start3A_97 = arith.constant 0 : i32
        %dma_start3A_98 = tpu.memref_slice %arg2[%dma_start3A_96, %dma_start3A_97] : memref<10240x16xf32, #tpu.memory_space<hbm>> -> memref<10240x16xf32, #tpu.memory_space<hbm>>
        tpu.enqueue_indirect_dma source(%dma_start3A_98 : memref<10240x16xf32, #tpu.memory_space<hbm>>) target(%arg13 : memref<128x16xf32, #tpu.memory_space<vmem>>) offsets(%arg7 : memref<128xi32, #tpu.memory_space<vmem>>) semaphore(%arg17 : memref<!tpu.dma_semaphore, #tpu.memory_space<semaphore_mem>>)
      } else {
      }
      %mul3A_68 = arith.constant 3 : i32
      %mul3A_69 = arith.muli %scan3A_36, %mul3A_68 : i32
      %add3A_70 = arith.constant 2 : i32
      %add3A_71 = arith.addi %mul3A_69, %add3A_70 : i32
      %dma_wait3A_72 = arith.constant 0 : i32
      %dma_wait3A_73 = arith.constant 0 : i32
      %dma_wait3A_74 = tpu.memref_slice %arg2[%dma_wait3A_72, %dma_wait3A_73] : memref<10240x16xf32, #tpu.memory_space<hbm>> -> memref<10240x16xf32, #tpu.memory_space<hbm>>
      tpu.wait_indirect_dma semaphore(%arg19 : memref<!tpu.dma_semaphore, #tpu.memory_space<semaphore_mem>>) src(%dma_wait3A_74 : memref<10240x16xf32, #tpu.memory_space<hbm>>) dst(%arg15 : memref<128x16xf32, #tpu.memory_space<vmem>>)
      %dma_start3A_75 = arith.constant 0 : i32
      %dma_start3A_76 = arith.constant 0 : i32
      %dma_start3A_77 = tpu.memref_slice %arg16[%dma_start3A_75, %dma_start3A_76] : memref<10240x16xf32, #tpu.memory_space<vmem_shared>> -> memref<10240x16xf32, #tpu.memory_space<vmem_shared>>
      tpu.enqueue_indirect_dma source(%arg15 : memref<128x16xf32, #tpu.memory_space<vmem>>) target(%dma_start3A_77 : memref<10240x16xf32, #tpu.memory_space<vmem_shared>>) offsets(%arg12 : memref<128xi32, #tpu.memory_space<vmem>>) semaphore(%arg22 : memref<!tpu.dma_semaphore, #tpu.memory_space<semaphore_mem>>) {add = true}
      %add3A_78 = arith.constant 2 : i32
      %add3A_79 = arith.addi %add3A_71, %add3A_78 : i32
      %lt3A_80 = arith.constant 42 : i32
      %lt3A_81 = arith.cmpi slt, %add3A_79, %lt3A_80 : i32
      %convert_element_type3A_82 = arith.extui %lt3A_81 : i1 to i32
      %cond3A_83 = arith.constant 0 : i32
      %cond3A_84 = arith.cmpi ne, %convert_element_type3A_82, %cond3A_83 : i32
      scf.if %cond3A_84 {
        %ge3A = arith.constant 1 : i32
        %ge3A_85 = arith.cmpi sge, %add3A_71, %ge3A : i32
        %convert_element_type3A_86 = arith.extui %ge3A_85 : i1 to i32
        %cond3A_87 = arith.constant 0 : i32
        %cond3A_88 = arith.cmpi ne, %convert_element_type3A_86, %cond3A_87 : i32
        scf.if %cond3A_88 {
          %dma_wait3A_99 = arith.constant 0 : i32
          %dma_wait3A_100 = arith.constant 0 : i32
          %dma_wait3A_101 = tpu.memref_slice %arg16[%dma_wait3A_99, %dma_wait3A_100] : memref<10240x16xf32, #tpu.memory_space<vmem_shared>> -> memref<10240x16xf32, #tpu.memory_space<vmem_shared>>
          tpu.wait_indirect_dma semaphore(%arg21 : memref<!tpu.dma_semaphore, #tpu.memory_space<semaphore_mem>>) src(%arg14 : memref<128x16xf32, #tpu.memory_space<vmem>>) dst(%dma_wait3A_101 : memref<10240x16xf32, #tpu.memory_space<vmem_shared>>)
        } else {
        }
        %add3A_89 = arith.constant 2 : i32
        %add3A_90 = arith.addi %add3A_71, %add3A_89 : i32
        %mul3A_91 = arith.constant 5376 : i32
        %mul3A_92 = arith.muli %add3A, %mul3A_91 : i32
        %mul3A_93 = arith.constant 128 : i32
        %mul3A_94 = arith.muli %add3A_90, %mul3A_93 : i32
        %add3A_95 = arith.addi %mul3A_92, %mul3A_94 : i32
        "tpu.region"() ({
          %run_scoped3A = tpu.sem_alloc : memref<!tpu.dma_semaphore, #tpu.memory_space<semaphore_mem>>
          %dma_start3A_99 = tpu.memref_slice %arg3[%add3A_95] : memref<172032xi32, #tpu.memory_space<hbm>> -> memref<128xi32, #tpu.memory_space<hbm>>
          %dma_start3A_100 = tpu.memref_slice %arg3[%add3A_95] : memref<172032xi32, #tpu.memory_space<hbm>> -> memref<128xi32, #tpu.memory_space<hbm>>
          tpu.enqueue_dma source(%dma_start3A_100 : memref<128xi32, #tpu.memory_space<hbm>>) target(%arg8 : memref<128xi32, #tpu.memory_space<vmem>>) target_semaphore(%run_scoped3A : memref<!tpu.dma_semaphore, #tpu.memory_space<semaphore_mem>>)
          %dma_wait3A_101 = tpu.memref_slice %arg3[%add3A_95] : memref<172032xi32, #tpu.memory_space<hbm>> -> memref<128xi32, #tpu.memory_space<hbm>>
          %dma_wait3A_102 = tpu.memref_slice %arg3[%add3A_95] : memref<172032xi32, #tpu.memory_space<hbm>> -> memref<128xi32, #tpu.memory_space<hbm>>
          tpu.wait_dma2 semaphore(%run_scoped3A : memref<!tpu.dma_semaphore, #tpu.memory_space<semaphore_mem>>) src(%dma_wait3A_102 : memref<128xi32, #tpu.memory_space<hbm>>) dst(%arg8 : memref<128xi32, #tpu.memory_space<vmem>>)
          tpu.yield
        }) : () -> ()
        "tpu.region"() ({
          %run_scoped3A = tpu.sem_alloc : memref<!tpu.dma_semaphore, #tpu.memory_space<semaphore_mem>>
          %dma_start3A_99 = tpu.memref_slice %arg4[%add3A_95] : memref<172032xi32, #tpu.memory_space<hbm>> -> memref<128xi32, #tpu.memory_space<hbm>>
          %dma_start3A_100 = tpu.memref_slice %arg4[%add3A_95] : memref<172032xi32, #tpu.memory_space<hbm>> -> memref<128xi32, #tpu.memory_space<hbm>>
          tpu.enqueue_dma source(%dma_start3A_100 : memref<128xi32, #tpu.memory_space<hbm>>) target(%arg11 : memref<128xi32, #tpu.memory_space<vmem>>) target_semaphore(%run_scoped3A : memref<!tpu.dma_semaphore, #tpu.memory_space<semaphore_mem>>)
          %dma_wait3A_101 = tpu.memref_slice %arg4[%add3A_95] : memref<172032xi32, #tpu.memory_space<hbm>> -> memref<128xi32, #tpu.memory_space<hbm>>
          %dma_wait3A_102 = tpu.memref_slice %arg4[%add3A_95] : memref<172032xi32, #tpu.memory_space<hbm>> -> memref<128xi32, #tpu.memory_space<hbm>>
          tpu.wait_dma2 semaphore(%run_scoped3A : memref<!tpu.dma_semaphore, #tpu.memory_space<semaphore_mem>>) src(%dma_wait3A_102 : memref<128xi32, #tpu.memory_space<hbm>>) dst(%arg11 : memref<128xi32, #tpu.memory_space<vmem>>)
          tpu.yield
        }) : () -> ()
        %dma_start3A_96 = arith.constant 0 : i32
        %dma_start3A_97 = arith.constant 0 : i32
        %dma_start3A_98 = tpu.memref_slice %arg2[%dma_start3A_96, %dma_start3A_97] : memref<10240x16xf32, #tpu.memory_space<hbm>> -> memref<10240x16xf32, #tpu.memory_space<hbm>>
        tpu.enqueue_indirect_dma source(%dma_start3A_98 : memref<10240x16xf32, #tpu.memory_space<hbm>>) target(%arg14 : memref<128x16xf32, #tpu.memory_space<vmem>>) offsets(%arg8 : memref<128xi32, #tpu.memory_space<vmem>>) semaphore(%arg18 : memref<!tpu.dma_semaphore, #tpu.memory_space<semaphore_mem>>)
      } else {
      }
    }
    %scan3A_22 = arith.constant 14 : i32
    %dma_wait3A = arith.constant 0 : i32
    %dma_wait3A_23 = arith.constant 0 : i32
    %dma_wait3A_24 = tpu.memref_slice %arg16[%dma_wait3A, %dma_wait3A_23] : memref<10240x16xf32, #tpu.memory_space<vmem_shared>> -> memref<10240x16xf32, #tpu.memory_space<vmem_shared>>
    tpu.wait_indirect_dma semaphore(%arg20 : memref<!tpu.dma_semaphore, #tpu.memory_space<semaphore_mem>>) src(%arg13 : memref<128x16xf32, #tpu.memory_space<vmem>>) dst(%dma_wait3A_24 : memref<10240x16xf32, #tpu.memory_space<vmem_shared>>)
    %dma_wait3A_25 = arith.constant 0 : i32
    %dma_wait3A_26 = arith.constant 0 : i32
    %dma_wait3A_27 = tpu.memref_slice %arg16[%dma_wait3A_25, %dma_wait3A_26] : memref<10240x16xf32, #tpu.memory_space<vmem_shared>> -> memref<10240x16xf32, #tpu.memory_space<vmem_shared>>
    tpu.wait_indirect_dma semaphore(%arg21 : memref<!tpu.dma_semaphore, #tpu.memory_space<semaphore_mem>>) src(%arg14 : memref<128x16xf32, #tpu.memory_space<vmem>>) dst(%dma_wait3A_27 : memref<10240x16xf32, #tpu.memory_space<vmem_shared>>)
    %dma_wait3A_28 = arith.constant 0 : i32
    %dma_wait3A_29 = arith.constant 0 : i32
    %dma_wait3A_30 = tpu.memref_slice %arg16[%dma_wait3A_28, %dma_wait3A_29] : memref<10240x16xf32, #tpu.memory_space<vmem_shared>> -> memref<10240x16xf32, #tpu.memory_space<vmem_shared>>
    tpu.wait_indirect_dma semaphore(%arg22 : memref<!tpu.dma_semaphore, #tpu.memory_space<semaphore_mem>>) src(%arg15 : memref<128x16xf32, #tpu.memory_space<vmem>>) dst(%dma_wait3A_30 : memref<10240x16xf32, #tpu.memory_space<vmem_shared>>)
    %barrier3A_31 = arith.constant 0 : index
    tpu.barrier barrier_id(%barrier3A_31)
    %mul3A_32 = arith.constant 640 : i32
    %mul3A_33 = arith.muli %arg1, %mul3A_32 : i32
    %mul3A_34 = arith.constant 640 : i32
    %mul3A_35 = arith.muli %arg1, %mul3A_34 : i32
    "tpu.region"() ({
      %run_scoped3A = tpu.sem_alloc : memref<!tpu.dma_semaphore, #tpu.memory_space<semaphore_mem>>
      %dma_start3A_36 = arith.constant 0 : i32
      %dma_start3A_37 = tpu.memref_slice %arg6[%arg0, %mul3A_35, %dma_start3A_36] : memref<2x10240x16xf32, #tpu.memory_space<hbm>> -> memref<1x640x16xf32, #tpu.memory_space<hbm>>
      %dma_start3A_38 = tpu.memref_squeeze %dma_start3A_37 : memref<1x640x16xf32, #tpu.memory_space<hbm>> -> memref<640x16xf32, #tpu.memory_space<hbm>>
      %dma_start3A_39 = arith.constant 0 : i32
      %dma_start3A_40 = tpu.memref_slice %arg16[%mul3A_33, %dma_start3A_39] : memref<10240x16xf32, #tpu.memory_space<vmem_shared>> -> memref<640x16xf32, #tpu.memory_space<vmem_shared>>
      tpu.enqueue_dma source(%dma_start3A_40 : memref<640x16xf32, #tpu.memory_space<vmem_shared>>) target(%dma_start3A_38 : memref<640x16xf32, #tpu.memory_space<hbm>>) target_semaphore(%run_scoped3A : memref<!tpu.dma_semaphore, #tpu.memory_space<semaphore_mem>>)
      %dma_wait3A_41 = arith.constant 0 : i32
      %dma_wait3A_42 = tpu.memref_slice %arg6[%arg0, %mul3A_35, %dma_wait3A_41] : memref<2x10240x16xf32, #tpu.memory_space<hbm>> -> memref<1x640x16xf32, #tpu.memory_space<hbm>>
      %dma_wait3A_43 = tpu.memref_squeeze %dma_wait3A_42 : memref<1x640x16xf32, #tpu.memory_space<hbm>> -> memref<640x16xf32, #tpu.memory_space<hbm>>
      %dma_wait3A_44 = arith.constant 0 : i32
      %dma_wait3A_45 = tpu.memref_slice %arg16[%mul3A_33, %dma_wait3A_44] : memref<10240x16xf32, #tpu.memory_space<vmem_shared>> -> memref<640x16xf32, #tpu.memory_space<vmem_shared>>
      tpu.wait_dma2 semaphore(%run_scoped3A : memref<!tpu.dma_semaphore, #tpu.memory_space<semaphore_mem>>) src(%dma_wait3A_45 : memref<640x16xf32, #tpu.memory_space<vmem_shared>>) dst(%dma_wait3A_43 : memref<640x16xf32, #tpu.memory_space<hbm>>)
      tpu.yield
    }) : () -> ()
    return
  }
}

#map = affine_map<(d0, d1) -> (0, 0)>
#map1 = affine_map<(d0, d1) -> (0)>
#map2 = affine_map<(d0, d1) -> (0, 0, 0, 0)>
module attributes {stable_mosaic.version = 14 : i64} {
  func.func @k(%arg0: i32, %arg1: i32, %arg2: memref<10240x32xf32, #tpu.memory_space<hbm>>, %arg3: memref<10240x32xf32, #tpu.memory_space<hbm>>, %arg4: memref<10240x32xf32, #tpu.memory_space<hbm>>, %arg5: memref<10240x32xf32, #tpu.memory_space<hbm>>, %arg6: memref<172032x16xf32, #tpu.memory_space<hbm>>, %arg7: memref<172032xi32, #tpu.memory_space<hbm>>, %arg8: memref<172032xi32, #tpu.memory_space<hbm>>, %arg9: memref<10240x128xf32, #tpu.memory_space<hbm>>, %arg10: memref<2x2x10240x128xf32, #tpu.memory_space<hbm>>, %arg11: memref<128xi32, #tpu.memory_space<vmem>>, %arg12: memref<128xi32, #tpu.memory_space<vmem>>, %arg13: memref<128xi32, #tpu.memory_space<vmem>>, %arg14: memref<128xi32, #tpu.memory_space<vmem>>, %arg15: memref<128x32xf32, #tpu.memory_space<vmem>>, %arg16: memref<128x32xf32, #tpu.memory_space<vmem>>, %arg17: memref<128x16xf32, #tpu.memory_space<vmem>>, %arg18: memref<128x16xf32, #tpu.memory_space<vmem>>, %arg19: memref<128x128xf32, #tpu.memory_space<vmem>>, %arg20: memref<128x128xf32, #tpu.memory_space<vmem>>, %arg21: memref<10240x128xf32, #tpu.memory_space<vmem_shared>>, %arg22: memref<!tpu.dma_semaphore, #tpu.memory_space<semaphore_mem>>, %arg23: memref<!tpu.dma_semaphore, #tpu.memory_space<semaphore_mem>>, %arg24: memref<!tpu.dma_semaphore, #tpu.memory_space<semaphore_mem>>, %arg25: memref<!tpu.dma_semaphore, #tpu.memory_space<semaphore_mem>>, %arg26: memref<!tpu.dma_semaphore, #tpu.memory_space<semaphore_mem>>, %arg27: memref<!tpu.dma_semaphore, #tpu.memory_space<semaphore_mem>>) attributes {dimension_semantics = [#tpu.dimension_semantics<core_parallel>, #tpu.dimension_semantics<subcore_parallel>], iteration_bounds = array<i64: 2, 16>, scalar_prefetch = 0 : i64, scratch_operands = 17 : i64, tpu.core_type = #tpu.core_type<sc_vector_subcore>, window_params = [{transform_indices = #map}, {transform_indices = #map}, {transform_indices = #map}, {transform_indices = #map}, {transform_indices = #map}, {transform_indices = #map1}, {transform_indices = #map1}, {transform_indices = #map}, {transform_indices = #map2}]} {
    %mul3A = arith.constant 640 : i32
    %mul3A_0 = arith.muli %arg1, %mul3A : i32
    %mul3A_1 = arith.constant 640 : i32
    %mul3A_2 = arith.muli %arg1, %mul3A_1 : i32
    "tpu.region"() ({
      %run_scoped3A_126 = tpu.sem_alloc : memref<!tpu.dma_semaphore, #tpu.memory_space<semaphore_mem>>
      %dma_start3A_127 = arith.constant 0 : i32
      %dma_start3A_128 = tpu.memref_slice %arg21[%mul3A_2, %dma_start3A_127] : memref<10240x128xf32, #tpu.memory_space<vmem_shared>> -> memref<640x128xf32, #tpu.memory_space<vmem_shared>>
      %dma_start3A_129 = arith.constant 0 : i32
      %dma_start3A_130 = tpu.memref_slice %arg9[%mul3A_0, %dma_start3A_129] : memref<10240x128xf32, #tpu.memory_space<hbm>> -> memref<640x128xf32, #tpu.memory_space<hbm>>
      tpu.enqueue_dma source(%dma_start3A_130 : memref<640x128xf32, #tpu.memory_space<hbm>>) target(%dma_start3A_128 : memref<640x128xf32, #tpu.memory_space<vmem_shared>>) target_semaphore(%run_scoped3A_126 : memref<!tpu.dma_semaphore, #tpu.memory_space<semaphore_mem>>)
      %dma_wait3A_131 = arith.constant 0 : i32
      %dma_wait3A_132 = tpu.memref_slice %arg21[%mul3A_2, %dma_wait3A_131] : memref<10240x128xf32, #tpu.memory_space<vmem_shared>> -> memref<640x128xf32, #tpu.memory_space<vmem_shared>>
      %dma_wait3A_133 = arith.constant 0 : i32
      %dma_wait3A_134 = tpu.memref_slice %arg9[%mul3A_0, %dma_wait3A_133] : memref<10240x128xf32, #tpu.memory_space<hbm>> -> memref<640x128xf32, #tpu.memory_space<hbm>>
      tpu.wait_dma2 semaphore(%run_scoped3A_126 : memref<!tpu.dma_semaphore, #tpu.memory_space<semaphore_mem>>) src(%dma_wait3A_134 : memref<640x128xf32, #tpu.memory_space<hbm>>) dst(%dma_wait3A_132 : memref<640x128xf32, #tpu.memory_space<vmem_shared>>)
      tpu.yield
    }) : () -> ()
    %barrier3A = arith.constant 0 : index
    tpu.barrier barrier_id(%barrier3A)
    %mul3A_3 = arith.constant 10752 : i32
    %mul3A_4 = arith.muli %arg1, %mul3A_3 : i32
    %add3A = arith.constant 0 : i32
    %add3A_5 = arith.addi %mul3A_4, %add3A : i32
    "tpu.region"() ({
      %run_scoped3A_126 = tpu.sem_alloc : memref<!tpu.dma_semaphore, #tpu.memory_space<semaphore_mem>>
      %dma_start3A_127 = tpu.memref_slice %arg7[%add3A_5] : memref<172032xi32, #tpu.memory_space<hbm>> -> memref<128xi32, #tpu.memory_space<hbm>>
      %dma_start3A_128 = tpu.memref_slice %arg7[%add3A_5] : memref<172032xi32, #tpu.memory_space<hbm>> -> memref<128xi32, #tpu.memory_space<hbm>>
      tpu.enqueue_dma source(%dma_start3A_128 : memref<128xi32, #tpu.memory_space<hbm>>) target(%arg11 : memref<128xi32, #tpu.memory_space<vmem>>) target_semaphore(%run_scoped3A_126 : memref<!tpu.dma_semaphore, #tpu.memory_space<semaphore_mem>>)
      %dma_wait3A_129 = tpu.memref_slice %arg7[%add3A_5] : memref<172032xi32, #tpu.memory_space<hbm>> -> memref<128xi32, #tpu.memory_space<hbm>>
      %dma_wait3A_130 = tpu.memref_slice %arg7[%add3A_5] : memref<172032xi32, #tpu.memory_space<hbm>> -> memref<128xi32, #tpu.memory_space<hbm>>
      tpu.wait_dma2 semaphore(%run_scoped3A_126 : memref<!tpu.dma_semaphore, #tpu.memory_space<semaphore_mem>>) src(%dma_wait3A_130 : memref<128xi32, #tpu.memory_space<hbm>>) dst(%arg11 : memref<128xi32, #tpu.memory_space<vmem>>)
      tpu.yield
    }) : () -> ()
    %eq3A = arith.constant 0 : i32
    %eq3A_6 = arith.cmpi eq, %arg0, %eq3A : i32
    %convert_element_type3A = arith.extui %eq3A_6 : i1 to i32
    %cond3A = arith.constant 0 : i32
    %cond3A_7 = arith.cmpi ne, %convert_element_type3A, %cond3A : i32
    scf.if %cond3A_7 {
      %dma_start3A_126 = arith.constant 0 : i32
      %dma_start3A_127 = arith.constant 0 : i32
      %dma_start3A_128 = tpu.memref_slice %arg2[%dma_start3A_126, %dma_start3A_127] : memref<10240x32xf32, #tpu.memory_space<hbm>> -> memref<10240x32xf32, #tpu.memory_space<hbm>>
      tpu.enqueue_indirect_dma source(%dma_start3A_128 : memref<10240x32xf32, #tpu.memory_space<hbm>>) target(%arg15 : memref<128x32xf32, #tpu.memory_space<vmem>>) offsets(%arg11 : memref<128xi32, #tpu.memory_space<vmem>>) semaphore(%arg22 : memref<!tpu.dma_semaphore, #tpu.memory_space<semaphore_mem>>)
    } else {
    }
    %eq3A_8 = arith.constant 1 : i32
    %eq3A_9 = arith.cmpi eq, %arg0, %eq3A_8 : i32
    %convert_element_type3A_10 = arith.extui %eq3A_9 : i1 to i32
    %cond3A_11 = arith.constant 0 : i32
    %cond3A_12 = arith.cmpi ne, %convert_element_type3A_10, %cond3A_11 : i32
    scf.if %cond3A_12 {
      %dma_start3A_126 = arith.constant 0 : i32
      %dma_start3A_127 = arith.constant 0 : i32
      %dma_start3A_128 = tpu.memref_slice %arg4[%dma_start3A_126, %dma_start3A_127] : memref<10240x32xf32, #tpu.memory_space<hbm>> -> memref<10240x32xf32, #tpu.memory_space<hbm>>
      tpu.enqueue_indirect_dma source(%dma_start3A_128 : memref<10240x32xf32, #tpu.memory_space<hbm>>) target(%arg15 : memref<128x32xf32, #tpu.memory_space<vmem>>) offsets(%arg11 : memref<128xi32, #tpu.memory_space<vmem>>) semaphore(%arg22 : memref<!tpu.dma_semaphore, #tpu.memory_space<semaphore_mem>>)
    } else {
    }
    %mul3A_13 = arith.constant 10752 : i32
    %mul3A_14 = arith.muli %arg1, %mul3A_13 : i32
    %add3A_15 = arith.constant 0 : i32
    %add3A_16 = arith.addi %mul3A_14, %add3A_15 : i32
    %dma_start3A = arith.constant 0 : i32
    %dma_start3A_17 = tpu.memref_slice %arg6[%add3A_16, %dma_start3A] : memref<172032x16xf32, #tpu.memory_space<hbm>> -> memref<128x16xf32, #tpu.memory_space<hbm>>
    %dma_start3A_18 = arith.constant 0 : i32
    %dma_start3A_19 = tpu.memref_slice %arg6[%add3A_16, %dma_start3A_18] : memref<172032x16xf32, #tpu.memory_space<hbm>> -> memref<128x16xf32, #tpu.memory_space<hbm>>
    tpu.enqueue_dma source(%dma_start3A_19 : memref<128x16xf32, #tpu.memory_space<hbm>>) target(%arg17 : memref<128x16xf32, #tpu.memory_space<vmem>>) target_semaphore(%arg26 : memref<!tpu.dma_semaphore, #tpu.memory_space<semaphore_mem>>)
    %mul3A_20 = arith.constant 10752 : i32
    %mul3A_21 = arith.muli %arg1, %mul3A_20 : i32
    %add3A_22 = arith.constant 128 : i32
    %add3A_23 = arith.addi %mul3A_21, %add3A_22 : i32
    "tpu.region"() ({
      %run_scoped3A_126 = tpu.sem_alloc : memref<!tpu.dma_semaphore, #tpu.memory_space<semaphore_mem>>
      %dma_start3A_127 = tpu.memref_slice %arg7[%add3A_23] : memref<172032xi32, #tpu.memory_space<hbm>> -> memref<128xi32, #tpu.memory_space<hbm>>
      %dma_start3A_128 = tpu.memref_slice %arg7[%add3A_23] : memref<172032xi32, #tpu.memory_space<hbm>> -> memref<128xi32, #tpu.memory_space<hbm>>
      tpu.enqueue_dma source(%dma_start3A_128 : memref<128xi32, #tpu.memory_space<hbm>>) target(%arg12 : memref<128xi32, #tpu.memory_space<vmem>>) target_semaphore(%run_scoped3A_126 : memref<!tpu.dma_semaphore, #tpu.memory_space<semaphore_mem>>)
      %dma_wait3A_129 = tpu.memref_slice %arg7[%add3A_23] : memref<172032xi32, #tpu.memory_space<hbm>> -> memref<128xi32, #tpu.memory_space<hbm>>
      %dma_wait3A_130 = tpu.memref_slice %arg7[%add3A_23] : memref<172032xi32, #tpu.memory_space<hbm>> -> memref<128xi32, #tpu.memory_space<hbm>>
      tpu.wait_dma2 semaphore(%run_scoped3A_126 : memref<!tpu.dma_semaphore, #tpu.memory_space<semaphore_mem>>) src(%dma_wait3A_130 : memref<128xi32, #tpu.memory_space<hbm>>) dst(%arg12 : memref<128xi32, #tpu.memory_space<vmem>>)
      tpu.yield
    }) : () -> ()
    %eq3A_24 = arith.constant 0 : i32
    %eq3A_25 = arith.cmpi eq, %arg0, %eq3A_24 : i32
    %convert_element_type3A_26 = arith.extui %eq3A_25 : i1 to i32
    %cond3A_27 = arith.constant 0 : i32
    %cond3A_28 = arith.cmpi ne, %convert_element_type3A_26, %cond3A_27 : i32
    scf.if %cond3A_28 {
      %dma_start3A_126 = arith.constant 0 : i32
      %dma_start3A_127 = arith.constant 0 : i32
      %dma_start3A_128 = tpu.memref_slice %arg2[%dma_start3A_126, %dma_start3A_127] : memref<10240x32xf32, #tpu.memory_space<hbm>> -> memref<10240x32xf32, #tpu.memory_space<hbm>>
      tpu.enqueue_indirect_dma source(%dma_start3A_128 : memref<10240x32xf32, #tpu.memory_space<hbm>>) target(%arg16 : memref<128x32xf32, #tpu.memory_space<vmem>>) offsets(%arg12 : memref<128xi32, #tpu.memory_space<vmem>>) semaphore(%arg23 : memref<!tpu.dma_semaphore, #tpu.memory_space<semaphore_mem>>)
    } else {
    }
    %eq3A_29 = arith.constant 1 : i32
    %eq3A_30 = arith.cmpi eq, %arg0, %eq3A_29 : i32
    %convert_element_type3A_31 = arith.extui %eq3A_30 : i1 to i32
    %cond3A_32 = arith.constant 0 : i32
    %cond3A_33 = arith.cmpi ne, %convert_element_type3A_31, %cond3A_32 : i32
    scf.if %cond3A_33 {
      %dma_start3A_126 = arith.constant 0 : i32
      %dma_start3A_127 = arith.constant 0 : i32
      %dma_start3A_128 = tpu.memref_slice %arg4[%dma_start3A_126, %dma_start3A_127] : memref<10240x32xf32, #tpu.memory_space<hbm>> -> memref<10240x32xf32, #tpu.memory_space<hbm>>
      tpu.enqueue_indirect_dma source(%dma_start3A_128 : memref<10240x32xf32, #tpu.memory_space<hbm>>) target(%arg16 : memref<128x32xf32, #tpu.memory_space<vmem>>) offsets(%arg12 : memref<128xi32, #tpu.memory_space<vmem>>) semaphore(%arg23 : memref<!tpu.dma_semaphore, #tpu.memory_space<semaphore_mem>>)
    } else {
    }
    %mul3A_34 = arith.constant 10752 : i32
    %mul3A_35 = arith.muli %arg1, %mul3A_34 : i32
    %add3A_36 = arith.constant 128 : i32
    %add3A_37 = arith.addi %mul3A_35, %add3A_36 : i32
    %dma_start3A_38 = arith.constant 0 : i32
    %dma_start3A_39 = tpu.memref_slice %arg6[%add3A_37, %dma_start3A_38] : memref<172032x16xf32, #tpu.memory_space<hbm>> -> memref<128x16xf32, #tpu.memory_space<hbm>>
    %dma_start3A_40 = arith.constant 0 : i32
    %dma_start3A_41 = tpu.memref_slice %arg6[%add3A_37, %dma_start3A_40] : memref<172032x16xf32, #tpu.memory_space<hbm>> -> memref<128x16xf32, #tpu.memory_space<hbm>>
    tpu.enqueue_dma source(%dma_start3A_41 : memref<128x16xf32, #tpu.memory_space<hbm>>) target(%arg18 : memref<128x16xf32, #tpu.memory_space<vmem>>) target_semaphore(%arg27 : memref<!tpu.dma_semaphore, #tpu.memory_space<semaphore_mem>>)
    %scan3A = arith.constant 0 : i32
    %scan3A_42 = arith.constant 0 : i32
    %scan3A_43 = arith.constant 42 : i32
    %scan3A_44 = arith.addi %scan3A_42, %scan3A_43 : i32
    %scan3A_45 = arith.constant 1 : i32
    scf.for %scan3A_126 = %scan3A_42 to %scan3A_44 step %scan3A_45  : i32 {
      %mul3A_127 = arith.constant 2 : i32
      %mul3A_128 = arith.muli %scan3A_126, %mul3A_127 : i32
      %add3A_129 = arith.constant 0 : i32
      %add3A_130 = arith.addi %mul3A_128, %add3A_129 : i32
      %mul3A_131 = arith.constant 10752 : i32
      %mul3A_132 = arith.muli %arg1, %mul3A_131 : i32
      %mul3A_133 = arith.constant 128 : i32
      %mul3A_134 = arith.muli %add3A_130, %mul3A_133 : i32
      %add3A_135 = arith.addi %mul3A_132, %mul3A_134 : i32
      %eq3A_136 = arith.constant 0 : i32
      %eq3A_137 = arith.cmpi eq, %arg0, %eq3A_136 : i32
      %convert_element_type3A_138 = arith.extui %eq3A_137 : i1 to i32
      %cond3A_139 = arith.constant 0 : i32
      %cond3A_140 = arith.cmpi ne, %convert_element_type3A_138, %cond3A_139 : i32
      scf.if %cond3A_140 {
        %dma_wait3A_226 = arith.constant 0 : i32
        %dma_wait3A_227 = arith.constant 0 : i32
        %dma_wait3A_228 = tpu.memref_slice %arg2[%dma_wait3A_226, %dma_wait3A_227] : memref<10240x32xf32, #tpu.memory_space<hbm>> -> memref<10240x32xf32, #tpu.memory_space<hbm>>
        tpu.wait_indirect_dma semaphore(%arg22 : memref<!tpu.dma_semaphore, #tpu.memory_space<semaphore_mem>>) src(%dma_wait3A_228 : memref<10240x32xf32, #tpu.memory_space<hbm>>) dst(%arg15 : memref<128x32xf32, #tpu.memory_space<vmem>>)
      } else {
      }
      %eq3A_141 = arith.constant 1 : i32
      %eq3A_142 = arith.cmpi eq, %arg0, %eq3A_141 : i32
      %convert_element_type3A_143 = arith.extui %eq3A_142 : i1 to i32
      %cond3A_144 = arith.constant 0 : i32
      %cond3A_145 = arith.cmpi ne, %convert_element_type3A_143, %cond3A_144 : i32
      scf.if %cond3A_145 {
        %dma_wait3A_226 = arith.constant 0 : i32
        %dma_wait3A_227 = arith.constant 0 : i32
        %dma_wait3A_228 = tpu.memref_slice %arg4[%dma_wait3A_226, %dma_wait3A_227] : memref<10240x32xf32, #tpu.memory_space<hbm>> -> memref<10240x32xf32, #tpu.memory_space<hbm>>
        tpu.wait_indirect_dma semaphore(%arg22 : memref<!tpu.dma_semaphore, #tpu.memory_space<semaphore_mem>>) src(%dma_wait3A_228 : memref<10240x32xf32, #tpu.memory_space<hbm>>) dst(%arg15 : memref<128x32xf32, #tpu.memory_space<vmem>>)
      } else {
      }
      %mul3A_146 = arith.constant 10752 : i32
      %mul3A_147 = arith.muli %arg1, %mul3A_146 : i32
      %mul3A_148 = arith.constant 128 : i32
      %mul3A_149 = arith.muli %add3A_130, %mul3A_148 : i32
      %add3A_150 = arith.addi %mul3A_147, %mul3A_149 : i32
      %dma_wait3A_151 = arith.constant 0 : i32
      %dma_wait3A_152 = tpu.memref_slice %arg6[%add3A_150, %dma_wait3A_151] : memref<172032x16xf32, #tpu.memory_space<hbm>> -> memref<128x16xf32, #tpu.memory_space<hbm>>
      %dma_wait3A_153 = arith.constant 0 : i32
      %dma_wait3A_154 = tpu.memref_slice %arg6[%add3A_150, %dma_wait3A_153] : memref<172032x16xf32, #tpu.memory_space<hbm>> -> memref<128x16xf32, #tpu.memory_space<hbm>>
      tpu.wait_dma2 semaphore(%arg26 : memref<!tpu.dma_semaphore, #tpu.memory_space<semaphore_mem>>) src(%dma_wait3A_154 : memref<128x16xf32, #tpu.memory_space<hbm>>) dst(%arg17 : memref<128x16xf32, #tpu.memory_space<vmem>>)
      %ge3A = arith.constant 2 : i32
      %ge3A_155 = arith.cmpi sge, %add3A_130, %ge3A : i32
      %convert_element_type3A_156 = arith.extui %ge3A_155 : i1 to i32
      %cond3A_157 = arith.constant 0 : i32
      %cond3A_158 = arith.cmpi ne, %convert_element_type3A_156, %cond3A_157 : i32
      scf.if %cond3A_158 {
        %dma_wait3A_226 = arith.constant 0 : i32
        %dma_wait3A_227 = arith.constant 0 : i32
        %dma_wait3A_228 = tpu.memref_slice %arg21[%dma_wait3A_226, %dma_wait3A_227] : memref<10240x128xf32, #tpu.memory_space<vmem_shared>> -> memref<10240x128xf32, #tpu.memory_space<vmem_shared>>
        tpu.wait_indirect_dma semaphore(%arg24 : memref<!tpu.dma_semaphore, #tpu.memory_space<semaphore_mem>>) src(%arg19 : memref<128x128xf32, #tpu.memory_space<vmem>>) dst(%dma_wait3A_228 : memref<10240x128xf32, #tpu.memory_space<vmem_shared>>)
      } else {
      }
      %parallel_loop3A = arith.constant 0 : i32
      %parallel_loop3A_159 = arith.constant 128 : i32
      %parallel_loop3A_160 = arith.constant 1 : i32
      scf.for %parallel_loop3A_226 = %parallel_loop3A to %parallel_loop3A_159 step %parallel_loop3A_160  : i32 {
        %parallel_loop3A_227 = arith.index_cast %parallel_loop3A_226 : i32 to index
        %parallel_loop3A_228 = arith.constant 0 : index
        %parallel_loop3A_229 = tpu.vector_load %arg17[%parallel_loop3A_227, %parallel_loop3A_228] {strides = array<i32>} : memref<128x16xf32, #tpu.memory_space<vmem>>, vector<1x16xf32>,
        %parallel_loop3A_230 = vector.shape_cast %parallel_loop3A_229 : vector<1x16xf32> to vector<16xf32>
        %parallel_loop3A_231 = arith.index_cast %parallel_loop3A_226 : i32 to index
        %parallel_loop3A_232 = arith.constant 0 : index
        %parallel_loop3A_233 = tpu.vector_load %arg15[%parallel_loop3A_231, %parallel_loop3A_232] {strides = array<i32>} : memref<128x32xf32, #tpu.memory_space<vmem>>, vector<1x16xf32>,
        %parallel_loop3A_234 = vector.shape_cast %parallel_loop3A_233 : vector<1x16xf32> to vector<16xf32>
        %parallel_loop3A_235 = arith.index_cast %parallel_loop3A_226 : i32 to index
        %parallel_loop3A_236 = arith.constant 16 : index
        %parallel_loop3A_237 = tpu.vector_load %arg15[%parallel_loop3A_235, %parallel_loop3A_236] {strides = array<i32>} : memref<128x32xf32, #tpu.memory_space<vmem>>, vector<1x16xf32>,
        %parallel_loop3A_238 = vector.shape_cast %parallel_loop3A_237 : vector<1x16xf32> to vector<16xf32>
        %parallel_loop3A_239 = vector.extract_strided_slice %parallel_loop3A_230 {offsets = [0], sizes = [1], strides = [1]} : vector<16xf32> to vector<1xf32>
        %parallel_loop3A_240 = vector.extract %parallel_loop3A_239[0] : f32 from vector<1xf32>
        %parallel_loop3A_241 = vector.broadcast %parallel_loop3A_240 : f32 to vector<16xf32>
        %parallel_loop3A_242 = arith.mulf %parallel_loop3A_234, %parallel_loop3A_241 : vector<16xf32>
        %parallel_loop3A_243 = arith.index_cast %parallel_loop3A_226 : i32 to index
        %parallel_loop3A_244 = arith.constant 0 : index
        %parallel_loop3A_245 = tpu.vector_load %arg19[%parallel_loop3A_243, %parallel_loop3A_244] {strides = array<i32>} : memref<128x128xf32, #tpu.memory_space<vmem>>, vector<1x16xf32>,
        %parallel_loop3A_246 = vector.shape_cast %parallel_loop3A_245 : vector<1x16xf32> to vector<16xf32>
        %parallel_loop3A_247 = vector.shape_cast %parallel_loop3A_242 : vector<16xf32> to vector<1x16xf32>
        tpu.vector_store %arg19[%parallel_loop3A_243, %parallel_loop3A_244], %parallel_loop3A_247 {strides = array<i32>} : memref<128x128xf32, #tpu.memory_space<vmem>>, vector<1x16xf32>,
        %parallel_loop3A_248 = vector.broadcast %parallel_loop3A_240 : f32 to vector<16xf32>
        %parallel_loop3A_249 = arith.mulf %parallel_loop3A_238, %parallel_loop3A_248 : vector<16xf32>
        %parallel_loop3A_250 = arith.index_cast %parallel_loop3A_226 : i32 to index
        %parallel_loop3A_251 = arith.constant 16 : index
        %parallel_loop3A_252 = tpu.vector_load %arg19[%parallel_loop3A_250, %parallel_loop3A_251] {strides = array<i32>} : memref<128x128xf32, #tpu.memory_space<vmem>>, vector<1x16xf32>,
        %parallel_loop3A_253 = vector.shape_cast %parallel_loop3A_252 : vector<1x16xf32> to vector<16xf32>
        %parallel_loop3A_254 = vector.shape_cast %parallel_loop3A_249 : vector<16xf32> to vector<1x16xf32>
        tpu.vector_store %arg19[%parallel_loop3A_250, %parallel_loop3A_251], %parallel_loop3A_254 {strides = array<i32>} : memref<128x128xf32, #tpu.memory_space<vmem>>, vector<1x16xf32>,
        %parallel_loop3A_255 = vector.extract_strided_slice %parallel_loop3A_230 {offsets = [1], sizes = [1], strides = [1]} : vector<16xf32> to vector<1xf32>
        %parallel_loop3A_256 = vector.extract %parallel_loop3A_255[0] : f32 from vector<1xf32>
        %parallel_loop3A_257 = vector.broadcast %parallel_loop3A_256 : f32 to vector<16xf32>
        %parallel_loop3A_258 = arith.mulf %parallel_loop3A_234, %parallel_loop3A_257 : vector<16xf32>
        %parallel_loop3A_259 = arith.index_cast %parallel_loop3A_226 : i32 to index
        %parallel_loop3A_260 = arith.constant 32 : index
        %parallel_loop3A_261 = tpu.vector_load %arg19[%parallel_loop3A_259, %parallel_loop3A_260] {strides = array<i32>} : memref<128x128xf32, #tpu.memory_space<vmem>>, vector<1x16xf32>,
        %parallel_loop3A_262 = vector.shape_cast %parallel_loop3A_261 : vector<1x16xf32> to vector<16xf32>
        %parallel_loop3A_263 = vector.shape_cast %parallel_loop3A_258 : vector<16xf32> to vector<1x16xf32>
        tpu.vector_store %arg19[%parallel_loop3A_259, %parallel_loop3A_260], %parallel_loop3A_263 {strides = array<i32>} : memref<128x128xf32, #tpu.memory_space<vmem>>, vector<1x16xf32>,
        %parallel_loop3A_264 = vector.broadcast %parallel_loop3A_256 : f32 to vector<16xf32>
        %parallel_loop3A_265 = arith.mulf %parallel_loop3A_238, %parallel_loop3A_264 : vector<16xf32>
        %parallel_loop3A_266 = arith.index_cast %parallel_loop3A_226 : i32 to index
        %parallel_loop3A_267 = arith.constant 48 : index
        %parallel_loop3A_268 = tpu.vector_load %arg19[%parallel_loop3A_266, %parallel_loop3A_267] {strides = array<i32>} : memref<128x128xf32, #tpu.memory_space<vmem>>, vector<1x16xf32>,
        %parallel_loop3A_269 = vector.shape_cast %parallel_loop3A_268 : vector<1x16xf32> to vector<16xf32>
        %parallel_loop3A_270 = vector.shape_cast %parallel_loop3A_265 : vector<16xf32> to vector<1x16xf32>
        tpu.vector_store %arg19[%parallel_loop3A_266, %parallel_loop3A_267], %parallel_loop3A_270 {strides = array<i32>} : memref<128x128xf32, #tpu.memory_space<vmem>>, vector<1x16xf32>,
        %parallel_loop3A_271 = vector.extract_strided_slice %parallel_loop3A_230 {offsets = [2], sizes = [1], strides = [1]} : vector<16xf32> to vector<1xf32>
        %parallel_loop3A_272 = vector.extract %parallel_loop3A_271[0] : f32 from vector<1xf32>
        %parallel_loop3A_273 = vector.broadcast %parallel_loop3A_272 : f32 to vector<16xf32>
        %parallel_loop3A_274 = arith.mulf %parallel_loop3A_234, %parallel_loop3A_273 : vector<16xf32>
        %parallel_loop3A_275 = arith.index_cast %parallel_loop3A_226 : i32 to index
        %parallel_loop3A_276 = arith.constant 64 : index
        %parallel_loop3A_277 = tpu.vector_load %arg19[%parallel_loop3A_275, %parallel_loop3A_276] {strides = array<i32>} : memref<128x128xf32, #tpu.memory_space<vmem>>, vector<1x16xf32>,
        %parallel_loop3A_278 = vector.shape_cast %parallel_loop3A_277 : vector<1x16xf32> to vector<16xf32>
        %parallel_loop3A_279 = vector.shape_cast %parallel_loop3A_274 : vector<16xf32> to vector<1x16xf32>
        tpu.vector_store %arg19[%parallel_loop3A_275, %parallel_loop3A_276], %parallel_loop3A_279 {strides = array<i32>} : memref<128x128xf32, #tpu.memory_space<vmem>>, vector<1x16xf32>,
        %parallel_loop3A_280 = vector.broadcast %parallel_loop3A_272 : f32 to vector<16xf32>
        %parallel_loop3A_281 = arith.mulf %parallel_loop3A_238, %parallel_loop3A_280 : vector<16xf32>
        %parallel_loop3A_282 = arith.index_cast %parallel_loop3A_226 : i32 to index
        %parallel_loop3A_283 = arith.constant 80 : index
        %parallel_loop3A_284 = tpu.vector_load %arg19[%parallel_loop3A_282, %parallel_loop3A_283] {strides = array<i32>} : memref<128x128xf32, #tpu.memory_space<vmem>>, vector<1x16xf32>,
        %parallel_loop3A_285 = vector.shape_cast %parallel_loop3A_284 : vector<1x16xf32> to vector<16xf32>
        %parallel_loop3A_286 = vector.shape_cast %parallel_loop3A_281 : vector<16xf32> to vector<1x16xf32>
        tpu.vector_store %arg19[%parallel_loop3A_282, %parallel_loop3A_283], %parallel_loop3A_286 {strides = array<i32>} : memref<128x128xf32, #tpu.memory_space<vmem>>, vector<1x16xf32>,
        %parallel_loop3A_287 = vector.extract_strided_slice %parallel_loop3A_230 {offsets = [3], sizes = [1], strides = [1]} : vector<16xf32> to vector<1xf32>
        %parallel_loop3A_288 = vector.extract %parallel_loop3A_287[0] : f32 from vector<1xf32>
        %parallel_loop3A_289 = vector.broadcast %parallel_loop3A_288 : f32 to vector<16xf32>
        %parallel_loop3A_290 = arith.mulf %parallel_loop3A_234, %parallel_loop3A_289 : vector<16xf32>
        %parallel_loop3A_291 = arith.index_cast %parallel_loop3A_226 : i32 to index
        %parallel_loop3A_292 = arith.constant 96 : index
        %parallel_loop3A_293 = tpu.vector_load %arg19[%parallel_loop3A_291, %parallel_loop3A_292] {strides = array<i32>} : memref<128x128xf32, #tpu.memory_space<vmem>>, vector<1x16xf32>,
        %parallel_loop3A_294 = vector.shape_cast %parallel_loop3A_293 : vector<1x16xf32> to vector<16xf32>
        %parallel_loop3A_295 = vector.shape_cast %parallel_loop3A_290 : vector<16xf32> to vector<1x16xf32>
        tpu.vector_store %arg19[%parallel_loop3A_291, %parallel_loop3A_292], %parallel_loop3A_295 {strides = array<i32>} : memref<128x128xf32, #tpu.memory_space<vmem>>, vector<1x16xf32>,
        %parallel_loop3A_296 = vector.broadcast %parallel_loop3A_288 : f32 to vector<16xf32>
        %parallel_loop3A_297 = arith.mulf %parallel_loop3A_238, %parallel_loop3A_296 : vector<16xf32>
        %parallel_loop3A_298 = arith.index_cast %parallel_loop3A_226 : i32 to index
        %parallel_loop3A_299 = arith.constant 112 : index
        %parallel_loop3A_300 = tpu.vector_load %arg19[%parallel_loop3A_298, %parallel_loop3A_299] {strides = array<i32>} : memref<128x128xf32, #tpu.memory_space<vmem>>, vector<1x16xf32>,
        %parallel_loop3A_301 = vector.shape_cast %parallel_loop3A_300 : vector<1x16xf32> to vector<16xf32>
        %parallel_loop3A_302 = vector.shape_cast %parallel_loop3A_297 : vector<16xf32> to vector<1x16xf32>
        tpu.vector_store %arg19[%parallel_loop3A_298, %parallel_loop3A_299], %parallel_loop3A_302 {strides = array<i32>} : memref<128x128xf32, #tpu.memory_space<vmem>>, vector<1x16xf32>,
      } {sc.loop_unroll_factor = 8 : i64, sc.parallel_access}
      %mul3A_161 = arith.constant 10752 : i32
      %mul3A_162 = arith.muli %arg1, %mul3A_161 : i32
      %mul3A_163 = arith.constant 128 : i32
      %mul3A_164 = arith.muli %add3A_130, %mul3A_163 : i32
      %add3A_165 = arith.addi %mul3A_162, %mul3A_164 : i32
      "tpu.region"() ({
        %run_scoped3A_226 = tpu.sem_alloc : memref<!tpu.dma_semaphore, #tpu.memory_space<semaphore_mem>>
        %dma_start3A_227 = tpu.memref_slice %arg8[%add3A_165] : memref<172032xi32, #tpu.memory_space<hbm>> -> memref<128xi32, #tpu.memory_space<hbm>>
        %dma_start3A_228 = tpu.memref_slice %arg8[%add3A_165] : memref<172032xi32, #tpu.memory_space<hbm>> -> memref<128xi32, #tpu.memory_space<hbm>>
        tpu.enqueue_dma source(%dma_start3A_228 : memref<128xi32, #tpu.memory_space<hbm>>) target(%arg13 : memref<128xi32, #tpu.memory_space<vmem>>) target_semaphore(%run_scoped3A_226 : memref<!tpu.dma_semaphore, #tpu.memory_space<semaphore_mem>>)
        %dma_wait3A_229 = tpu.memref_slice %arg8[%add3A_165] : memref<172032xi32, #tpu.memory_space<hbm>> -> memref<128xi32, #tpu.memory_space<hbm>>
        %dma_wait3A_230 = tpu.memref_slice %arg8[%add3A_165] : memref<172032xi32, #tpu.memory_space<hbm>> -> memref<128xi32, #tpu.memory_space<hbm>>
        tpu.wait_dma2 semaphore(%run_scoped3A_226 : memref<!tpu.dma_semaphore, #tpu.memory_space<semaphore_mem>>) src(%dma_wait3A_230 : memref<128xi32, #tpu.memory_space<hbm>>) dst(%arg13 : memref<128xi32, #tpu.memory_space<vmem>>)
        tpu.yield
      }) : () -> ()
      %dma_start3A_166 = arith.constant 0 : i32
      %dma_start3A_167 = arith.constant 0 : i32
      %dma_start3A_168 = tpu.memref_slice %arg21[%dma_start3A_166, %dma_start3A_167] : memref<10240x128xf32, #tpu.memory_space<vmem_shared>> -> memref<10240x128xf32, #tpu.memory_space<vmem_shared>>
      tpu.enqueue_indirect_dma source(%arg19 : memref<128x128xf32, #tpu.memory_space<vmem>>) target(%dma_start3A_168 : memref<10240x128xf32, #tpu.memory_space<vmem_shared>>) offsets(%arg13 : memref<128xi32, #tpu.memory_space<vmem>>) semaphore(%arg24 : memref<!tpu.dma_semaphore, #tpu.memory_space<semaphore_mem>>) {add = true}
      %add3A_169 = arith.constant 2 : i32
      %add3A_170 = arith.addi %add3A_130, %add3A_169 : i32
      %lt3A = arith.constant 84 : i32
      %lt3A_171 = arith.cmpi slt, %add3A_170, %lt3A : i32
      %convert_element_type3A_172 = arith.extui %lt3A_171 : i1 to i32
      %cond3A_173 = arith.constant 0 : i32
      %cond3A_174 = arith.cmpi ne, %convert_element_type3A_172, %cond3A_173 : i32
      scf.if %cond3A_174 {
        %add3A_226 = arith.constant 2 : i32
        %add3A_227 = arith.addi %add3A_130, %add3A_226 : i32
        %mul3A_228 = arith.constant 10752 : i32
        %mul3A_229 = arith.muli %arg1, %mul3A_228 : i32
        %mul3A_230 = arith.constant 128 : i32
        %mul3A_231 = arith.muli %add3A_227, %mul3A_230 : i32
        %add3A_232 = arith.addi %mul3A_229, %mul3A_231 : i32
        "tpu.region"() ({
          %run_scoped3A_254 = tpu.sem_alloc : memref<!tpu.dma_semaphore, #tpu.memory_space<semaphore_mem>>
          %dma_start3A_255 = tpu.memref_slice %arg7[%add3A_232] : memref<172032xi32, #tpu.memory_space<hbm>> -> memref<128xi32, #tpu.memory_space<hbm>>
          %dma_start3A_256 = tpu.memref_slice %arg7[%add3A_232] : memref<172032xi32, #tpu.memory_space<hbm>> -> memref<128xi32, #tpu.memory_space<hbm>>
          tpu.enqueue_dma source(%dma_start3A_256 : memref<128xi32, #tpu.memory_space<hbm>>) target(%arg11 : memref<128xi32, #tpu.memory_space<vmem>>) target_semaphore(%run_scoped3A_254 : memref<!tpu.dma_semaphore, #tpu.memory_space<semaphore_mem>>)
          %dma_wait3A_257 = tpu.memref_slice %arg7[%add3A_232] : memref<172032xi32, #tpu.memory_space<hbm>> -> memref<128xi32, #tpu.memory_space<hbm>>
          %dma_wait3A_258 = tpu.memref_slice %arg7[%add3A_232] : memref<172032xi32, #tpu.memory_space<hbm>> -> memref<128xi32, #tpu.memory_space<hbm>>
          tpu.wait_dma2 semaphore(%run_scoped3A_254 : memref<!tpu.dma_semaphore, #tpu.memory_space<semaphore_mem>>) src(%dma_wait3A_258 : memref<128xi32, #tpu.memory_space<hbm>>) dst(%arg11 : memref<128xi32, #tpu.memory_space<vmem>>)
          tpu.yield
        }) : () -> ()
        %eq3A_233 = arith.constant 0 : i32
        %eq3A_234 = arith.cmpi eq, %arg0, %eq3A_233 : i32
        %convert_element_type3A_235 = arith.extui %eq3A_234 : i1 to i32
        %cond3A_236 = arith.constant 0 : i32
        %cond3A_237 = arith.cmpi ne, %convert_element_type3A_235, %cond3A_236 : i32
        scf.if %cond3A_237 {
          %dma_start3A_254 = arith.constant 0 : i32
          %dma_start3A_255 = arith.constant 0 : i32
          %dma_start3A_256 = tpu.memref_slice %arg2[%dma_start3A_254, %dma_start3A_255] : memref<10240x32xf32, #tpu.memory_space<hbm>> -> memref<10240x32xf32, #tpu.memory_space<hbm>>
          tpu.enqueue_indirect_dma source(%dma_start3A_256 : memref<10240x32xf32, #tpu.memory_space<hbm>>) target(%arg15 : memref<128x32xf32, #tpu.memory_space<vmem>>) offsets(%arg11 : memref<128xi32, #tpu.memory_space<vmem>>) semaphore(%arg22 : memref<!tpu.dma_semaphore, #tpu.memory_space<semaphore_mem>>)
        } else {
        }
        %eq3A_238 = arith.constant 1 : i32
        %eq3A_239 = arith.cmpi eq, %arg0, %eq3A_238 : i32
        %convert_element_type3A_240 = arith.extui %eq3A_239 : i1 to i32
        %cond3A_241 = arith.constant 0 : i32
        %cond3A_242 = arith.cmpi ne, %convert_element_type3A_240, %cond3A_241 : i32
        scf.if %cond3A_242 {
          %dma_start3A_254 = arith.constant 0 : i32
          %dma_start3A_255 = arith.constant 0 : i32
          %dma_start3A_256 = tpu.memref_slice %arg4[%dma_start3A_254, %dma_start3A_255] : memref<10240x32xf32, #tpu.memory_space<hbm>> -> memref<10240x32xf32, #tpu.memory_space<hbm>>
          tpu.enqueue_indirect_dma source(%dma_start3A_256 : memref<10240x32xf32, #tpu.memory_space<hbm>>) target(%arg15 : memref<128x32xf32, #tpu.memory_space<vmem>>) offsets(%arg11 : memref<128xi32, #tpu.memory_space<vmem>>) semaphore(%arg22 : memref<!tpu.dma_semaphore, #tpu.memory_space<semaphore_mem>>)
        } else {
        }
        %add3A_243 = arith.constant 2 : i32
        %add3A_244 = arith.addi %add3A_130, %add3A_243 : i32
        %mul3A_245 = arith.constant 10752 : i32
        %mul3A_246 = arith.muli %arg1, %mul3A_245 : i32
        %mul3A_247 = arith.constant 128 : i32
        %mul3A_248 = arith.muli %add3A_244, %mul3A_247 : i32
        %add3A_249 = arith.addi %mul3A_246, %mul3A_248 : i32
        %dma_start3A_250 = arith.constant 0 : i32
        %dma_start3A_251 = tpu.memref_slice %arg6[%add3A_249, %dma_start3A_250] : memref<172032x16xf32, #tpu.memory_space<hbm>> -> memref<128x16xf32, #tpu.memory_space<hbm>>
        %dma_start3A_252 = arith.constant 0 : i32
        %dma_start3A_253 = tpu.memref_slice %arg6[%add3A_249, %dma_start3A_252] : memref<172032x16xf32, #tpu.memory_space<hbm>> -> memref<128x16xf32, #tpu.memory_space<hbm>>
        tpu.enqueue_dma source(%dma_start3A_253 : memref<128x16xf32, #tpu.memory_space<hbm>>) target(%arg17 : memref<128x16xf32, #tpu.memory_space<vmem>>) target_semaphore(%arg26 : memref<!tpu.dma_semaphore, #tpu.memory_space<semaphore_mem>>)
      } else {
      }
      %mul3A_175 = arith.constant 2 : i32
      %mul3A_176 = arith.muli %scan3A_126, %mul3A_175 : i32
      %add3A_177 = arith.constant 1 : i32
      %add3A_178 = arith.addi %mul3A_176, %add3A_177 : i32
      %mul3A_179 = arith.constant 10752 : i32
      %mul3A_180 = arith.muli %arg1, %mul3A_179 : i32
      %mul3A_181 = arith.constant 128 : i32
      %mul3A_182 = arith.muli %add3A_178, %mul3A_181 : i32
      %add3A_183 = arith.addi %mul3A_180, %mul3A_182 : i32
      %eq3A_184 = arith.constant 0 : i32
      %eq3A_185 = arith.cmpi eq, %arg0, %eq3A_184 : i32
      %convert_element_type3A_186 = arith.extui %eq3A_185 : i1 to i32
      %cond3A_187 = arith.constant 0 : i32
      %cond3A_188 = arith.cmpi ne, %convert_element_type3A_186, %cond3A_187 : i32
      scf.if %cond3A_188 {
        %dma_wait3A_226 = arith.constant 0 : i32
        %dma_wait3A_227 = arith.constant 0 : i32
        %dma_wait3A_228 = tpu.memref_slice %arg2[%dma_wait3A_226, %dma_wait3A_227] : memref<10240x32xf32, #tpu.memory_space<hbm>> -> memref<10240x32xf32, #tpu.memory_space<hbm>>
        tpu.wait_indirect_dma semaphore(%arg23 : memref<!tpu.dma_semaphore, #tpu.memory_space<semaphore_mem>>) src(%dma_wait3A_228 : memref<10240x32xf32, #tpu.memory_space<hbm>>) dst(%arg16 : memref<128x32xf32, #tpu.memory_space<vmem>>)
      } else {
      }
      %eq3A_189 = arith.constant 1 : i32
      %eq3A_190 = arith.cmpi eq, %arg0, %eq3A_189 : i32
      %convert_element_type3A_191 = arith.extui %eq3A_190 : i1 to i32
      %cond3A_192 = arith.constant 0 : i32
      %cond3A_193 = arith.cmpi ne, %convert_element_type3A_191, %cond3A_192 : i32
      scf.if %cond3A_193 {
        %dma_wait3A_226 = arith.constant 0 : i32
        %dma_wait3A_227 = arith.constant 0 : i32
        %dma_wait3A_228 = tpu.memref_slice %arg4[%dma_wait3A_226, %dma_wait3A_227] : memref<10240x32xf32, #tpu.memory_space<hbm>> -> memref<10240x32xf32, #tpu.memory_space<hbm>>
        tpu.wait_indirect_dma semaphore(%arg23 : memref<!tpu.dma_semaphore, #tpu.memory_space<semaphore_mem>>) src(%dma_wait3A_228 : memref<10240x32xf32, #tpu.memory_space<hbm>>) dst(%arg16 : memref<128x32xf32, #tpu.memory_space<vmem>>)
      } else {
      }
      %mul3A_194 = arith.constant 10752 : i32
      %mul3A_195 = arith.muli %arg1, %mul3A_194 : i32
      %mul3A_196 = arith.constant 128 : i32
      %mul3A_197 = arith.muli %add3A_178, %mul3A_196 : i32
      %add3A_198 = arith.addi %mul3A_195, %mul3A_197 : i32
      %dma_wait3A_199 = arith.constant 0 : i32
      %dma_wait3A_200 = tpu.memref_slice %arg6[%add3A_198, %dma_wait3A_199] : memref<172032x16xf32, #tpu.memory_space<hbm>> -> memref<128x16xf32, #tpu.memory_space<hbm>>
      %dma_wait3A_201 = arith.constant 0 : i32
      %dma_wait3A_202 = tpu.memref_slice %arg6[%add3A_198, %dma_wait3A_201] : memref<172032x16xf32, #tpu.memory_space<hbm>> -> memref<128x16xf32, #tpu.memory_space<hbm>>
      tpu.wait_dma2 semaphore(%arg27 : memref<!tpu.dma_semaphore, #tpu.memory_space<semaphore_mem>>) src(%dma_wait3A_202 : memref<128x16xf32, #tpu.memory_space<hbm>>) dst(%arg18 : memref<128x16xf32, #tpu.memory_space<vmem>>)
      %ge3A_203 = arith.constant 2 : i32
      %ge3A_204 = arith.cmpi sge, %add3A_178, %ge3A_203 : i32
      %convert_element_type3A_205 = arith.extui %ge3A_204 : i1 to i32
      %cond3A_206 = arith.constant 0 : i32
      %cond3A_207 = arith.cmpi ne, %convert_element_type3A_205, %cond3A_206 : i32
      scf.if %cond3A_207 {
        %dma_wait3A_226 = arith.constant 0 : i32
        %dma_wait3A_227 = arith.constant 0 : i32
        %dma_wait3A_228 = tpu.memref_slice %arg21[%dma_wait3A_226, %dma_wait3A_227] : memref<10240x128xf32, #tpu.memory_space<vmem_shared>> -> memref<10240x128xf32, #tpu.memory_space<vmem_shared>>
        tpu.wait_indirect_dma semaphore(%arg25 : memref<!tpu.dma_semaphore, #tpu.memory_space<semaphore_mem>>) src(%arg20 : memref<128x128xf32, #tpu.memory_space<vmem>>) dst(%dma_wait3A_228 : memref<10240x128xf32, #tpu.memory_space<vmem_shared>>)
      } else {
      }
      %parallel_loop3A_208 = arith.constant 0 : i32
      %parallel_loop3A_209 = arith.constant 128 : i32
      %parallel_loop3A_210 = arith.constant 1 : i32
      scf.for %parallel_loop3A_226 = %parallel_loop3A_208 to %parallel_loop3A_209 step %parallel_loop3A_210  : i32 {
        %parallel_loop3A_227 = arith.index_cast %parallel_loop3A_226 : i32 to index
        %parallel_loop3A_228 = arith.constant 0 : index
        %parallel_loop3A_229 = tpu.vector_load %arg18[%parallel_loop3A_227, %parallel_loop3A_228] {strides = array<i32>} : memref<128x16xf32, #tpu.memory_space<vmem>>, vector<1x16xf32>,
        %parallel_loop3A_230 = vector.shape_cast %parallel_loop3A_229 : vector<1x16xf32> to vector<16xf32>
        %parallel_loop3A_231 = arith.index_cast %parallel_loop3A_226 : i32 to index
        %parallel_loop3A_232 = arith.constant 0 : index
        %parallel_loop3A_233 = tpu.vector_load %arg16[%parallel_loop3A_231, %parallel_loop3A_232] {strides = array<i32>} : memref<128x32xf32, #tpu.memory_space<vmem>>, vector<1x16xf32>,
        %parallel_loop3A_234 = vector.shape_cast %parallel_loop3A_233 : vector<1x16xf32> to vector<16xf32>
        %parallel_loop3A_235 = arith.index_cast %parallel_loop3A_226 : i32 to index
        %parallel_loop3A_236 = arith.constant 16 : index
        %parallel_loop3A_237 = tpu.vector_load %arg16[%parallel_loop3A_235, %parallel_loop3A_236] {strides = array<i32>} : memref<128x32xf32, #tpu.memory_space<vmem>>, vector<1x16xf32>,
        %parallel_loop3A_238 = vector.shape_cast %parallel_loop3A_237 : vector<1x16xf32> to vector<16xf32>
        %parallel_loop3A_239 = vector.extract_strided_slice %parallel_loop3A_230 {offsets = [0], sizes = [1], strides = [1]} : vector<16xf32> to vector<1xf32>
        %parallel_loop3A_240 = vector.extract %parallel_loop3A_239[0] : f32 from vector<1xf32>
        %parallel_loop3A_241 = vector.broadcast %parallel_loop3A_240 : f32 to vector<16xf32>
        %parallel_loop3A_242 = arith.mulf %parallel_loop3A_234, %parallel_loop3A_241 : vector<16xf32>
        %parallel_loop3A_243 = arith.index_cast %parallel_loop3A_226 : i32 to index
        %parallel_loop3A_244 = arith.constant 0 : index
        %parallel_loop3A_245 = tpu.vector_load %arg20[%parallel_loop3A_243, %parallel_loop3A_244] {strides = array<i32>} : memref<128x128xf32, #tpu.memory_space<vmem>>, vector<1x16xf32>,
        %parallel_loop3A_246 = vector.shape_cast %parallel_loop3A_245 : vector<1x16xf32> to vector<16xf32>
        %parallel_loop3A_247 = vector.shape_cast %parallel_loop3A_242 : vector<16xf32> to vector<1x16xf32>
        tpu.vector_store %arg20[%parallel_loop3A_243, %parallel_loop3A_244], %parallel_loop3A_247 {strides = array<i32>} : memref<128x128xf32, #tpu.memory_space<vmem>>, vector<1x16xf32>,
        %parallel_loop3A_248 = vector.broadcast %parallel_loop3A_240 : f32 to vector<16xf32>
        %parallel_loop3A_249 = arith.mulf %parallel_loop3A_238, %parallel_loop3A_248 : vector<16xf32>
        %parallel_loop3A_250 = arith.index_cast %parallel_loop3A_226 : i32 to index
        %parallel_loop3A_251 = arith.constant 16 : index
        %parallel_loop3A_252 = tpu.vector_load %arg20[%parallel_loop3A_250, %parallel_loop3A_251] {strides = array<i32>} : memref<128x128xf32, #tpu.memory_space<vmem>>, vector<1x16xf32>,
        %parallel_loop3A_253 = vector.shape_cast %parallel_loop3A_252 : vector<1x16xf32> to vector<16xf32>
        %parallel_loop3A_254 = vector.shape_cast %parallel_loop3A_249 : vector<16xf32> to vector<1x16xf32>
        tpu.vector_store %arg20[%parallel_loop3A_250, %parallel_loop3A_251], %parallel_loop3A_254 {strides = array<i32>} : memref<128x128xf32, #tpu.memory_space<vmem>>, vector<1x16xf32>,
        %parallel_loop3A_255 = vector.extract_strided_slice %parallel_loop3A_230 {offsets = [1], sizes = [1], strides = [1]} : vector<16xf32> to vector<1xf32>
        %parallel_loop3A_256 = vector.extract %parallel_loop3A_255[0] : f32 from vector<1xf32>
        %parallel_loop3A_257 = vector.broadcast %parallel_loop3A_256 : f32 to vector<16xf32>
        %parallel_loop3A_258 = arith.mulf %parallel_loop3A_234, %parallel_loop3A_257 : vector<16xf32>
        %parallel_loop3A_259 = arith.index_cast %parallel_loop3A_226 : i32 to index
        %parallel_loop3A_260 = arith.constant 32 : index
        %parallel_loop3A_261 = tpu.vector_load %arg20[%parallel_loop3A_259, %parallel_loop3A_260] {strides = array<i32>} : memref<128x128xf32, #tpu.memory_space<vmem>>, vector<1x16xf32>,
        %parallel_loop3A_262 = vector.shape_cast %parallel_loop3A_261 : vector<1x16xf32> to vector<16xf32>
        %parallel_loop3A_263 = vector.shape_cast %parallel_loop3A_258 : vector<16xf32> to vector<1x16xf32>
        tpu.vector_store %arg20[%parallel_loop3A_259, %parallel_loop3A_260], %parallel_loop3A_263 {strides = array<i32>} : memref<128x128xf32, #tpu.memory_space<vmem>>, vector<1x16xf32>,
        %parallel_loop3A_264 = vector.broadcast %parallel_loop3A_256 : f32 to vector<16xf32>
        %parallel_loop3A_265 = arith.mulf %parallel_loop3A_238, %parallel_loop3A_264 : vector<16xf32>
        %parallel_loop3A_266 = arith.index_cast %parallel_loop3A_226 : i32 to index
        %parallel_loop3A_267 = arith.constant 48 : index
        %parallel_loop3A_268 = tpu.vector_load %arg20[%parallel_loop3A_266, %parallel_loop3A_267] {strides = array<i32>} : memref<128x128xf32, #tpu.memory_space<vmem>>, vector<1x16xf32>,
        %parallel_loop3A_269 = vector.shape_cast %parallel_loop3A_268 : vector<1x16xf32> to vector<16xf32>
        %parallel_loop3A_270 = vector.shape_cast %parallel_loop3A_265 : vector<16xf32> to vector<1x16xf32>
        tpu.vector_store %arg20[%parallel_loop3A_266, %parallel_loop3A_267], %parallel_loop3A_270 {strides = array<i32>} : memref<128x128xf32, #tpu.memory_space<vmem>>, vector<1x16xf32>,
        %parallel_loop3A_271 = vector.extract_strided_slice %parallel_loop3A_230 {offsets = [2], sizes = [1], strides = [1]} : vector<16xf32> to vector<1xf32>
        %parallel_loop3A_272 = vector.extract %parallel_loop3A_271[0] : f32 from vector<1xf32>
        %parallel_loop3A_273 = vector.broadcast %parallel_loop3A_272 : f32 to vector<16xf32>
        %parallel_loop3A_274 = arith.mulf %parallel_loop3A_234, %parallel_loop3A_273 : vector<16xf32>
        %parallel_loop3A_275 = arith.index_cast %parallel_loop3A_226 : i32 to index
        %parallel_loop3A_276 = arith.constant 64 : index
        %parallel_loop3A_277 = tpu.vector_load %arg20[%parallel_loop3A_275, %parallel_loop3A_276] {strides = array<i32>} : memref<128x128xf32, #tpu.memory_space<vmem>>, vector<1x16xf32>,
        %parallel_loop3A_278 = vector.shape_cast %parallel_loop3A_277 : vector<1x16xf32> to vector<16xf32>
        %parallel_loop3A_279 = vector.shape_cast %parallel_loop3A_274 : vector<16xf32> to vector<1x16xf32>
        tpu.vector_store %arg20[%parallel_loop3A_275, %parallel_loop3A_276], %parallel_loop3A_279 {strides = array<i32>} : memref<128x128xf32, #tpu.memory_space<vmem>>, vector<1x16xf32>,
        %parallel_loop3A_280 = vector.broadcast %parallel_loop3A_272 : f32 to vector<16xf32>
        %parallel_loop3A_281 = arith.mulf %parallel_loop3A_238, %parallel_loop3A_280 : vector<16xf32>
        %parallel_loop3A_282 = arith.index_cast %parallel_loop3A_226 : i32 to index
        %parallel_loop3A_283 = arith.constant 80 : index
        %parallel_loop3A_284 = tpu.vector_load %arg20[%parallel_loop3A_282, %parallel_loop3A_283] {strides = array<i32>} : memref<128x128xf32, #tpu.memory_space<vmem>>, vector<1x16xf32>,
        %parallel_loop3A_285 = vector.shape_cast %parallel_loop3A_284 : vector<1x16xf32> to vector<16xf32>
        %parallel_loop3A_286 = vector.shape_cast %parallel_loop3A_281 : vector<16xf32> to vector<1x16xf32>
        tpu.vector_store %arg20[%parallel_loop3A_282, %parallel_loop3A_283], %parallel_loop3A_286 {strides = array<i32>} : memref<128x128xf32, #tpu.memory_space<vmem>>, vector<1x16xf32>,
        %parallel_loop3A_287 = vector.extract_strided_slice %parallel_loop3A_230 {offsets = [3], sizes = [1], strides = [1]} : vector<16xf32> to vector<1xf32>
        %parallel_loop3A_288 = vector.extract %parallel_loop3A_287[0] : f32 from vector<1xf32>
        %parallel_loop3A_289 = vector.broadcast %parallel_loop3A_288 : f32 to vector<16xf32>
        %parallel_loop3A_290 = arith.mulf %parallel_loop3A_234, %parallel_loop3A_289 : vector<16xf32>
        %parallel_loop3A_291 = arith.index_cast %parallel_loop3A_226 : i32 to index
        %parallel_loop3A_292 = arith.constant 96 : index
        %parallel_loop3A_293 = tpu.vector_load %arg20[%parallel_loop3A_291, %parallel_loop3A_292] {strides = array<i32>} : memref<128x128xf32, #tpu.memory_space<vmem>>, vector<1x16xf32>,
        %parallel_loop3A_294 = vector.shape_cast %parallel_loop3A_293 : vector<1x16xf32> to vector<16xf32>
        %parallel_loop3A_295 = vector.shape_cast %parallel_loop3A_290 : vector<16xf32> to vector<1x16xf32>
        tpu.vector_store %arg20[%parallel_loop3A_291, %parallel_loop3A_292], %parallel_loop3A_295 {strides = array<i32>} : memref<128x128xf32, #tpu.memory_space<vmem>>, vector<1x16xf32>,
        %parallel_loop3A_296 = vector.broadcast %parallel_loop3A_288 : f32 to vector<16xf32>
        %parallel_loop3A_297 = arith.mulf %parallel_loop3A_238, %parallel_loop3A_296 : vector<16xf32>
        %parallel_loop3A_298 = arith.index_cast %parallel_loop3A_226 : i32 to index
        %parallel_loop3A_299 = arith.constant 112 : index
        %parallel_loop3A_300 = tpu.vector_load %arg20[%parallel_loop3A_298, %parallel_loop3A_299] {strides = array<i32>} : memref<128x128xf32, #tpu.memory_space<vmem>>, vector<1x16xf32>,
        %parallel_loop3A_301 = vector.shape_cast %parallel_loop3A_300 : vector<1x16xf32> to vector<16xf32>
        %parallel_loop3A_302 = vector.shape_cast %parallel_loop3A_297 : vector<16xf32> to vector<1x16xf32>
        tpu.vector_store %arg20[%parallel_loop3A_298, %parallel_loop3A_299], %parallel_loop3A_302 {strides = array<i32>} : memref<128x128xf32, #tpu.memory_space<vmem>>, vector<1x16xf32>,
      } {sc.loop_unroll_factor = 8 : i64, sc.parallel_access}
      %mul3A_211 = arith.constant 10752 : i32
      %mul3A_212 = arith.muli %arg1, %mul3A_211 : i32
      %mul3A_213 = arith.constant 128 : i32
      %mul3A_214 = arith.muli %add3A_178, %mul3A_213 : i32
      %add3A_215 = arith.addi %mul3A_212, %mul3A_214 : i32
      "tpu.region"() ({
        %run_scoped3A_226 = tpu.sem_alloc : memref<!tpu.dma_semaphore, #tpu.memory_space<semaphore_mem>>
        %dma_start3A_227 = tpu.memref_slice %arg8[%add3A_215] : memref<172032xi32, #tpu.memory_space<hbm>> -> memref<128xi32, #tpu.memory_space<hbm>>
        %dma_start3A_228 = tpu.memref_slice %arg8[%add3A_215] : memref<172032xi32, #tpu.memory_space<hbm>> -> memref<128xi32, #tpu.memory_space<hbm>>
        tpu.enqueue_dma source(%dma_start3A_228 : memref<128xi32, #tpu.memory_space<hbm>>) target(%arg14 : memref<128xi32, #tpu.memory_space<vmem>>) target_semaphore(%run_scoped3A_226 : memref<!tpu.dma_semaphore, #tpu.memory_space<semaphore_mem>>)
        %dma_wait3A_229 = tpu.memref_slice %arg8[%add3A_215] : memref<172032xi32, #tpu.memory_space<hbm>> -> memref<128xi32, #tpu.memory_space<hbm>>
        %dma_wait3A_230 = tpu.memref_slice %arg8[%add3A_215] : memref<172032xi32, #tpu.memory_space<hbm>> -> memref<128xi32, #tpu.memory_space<hbm>>
        tpu.wait_dma2 semaphore(%run_scoped3A_226 : memref<!tpu.dma_semaphore, #tpu.memory_space<semaphore_mem>>) src(%dma_wait3A_230 : memref<128xi32, #tpu.memory_space<hbm>>) dst(%arg14 : memref<128xi32, #tpu.memory_space<vmem>>)
        tpu.yield
      }) : () -> ()
      %dma_start3A_216 = arith.constant 0 : i32
      %dma_start3A_217 = arith.constant 0 : i32
      %dma_start3A_218 = tpu.memref_slice %arg21[%dma_start3A_216, %dma_start3A_217] : memref<10240x128xf32, #tpu.memory_space<vmem_shared>> -> memref<10240x128xf32, #tpu.memory_space<vmem_shared>>
      tpu.enqueue_indirect_dma source(%arg20 : memref<128x128xf32, #tpu.memory_space<vmem>>) target(%dma_start3A_218 : memref<10240x128xf32, #tpu.memory_space<vmem_shared>>) offsets(%arg14 : memref<128xi32, #tpu.memory_space<vmem>>) semaphore(%arg25 : memref<!tpu.dma_semaphore, #tpu.memory_space<semaphore_mem>>) {add = true}
      %add3A_219 = arith.constant 2 : i32
      %add3A_220 = arith.addi %add3A_178, %add3A_219 : i32
      %lt3A_221 = arith.constant 84 : i32
      %lt3A_222 = arith.cmpi slt, %add3A_220, %lt3A_221 : i32
      %convert_element_type3A_223 = arith.extui %lt3A_222 : i1 to i32
      %cond3A_224 = arith.constant 0 : i32
      %cond3A_225 = arith.cmpi ne, %convert_element_type3A_223, %cond3A_224 : i32
      scf.if %cond3A_225 {
        %add3A_226 = arith.constant 2 : i32
        %add3A_227 = arith.addi %add3A_178, %add3A_226 : i32
        %mul3A_228 = arith.constant 10752 : i32
        %mul3A_229 = arith.muli %arg1, %mul3A_228 : i32
        %mul3A_230 = arith.constant 128 : i32
        %mul3A_231 = arith.muli %add3A_227, %mul3A_230 : i32
        %add3A_232 = arith.addi %mul3A_229, %mul3A_231 : i32
        "tpu.region"() ({
          %run_scoped3A_254 = tpu.sem_alloc : memref<!tpu.dma_semaphore, #tpu.memory_space<semaphore_mem>>
          %dma_start3A_255 = tpu.memref_slice %arg7[%add3A_232] : memref<172032xi32, #tpu.memory_space<hbm>> -> memref<128xi32, #tpu.memory_space<hbm>>
          %dma_start3A_256 = tpu.memref_slice %arg7[%add3A_232] : memref<172032xi32, #tpu.memory_space<hbm>> -> memref<128xi32, #tpu.memory_space<hbm>>
          tpu.enqueue_dma source(%dma_start3A_256 : memref<128xi32, #tpu.memory_space<hbm>>) target(%arg12 : memref<128xi32, #tpu.memory_space<vmem>>) target_semaphore(%run_scoped3A_254 : memref<!tpu.dma_semaphore, #tpu.memory_space<semaphore_mem>>)
          %dma_wait3A_257 = tpu.memref_slice %arg7[%add3A_232] : memref<172032xi32, #tpu.memory_space<hbm>> -> memref<128xi32, #tpu.memory_space<hbm>>
          %dma_wait3A_258 = tpu.memref_slice %arg7[%add3A_232] : memref<172032xi32, #tpu.memory_space<hbm>> -> memref<128xi32, #tpu.memory_space<hbm>>
          tpu.wait_dma2 semaphore(%run_scoped3A_254 : memref<!tpu.dma_semaphore, #tpu.memory_space<semaphore_mem>>) src(%dma_wait3A_258 : memref<128xi32, #tpu.memory_space<hbm>>) dst(%arg12 : memref<128xi32, #tpu.memory_space<vmem>>)
          tpu.yield
        }) : () -> ()
        %eq3A_233 = arith.constant 0 : i32
        %eq3A_234 = arith.cmpi eq, %arg0, %eq3A_233 : i32
        %convert_element_type3A_235 = arith.extui %eq3A_234 : i1 to i32
        %cond3A_236 = arith.constant 0 : i32
        %cond3A_237 = arith.cmpi ne, %convert_element_type3A_235, %cond3A_236 : i32
        scf.if %cond3A_237 {
          %dma_start3A_254 = arith.constant 0 : i32
          %dma_start3A_255 = arith.constant 0 : i32
          %dma_start3A_256 = tpu.memref_slice %arg2[%dma_start3A_254, %dma_start3A_255] : memref<10240x32xf32, #tpu.memory_space<hbm>> -> memref<10240x32xf32, #tpu.memory_space<hbm>>
          tpu.enqueue_indirect_dma source(%dma_start3A_256 : memref<10240x32xf32, #tpu.memory_space<hbm>>) target(%arg16 : memref<128x32xf32, #tpu.memory_space<vmem>>) offsets(%arg12 : memref<128xi32, #tpu.memory_space<vmem>>) semaphore(%arg23 : memref<!tpu.dma_semaphore, #tpu.memory_space<semaphore_mem>>)
        } else {
        }
        %eq3A_238 = arith.constant 1 : i32
        %eq3A_239 = arith.cmpi eq, %arg0, %eq3A_238 : i32
        %convert_element_type3A_240 = arith.extui %eq3A_239 : i1 to i32
        %cond3A_241 = arith.constant 0 : i32
        %cond3A_242 = arith.cmpi ne, %convert_element_type3A_240, %cond3A_241 : i32
        scf.if %cond3A_242 {
          %dma_start3A_254 = arith.constant 0 : i32
          %dma_start3A_255 = arith.constant 0 : i32
          %dma_start3A_256 = tpu.memref_slice %arg4[%dma_start3A_254, %dma_start3A_255] : memref<10240x32xf32, #tpu.memory_space<hbm>> -> memref<10240x32xf32, #tpu.memory_space<hbm>>
          tpu.enqueue_indirect_dma source(%dma_start3A_256 : memref<10240x32xf32, #tpu.memory_space<hbm>>) target(%arg16 : memref<128x32xf32, #tpu.memory_space<vmem>>) offsets(%arg12 : memref<128xi32, #tpu.memory_space<vmem>>) semaphore(%arg23 : memref<!tpu.dma_semaphore, #tpu.memory_space<semaphore_mem>>)
        } else {
        }
        %add3A_243 = arith.constant 2 : i32
        %add3A_244 = arith.addi %add3A_178, %add3A_243 : i32
        %mul3A_245 = arith.constant 10752 : i32
        %mul3A_246 = arith.muli %arg1, %mul3A_245 : i32
        %mul3A_247 = arith.constant 128 : i32
        %mul3A_248 = arith.muli %add3A_244, %mul3A_247 : i32
        %add3A_249 = arith.addi %mul3A_246, %mul3A_248 : i32
        %dma_start3A_250 = arith.constant 0 : i32
        %dma_start3A_251 = tpu.memref_slice %arg6[%add3A_249, %dma_start3A_250] : memref<172032x16xf32, #tpu.memory_space<hbm>> -> memref<128x16xf32, #tpu.memory_space<hbm>>
        %dma_start3A_252 = arith.constant 0 : i32
        %dma_start3A_253 = tpu.memref_slice %arg6[%add3A_249, %dma_start3A_252] : memref<172032x16xf32, #tpu.memory_space<hbm>> -> memref<128x16xf32, #tpu.memory_space<hbm>>
        tpu.enqueue_dma source(%dma_start3A_253 : memref<128x16xf32, #tpu.memory_space<hbm>>) target(%arg18 : memref<128x16xf32, #tpu.memory_space<vmem>>) target_semaphore(%arg27 : memref<!tpu.dma_semaphore, #tpu.memory_space<semaphore_mem>>)
      } else {
      }
    }
    %scan3A_46 = arith.constant 42 : i32
    %dma_wait3A = arith.constant 0 : i32
    %dma_wait3A_47 = arith.constant 0 : i32
    %dma_wait3A_48 = tpu.memref_slice %arg21[%dma_wait3A, %dma_wait3A_47] : memref<10240x128xf32, #tpu.memory_space<vmem_shared>> -> memref<10240x128xf32, #tpu.memory_space<vmem_shared>>
    tpu.wait_indirect_dma semaphore(%arg24 : memref<!tpu.dma_semaphore, #tpu.memory_space<semaphore_mem>>) src(%arg19 : memref<128x128xf32, #tpu.memory_space<vmem>>) dst(%dma_wait3A_48 : memref<10240x128xf32, #tpu.memory_space<vmem_shared>>)
    %dma_wait3A_49 = arith.constant 0 : i32
    %dma_wait3A_50 = arith.constant 0 : i32
    %dma_wait3A_51 = tpu.memref_slice %arg21[%dma_wait3A_49, %dma_wait3A_50] : memref<10240x128xf32, #tpu.memory_space<vmem_shared>> -> memref<10240x128xf32, #tpu.memory_space<vmem_shared>>
    tpu.wait_indirect_dma semaphore(%arg25 : memref<!tpu.dma_semaphore, #tpu.memory_space<semaphore_mem>>) src(%arg20 : memref<128x128xf32, #tpu.memory_space<vmem>>) dst(%dma_wait3A_51 : memref<10240x128xf32, #tpu.memory_space<vmem_shared>>)
    %barrier3A_52 = arith.constant 0 : index
    tpu.barrier barrier_id(%barrier3A_52)
    %mul3A_53 = arith.constant 640 : i32
    %mul3A_54 = arith.muli %arg1, %mul3A_53 : i32
    %mul3A_55 = arith.constant 640 : i32
    %mul3A_56 = arith.muli %arg1, %mul3A_55 : i32
    %run_scoped3A = arith.constant 0 : i32
    "tpu.region"() ({
      %run_scoped3A_126 = tpu.sem_alloc : memref<!tpu.dma_semaphore, #tpu.memory_space<semaphore_mem>>
      %dma_start3A_127 = arith.constant 0 : i32
      %dma_start3A_128 = tpu.memref_slice %arg10[%arg0, %run_scoped3A, %mul3A_56, %dma_start3A_127] : memref<2x2x10240x128xf32, #tpu.memory_space<hbm>> -> memref<1x1x640x128xf32, #tpu.memory_space<hbm>>
      %dma_start3A_129 = tpu.memref_squeeze %dma_start3A_128 : memref<1x1x640x128xf32, #tpu.memory_space<hbm>> -> memref<640x128xf32, #tpu.memory_space<hbm>>
      %dma_start3A_130 = arith.constant 0 : i32
      %dma_start3A_131 = tpu.memref_slice %arg21[%mul3A_54, %dma_start3A_130] : memref<10240x128xf32, #tpu.memory_space<vmem_shared>> -> memref<640x128xf32, #tpu.memory_space<vmem_shared>>
      tpu.enqueue_dma source(%dma_start3A_131 : memref<640x128xf32, #tpu.memory_space<vmem_shared>>) target(%dma_start3A_129 : memref<640x128xf32, #tpu.memory_space<hbm>>) target_semaphore(%run_scoped3A_126 : memref<!tpu.dma_semaphore, #tpu.memory_space<semaphore_mem>>)
      %dma_wait3A_132 = arith.constant 0 : i32
      %dma_wait3A_133 = tpu.memref_slice %arg10[%arg0, %run_scoped3A, %mul3A_56, %dma_wait3A_132] : memref<2x2x10240x128xf32, #tpu.memory_space<hbm>> -> memref<1x1x640x128xf32, #tpu.memory_space<hbm>>
      %dma_wait3A_134 = tpu.memref_squeeze %dma_wait3A_133 : memref<1x1x640x128xf32, #tpu.memory_space<hbm>> -> memref<640x128xf32, #tpu.memory_space<hbm>>
      %dma_wait3A_135 = arith.constant 0 : i32
      %dma_wait3A_136 = tpu.memref_slice %arg21[%mul3A_54, %dma_wait3A_135] : memref<10240x128xf32, #tpu.memory_space<vmem_shared>> -> memref<640x128xf32, #tpu.memory_space<vmem_shared>>
      tpu.wait_dma2 semaphore(%run_scoped3A_126 : memref<!tpu.dma_semaphore, #tpu.memory_space<semaphore_mem>>) src(%dma_wait3A_136 : memref<640x128xf32, #tpu.memory_space<vmem_shared>>) dst(%dma_wait3A_134 : memref<640x128xf32, #tpu.memory_space<hbm>>)
      tpu.yield
    }) : () -> ()
    %barrier3A_57 = arith.constant 0 : index
    tpu.barrier barrier_id(%barrier3A_57)
    %mul3A_58 = arith.constant 640 : i32
    %mul3A_59 = arith.muli %arg1, %mul3A_58 : i32
    %mul3A_60 = arith.constant 640 : i32
    %mul3A_61 = arith.muli %arg1, %mul3A_60 : i32
    "tpu.region"() ({
      %run_scoped3A_126 = tpu.sem_alloc : memref<!tpu.dma_semaphore, #tpu.memory_space<semaphore_mem>>
      %dma_start3A_127 = arith.constant 0 : i32
      %dma_start3A_128 = tpu.memref_slice %arg21[%mul3A_61, %dma_start3A_127] : memref<10240x128xf32, #tpu.memory_space<vmem_shared>> -> memref<640x128xf32, #tpu.memory_space<vmem_shared>>
      %dma_start3A_129 = arith.constant 0 : i32
      %dma_start3A_130 = tpu.memref_slice %arg9[%mul3A_59, %dma_start3A_129] : memref<10240x128xf32, #tpu.memory_space<hbm>> -> memref<640x128xf32, #tpu.memory_space<hbm>>
      tpu.enqueue_dma source(%dma_start3A_130 : memref<640x128xf32, #tpu.memory_space<hbm>>) target(%dma_start3A_128 : memref<640x128xf32, #tpu.memory_space<vmem_shared>>) target_semaphore(%run_scoped3A_126 : memref<!tpu.dma_semaphore, #tpu.memory_space<semaphore_mem>>)
      %dma_wait3A_131 = arith.constant 0 : i32
      %dma_wait3A_132 = tpu.memref_slice %arg21[%mul3A_61, %dma_wait3A_131] : memref<10240x128xf32, #tpu.memory_space<vmem_shared>> -> memref<640x128xf32, #tpu.memory_space<vmem_shared>>
      %dma_wait3A_133 = arith.constant 0 : i32
      %dma_wait3A_134 = tpu.memref_slice %arg9[%mul3A_59, %dma_wait3A_133] : memref<10240x128xf32, #tpu.memory_space<hbm>> -> memref<640x128xf32, #tpu.memory_space<hbm>>
      tpu.wait_dma2 semaphore(%run_scoped3A_126 : memref<!tpu.dma_semaphore, #tpu.memory_space<semaphore_mem>>) src(%dma_wait3A_134 : memref<640x128xf32, #tpu.memory_space<hbm>>) dst(%dma_wait3A_132 : memref<640x128xf32, #tpu.memory_space<vmem_shared>>)
      tpu.yield
    }) : () -> ()
    %barrier3A_62 = arith.constant 0 : index
    tpu.barrier barrier_id(%barrier3A_62)
    %mul3A_63 = arith.constant 10752 : i32
    %mul3A_64 = arith.muli %arg1, %mul3A_63 : i32
    %add3A_65 = arith.constant 0 : i32
    %add3A_66 = arith.addi %mul3A_64, %add3A_65 : i32
    "tpu.region"() ({
      %run_scoped3A_126 = tpu.sem_alloc : memref<!tpu.dma_semaphore, #tpu.memory_space<semaphore_mem>>
      %dma_start3A_127 = tpu.memref_slice %arg7[%add3A_66] : memref<172032xi32, #tpu.memory_space<hbm>> -> memref<128xi32, #tpu.memory_space<hbm>>
      %dma_start3A_128 = tpu.memref_slice %arg7[%add3A_66] : memref<172032xi32, #tpu.memory_space<hbm>> -> memref<128xi32, #tpu.memory_space<hbm>>
      tpu.enqueue_dma source(%dma_start3A_128 : memref<128xi32, #tpu.memory_space<hbm>>) target(%arg11 : memref<128xi32, #tpu.memory_space<vmem>>) target_semaphore(%run_scoped3A_126 : memref<!tpu.dma_semaphore, #tpu.memory_space<semaphore_mem>>)
      %dma_wait3A_129 = tpu.memref_slice %arg7[%add3A_66] : memref<172032xi32, #tpu.memory_space<hbm>> -> memref<128xi32, #tpu.memory_space<hbm>>
      %dma_wait3A_130 = tpu.memref_slice %arg7[%add3A_66] : memref<172032xi32, #tpu.memory_space<hbm>> -> memref<128xi32, #tpu.memory_space<hbm>>
      tpu.wait_dma2 semaphore(%run_scoped3A_126 : memref<!tpu.dma_semaphore, #tpu.memory_space<semaphore_mem>>) src(%dma_wait3A_130 : memref<128xi32, #tpu.memory_space<hbm>>) dst(%arg11 : memref<128xi32, #tpu.memory_space<vmem>>)
      tpu.yield
    }) : () -> ()
    %eq3A_67 = arith.constant 0 : i32
    %eq3A_68 = arith.cmpi eq, %arg0, %eq3A_67 : i32
    %convert_element_type3A_69 = arith.extui %eq3A_68 : i1 to i32
    %cond3A_70 = arith.constant 0 : i32
    %cond3A_71 = arith.cmpi ne, %convert_element_type3A_69, %cond3A_70 : i32
    scf.if %cond3A_71 {
      %dma_start3A_126 = arith.constant 0 : i32
      %dma_start3A_127 = arith.constant 0 : i32
      %dma_start3A_128 = tpu.memref_slice %arg3[%dma_start3A_126, %dma_start3A_127] : memref<10240x32xf32, #tpu.memory_space<hbm>> -> memref<10240x32xf32, #tpu.memory_space<hbm>>
      tpu.enqueue_indirect_dma source(%dma_start3A_128 : memref<10240x32xf32, #tpu.memory_space<hbm>>) target(%arg15 : memref<128x32xf32, #tpu.memory_space<vmem>>) offsets(%arg11 : memref<128xi32, #tpu.memory_space<vmem>>) semaphore(%arg22 : memref<!tpu.dma_semaphore, #tpu.memory_space<semaphore_mem>>)
    } else {
    }
    %eq3A_72 = arith.constant 1 : i32
    %eq3A_73 = arith.cmpi eq, %arg0, %eq3A_72 : i32
    %convert_element_type3A_74 = arith.extui %eq3A_73 : i1 to i32
    %cond3A_75 = arith.constant 0 : i32
    %cond3A_76 = arith.cmpi ne, %convert_element_type3A_74, %cond3A_75 : i32
    scf.if %cond3A_76 {
      %dma_start3A_126 = arith.constant 0 : i32
      %dma_start3A_127 = arith.constant 0 : i32
      %dma_start3A_128 = tpu.memref_slice %arg5[%dma_start3A_126, %dma_start3A_127] : memref<10240x32xf32, #tpu.memory_space<hbm>> -> memref<10240x32xf32, #tpu.memory_space<hbm>>
      tpu.enqueue_indirect_dma source(%dma_start3A_128 : memref<10240x32xf32, #tpu.memory_space<hbm>>) target(%arg15 : memref<128x32xf32, #tpu.memory_space<vmem>>) offsets(%arg11 : memref<128xi32, #tpu.memory_space<vmem>>) semaphore(%arg22 : memref<!tpu.dma_semaphore, #tpu.memory_space<semaphore_mem>>)
    } else {
    }
    %mul3A_77 = arith.constant 10752 : i32
    %mul3A_78 = arith.muli %arg1, %mul3A_77 : i32
    %add3A_79 = arith.constant 0 : i32
    %add3A_80 = arith.addi %mul3A_78, %add3A_79 : i32
    %dma_start3A_81 = arith.constant 0 : i32
    %dma_start3A_82 = tpu.memref_slice %arg6[%add3A_80, %dma_start3A_81] : memref<172032x16xf32, #tpu.memory_space<hbm>> -> memref<128x16xf32, #tpu.memory_space<hbm>>
    %dma_start3A_83 = arith.constant 0 : i32
    %dma_start3A_84 = tpu.memref_slice %arg6[%add3A_80, %dma_start3A_83] : memref<172032x16xf32, #tpu.memory_space<hbm>> -> memref<128x16xf32, #tpu.memory_space<hbm>>
    tpu.enqueue_dma source(%dma_start3A_84 : memref<128x16xf32, #tpu.memory_space<hbm>>) target(%arg17 : memref<128x16xf32, #tpu.memory_space<vmem>>) target_semaphore(%arg26 : memref<!tpu.dma_semaphore, #tpu.memory_space<semaphore_mem>>)
    %mul3A_85 = arith.constant 10752 : i32
    %mul3A_86 = arith.muli %arg1, %mul3A_85 : i32
    %add3A_87 = arith.constant 128 : i32
    %add3A_88 = arith.addi %mul3A_86, %add3A_87 : i32
    "tpu.region"() ({
      %run_scoped3A_126 = tpu.sem_alloc : memref<!tpu.dma_semaphore, #tpu.memory_space<semaphore_mem>>
      %dma_start3A_127 = tpu.memref_slice %arg7[%add3A_88] : memref<172032xi32, #tpu.memory_space<hbm>> -> memref<128xi32, #tpu.memory_space<hbm>>
      %dma_start3A_128 = tpu.memref_slice %arg7[%add3A_88] : memref<172032xi32, #tpu.memory_space<hbm>> -> memref<128xi32, #tpu.memory_space<hbm>>
      tpu.enqueue_dma source(%dma_start3A_128 : memref<128xi32, #tpu.memory_space<hbm>>) target(%arg12 : memref<128xi32, #tpu.memory_space<vmem>>) target_semaphore(%run_scoped3A_126 : memref<!tpu.dma_semaphore, #tpu.memory_space<semaphore_mem>>)
      %dma_wait3A_129 = tpu.memref_slice %arg7[%add3A_88] : memref<172032xi32, #tpu.memory_space<hbm>> -> memref<128xi32, #tpu.memory_space<hbm>>
      %dma_wait3A_130 = tpu.memref_slice %arg7[%add3A_88] : memref<172032xi32, #tpu.memory_space<hbm>> -> memref<128xi32, #tpu.memory_space<hbm>>
      tpu.wait_dma2 semaphore(%run_scoped3A_126 : memref<!tpu.dma_semaphore, #tpu.memory_space<semaphore_mem>>) src(%dma_wait3A_130 : memref<128xi32, #tpu.memory_space<hbm>>) dst(%arg12 : memref<128xi32, #tpu.memory_space<vmem>>)
      tpu.yield
    }) : () -> ()
    %eq3A_89 = arith.constant 0 : i32
    %eq3A_90 = arith.cmpi eq, %arg0, %eq3A_89 : i32
    %convert_element_type3A_91 = arith.extui %eq3A_90 : i1 to i32
    %cond3A_92 = arith.constant 0 : i32
    %cond3A_93 = arith.cmpi ne, %convert_element_type3A_91, %cond3A_92 : i32
    scf.if %cond3A_93 {
      %dma_start3A_126 = arith.constant 0 : i32
      %dma_start3A_127 = arith.constant 0 : i32
      %dma_start3A_128 = tpu.memref_slice %arg3[%dma_start3A_126, %dma_start3A_127] : memref<10240x32xf32, #tpu.memory_space<hbm>> -> memref<10240x32xf32, #tpu.memory_space<hbm>>
      tpu.enqueue_indirect_dma source(%dma_start3A_128 : memref<10240x32xf32, #tpu.memory_space<hbm>>) target(%arg16 : memref<128x32xf32, #tpu.memory_space<vmem>>) offsets(%arg12 : memref<128xi32, #tpu.memory_space<vmem>>) semaphore(%arg23 : memref<!tpu.dma_semaphore, #tpu.memory_space<semaphore_mem>>)
    } else {
    }
    %eq3A_94 = arith.constant 1 : i32
    %eq3A_95 = arith.cmpi eq, %arg0, %eq3A_94 : i32
    %convert_element_type3A_96 = arith.extui %eq3A_95 : i1 to i32
    %cond3A_97 = arith.constant 0 : i32
    %cond3A_98 = arith.cmpi ne, %convert_element_type3A_96, %cond3A_97 : i32
    scf.if %cond3A_98 {
      %dma_start3A_126 = arith.constant 0 : i32
      %dma_start3A_127 = arith.constant 0 : i32
      %dma_start3A_128 = tpu.memref_slice %arg5[%dma_start3A_126, %dma_start3A_127] : memref<10240x32xf32, #tpu.memory_space<hbm>> -> memref<10240x32xf32, #tpu.memory_space<hbm>>
      tpu.enqueue_indirect_dma source(%dma_start3A_128 : memref<10240x32xf32, #tpu.memory_space<hbm>>) target(%arg16 : memref<128x32xf32, #tpu.memory_space<vmem>>) offsets(%arg12 : memref<128xi32, #tpu.memory_space<vmem>>) semaphore(%arg23 : memref<!tpu.dma_semaphore, #tpu.memory_space<semaphore_mem>>)
    } else {
    }
    %mul3A_99 = arith.constant 10752 : i32
    %mul3A_100 = arith.muli %arg1, %mul3A_99 : i32
    %add3A_101 = arith.constant 128 : i32
    %add3A_102 = arith.addi %mul3A_100, %add3A_101 : i32
    %dma_start3A_103 = arith.constant 0 : i32
    %dma_start3A_104 = tpu.memref_slice %arg6[%add3A_102, %dma_start3A_103] : memref<172032x16xf32, #tpu.memory_space<hbm>> -> memref<128x16xf32, #tpu.memory_space<hbm>>
    %dma_start3A_105 = arith.constant 0 : i32
    %dma_start3A_106 = tpu.memref_slice %arg6[%add3A_102, %dma_start3A_105] : memref<172032x16xf32, #tpu.memory_space<hbm>> -> memref<128x16xf32, #tpu.memory_space<hbm>>
    tpu.enqueue_dma source(%dma_start3A_106 : memref<128x16xf32, #tpu.memory_space<hbm>>) target(%arg18 : memref<128x16xf32, #tpu.memory_space<vmem>>) target_semaphore(%arg27 : memref<!tpu.dma_semaphore, #tpu.memory_space<semaphore_mem>>)
    %scan3A_107 = arith.constant 0 : i32
    %scan3A_108 = arith.constant 0 : i32
    %scan3A_109 = arith.constant 42 : i32
    %scan3A_110 = arith.addi %scan3A_108, %scan3A_109 : i32
    %scan3A_111 = arith.constant 1 : i32
    scf.for %scan3A_126 = %scan3A_108 to %scan3A_110 step %scan3A_111  : i32 {
      %mul3A_127 = arith.constant 2 : i32
      %mul3A_128 = arith.muli %scan3A_126, %mul3A_127 : i32
      %add3A_129 = arith.constant 0 : i32
      %add3A_130 = arith.addi %mul3A_128, %add3A_129 : i32
      %mul3A_131 = arith.constant 10752 : i32
      %mul3A_132 = arith.muli %arg1, %mul3A_131 : i32
      %mul3A_133 = arith.constant 128 : i32
      %mul3A_134 = arith.muli %add3A_130, %mul3A_133 : i32
      %add3A_135 = arith.addi %mul3A_132, %mul3A_134 : i32
      %eq3A_136 = arith.constant 0 : i32
      %eq3A_137 = arith.cmpi eq, %arg0, %eq3A_136 : i32
      %convert_element_type3A_138 = arith.extui %eq3A_137 : i1 to i32
      %cond3A_139 = arith.constant 0 : i32
      %cond3A_140 = arith.cmpi ne, %convert_element_type3A_138, %cond3A_139 : i32
      scf.if %cond3A_140 {
        %dma_wait3A_226 = arith.constant 0 : i32
        %dma_wait3A_227 = arith.constant 0 : i32
        %dma_wait3A_228 = tpu.memref_slice %arg3[%dma_wait3A_226, %dma_wait3A_227] : memref<10240x32xf32, #tpu.memory_space<hbm>> -> memref<10240x32xf32, #tpu.memory_space<hbm>>
        tpu.wait_indirect_dma semaphore(%arg22 : memref<!tpu.dma_semaphore, #tpu.memory_space<semaphore_mem>>) src(%dma_wait3A_228 : memref<10240x32xf32, #tpu.memory_space<hbm>>) dst(%arg15 : memref<128x32xf32, #tpu.memory_space<vmem>>)
      } else {
      }
      %eq3A_141 = arith.constant 1 : i32
      %eq3A_142 = arith.cmpi eq, %arg0, %eq3A_141 : i32
      %convert_element_type3A_143 = arith.extui %eq3A_142 : i1 to i32
      %cond3A_144 = arith.constant 0 : i32
      %cond3A_145 = arith.cmpi ne, %convert_element_type3A_143, %cond3A_144 : i32
      scf.if %cond3A_145 {
        %dma_wait3A_226 = arith.constant 0 : i32
        %dma_wait3A_227 = arith.constant 0 : i32
        %dma_wait3A_228 = tpu.memref_slice %arg5[%dma_wait3A_226, %dma_wait3A_227] : memref<10240x32xf32, #tpu.memory_space<hbm>> -> memref<10240x32xf32, #tpu.memory_space<hbm>>
        tpu.wait_indirect_dma semaphore(%arg22 : memref<!tpu.dma_semaphore, #tpu.memory_space<semaphore_mem>>) src(%dma_wait3A_228 : memref<10240x32xf32, #tpu.memory_space<hbm>>) dst(%arg15 : memref<128x32xf32, #tpu.memory_space<vmem>>)
      } else {
      }
      %mul3A_146 = arith.constant 10752 : i32
      %mul3A_147 = arith.muli %arg1, %mul3A_146 : i32
      %mul3A_148 = arith.constant 128 : i32
      %mul3A_149 = arith.muli %add3A_130, %mul3A_148 : i32
      %add3A_150 = arith.addi %mul3A_147, %mul3A_149 : i32
      %dma_wait3A_151 = arith.constant 0 : i32
      %dma_wait3A_152 = tpu.memref_slice %arg6[%add3A_150, %dma_wait3A_151] : memref<172032x16xf32, #tpu.memory_space<hbm>> -> memref<128x16xf32, #tpu.memory_space<hbm>>
      %dma_wait3A_153 = arith.constant 0 : i32
      %dma_wait3A_154 = tpu.memref_slice %arg6[%add3A_150, %dma_wait3A_153] : memref<172032x16xf32, #tpu.memory_space<hbm>> -> memref<128x16xf32, #tpu.memory_space<hbm>>
      tpu.wait_dma2 semaphore(%arg26 : memref<!tpu.dma_semaphore, #tpu.memory_space<semaphore_mem>>) src(%dma_wait3A_154 : memref<128x16xf32, #tpu.memory_space<hbm>>) dst(%arg17 : memref<128x16xf32, #tpu.memory_space<vmem>>)
      %ge3A = arith.constant 2 : i32
      %ge3A_155 = arith.cmpi sge, %add3A_130, %ge3A : i32
      %convert_element_type3A_156 = arith.extui %ge3A_155 : i1 to i32
      %cond3A_157 = arith.constant 0 : i32
      %cond3A_158 = arith.cmpi ne, %convert_element_type3A_156, %cond3A_157 : i32
      scf.if %cond3A_158 {
        %dma_wait3A_226 = arith.constant 0 : i32
        %dma_wait3A_227 = arith.constant 0 : i32
        %dma_wait3A_228 = tpu.memref_slice %arg21[%dma_wait3A_226, %dma_wait3A_227] : memref<10240x128xf32, #tpu.memory_space<vmem_shared>> -> memref<10240x128xf32, #tpu.memory_space<vmem_shared>>
        tpu.wait_indirect_dma semaphore(%arg24 : memref<!tpu.dma_semaphore, #tpu.memory_space<semaphore_mem>>) src(%arg19 : memref<128x128xf32, #tpu.memory_space<vmem>>) dst(%dma_wait3A_228 : memref<10240x128xf32, #tpu.memory_space<vmem_shared>>)
      } else {
      }
      %parallel_loop3A = arith.constant 0 : i32
      %parallel_loop3A_159 = arith.constant 128 : i32
      %parallel_loop3A_160 = arith.constant 1 : i32
      scf.for %parallel_loop3A_226 = %parallel_loop3A to %parallel_loop3A_159 step %parallel_loop3A_160  : i32 {
        %parallel_loop3A_227 = arith.index_cast %parallel_loop3A_226 : i32 to index
        %parallel_loop3A_228 = arith.constant 0 : index
        %parallel_loop3A_229 = tpu.vector_load %arg17[%parallel_loop3A_227, %parallel_loop3A_228] {strides = array<i32>} : memref<128x16xf32, #tpu.memory_space<vmem>>, vector<1x16xf32>,
        %parallel_loop3A_230 = vector.shape_cast %parallel_loop3A_229 : vector<1x16xf32> to vector<16xf32>
        %parallel_loop3A_231 = arith.index_cast %parallel_loop3A_226 : i32 to index
        %parallel_loop3A_232 = arith.constant 0 : index
        %parallel_loop3A_233 = tpu.vector_load %arg15[%parallel_loop3A_231, %parallel_loop3A_232] {strides = array<i32>} : memref<128x32xf32, #tpu.memory_space<vmem>>, vector<1x16xf32>,
        %parallel_loop3A_234 = vector.shape_cast %parallel_loop3A_233 : vector<1x16xf32> to vector<16xf32>
        %parallel_loop3A_235 = arith.index_cast %parallel_loop3A_226 : i32 to index
        %parallel_loop3A_236 = arith.constant 16 : index
        %parallel_loop3A_237 = tpu.vector_load %arg15[%parallel_loop3A_235, %parallel_loop3A_236] {strides = array<i32>} : memref<128x32xf32, #tpu.memory_space<vmem>>, vector<1x16xf32>,
        %parallel_loop3A_238 = vector.shape_cast %parallel_loop3A_237 : vector<1x16xf32> to vector<16xf32>
        %parallel_loop3A_239 = vector.extract_strided_slice %parallel_loop3A_230 {offsets = [0], sizes = [1], strides = [1]} : vector<16xf32> to vector<1xf32>
        %parallel_loop3A_240 = vector.extract %parallel_loop3A_239[0] : f32 from vector<1xf32>
        %parallel_loop3A_241 = vector.broadcast %parallel_loop3A_240 : f32 to vector<16xf32>
        %parallel_loop3A_242 = arith.mulf %parallel_loop3A_234, %parallel_loop3A_241 : vector<16xf32>
        %parallel_loop3A_243 = arith.index_cast %parallel_loop3A_226 : i32 to index
        %parallel_loop3A_244 = arith.constant 0 : index
        %parallel_loop3A_245 = tpu.vector_load %arg19[%parallel_loop3A_243, %parallel_loop3A_244] {strides = array<i32>} : memref<128x128xf32, #tpu.memory_space<vmem>>, vector<1x16xf32>,
        %parallel_loop3A_246 = vector.shape_cast %parallel_loop3A_245 : vector<1x16xf32> to vector<16xf32>
        %parallel_loop3A_247 = vector.shape_cast %parallel_loop3A_242 : vector<16xf32> to vector<1x16xf32>
        tpu.vector_store %arg19[%parallel_loop3A_243, %parallel_loop3A_244], %parallel_loop3A_247 {strides = array<i32>} : memref<128x128xf32, #tpu.memory_space<vmem>>, vector<1x16xf32>,
        %parallel_loop3A_248 = vector.broadcast %parallel_loop3A_240 : f32 to vector<16xf32>
        %parallel_loop3A_249 = arith.mulf %parallel_loop3A_238, %parallel_loop3A_248 : vector<16xf32>
        %parallel_loop3A_250 = arith.index_cast %parallel_loop3A_226 : i32 to index
        %parallel_loop3A_251 = arith.constant 16 : index
        %parallel_loop3A_252 = tpu.vector_load %arg19[%parallel_loop3A_250, %parallel_loop3A_251] {strides = array<i32>} : memref<128x128xf32, #tpu.memory_space<vmem>>, vector<1x16xf32>,
        %parallel_loop3A_253 = vector.shape_cast %parallel_loop3A_252 : vector<1x16xf32> to vector<16xf32>
        %parallel_loop3A_254 = vector.shape_cast %parallel_loop3A_249 : vector<16xf32> to vector<1x16xf32>
        tpu.vector_store %arg19[%parallel_loop3A_250, %parallel_loop3A_251], %parallel_loop3A_254 {strides = array<i32>} : memref<128x128xf32, #tpu.memory_space<vmem>>, vector<1x16xf32>,
        %parallel_loop3A_255 = vector.extract_strided_slice %parallel_loop3A_230 {offsets = [1], sizes = [1], strides = [1]} : vector<16xf32> to vector<1xf32>
        %parallel_loop3A_256 = vector.extract %parallel_loop3A_255[0] : f32 from vector<1xf32>
        %parallel_loop3A_257 = vector.broadcast %parallel_loop3A_256 : f32 to vector<16xf32>
        %parallel_loop3A_258 = arith.mulf %parallel_loop3A_234, %parallel_loop3A_257 : vector<16xf32>
        %parallel_loop3A_259 = arith.index_cast %parallel_loop3A_226 : i32 to index
        %parallel_loop3A_260 = arith.constant 32 : index
        %parallel_loop3A_261 = tpu.vector_load %arg19[%parallel_loop3A_259, %parallel_loop3A_260] {strides = array<i32>} : memref<128x128xf32, #tpu.memory_space<vmem>>, vector<1x16xf32>,
        %parallel_loop3A_262 = vector.shape_cast %parallel_loop3A_261 : vector<1x16xf32> to vector<16xf32>
        %parallel_loop3A_263 = vector.shape_cast %parallel_loop3A_258 : vector<16xf32> to vector<1x16xf32>
        tpu.vector_store %arg19[%parallel_loop3A_259, %parallel_loop3A_260], %parallel_loop3A_263 {strides = array<i32>} : memref<128x128xf32, #tpu.memory_space<vmem>>, vector<1x16xf32>,
        %parallel_loop3A_264 = vector.broadcast %parallel_loop3A_256 : f32 to vector<16xf32>
        %parallel_loop3A_265 = arith.mulf %parallel_loop3A_238, %parallel_loop3A_264 : vector<16xf32>
        %parallel_loop3A_266 = arith.index_cast %parallel_loop3A_226 : i32 to index
        %parallel_loop3A_267 = arith.constant 48 : index
        %parallel_loop3A_268 = tpu.vector_load %arg19[%parallel_loop3A_266, %parallel_loop3A_267] {strides = array<i32>} : memref<128x128xf32, #tpu.memory_space<vmem>>, vector<1x16xf32>,
        %parallel_loop3A_269 = vector.shape_cast %parallel_loop3A_268 : vector<1x16xf32> to vector<16xf32>
        %parallel_loop3A_270 = vector.shape_cast %parallel_loop3A_265 : vector<16xf32> to vector<1x16xf32>
        tpu.vector_store %arg19[%parallel_loop3A_266, %parallel_loop3A_267], %parallel_loop3A_270 {strides = array<i32>} : memref<128x128xf32, #tpu.memory_space<vmem>>, vector<1x16xf32>,
        %parallel_loop3A_271 = vector.extract_strided_slice %parallel_loop3A_230 {offsets = [2], sizes = [1], strides = [1]} : vector<16xf32> to vector<1xf32>
        %parallel_loop3A_272 = vector.extract %parallel_loop3A_271[0] : f32 from vector<1xf32>
        %parallel_loop3A_273 = vector.broadcast %parallel_loop3A_272 : f32 to vector<16xf32>
        %parallel_loop3A_274 = arith.mulf %parallel_loop3A_234, %parallel_loop3A_273 : vector<16xf32>
        %parallel_loop3A_275 = arith.index_cast %parallel_loop3A_226 : i32 to index
        %parallel_loop3A_276 = arith.constant 64 : index
        %parallel_loop3A_277 = tpu.vector_load %arg19[%parallel_loop3A_275, %parallel_loop3A_276] {strides = array<i32>} : memref<128x128xf32, #tpu.memory_space<vmem>>, vector<1x16xf32>,
        %parallel_loop3A_278 = vector.shape_cast %parallel_loop3A_277 : vector<1x16xf32> to vector<16xf32>
        %parallel_loop3A_279 = vector.shape_cast %parallel_loop3A_274 : vector<16xf32> to vector<1x16xf32>
        tpu.vector_store %arg19[%parallel_loop3A_275, %parallel_loop3A_276], %parallel_loop3A_279 {strides = array<i32>} : memref<128x128xf32, #tpu.memory_space<vmem>>, vector<1x16xf32>,
        %parallel_loop3A_280 = vector.broadcast %parallel_loop3A_272 : f32 to vector<16xf32>
        %parallel_loop3A_281 = arith.mulf %parallel_loop3A_238, %parallel_loop3A_280 : vector<16xf32>
        %parallel_loop3A_282 = arith.index_cast %parallel_loop3A_226 : i32 to index
        %parallel_loop3A_283 = arith.constant 80 : index
        %parallel_loop3A_284 = tpu.vector_load %arg19[%parallel_loop3A_282, %parallel_loop3A_283] {strides = array<i32>} : memref<128x128xf32, #tpu.memory_space<vmem>>, vector<1x16xf32>,
        %parallel_loop3A_285 = vector.shape_cast %parallel_loop3A_284 : vector<1x16xf32> to vector<16xf32>
        %parallel_loop3A_286 = vector.shape_cast %parallel_loop3A_281 : vector<16xf32> to vector<1x16xf32>
        tpu.vector_store %arg19[%parallel_loop3A_282, %parallel_loop3A_283], %parallel_loop3A_286 {strides = array<i32>} : memref<128x128xf32, #tpu.memory_space<vmem>>, vector<1x16xf32>,
        %parallel_loop3A_287 = vector.extract_strided_slice %parallel_loop3A_230 {offsets = [3], sizes = [1], strides = [1]} : vector<16xf32> to vector<1xf32>
        %parallel_loop3A_288 = vector.extract %parallel_loop3A_287[0] : f32 from vector<1xf32>
        %parallel_loop3A_289 = vector.broadcast %parallel_loop3A_288 : f32 to vector<16xf32>
        %parallel_loop3A_290 = arith.mulf %parallel_loop3A_234, %parallel_loop3A_289 : vector<16xf32>
        %parallel_loop3A_291 = arith.index_cast %parallel_loop3A_226 : i32 to index
        %parallel_loop3A_292 = arith.constant 96 : index
        %parallel_loop3A_293 = tpu.vector_load %arg19[%parallel_loop3A_291, %parallel_loop3A_292] {strides = array<i32>} : memref<128x128xf32, #tpu.memory_space<vmem>>, vector<1x16xf32>,
        %parallel_loop3A_294 = vector.shape_cast %parallel_loop3A_293 : vector<1x16xf32> to vector<16xf32>
        %parallel_loop3A_295 = vector.shape_cast %parallel_loop3A_290 : vector<16xf32> to vector<1x16xf32>
        tpu.vector_store %arg19[%parallel_loop3A_291, %parallel_loop3A_292], %parallel_loop3A_295 {strides = array<i32>} : memref<128x128xf32, #tpu.memory_space<vmem>>, vector<1x16xf32>,
        %parallel_loop3A_296 = vector.broadcast %parallel_loop3A_288 : f32 to vector<16xf32>
        %parallel_loop3A_297 = arith.mulf %parallel_loop3A_238, %parallel_loop3A_296 : vector<16xf32>
        %parallel_loop3A_298 = arith.index_cast %parallel_loop3A_226 : i32 to index
        %parallel_loop3A_299 = arith.constant 112 : index
        %parallel_loop3A_300 = tpu.vector_load %arg19[%parallel_loop3A_298, %parallel_loop3A_299] {strides = array<i32>} : memref<128x128xf32, #tpu.memory_space<vmem>>, vector<1x16xf32>,
        %parallel_loop3A_301 = vector.shape_cast %parallel_loop3A_300 : vector<1x16xf32> to vector<16xf32>
        %parallel_loop3A_302 = vector.shape_cast %parallel_loop3A_297 : vector<16xf32> to vector<1x16xf32>
        tpu.vector_store %arg19[%parallel_loop3A_298, %parallel_loop3A_299], %parallel_loop3A_302 {strides = array<i32>} : memref<128x128xf32, #tpu.memory_space<vmem>>, vector<1x16xf32>,
      } {sc.loop_unroll_factor = 8 : i64, sc.parallel_access}
      %mul3A_161 = arith.constant 10752 : i32
      %mul3A_162 = arith.muli %arg1, %mul3A_161 : i32
      %mul3A_163 = arith.constant 128 : i32
      %mul3A_164 = arith.muli %add3A_130, %mul3A_163 : i32
      %add3A_165 = arith.addi %mul3A_162, %mul3A_164 : i32
      "tpu.region"() ({
        %run_scoped3A_226 = tpu.sem_alloc : memref<!tpu.dma_semaphore, #tpu.memory_space<semaphore_mem>>
        %dma_start3A_227 = tpu.memref_slice %arg8[%add3A_165] : memref<172032xi32, #tpu.memory_space<hbm>> -> memref<128xi32, #tpu.memory_space<hbm>>
        %dma_start3A_228 = tpu.memref_slice %arg8[%add3A_165] : memref<172032xi32, #tpu.memory_space<hbm>> -> memref<128xi32, #tpu.memory_space<hbm>>
        tpu.enqueue_dma source(%dma_start3A_228 : memref<128xi32, #tpu.memory_space<hbm>>) target(%arg13 : memref<128xi32, #tpu.memory_space<vmem>>) target_semaphore(%run_scoped3A_226 : memref<!tpu.dma_semaphore, #tpu.memory_space<semaphore_mem>>)
        %dma_wait3A_229 = tpu.memref_slice %arg8[%add3A_165] : memref<172032xi32, #tpu.memory_space<hbm>> -> memref<128xi32, #tpu.memory_space<hbm>>
        %dma_wait3A_230 = tpu.memref_slice %arg8[%add3A_165] : memref<172032xi32, #tpu.memory_space<hbm>> -> memref<128xi32, #tpu.memory_space<hbm>>
        tpu.wait_dma2 semaphore(%run_scoped3A_226 : memref<!tpu.dma_semaphore, #tpu.memory_space<semaphore_mem>>) src(%dma_wait3A_230 : memref<128xi32, #tpu.memory_space<hbm>>) dst(%arg13 : memref<128xi32, #tpu.memory_space<vmem>>)
        tpu.yield
      }) : () -> ()
      %dma_start3A_166 = arith.constant 0 : i32
      %dma_start3A_167 = arith.constant 0 : i32
      %dma_start3A_168 = tpu.memref_slice %arg21[%dma_start3A_166, %dma_start3A_167] : memref<10240x128xf32, #tpu.memory_space<vmem_shared>> -> memref<10240x128xf32, #tpu.memory_space<vmem_shared>>
      tpu.enqueue_indirect_dma source(%arg19 : memref<128x128xf32, #tpu.memory_space<vmem>>) target(%dma_start3A_168 : memref<10240x128xf32, #tpu.memory_space<vmem_shared>>) offsets(%arg13 : memref<128xi32, #tpu.memory_space<vmem>>) semaphore(%arg24 : memref<!tpu.dma_semaphore, #tpu.memory_space<semaphore_mem>>) {add = true}
      %add3A_169 = arith.constant 2 : i32
      %add3A_170 = arith.addi %add3A_130, %add3A_169 : i32
      %lt3A = arith.constant 84 : i32
      %lt3A_171 = arith.cmpi slt, %add3A_170, %lt3A : i32
      %convert_element_type3A_172 = arith.extui %lt3A_171 : i1 to i32
      %cond3A_173 = arith.constant 0 : i32
      %cond3A_174 = arith.cmpi ne, %convert_element_type3A_172, %cond3A_173 : i32
      scf.if %cond3A_174 {
        %add3A_226 = arith.constant 2 : i32
        %add3A_227 = arith.addi %add3A_130, %add3A_226 : i32
        %mul3A_228 = arith.constant 10752 : i32
        %mul3A_229 = arith.muli %arg1, %mul3A_228 : i32
        %mul3A_230 = arith.constant 128 : i32
        %mul3A_231 = arith.muli %add3A_227, %mul3A_230 : i32
        %add3A_232 = arith.addi %mul3A_229, %mul3A_231 : i32
        "tpu.region"() ({
          %run_scoped3A_254 = tpu.sem_alloc : memref<!tpu.dma_semaphore, #tpu.memory_space<semaphore_mem>>
          %dma_start3A_255 = tpu.memref_slice %arg7[%add3A_232] : memref<172032xi32, #tpu.memory_space<hbm>> -> memref<128xi32, #tpu.memory_space<hbm>>
          %dma_start3A_256 = tpu.memref_slice %arg7[%add3A_232] : memref<172032xi32, #tpu.memory_space<hbm>> -> memref<128xi32, #tpu.memory_space<hbm>>
          tpu.enqueue_dma source(%dma_start3A_256 : memref<128xi32, #tpu.memory_space<hbm>>) target(%arg11 : memref<128xi32, #tpu.memory_space<vmem>>) target_semaphore(%run_scoped3A_254 : memref<!tpu.dma_semaphore, #tpu.memory_space<semaphore_mem>>)
          %dma_wait3A_257 = tpu.memref_slice %arg7[%add3A_232] : memref<172032xi32, #tpu.memory_space<hbm>> -> memref<128xi32, #tpu.memory_space<hbm>>
          %dma_wait3A_258 = tpu.memref_slice %arg7[%add3A_232] : memref<172032xi32, #tpu.memory_space<hbm>> -> memref<128xi32, #tpu.memory_space<hbm>>
          tpu.wait_dma2 semaphore(%run_scoped3A_254 : memref<!tpu.dma_semaphore, #tpu.memory_space<semaphore_mem>>) src(%dma_wait3A_258 : memref<128xi32, #tpu.memory_space<hbm>>) dst(%arg11 : memref<128xi32, #tpu.memory_space<vmem>>)
          tpu.yield
        }) : () -> ()
        %eq3A_233 = arith.constant 0 : i32
        %eq3A_234 = arith.cmpi eq, %arg0, %eq3A_233 : i32
        %convert_element_type3A_235 = arith.extui %eq3A_234 : i1 to i32
        %cond3A_236 = arith.constant 0 : i32
        %cond3A_237 = arith.cmpi ne, %convert_element_type3A_235, %cond3A_236 : i32
        scf.if %cond3A_237 {
          %dma_start3A_254 = arith.constant 0 : i32
          %dma_start3A_255 = arith.constant 0 : i32
          %dma_start3A_256 = tpu.memref_slice %arg3[%dma_start3A_254, %dma_start3A_255] : memref<10240x32xf32, #tpu.memory_space<hbm>> -> memref<10240x32xf32, #tpu.memory_space<hbm>>
          tpu.enqueue_indirect_dma source(%dma_start3A_256 : memref<10240x32xf32, #tpu.memory_space<hbm>>) target(%arg15 : memref<128x32xf32, #tpu.memory_space<vmem>>) offsets(%arg11 : memref<128xi32, #tpu.memory_space<vmem>>) semaphore(%arg22 : memref<!tpu.dma_semaphore, #tpu.memory_space<semaphore_mem>>)
        } else {
        }
        %eq3A_238 = arith.constant 1 : i32
        %eq3A_239 = arith.cmpi eq, %arg0, %eq3A_238 : i32
        %convert_element_type3A_240 = arith.extui %eq3A_239 : i1 to i32
        %cond3A_241 = arith.constant 0 : i32
        %cond3A_242 = arith.cmpi ne, %convert_element_type3A_240, %cond3A_241 : i32
        scf.if %cond3A_242 {
          %dma_start3A_254 = arith.constant 0 : i32
          %dma_start3A_255 = arith.constant 0 : i32
          %dma_start3A_256 = tpu.memref_slice %arg5[%dma_start3A_254, %dma_start3A_255] : memref<10240x32xf32, #tpu.memory_space<hbm>> -> memref<10240x32xf32, #tpu.memory_space<hbm>>
          tpu.enqueue_indirect_dma source(%dma_start3A_256 : memref<10240x32xf32, #tpu.memory_space<hbm>>) target(%arg15 : memref<128x32xf32, #tpu.memory_space<vmem>>) offsets(%arg11 : memref<128xi32, #tpu.memory_space<vmem>>) semaphore(%arg22 : memref<!tpu.dma_semaphore, #tpu.memory_space<semaphore_mem>>)
        } else {
        }
        %add3A_243 = arith.constant 2 : i32
        %add3A_244 = arith.addi %add3A_130, %add3A_243 : i32
        %mul3A_245 = arith.constant 10752 : i32
        %mul3A_246 = arith.muli %arg1, %mul3A_245 : i32
        %mul3A_247 = arith.constant 128 : i32
        %mul3A_248 = arith.muli %add3A_244, %mul3A_247 : i32
        %add3A_249 = arith.addi %mul3A_246, %mul3A_248 : i32
        %dma_start3A_250 = arith.constant 0 : i32
        %dma_start3A_251 = tpu.memref_slice %arg6[%add3A_249, %dma_start3A_250] : memref<172032x16xf32, #tpu.memory_space<hbm>> -> memref<128x16xf32, #tpu.memory_space<hbm>>
        %dma_start3A_252 = arith.constant 0 : i32
        %dma_start3A_253 = tpu.memref_slice %arg6[%add3A_249, %dma_start3A_252] : memref<172032x16xf32, #tpu.memory_space<hbm>> -> memref<128x16xf32, #tpu.memory_space<hbm>>
        tpu.enqueue_dma source(%dma_start3A_253 : memref<128x16xf32, #tpu.memory_space<hbm>>) target(%arg17 : memref<128x16xf32, #tpu.memory_space<vmem>>) target_semaphore(%arg26 : memref<!tpu.dma_semaphore, #tpu.memory_space<semaphore_mem>>)
      } else {
      }
      %mul3A_175 = arith.constant 2 : i32
      %mul3A_176 = arith.muli %scan3A_126, %mul3A_175 : i32
      %add3A_177 = arith.constant 1 : i32
      %add3A_178 = arith.addi %mul3A_176, %add3A_177 : i32
      %mul3A_179 = arith.constant 10752 : i32
      %mul3A_180 = arith.muli %arg1, %mul3A_179 : i32
      %mul3A_181 = arith.constant 128 : i32
      %mul3A_182 = arith.muli %add3A_178, %mul3A_181 : i32
      %add3A_183 = arith.addi %mul3A_180, %mul3A_182 : i32
      %eq3A_184 = arith.constant 0 : i32
      %eq3A_185 = arith.cmpi eq, %arg0, %eq3A_184 : i32
      %convert_element_type3A_186 = arith.extui %eq3A_185 : i1 to i32
      %cond3A_187 = arith.constant 0 : i32
      %cond3A_188 = arith.cmpi ne, %convert_element_type3A_186, %cond3A_187 : i32
      scf.if %cond3A_188 {
        %dma_wait3A_226 = arith.constant 0 : i32
        %dma_wait3A_227 = arith.constant 0 : i32
        %dma_wait3A_228 = tpu.memref_slice %arg3[%dma_wait3A_226, %dma_wait3A_227] : memref<10240x32xf32, #tpu.memory_space<hbm>> -> memref<10240x32xf32, #tpu.memory_space<hbm>>
        tpu.wait_indirect_dma semaphore(%arg23 : memref<!tpu.dma_semaphore, #tpu.memory_space<semaphore_mem>>) src(%dma_wait3A_228 : memref<10240x32xf32, #tpu.memory_space<hbm>>) dst(%arg16 : memref<128x32xf32, #tpu.memory_space<vmem>>)
      } else {
      }
      %eq3A_189 = arith.constant 1 : i32
      %eq3A_190 = arith.cmpi eq, %arg0, %eq3A_189 : i32
      %convert_element_type3A_191 = arith.extui %eq3A_190 : i1 to i32
      %cond3A_192 = arith.constant 0 : i32
      %cond3A_193 = arith.cmpi ne, %convert_element_type3A_191, %cond3A_192 : i32
      scf.if %cond3A_193 {
        %dma_wait3A_226 = arith.constant 0 : i32
        %dma_wait3A_227 = arith.constant 0 : i32
        %dma_wait3A_228 = tpu.memref_slice %arg5[%dma_wait3A_226, %dma_wait3A_227] : memref<10240x32xf32, #tpu.memory_space<hbm>> -> memref<10240x32xf32, #tpu.memory_space<hbm>>
        tpu.wait_indirect_dma semaphore(%arg23 : memref<!tpu.dma_semaphore, #tpu.memory_space<semaphore_mem>>) src(%dma_wait3A_228 : memref<10240x32xf32, #tpu.memory_space<hbm>>) dst(%arg16 : memref<128x32xf32, #tpu.memory_space<vmem>>)
      } else {
      }
      %mul3A_194 = arith.constant 10752 : i32
      %mul3A_195 = arith.muli %arg1, %mul3A_194 : i32
      %mul3A_196 = arith.constant 128 : i32
      %mul3A_197 = arith.muli %add3A_178, %mul3A_196 : i32
      %add3A_198 = arith.addi %mul3A_195, %mul3A_197 : i32
      %dma_wait3A_199 = arith.constant 0 : i32
      %dma_wait3A_200 = tpu.memref_slice %arg6[%add3A_198, %dma_wait3A_199] : memref<172032x16xf32, #tpu.memory_space<hbm>> -> memref<128x16xf32, #tpu.memory_space<hbm>>
      %dma_wait3A_201 = arith.constant 0 : i32
      %dma_wait3A_202 = tpu.memref_slice %arg6[%add3A_198, %dma_wait3A_201] : memref<172032x16xf32, #tpu.memory_space<hbm>> -> memref<128x16xf32, #tpu.memory_space<hbm>>
      tpu.wait_dma2 semaphore(%arg27 : memref<!tpu.dma_semaphore, #tpu.memory_space<semaphore_mem>>) src(%dma_wait3A_202 : memref<128x16xf32, #tpu.memory_space<hbm>>) dst(%arg18 : memref<128x16xf32, #tpu.memory_space<vmem>>)
      %ge3A_203 = arith.constant 2 : i32
      %ge3A_204 = arith.cmpi sge, %add3A_178, %ge3A_203 : i32
      %convert_element_type3A_205 = arith.extui %ge3A_204 : i1 to i32
      %cond3A_206 = arith.constant 0 : i32
      %cond3A_207 = arith.cmpi ne, %convert_element_type3A_205, %cond3A_206 : i32
      scf.if %cond3A_207 {
        %dma_wait3A_226 = arith.constant 0 : i32
        %dma_wait3A_227 = arith.constant 0 : i32
        %dma_wait3A_228 = tpu.memref_slice %arg21[%dma_wait3A_226, %dma_wait3A_227] : memref<10240x128xf32, #tpu.memory_space<vmem_shared>> -> memref<10240x128xf32, #tpu.memory_space<vmem_shared>>
        tpu.wait_indirect_dma semaphore(%arg25 : memref<!tpu.dma_semaphore, #tpu.memory_space<semaphore_mem>>) src(%arg20 : memref<128x128xf32, #tpu.memory_space<vmem>>) dst(%dma_wait3A_228 : memref<10240x128xf32, #tpu.memory_space<vmem_shared>>)
      } else {
      }
      %parallel_loop3A_208 = arith.constant 0 : i32
      %parallel_loop3A_209 = arith.constant 128 : i32
      %parallel_loop3A_210 = arith.constant 1 : i32
      scf.for %parallel_loop3A_226 = %parallel_loop3A_208 to %parallel_loop3A_209 step %parallel_loop3A_210  : i32 {
        %parallel_loop3A_227 = arith.index_cast %parallel_loop3A_226 : i32 to index
        %parallel_loop3A_228 = arith.constant 0 : index
        %parallel_loop3A_229 = tpu.vector_load %arg18[%parallel_loop3A_227, %parallel_loop3A_228] {strides = array<i32>} : memref<128x16xf32, #tpu.memory_space<vmem>>, vector<1x16xf32>,
        %parallel_loop3A_230 = vector.shape_cast %parallel_loop3A_229 : vector<1x16xf32> to vector<16xf32>
        %parallel_loop3A_231 = arith.index_cast %parallel_loop3A_226 : i32 to index
        %parallel_loop3A_232 = arith.constant 0 : index
        %parallel_loop3A_233 = tpu.vector_load %arg16[%parallel_loop3A_231, %parallel_loop3A_232] {strides = array<i32>} : memref<128x32xf32, #tpu.memory_space<vmem>>, vector<1x16xf32>,
        %parallel_loop3A_234 = vector.shape_cast %parallel_loop3A_233 : vector<1x16xf32> to vector<16xf32>
        %parallel_loop3A_235 = arith.index_cast %parallel_loop3A_226 : i32 to index
        %parallel_loop3A_236 = arith.constant 16 : index
        %parallel_loop3A_237 = tpu.vector_load %arg16[%parallel_loop3A_235, %parallel_loop3A_236] {strides = array<i32>} : memref<128x32xf32, #tpu.memory_space<vmem>>, vector<1x16xf32>,
        %parallel_loop3A_238 = vector.shape_cast %parallel_loop3A_237 : vector<1x16xf32> to vector<16xf32>
        %parallel_loop3A_239 = vector.extract_strided_slice %parallel_loop3A_230 {offsets = [0], sizes = [1], strides = [1]} : vector<16xf32> to vector<1xf32>
        %parallel_loop3A_240 = vector.extract %parallel_loop3A_239[0] : f32 from vector<1xf32>
        %parallel_loop3A_241 = vector.broadcast %parallel_loop3A_240 : f32 to vector<16xf32>
        %parallel_loop3A_242 = arith.mulf %parallel_loop3A_234, %parallel_loop3A_241 : vector<16xf32>
        %parallel_loop3A_243 = arith.index_cast %parallel_loop3A_226 : i32 to index
        %parallel_loop3A_244 = arith.constant 0 : index
        %parallel_loop3A_245 = tpu.vector_load %arg20[%parallel_loop3A_243, %parallel_loop3A_244] {strides = array<i32>} : memref<128x128xf32, #tpu.memory_space<vmem>>, vector<1x16xf32>,
        %parallel_loop3A_246 = vector.shape_cast %parallel_loop3A_245 : vector<1x16xf32> to vector<16xf32>
        %parallel_loop3A_247 = vector.shape_cast %parallel_loop3A_242 : vector<16xf32> to vector<1x16xf32>
        tpu.vector_store %arg20[%parallel_loop3A_243, %parallel_loop3A_244], %parallel_loop3A_247 {strides = array<i32>} : memref<128x128xf32, #tpu.memory_space<vmem>>, vector<1x16xf32>,
        %parallel_loop3A_248 = vector.broadcast %parallel_loop3A_240 : f32 to vector<16xf32>
        %parallel_loop3A_249 = arith.mulf %parallel_loop3A_238, %parallel_loop3A_248 : vector<16xf32>
        %parallel_loop3A_250 = arith.index_cast %parallel_loop3A_226 : i32 to index
        %parallel_loop3A_251 = arith.constant 16 : index
        %parallel_loop3A_252 = tpu.vector_load %arg20[%parallel_loop3A_250, %parallel_loop3A_251] {strides = array<i32>} : memref<128x128xf32, #tpu.memory_space<vmem>>, vector<1x16xf32>,
        %parallel_loop3A_253 = vector.shape_cast %parallel_loop3A_252 : vector<1x16xf32> to vector<16xf32>
        %parallel_loop3A_254 = vector.shape_cast %parallel_loop3A_249 : vector<16xf32> to vector<1x16xf32>
        tpu.vector_store %arg20[%parallel_loop3A_250, %parallel_loop3A_251], %parallel_loop3A_254 {strides = array<i32>} : memref<128x128xf32, #tpu.memory_space<vmem>>, vector<1x16xf32>,
        %parallel_loop3A_255 = vector.extract_strided_slice %parallel_loop3A_230 {offsets = [1], sizes = [1], strides = [1]} : vector<16xf32> to vector<1xf32>
        %parallel_loop3A_256 = vector.extract %parallel_loop3A_255[0] : f32 from vector<1xf32>
        %parallel_loop3A_257 = vector.broadcast %parallel_loop3A_256 : f32 to vector<16xf32>
        %parallel_loop3A_258 = arith.mulf %parallel_loop3A_234, %parallel_loop3A_257 : vector<16xf32>
        %parallel_loop3A_259 = arith.index_cast %parallel_loop3A_226 : i32 to index
        %parallel_loop3A_260 = arith.constant 32 : index
        %parallel_loop3A_261 = tpu.vector_load %arg20[%parallel_loop3A_259, %parallel_loop3A_260] {strides = array<i32>} : memref<128x128xf32, #tpu.memory_space<vmem>>, vector<1x16xf32>,
        %parallel_loop3A_262 = vector.shape_cast %parallel_loop3A_261 : vector<1x16xf32> to vector<16xf32>
        %parallel_loop3A_263 = vector.shape_cast %parallel_loop3A_258 : vector<16xf32> to vector<1x16xf32>
        tpu.vector_store %arg20[%parallel_loop3A_259, %parallel_loop3A_260], %parallel_loop3A_263 {strides = array<i32>} : memref<128x128xf32, #tpu.memory_space<vmem>>, vector<1x16xf32>,
        %parallel_loop3A_264 = vector.broadcast %parallel_loop3A_256 : f32 to vector<16xf32>
        %parallel_loop3A_265 = arith.mulf %parallel_loop3A_238, %parallel_loop3A_264 : vector<16xf32>
        %parallel_loop3A_266 = arith.index_cast %parallel_loop3A_226 : i32 to index
        %parallel_loop3A_267 = arith.constant 48 : index
        %parallel_loop3A_268 = tpu.vector_load %arg20[%parallel_loop3A_266, %parallel_loop3A_267] {strides = array<i32>} : memref<128x128xf32, #tpu.memory_space<vmem>>, vector<1x16xf32>,
        %parallel_loop3A_269 = vector.shape_cast %parallel_loop3A_268 : vector<1x16xf32> to vector<16xf32>
        %parallel_loop3A_270 = vector.shape_cast %parallel_loop3A_265 : vector<16xf32> to vector<1x16xf32>
        tpu.vector_store %arg20[%parallel_loop3A_266, %parallel_loop3A_267], %parallel_loop3A_270 {strides = array<i32>} : memref<128x128xf32, #tpu.memory_space<vmem>>, vector<1x16xf32>,
        %parallel_loop3A_271 = vector.extract_strided_slice %parallel_loop3A_230 {offsets = [2], sizes = [1], strides = [1]} : vector<16xf32> to vector<1xf32>
        %parallel_loop3A_272 = vector.extract %parallel_loop3A_271[0] : f32 from vector<1xf32>
        %parallel_loop3A_273 = vector.broadcast %parallel_loop3A_272 : f32 to vector<16xf32>
        %parallel_loop3A_274 = arith.mulf %parallel_loop3A_234, %parallel_loop3A_273 : vector<16xf32>
        %parallel_loop3A_275 = arith.index_cast %parallel_loop3A_226 : i32 to index
        %parallel_loop3A_276 = arith.constant 64 : index
        %parallel_loop3A_277 = tpu.vector_load %arg20[%parallel_loop3A_275, %parallel_loop3A_276] {strides = array<i32>} : memref<128x128xf32, #tpu.memory_space<vmem>>, vector<1x16xf32>,
        %parallel_loop3A_278 = vector.shape_cast %parallel_loop3A_277 : vector<1x16xf32> to vector<16xf32>
        %parallel_loop3A_279 = vector.shape_cast %parallel_loop3A_274 : vector<16xf32> to vector<1x16xf32>
        tpu.vector_store %arg20[%parallel_loop3A_275, %parallel_loop3A_276], %parallel_loop3A_279 {strides = array<i32>} : memref<128x128xf32, #tpu.memory_space<vmem>>, vector<1x16xf32>,
        %parallel_loop3A_280 = vector.broadcast %parallel_loop3A_272 : f32 to vector<16xf32>
        %parallel_loop3A_281 = arith.mulf %parallel_loop3A_238, %parallel_loop3A_280 : vector<16xf32>
        %parallel_loop3A_282 = arith.index_cast %parallel_loop3A_226 : i32 to index
        %parallel_loop3A_283 = arith.constant 80 : index
        %parallel_loop3A_284 = tpu.vector_load %arg20[%parallel_loop3A_282, %parallel_loop3A_283] {strides = array<i32>} : memref<128x128xf32, #tpu.memory_space<vmem>>, vector<1x16xf32>,
        %parallel_loop3A_285 = vector.shape_cast %parallel_loop3A_284 : vector<1x16xf32> to vector<16xf32>
        %parallel_loop3A_286 = vector.shape_cast %parallel_loop3A_281 : vector<16xf32> to vector<1x16xf32>
        tpu.vector_store %arg20[%parallel_loop3A_282, %parallel_loop3A_283], %parallel_loop3A_286 {strides = array<i32>} : memref<128x128xf32, #tpu.memory_space<vmem>>, vector<1x16xf32>,
        %parallel_loop3A_287 = vector.extract_strided_slice %parallel_loop3A_230 {offsets = [3], sizes = [1], strides = [1]} : vector<16xf32> to vector<1xf32>
        %parallel_loop3A_288 = vector.extract %parallel_loop3A_287[0] : f32 from vector<1xf32>
        %parallel_loop3A_289 = vector.broadcast %parallel_loop3A_288 : f32 to vector<16xf32>
        %parallel_loop3A_290 = arith.mulf %parallel_loop3A_234, %parallel_loop3A_289 : vector<16xf32>
        %parallel_loop3A_291 = arith.index_cast %parallel_loop3A_226 : i32 to index
        %parallel_loop3A_292 = arith.constant 96 : index
        %parallel_loop3A_293 = tpu.vector_load %arg20[%parallel_loop3A_291, %parallel_loop3A_292] {strides = array<i32>} : memref<128x128xf32, #tpu.memory_space<vmem>>, vector<1x16xf32>,
        %parallel_loop3A_294 = vector.shape_cast %parallel_loop3A_293 : vector<1x16xf32> to vector<16xf32>
        %parallel_loop3A_295 = vector.shape_cast %parallel_loop3A_290 : vector<16xf32> to vector<1x16xf32>
        tpu.vector_store %arg20[%parallel_loop3A_291, %parallel_loop3A_292], %parallel_loop3A_295 {strides = array<i32>} : memref<128x128xf32, #tpu.memory_space<vmem>>, vector<1x16xf32>,
        %parallel_loop3A_296 = vector.broadcast %parallel_loop3A_288 : f32 to vector<16xf32>
        %parallel_loop3A_297 = arith.mulf %parallel_loop3A_238, %parallel_loop3A_296 : vector<16xf32>
        %parallel_loop3A_298 = arith.index_cast %parallel_loop3A_226 : i32 to index
        %parallel_loop3A_299 = arith.constant 112 : index
        %parallel_loop3A_300 = tpu.vector_load %arg20[%parallel_loop3A_298, %parallel_loop3A_299] {strides = array<i32>} : memref<128x128xf32, #tpu.memory_space<vmem>>, vector<1x16xf32>,
        %parallel_loop3A_301 = vector.shape_cast %parallel_loop3A_300 : vector<1x16xf32> to vector<16xf32>
        %parallel_loop3A_302 = vector.shape_cast %parallel_loop3A_297 : vector<16xf32> to vector<1x16xf32>
        tpu.vector_store %arg20[%parallel_loop3A_298, %parallel_loop3A_299], %parallel_loop3A_302 {strides = array<i32>} : memref<128x128xf32, #tpu.memory_space<vmem>>, vector<1x16xf32>,
      } {sc.loop_unroll_factor = 8 : i64, sc.parallel_access}
      %mul3A_211 = arith.constant 10752 : i32
      %mul3A_212 = arith.muli %arg1, %mul3A_211 : i32
      %mul3A_213 = arith.constant 128 : i32
      %mul3A_214 = arith.muli %add3A_178, %mul3A_213 : i32
      %add3A_215 = arith.addi %mul3A_212, %mul3A_214 : i32
      "tpu.region"() ({
        %run_scoped3A_226 = tpu.sem_alloc : memref<!tpu.dma_semaphore, #tpu.memory_space<semaphore_mem>>
        %dma_start3A_227 = tpu.memref_slice %arg8[%add3A_215] : memref<172032xi32, #tpu.memory_space<hbm>> -> memref<128xi32, #tpu.memory_space<hbm>>
        %dma_start3A_228 = tpu.memref_slice %arg8[%add3A_215] : memref<172032xi32, #tpu.memory_space<hbm>> -> memref<128xi32, #tpu.memory_space<hbm>>
        tpu.enqueue_dma source(%dma_start3A_228 : memref<128xi32, #tpu.memory_space<hbm>>) target(%arg14 : memref<128xi32, #tpu.memory_space<vmem>>) target_semaphore(%run_scoped3A_226 : memref<!tpu.dma_semaphore, #tpu.memory_space<semaphore_mem>>)
        %dma_wait3A_229 = tpu.memref_slice %arg8[%add3A_215] : memref<172032xi32, #tpu.memory_space<hbm>> -> memref<128xi32, #tpu.memory_space<hbm>>
        %dma_wait3A_230 = tpu.memref_slice %arg8[%add3A_215] : memref<172032xi32, #tpu.memory_space<hbm>> -> memref<128xi32, #tpu.memory_space<hbm>>
        tpu.wait_dma2 semaphore(%run_scoped3A_226 : memref<!tpu.dma_semaphore, #tpu.memory_space<semaphore_mem>>) src(%dma_wait3A_230 : memref<128xi32, #tpu.memory_space<hbm>>) dst(%arg14 : memref<128xi32, #tpu.memory_space<vmem>>)
        tpu.yield
      }) : () -> ()
      %dma_start3A_216 = arith.constant 0 : i32
      %dma_start3A_217 = arith.constant 0 : i32
      %dma_start3A_218 = tpu.memref_slice %arg21[%dma_start3A_216, %dma_start3A_217] : memref<10240x128xf32, #tpu.memory_space<vmem_shared>> -> memref<10240x128xf32, #tpu.memory_space<vmem_shared>>
      tpu.enqueue_indirect_dma source(%arg20 : memref<128x128xf32, #tpu.memory_space<vmem>>) target(%dma_start3A_218 : memref<10240x128xf32, #tpu.memory_space<vmem_shared>>) offsets(%arg14 : memref<128xi32, #tpu.memory_space<vmem>>) semaphore(%arg25 : memref<!tpu.dma_semaphore, #tpu.memory_space<semaphore_mem>>) {add = true}
      %add3A_219 = arith.constant 2 : i32
      %add3A_220 = arith.addi %add3A_178, %add3A_219 : i32
      %lt3A_221 = arith.constant 84 : i32
      %lt3A_222 = arith.cmpi slt, %add3A_220, %lt3A_221 : i32
      %convert_element_type3A_223 = arith.extui %lt3A_222 : i1 to i32
      %cond3A_224 = arith.constant 0 : i32
      %cond3A_225 = arith.cmpi ne, %convert_element_type3A_223, %cond3A_224 : i32
      scf.if %cond3A_225 {
        %add3A_226 = arith.constant 2 : i32
        %add3A_227 = arith.addi %add3A_178, %add3A_226 : i32
        %mul3A_228 = arith.constant 10752 : i32
        %mul3A_229 = arith.muli %arg1, %mul3A_228 : i32
        %mul3A_230 = arith.constant 128 : i32
        %mul3A_231 = arith.muli %add3A_227, %mul3A_230 : i32
        %add3A_232 = arith.addi %mul3A_229, %mul3A_231 : i32
        "tpu.region"() ({
          %run_scoped3A_254 = tpu.sem_alloc : memref<!tpu.dma_semaphore, #tpu.memory_space<semaphore_mem>>
          %dma_start3A_255 = tpu.memref_slice %arg7[%add3A_232] : memref<172032xi32, #tpu.memory_space<hbm>> -> memref<128xi32, #tpu.memory_space<hbm>>
          %dma_start3A_256 = tpu.memref_slice %arg7[%add3A_232] : memref<172032xi32, #tpu.memory_space<hbm>> -> memref<128xi32, #tpu.memory_space<hbm>>
          tpu.enqueue_dma source(%dma_start3A_256 : memref<128xi32, #tpu.memory_space<hbm>>) target(%arg12 : memref<128xi32, #tpu.memory_space<vmem>>) target_semaphore(%run_scoped3A_254 : memref<!tpu.dma_semaphore, #tpu.memory_space<semaphore_mem>>)
          %dma_wait3A_257 = tpu.memref_slice %arg7[%add3A_232] : memref<172032xi32, #tpu.memory_space<hbm>> -> memref<128xi32, #tpu.memory_space<hbm>>
          %dma_wait3A_258 = tpu.memref_slice %arg7[%add3A_232] : memref<172032xi32, #tpu.memory_space<hbm>> -> memref<128xi32, #tpu.memory_space<hbm>>
          tpu.wait_dma2 semaphore(%run_scoped3A_254 : memref<!tpu.dma_semaphore, #tpu.memory_space<semaphore_mem>>) src(%dma_wait3A_258 : memref<128xi32, #tpu.memory_space<hbm>>) dst(%arg12 : memref<128xi32, #tpu.memory_space<vmem>>)
          tpu.yield
        }) : () -> ()
        %eq3A_233 = arith.constant 0 : i32
        %eq3A_234 = arith.cmpi eq, %arg0, %eq3A_233 : i32
        %convert_element_type3A_235 = arith.extui %eq3A_234 : i1 to i32
        %cond3A_236 = arith.constant 0 : i32
        %cond3A_237 = arith.cmpi ne, %convert_element_type3A_235, %cond3A_236 : i32
        scf.if %cond3A_237 {
          %dma_start3A_254 = arith.constant 0 : i32
          %dma_start3A_255 = arith.constant 0 : i32
          %dma_start3A_256 = tpu.memref_slice %arg3[%dma_start3A_254, %dma_start3A_255] : memref<10240x32xf32, #tpu.memory_space<hbm>> -> memref<10240x32xf32, #tpu.memory_space<hbm>>
          tpu.enqueue_indirect_dma source(%dma_start3A_256 : memref<10240x32xf32, #tpu.memory_space<hbm>>) target(%arg16 : memref<128x32xf32, #tpu.memory_space<vmem>>) offsets(%arg12 : memref<128xi32, #tpu.memory_space<vmem>>) semaphore(%arg23 : memref<!tpu.dma_semaphore, #tpu.memory_space<semaphore_mem>>)
        } else {
        }
        %eq3A_238 = arith.constant 1 : i32
        %eq3A_239 = arith.cmpi eq, %arg0, %eq3A_238 : i32
        %convert_element_type3A_240 = arith.extui %eq3A_239 : i1 to i32
        %cond3A_241 = arith.constant 0 : i32
        %cond3A_242 = arith.cmpi ne, %convert_element_type3A_240, %cond3A_241 : i32
        scf.if %cond3A_242 {
          %dma_start3A_254 = arith.constant 0 : i32
          %dma_start3A_255 = arith.constant 0 : i32
          %dma_start3A_256 = tpu.memref_slice %arg5[%dma_start3A_254, %dma_start3A_255] : memref<10240x32xf32, #tpu.memory_space<hbm>> -> memref<10240x32xf32, #tpu.memory_space<hbm>>
          tpu.enqueue_indirect_dma source(%dma_start3A_256 : memref<10240x32xf32, #tpu.memory_space<hbm>>) target(%arg16 : memref<128x32xf32, #tpu.memory_space<vmem>>) offsets(%arg12 : memref<128xi32, #tpu.memory_space<vmem>>) semaphore(%arg23 : memref<!tpu.dma_semaphore, #tpu.memory_space<semaphore_mem>>)
        } else {
        }
        %add3A_243 = arith.constant 2 : i32
        %add3A_244 = arith.addi %add3A_178, %add3A_243 : i32
        %mul3A_245 = arith.constant 10752 : i32
        %mul3A_246 = arith.muli %arg1, %mul3A_245 : i32
        %mul3A_247 = arith.constant 128 : i32
        %mul3A_248 = arith.muli %add3A_244, %mul3A_247 : i32
        %add3A_249 = arith.addi %mul3A_246, %mul3A_248 : i32
        %dma_start3A_250 = arith.constant 0 : i32
        %dma_start3A_251 = tpu.memref_slice %arg6[%add3A_249, %dma_start3A_250] : memref<172032x16xf32, #tpu.memory_space<hbm>> -> memref<128x16xf32, #tpu.memory_space<hbm>>
        %dma_start3A_252 = arith.constant 0 : i32
        %dma_start3A_253 = tpu.memref_slice %arg6[%add3A_249, %dma_start3A_252] : memref<172032x16xf32, #tpu.memory_space<hbm>> -> memref<128x16xf32, #tpu.memory_space<hbm>>
        tpu.enqueue_dma source(%dma_start3A_253 : memref<128x16xf32, #tpu.memory_space<hbm>>) target(%arg18 : memref<128x16xf32, #tpu.memory_space<vmem>>) target_semaphore(%arg27 : memref<!tpu.dma_semaphore, #tpu.memory_space<semaphore_mem>>)
      } else {
      }
    }
    %scan3A_112 = arith.constant 42 : i32
    %dma_wait3A_113 = arith.constant 0 : i32
    %dma_wait3A_114 = arith.constant 0 : i32
    %dma_wait3A_115 = tpu.memref_slice %arg21[%dma_wait3A_113, %dma_wait3A_114] : memref<10240x128xf32, #tpu.memory_space<vmem_shared>> -> memref<10240x128xf32, #tpu.memory_space<vmem_shared>>
    tpu.wait_indirect_dma semaphore(%arg24 : memref<!tpu.dma_semaphore, #tpu.memory_space<semaphore_mem>>) src(%arg19 : memref<128x128xf32, #tpu.memory_space<vmem>>) dst(%dma_wait3A_115 : memref<10240x128xf32, #tpu.memory_space<vmem_shared>>)
    %dma_wait3A_116 = arith.constant 0 : i32
    %dma_wait3A_117 = arith.constant 0 : i32
    %dma_wait3A_118 = tpu.memref_slice %arg21[%dma_wait3A_116, %dma_wait3A_117] : memref<10240x128xf32, #tpu.memory_space<vmem_shared>> -> memref<10240x128xf32, #tpu.memory_space<vmem_shared>>
    tpu.wait_indirect_dma semaphore(%arg25 : memref<!tpu.dma_semaphore, #tpu.memory_space<semaphore_mem>>) src(%arg20 : memref<128x128xf32, #tpu.memory_space<vmem>>) dst(%dma_wait3A_118 : memref<10240x128xf32, #tpu.memory_space<vmem_shared>>)
    %barrier3A_119 = arith.constant 0 : index
    tpu.barrier barrier_id(%barrier3A_119)
    %mul3A_120 = arith.constant 640 : i32
    %mul3A_121 = arith.muli %arg1, %mul3A_120 : i32
    %mul3A_122 = arith.constant 640 : i32
    %mul3A_123 = arith.muli %arg1, %mul3A_122 : i32
    %run_scoped3A_124 = arith.constant 1 : i32
    "tpu.region"() ({
      %run_scoped3A_126 = tpu.sem_alloc : memref<!tpu.dma_semaphore, #tpu.memory_space<semaphore_mem>>
      %dma_start3A_127 = arith.constant 0 : i32
      %dma_start3A_128 = tpu.memref_slice %arg10[%arg0, %run_scoped3A_124, %mul3A_123, %dma_start3A_127] : memref<2x2x10240x128xf32, #tpu.memory_space<hbm>> -> memref<1x1x640x128xf32, #tpu.memory_space<hbm>>
      %dma_start3A_129 = tpu.memref_squeeze %dma_start3A_128 : memref<1x1x640x128xf32, #tpu.memory_space<hbm>> -> memref<640x128xf32, #tpu.memory_space<hbm>>
      %dma_start3A_130 = arith.constant 0 : i32
      %dma_start3A_131 = tpu.memref_slice %arg21[%mul3A_121, %dma_start3A_130] : memref<10240x128xf32, #tpu.memory_space<vmem_shared>> -> memref<640x128xf32, #tpu.memory_space<vmem_shared>>
      tpu.enqueue_dma source(%dma_start3A_131 : memref<640x128xf32, #tpu.memory_space<vmem_shared>>) target(%dma_start3A_129 : memref<640x128xf32, #tpu.memory_space<hbm>>) target_semaphore(%run_scoped3A_126 : memref<!tpu.dma_semaphore, #tpu.memory_space<semaphore_mem>>)
      %dma_wait3A_132 = arith.constant 0 : i32
      %dma_wait3A_133 = tpu.memref_slice %arg10[%arg0, %run_scoped3A_124, %mul3A_123, %dma_wait3A_132] : memref<2x2x10240x128xf32, #tpu.memory_space<hbm>> -> memref<1x1x640x128xf32, #tpu.memory_space<hbm>>
      %dma_wait3A_134 = tpu.memref_squeeze %dma_wait3A_133 : memref<1x1x640x128xf32, #tpu.memory_space<hbm>> -> memref<640x128xf32, #tpu.memory_space<hbm>>
      %dma_wait3A_135 = arith.constant 0 : i32
      %dma_wait3A_136 = tpu.memref_slice %arg21[%mul3A_121, %dma_wait3A_135] : memref<10240x128xf32, #tpu.memory_space<vmem_shared>> -> memref<640x128xf32, #tpu.memory_space<vmem_shared>>
      tpu.wait_dma2 semaphore(%run_scoped3A_126 : memref<!tpu.dma_semaphore, #tpu.memory_space<semaphore_mem>>) src(%dma_wait3A_136 : memref<640x128xf32, #tpu.memory_space<vmem_shared>>) dst(%dma_wait3A_134 : memref<640x128xf32, #tpu.memory_space<hbm>>)
      tpu.yield
    }) : () -> ()
    %barrier3A_125 = arith.constant 0 : index
    tpu.barrier barrier_id(%barrier3A_125)
    return
  }
}

module attributes {stable_mosaic.version = 14 : i64} {
  func.func @_gcn_dense_body(%arg0: i32, %arg1: memref<2x1280x16xf32, #tpu.memory_space<vmem>>, %arg2: memref<1280x1xf32, #tpu.memory_space<vmem>>, %arg3: memref<16x64xf32, #tpu.memory_space<vmem>>, %arg4: memref<1x64xf32, #tpu.memory_space<vmem>>, %arg5: memref<1280x64xf32, #tpu.memory_space<vmem>>) attributes {dimension_semantics = [#tpu.dimension_semantics<arbitrary>], iteration_bounds = array<i64: 8>, scalar_prefetch = 0 : i64, scratch_operands = 0 : i64, tpu.core_type = #tpu.core_type<tc>, window_params = [{transform_indices = @transform_0, window_bounds = array<i64: 2, 1280, 16>}, {transform_indices = @transform_1, window_bounds = array<i64: 1280, 1>}, {pipeline_mode = #tpu.pipeline_mode<synchronous>, transform_indices = @transform_2, window_bounds = array<i64: 16, 64>}, {pipeline_mode = #tpu.pipeline_mode<synchronous>, transform_indices = @transform_3, window_bounds = array<i64: 1, 64>}, {transform_indices = @transform_4, window_bounds = array<i64: 1280, 64>}]} {
    %get3A = arith.constant 0 : index
    %get3A_0 = arith.constant 0 : index
    %get3A_1 = arith.constant 0 : index
    %get3A_2 = vector.load %arg1[%get3A, %get3A_0, %get3A_1] : memref<2x1280x16xf32, #tpu.memory_space<vmem>>, vector<1x1280x16xf32>
    %get3A_3 = vector.shape_cast %get3A_2 : vector<1x1280x16xf32> to vector<1280x16xf32>
    %get3A_4 = arith.constant 1 : index
    %get3A_5 = arith.constant 0 : index
    %get3A_6 = arith.constant 0 : index
    %get3A_7 = vector.load %arg1[%get3A_4, %get3A_5, %get3A_6] : memref<2x1280x16xf32, #tpu.memory_space<vmem>>, vector<1x1280x16xf32>
    %get3A_8 = vector.shape_cast %get3A_7 : vector<1x1280x16xf32> to vector<1280x16xf32>
    %add3A = arith.addf %get3A_3, %get3A_8 : vector<1280x16xf32>
    %get3A_9 = arith.constant 0 : index
    %get3A_10 = arith.constant 0 : index
    %get3A_11 = vector.load %arg2[%get3A_9, %get3A_10] : memref<1280x1xf32, #tpu.memory_space<vmem>>, vector<1280x1xf32>
    %mul3A = vector.broadcast %get3A_11 : vector<1280x1xf32> to vector<1280x16xf32>
    %mul3A_12 = arith.mulf %add3A, %mul3A : vector<1280x16xf32>
    %get3A_13 = arith.constant 0 : index
    %get3A_14 = arith.constant 0 : index
    %get3A_15 = vector.load %arg3[%get3A_13, %get3A_14] : memref<16x64xf32, #tpu.memory_space<vmem>>, vector<16x64xf32>
    %dot_general3A = arith.constant dense<0.000000e+00> : vector<1280x64xf32>
    %dot_general3A_16 = tpu.matmul %mul3A_12, %get3A_15, %dot_general3A {dimension_numbers = #tpu.dot_dimension_numbers<[1], [0], [0], [1], [0, 0, 1, 1], [], []>, transpose_lhs_hint = false} : vector<1280x16xf32>, vector<16x64xf32>, vector<1280x64xf32> -> vector<1280x64xf32>
    %get3A_17 = arith.constant 0 : index
    %get3A_18 = arith.constant 0 : index
    %get3A_19 = vector.load %arg4[%get3A_17, %get3A_18] : memref<1x64xf32, #tpu.memory_space<vmem>>, vector<1x64xf32>
    %add3A_20 = vector.broadcast %get3A_19 : vector<1x64xf32> to vector<1280x64xf32>
    %add3A_21 = arith.addf %dot_general3A_16, %add3A_20 : vector<1280x64xf32>
    %max3A = arith.constant 0.000000e+00 : f32
    %max3A_22 = vector.broadcast %max3A : f32 to vector<1280x64xf32>
    %max3A_23 = arith.maximumf %add3A_21, %max3A_22 : vector<1280x64xf32>
    %get3A_24 = arith.constant 0 : index
    %get3A_25 = arith.constant 0 : index
    %get3A_26 = vector.load %arg2[%get3A_24, %get3A_25] : memref<1280x1xf32, #tpu.memory_space<vmem>>, vector<1280x1xf32>
    %mul3A_27 = vector.broadcast %get3A_26 : vector<1280x1xf32> to vector<1280x64xf32>
    %mul3A_28 = arith.mulf %max3A_23, %mul3A_27 : vector<1280x64xf32>
    %swap3A = arith.constant 0 : index
    %swap3A_29 = arith.constant 0 : index
    %swap3A_30 = vector.load %arg5[%swap3A, %swap3A_29] : memref<1280x64xf32, #tpu.memory_space<vmem>>, vector<1280x64xf32>
    tpu.vector_store %arg5[%swap3A, %swap3A_29], %mul3A_28 {strides = array<i32>} : memref<1280x64xf32, #tpu.memory_space<vmem>>, vector<1280x64xf32>,
    return
  }
  func.func @transform_0(%arg0: i32) -> (i32, i32, i32) {
    %c0_i32 = arith.constant 0 : i32
    %c0_i32_0 = arith.constant 0 : i32
    %c0_i32_1 = arith.constant 0 : i32
    return %c0_i32, %arg0, %c0_i32_0 : i32, i32, i32
  }
  func.func @transform_1(%arg0: i32) -> (i32, i32) {
    %c0_i32 = arith.constant 0 : i32
    %c0_i32_0 = arith.constant 0 : i32
    return %arg0, %c0_i32 : i32, i32
  }
  func.func @transform_2(%arg0: i32) -> (i32, i32) {
    %c0_i32 = arith.constant 0 : i32
    %c0_i32_0 = arith.constant 0 : i32
    %c0_i32_1 = arith.constant 0 : i32
    return %c0_i32, %c0_i32_0 : i32, i32
  }
  func.func @transform_3(%arg0: i32) -> (i32, i32) {
    %c0_i32 = arith.constant 0 : i32
    %c0_i32_0 = arith.constant 0 : i32
    %c0_i32_1 = arith.constant 0 : i32
    return %c0_i32, %c0_i32_0 : i32, i32
  }
  func.func @transform_4(%arg0: i32) -> (i32, i32) {
    %c0_i32 = arith.constant 0 : i32
    %c0_i32_0 = arith.constant 0 : i32
    return %arg0, %c0_i32 : i32, i32
  }
}

module attributes {stable_mosaic.version = 14 : i64} {
  func.func @_gat_prep_body(%arg0: i32, %arg1: memref<2x1280x64xf32, #tpu.memory_space<vmem>>, %arg2: memref<1280x1xf32, #tpu.memory_space<vmem>>, %arg3: memref<64x128xf32, #tpu.memory_space<vmem>>, %arg4: memref<1x128xf32, #tpu.memory_space<vmem>>, %arg5: memref<128x4xf32, #tpu.memory_space<vmem>>, %arg6: memref<128x4xf32, #tpu.memory_space<vmem>>, %arg7: memref<1280x128xf32, #tpu.memory_space<vmem>>, %arg8: memref<1280x16xf32, #tpu.memory_space<vmem>>, %arg9: memref<1280x16xf32, #tpu.memory_space<vmem>>, %arg10: memref<1280x16xf32, #tpu.memory_space<vmem>>) attributes {dimension_semantics = [#tpu.dimension_semantics<arbitrary>], iteration_bounds = array<i64: 8>, scalar_prefetch = 0 : i64, scratch_operands = 0 : i64, tpu.core_type = #tpu.core_type<tc>, window_params = [{transform_indices = @transform_0, window_bounds = array<i64: 2, 1280, 64>}, {transform_indices = @transform_1, window_bounds = array<i64: 1280, 1>}, {pipeline_mode = #tpu.pipeline_mode<synchronous>, transform_indices = @transform_2, window_bounds = array<i64: 64, 128>}, {pipeline_mode = #tpu.pipeline_mode<synchronous>, transform_indices = @transform_3, window_bounds = array<i64: 1, 128>}, {pipeline_mode = #tpu.pipeline_mode<synchronous>, transform_indices = @transform_4, window_bounds = array<i64: 128, 4>}, {pipeline_mode = #tpu.pipeline_mode<synchronous>, transform_indices = @transform_5, window_bounds = array<i64: 128, 4>}, {transform_indices = @transform_6, window_bounds = array<i64: 1280, 128>}, {transform_indices = @transform_7, window_bounds = array<i64: 1280, 16>}, {transform_indices = @transform_8, window_bounds = array<i64: 1280, 16>}, {transform_indices = @transform_9, window_bounds = array<i64: 1280, 16>}]} {
    %get3A = arith.constant 0 : index
    %get3A_0 = arith.constant 0 : index
    %get3A_1 = arith.constant 0 : index
    %get3A_2 = vector.load %arg1[%get3A, %get3A_0, %get3A_1] : memref<2x1280x64xf32, #tpu.memory_space<vmem>>, vector<1x1280x64xf32>
    %get3A_3 = vector.shape_cast %get3A_2 : vector<1x1280x64xf32> to vector<1280x64xf32>
    %get3A_4 = arith.constant 1 : index
    %get3A_5 = arith.constant 0 : index
    %get3A_6 = arith.constant 0 : index
    %get3A_7 = vector.load %arg1[%get3A_4, %get3A_5, %get3A_6] : memref<2x1280x64xf32, #tpu.memory_space<vmem>>, vector<1x1280x64xf32>
    %get3A_8 = vector.shape_cast %get3A_7 : vector<1x1280x64xf32> to vector<1280x64xf32>
    %add3A = arith.addf %get3A_3, %get3A_8 : vector<1280x64xf32>
    %get3A_9 = arith.constant 0 : index
    %get3A_10 = arith.constant 0 : index
    %get3A_11 = vector.load %arg2[%get3A_9, %get3A_10] : memref<1280x1xf32, #tpu.memory_space<vmem>>, vector<1280x1xf32>
    %mul3A = vector.broadcast %get3A_11 : vector<1280x1xf32> to vector<1280x64xf32>
    %mul3A_12 = arith.mulf %add3A, %mul3A : vector<1280x64xf32>
    %get3A_13 = arith.constant 0 : index
    %get3A_14 = arith.constant 0 : index
    %get3A_15 = vector.load %arg3[%get3A_13, %get3A_14] : memref<64x128xf32, #tpu.memory_space<vmem>>, vector<64x128xf32>
    %dot_general3A = arith.constant dense<0.000000e+00> : vector<1280x128xf32>
    %dot_general3A_16 = tpu.matmul %mul3A_12, %get3A_15, %dot_general3A {dimension_numbers = #tpu.dot_dimension_numbers<[1], [0], [0], [1], [0, 0, 1, 1], [], []>, transpose_lhs_hint = false} : vector<1280x64xf32>, vector<64x128xf32>, vector<1280x128xf32> -> vector<1280x128xf32>
    %get3A_17 = arith.constant 0 : index
    %get3A_18 = arith.constant 0 : index
    %get3A_19 = vector.load %arg4[%get3A_17, %get3A_18] : memref<1x128xf32, #tpu.memory_space<vmem>>, vector<1x128xf32>
    %add3A_20 = vector.broadcast %get3A_19 : vector<1x128xf32> to vector<1280x128xf32>
    %add3A_21 = arith.addf %dot_general3A_16, %add3A_20 : vector<1280x128xf32>
    %max3A = arith.constant 0.000000e+00 : f32
    %max3A_22 = vector.broadcast %max3A : f32 to vector<1280x128xf32>
    %max3A_23 = arith.maximumf %add3A_21, %max3A_22 : vector<1280x128xf32>
    %swap3A = arith.constant 0 : index
    %swap3A_24 = arith.constant 0 : index
    %swap3A_25 = vector.load %arg7[%swap3A, %swap3A_24] : memref<1280x128xf32, #tpu.memory_space<vmem>>, vector<1280x128xf32>
    tpu.vector_store %arg7[%swap3A, %swap3A_24], %max3A_23 {strides = array<i32>} : memref<1280x128xf32, #tpu.memory_space<vmem>>, vector<1280x128xf32>,
    %get3A_26 = arith.constant 0 : index
    %get3A_27 = arith.constant 0 : index
    %get3A_28 = vector.load %arg5[%get3A_26, %get3A_27] : memref<128x4xf32, #tpu.memory_space<vmem>>, vector<128x4xf32>
    %dot_general3A_29 = arith.constant dense<0.000000e+00> : vector<1280x4xf32>
    %dot_general3A_30 = tpu.matmul %max3A_23, %get3A_28, %dot_general3A_29 {dimension_numbers = #tpu.dot_dimension_numbers<[1], [0], [0], [1], [0, 0, 1, 1], [], []>, transpose_lhs_hint = false} : vector<1280x128xf32>, vector<128x4xf32>, vector<1280x4xf32> -> vector<1280x4xf32>
    %get3A_31 = arith.constant 0 : index
    %get3A_32 = arith.constant 0 : index
    %get3A_33 = vector.load %arg6[%get3A_31, %get3A_32] : memref<128x4xf32, #tpu.memory_space<vmem>>, vector<128x4xf32>
    %dot_general3A_34 = arith.constant dense<0.000000e+00> : vector<1280x4xf32>
    %dot_general3A_35 = tpu.matmul %max3A_23, %get3A_33, %dot_general3A_34 {dimension_numbers = #tpu.dot_dimension_numbers<[1], [0], [0], [1], [0, 0, 1, 1], [], []>, transpose_lhs_hint = false} : vector<1280x128xf32>, vector<128x4xf32>, vector<1280x4xf32> -> vector<1280x4xf32>
    %add3A_36 = arith.addf %dot_general3A_30, %dot_general3A_35 : vector<1280x4xf32>
    %mul3A_37 = arith.constant 2.000000e-01 : f32
    %mul3A_38 = vector.broadcast %mul3A_37 : f32 to vector<1280x4xf32>
    %mul3A_39 = arith.mulf %mul3A_38, %add3A_36 : vector<1280x4xf32>
    %max3A_40 = arith.maximumf %add3A_36, %mul3A_39 : vector<1280x4xf32>
    %broadcast_in_dim3A = arith.constant 0.000000e+00 : f32
    %broadcast_in_dim3A_41 = vector.broadcast %broadcast_in_dim3A : f32 to vector<1280x12xf32>
    %concatenate3A = tpu.concatenate %dot_general3A_30, %broadcast_in_dim3A_41 in 1 : vector<1280x4xf32>, vector<1280x12xf32> -> vector<1280x16xf32>
    %swap3A_42 = arith.constant 0 : index
    %swap3A_43 = arith.constant 0 : index
    %swap3A_44 = vector.load %arg8[%swap3A_42, %swap3A_43] : memref<1280x16xf32, #tpu.memory_space<vmem>>, vector<1280x16xf32>
    tpu.vector_store %arg8[%swap3A_42, %swap3A_43], %concatenate3A {strides = array<i32>} : memref<1280x16xf32, #tpu.memory_space<vmem>>, vector<1280x16xf32>,
    %concatenate3A_45 = tpu.concatenate %dot_general3A_35, %broadcast_in_dim3A_41 in 1 : vector<1280x4xf32>, vector<1280x12xf32> -> vector<1280x16xf32>
    %swap3A_46 = arith.constant 0 : index
    %swap3A_47 = arith.constant 0 : index
    %swap3A_48 = vector.load %arg9[%swap3A_46, %swap3A_47] : memref<1280x16xf32, #tpu.memory_space<vmem>>, vector<1280x16xf32>
    tpu.vector_store %arg9[%swap3A_46, %swap3A_47], %concatenate3A_45 {strides = array<i32>} : memref<1280x16xf32, #tpu.memory_space<vmem>>, vector<1280x16xf32>,
    %concatenate3A_49 = tpu.concatenate %max3A_40, %broadcast_in_dim3A_41 in 1 : vector<1280x4xf32>, vector<1280x12xf32> -> vector<1280x16xf32>
    %swap3A_50 = arith.constant 0 : index
    %swap3A_51 = arith.constant 0 : index
    %swap3A_52 = vector.load %arg10[%swap3A_50, %swap3A_51] : memref<1280x16xf32, #tpu.memory_space<vmem>>, vector<1280x16xf32>
    tpu.vector_store %arg10[%swap3A_50, %swap3A_51], %concatenate3A_49 {strides = array<i32>} : memref<1280x16xf32, #tpu.memory_space<vmem>>, vector<1280x16xf32>,
    return
  }
  func.func @transform_0(%arg0: i32) -> (i32, i32, i32) {
    %c0_i32 = arith.constant 0 : i32
    %c0_i32_0 = arith.constant 0 : i32
    %c0_i32_1 = arith.constant 0 : i32
    return %c0_i32, %arg0, %c0_i32_0 : i32, i32, i32
  }
  func.func @transform_1(%arg0: i32) -> (i32, i32) {
    %c0_i32 = arith.constant 0 : i32
    %c0_i32_0 = arith.constant 0 : i32
    return %arg0, %c0_i32 : i32, i32
  }
  func.func @transform_2(%arg0: i32) -> (i32, i32) {
    %c0_i32 = arith.constant 0 : i32
    %c0_i32_0 = arith.constant 0 : i32
    %c0_i32_1 = arith.constant 0 : i32
    return %c0_i32, %c0_i32_0 : i32, i32
  }
  func.func @transform_3(%arg0: i32) -> (i32, i32) {
    %c0_i32 = arith.constant 0 : i32
    %c0_i32_0 = arith.constant 0 : i32
    %c0_i32_1 = arith.constant 0 : i32
    return %c0_i32, %c0_i32_0 : i32, i32
  }
  func.func @transform_4(%arg0: i32) -> (i32, i32) {
    %c0_i32 = arith.constant 0 : i32
    %c0_i32_0 = arith.constant 0 : i32
    %c0_i32_1 = arith.constant 0 : i32
    return %c0_i32, %c0_i32_0 : i32, i32
  }
  func.func @transform_5(%arg0: i32) -> (i32, i32) {
    %c0_i32 = arith.constant 0 : i32
    %c0_i32_0 = arith.constant 0 : i32
    %c0_i32_1 = arith.constant 0 : i32
    return %c0_i32, %c0_i32_0 : i32, i32
  }
  func.func @transform_6(%arg0: i32) -> (i32, i32) {
    %c0_i32 = arith.constant 0 : i32
    %c0_i32_0 = arith.constant 0 : i32
    return %arg0, %c0_i32 : i32, i32
  }
  func.func @transform_7(%arg0: i32) -> (i32, i32) {
    %c0_i32 = arith.constant 0 : i32
    %c0_i32_0 = arith.constant 0 : i32
    return %arg0, %c0_i32 : i32, i32
  }
  func.func @transform_8(%arg0: i32) -> (i32, i32) {
    %c0_i32 = arith.constant 0 : i32
    %c0_i32_0 = arith.constant 0 : i32
    return %arg0, %c0_i32 : i32, i32
  }
  func.func @transform_9(%arg0: i32) -> (i32, i32) {
    %c0_i32 = arith.constant 0 : i32
    %c0_i32_0 = arith.constant 0 : i32
    return %arg0, %c0_i32 : i32, i32
  }
}

module attributes {stable_mosaic.version = 14 : i64} {
  func.func @_tail_body(%arg0: i32, %arg1: memref<4x400x128xf32, #tpu.memory_space<vmem>>, %arg2: memref<2x400x16xf32, #tpu.memory_space<vmem>>, %arg3: memref<512x256xf32, #tpu.memory_space<vmem>>, %arg4: memref<1x256xf32, #tpu.memory_space<vmem>>, %arg5: memref<256x256xf32, #tpu.memory_space<vmem>>, %arg6: memref<1x256xf32, #tpu.memory_space<vmem>>, %arg7: memref<256x1xf32, #tpu.memory_space<vmem>>, %arg8: memref<1x1xf32, #tpu.memory_space<vmem>>, %arg9: memref<256x256xf32, #tpu.memory_space<vmem>>, %arg10: memref<1x256xf32, #tpu.memory_space<vmem>>, %arg11: memref<400x256xf32, #tpu.memory_space<vmem>>, %arg12: memref<1x256xf32, #tpu.memory_space<vmem>>, %arg13: memref<1x1xf32, #tpu.memory_space<smem>>, %arg14: memref<1x1xf32, #tpu.memory_space<smem>>, %arg15: memref<1x256xf32, #tpu.memory_space<vmem>>) attributes {dimension_semantics = [#tpu.dimension_semantics<arbitrary>], iteration_bounds = array<i64: 25>, scalar_prefetch = 0 : i64, scratch_operands = 3 : i64, tpu.core_type = #tpu.core_type<tc>, window_params = [{transform_indices = @transform_0, window_bounds = array<i64: 4, 400, 128>}, {transform_indices = @transform_1, window_bounds = array<i64: 2, 400, 16>}, {pipeline_mode = #tpu.pipeline_mode<synchronous>, transform_indices = @transform_2, window_bounds = array<i64: 512, 256>}, {pipeline_mode = #tpu.pipeline_mode<synchronous>, transform_indices = @transform_3, window_bounds = array<i64: 1, 256>}, {pipeline_mode = #tpu.pipeline_mode<synchronous>, transform_indices = @transform_4, window_bounds = array<i64: 256, 256>}, {pipeline_mode = #tpu.pipeline_mode<synchronous>, transform_indices = @transform_5, window_bounds = array<i64: 1, 256>}, {pipeline_mode = #tpu.pipeline_mode<synchronous>, transform_indices = @transform_6, window_bounds = array<i64: 256, 1>}, {pipeline_mode = #tpu.pipeline_mode<synchronous>, transform_indices = @transform_7, window_bounds = array<i64: 1, 1>}, {pipeline_mode = #tpu.pipeline_mode<synchronous>, transform_indices = @transform_8, window_bounds = array<i64: 256, 256>}, {pipeline_mode = #tpu.pipeline_mode<synchronous>, transform_indices = @transform_9, window_bounds = array<i64: 1, 256>}, {transform_indices = @transform_10, window_bounds = array<i64: 400, 256>}, {pipeline_mode = #tpu.pipeline_mode<synchronous>, transform_indices = @transform_11, window_bounds = array<i64: 1, 256>}]} {
    %eq3A = arith.constant 0 : i32
    %eq3A_0 = arith.cmpi eq, %arg0, %eq3A : i32
    %convert_element_type3A = arith.extui %eq3A_0 : i1 to i32
    %cond3A = arith.constant 0 : i32
    %cond3A_1 = arith.cmpi ne, %convert_element_type3A, %cond3A : i32
    scf.if %cond3A_1 {
      %swap3A_148 = arith.constant 0xFF800000 : f32
      %swap3A_149 = arith.constant 0 : index
      %swap3A_150 = arith.constant 0 : index
      %swap3A_151 = memref.load %arg13[%swap3A_149, %swap3A_150] : memref<1x1xf32, #tpu.memory_space<smem>>
      memref.store %swap3A_148, %arg13[%swap3A_149, %swap3A_150] : memref<1x1xf32, #tpu.memory_space<smem>>
      %swap3A_152 = arith.constant 0.000000e+00 : f32
      %swap3A_153 = arith.constant 0 : index
      %swap3A_154 = arith.constant 0 : index
      %swap3A_155 = memref.load %arg14[%swap3A_153, %swap3A_154] : memref<1x1xf32, #tpu.memory_space<smem>>
      memref.store %swap3A_152, %arg14[%swap3A_153, %swap3A_154] : memref<1x1xf32, #tpu.memory_space<smem>>
      %broadcast_in_dim3A_156 = arith.constant 0.000000e+00 : f32
      %broadcast_in_dim3A_157 = vector.broadcast %broadcast_in_dim3A_156 : f32 to vector<1x256xf32>
      %swap3A_158 = arith.constant 0 : index
      %swap3A_159 = arith.constant 0 : index
      %swap3A_160 = vector.load %arg15[%swap3A_158, %swap3A_159] : memref<1x256xf32, #tpu.memory_space<vmem>>, vector<1x256xf32>
      tpu.vector_store %arg15[%swap3A_158, %swap3A_159], %broadcast_in_dim3A_157 {strides = array<i32>} : memref<1x256xf32, #tpu.memory_space<vmem>>, vector<1x256xf32>,
    } else {
    }
    %get3A = arith.constant 0 : index
    %get3A_2 = arith.constant 0 : index
    %get3A_3 = arith.constant 0 : index
    %get3A_4 = vector.load %arg2[%get3A, %get3A_2, %get3A_3] : memref<2x400x16xf32, #tpu.memory_space<vmem>>, vector<1x400x16xf32>
    %get3A_5 = vector.shape_cast %get3A_4 : vector<1x400x16xf32> to vector<400x16xf32>
    %get3A_6 = arith.constant 1 : index
    %get3A_7 = arith.constant 0 : index
    %get3A_8 = arith.constant 0 : index
    %get3A_9 = vector.load %arg2[%get3A_6, %get3A_7, %get3A_8] : memref<2x400x16xf32, #tpu.memory_space<vmem>>, vector<1x400x16xf32>
    %get3A_10 = vector.shape_cast %get3A_9 : vector<1x400x16xf32> to vector<400x16xf32>
    %add3A = arith.addf %get3A_5, %get3A_10 : vector<400x16xf32>
    %add3A_11 = arith.constant 1.000000e-16 : f32
    %add3A_12 = vector.broadcast %add3A_11 : f32 to vector<400x16xf32>
    %add3A_13 = arith.addf %add3A, %add3A_12 : vector<400x16xf32>
    %div3A = arith.constant 1.000000e+00 : f32
    %div3A_14 = vector.broadcast %div3A : f32 to vector<400x16xf32>
    %div3A_15 = arith.divf %div3A_14, %add3A_13 : vector<400x16xf32>
    %broadcast_in_dim3A = arith.constant 0.000000e+00 : f32
    %broadcast_in_dim3A_16 = vector.broadcast %broadcast_in_dim3A : f32 to vector<400x256xf32>
    %get3A_17 = arith.constant 0 : index
    %get3A_18 = arith.constant 0 : index
    %get3A_19 = arith.constant 0 : index
    %get3A_20 = vector.load %arg1[%get3A_17, %get3A_18, %get3A_19] : memref<4x400x128xf32, #tpu.memory_space<vmem>>, vector<1x400x128xf32>
    %get3A_21 = vector.shape_cast %get3A_20 : vector<1x400x128xf32> to vector<400x128xf32>
    %slice3A = vector.extract_strided_slice %div3A_15 {offsets = [0, 0], sizes = [400, 1], strides = [1, 1]} : vector<400x16xf32> to vector<400x1xf32>
    %mul3A = vector.broadcast %slice3A : vector<400x1xf32> to vector<400x128xf32>
    %mul3A_22 = arith.mulf %get3A_21, %mul3A : vector<400x128xf32>
    %get3A_23 = arith.constant 0 : index
    %get3A_24 = arith.constant 0 : index
    %get3A_25 = vector.load %arg3[%get3A_23, %get3A_24] : memref<512x256xf32, #tpu.memory_space<vmem>>, vector<128x256xf32>
    %dot_general3A = arith.constant dense<0.000000e+00> : vector<400x256xf32>
    %dot_general3A_26 = tpu.matmul %mul3A_22, %get3A_25, %dot_general3A {dimension_numbers = #tpu.dot_dimension_numbers<[1], [0], [0], [1], [0, 0, 1, 1], [], []>, transpose_lhs_hint = false} : vector<400x128xf32>, vector<128x256xf32>, vector<400x256xf32> -> vector<400x256xf32>
    %add3A_27 = arith.addf %broadcast_in_dim3A_16, %dot_general3A_26 : vector<400x256xf32>
    %get3A_28 = arith.constant 1 : index
    %get3A_29 = arith.constant 0 : index
    %get3A_30 = arith.constant 0 : index
    %get3A_31 = vector.load %arg1[%get3A_28, %get3A_29, %get3A_30] : memref<4x400x128xf32, #tpu.memory_space<vmem>>, vector<1x400x128xf32>
    %get3A_32 = vector.shape_cast %get3A_31 : vector<1x400x128xf32> to vector<400x128xf32>
    %slice3A_33 = vector.extract_strided_slice %div3A_15 {offsets = [0, 1], sizes = [400, 1], strides = [1, 1]} : vector<400x16xf32> to vector<400x1xf32>
    %mul3A_34 = vector.broadcast %slice3A_33 : vector<400x1xf32> to vector<400x128xf32>
    %mul3A_35 = arith.mulf %get3A_32, %mul3A_34 : vector<400x128xf32>
    %get3A_36 = arith.constant 128 : index
    %get3A_37 = arith.constant 0 : index
    %get3A_38 = vector.load %arg3[%get3A_36, %get3A_37] : memref<512x256xf32, #tpu.memory_space<vmem>>, vector<128x256xf32>
    %dot_general3A_39 = arith.constant dense<0.000000e+00> : vector<400x256xf32>
    %dot_general3A_40 = tpu.matmul %mul3A_35, %get3A_38, %dot_general3A_39 {dimension_numbers = #tpu.dot_dimension_numbers<[1], [0], [0], [1], [0, 0, 1, 1], [], []>, transpose_lhs_hint = false} : vector<400x128xf32>, vector<128x256xf32>, vector<400x256xf32> -> vector<400x256xf32>
    %add3A_41 = arith.addf %add3A_27, %dot_general3A_40 : vector<400x256xf32>
    %get3A_42 = arith.constant 2 : index
    %get3A_43 = arith.constant 0 : index
    %get3A_44 = arith.constant 0 : index
    %get3A_45 = vector.load %arg1[%get3A_42, %get3A_43, %get3A_44] : memref<4x400x128xf32, #tpu.memory_space<vmem>>, vector<1x400x128xf32>
    %get3A_46 = vector.shape_cast %get3A_45 : vector<1x400x128xf32> to vector<400x128xf32>
    %slice3A_47 = vector.extract_strided_slice %div3A_15 {offsets = [0, 2], sizes = [400, 1], strides = [1, 1]} : vector<400x16xf32> to vector<400x1xf32>
    %mul3A_48 = vector.broadcast %slice3A_47 : vector<400x1xf32> to vector<400x128xf32>
    %mul3A_49 = arith.mulf %get3A_46, %mul3A_48 : vector<400x128xf32>
    %get3A_50 = arith.constant 256 : index
    %get3A_51 = arith.constant 0 : index
    %get3A_52 = vector.load %arg3[%get3A_50, %get3A_51] : memref<512x256xf32, #tpu.memory_space<vmem>>, vector<128x256xf32>
    %dot_general3A_53 = arith.constant dense<0.000000e+00> : vector<400x256xf32>
    %dot_general3A_54 = tpu.matmul %mul3A_49, %get3A_52, %dot_general3A_53 {dimension_numbers = #tpu.dot_dimension_numbers<[1], [0], [0], [1], [0, 0, 1, 1], [], []>, transpose_lhs_hint = false} : vector<400x128xf32>, vector<128x256xf32>, vector<400x256xf32> -> vector<400x256xf32>
    %add3A_55 = arith.addf %add3A_41, %dot_general3A_54 : vector<400x256xf32>
    %get3A_56 = arith.constant 3 : index
    %get3A_57 = arith.constant 0 : index
    %get3A_58 = arith.constant 0 : index
    %get3A_59 = vector.load %arg1[%get3A_56, %get3A_57, %get3A_58] : memref<4x400x128xf32, #tpu.memory_space<vmem>>, vector<1x400x128xf32>
    %get3A_60 = vector.shape_cast %get3A_59 : vector<1x400x128xf32> to vector<400x128xf32>
    %slice3A_61 = vector.extract_strided_slice %div3A_15 {offsets = [0, 3], sizes = [400, 1], strides = [1, 1]} : vector<400x16xf32> to vector<400x1xf32>
    %mul3A_62 = vector.broadcast %slice3A_61 : vector<400x1xf32> to vector<400x128xf32>
    %mul3A_63 = arith.mulf %get3A_60, %mul3A_62 : vector<400x128xf32>
    %get3A_64 = arith.constant 384 : index
    %get3A_65 = arith.constant 0 : index
    %get3A_66 = vector.load %arg3[%get3A_64, %get3A_65] : memref<512x256xf32, #tpu.memory_space<vmem>>, vector<128x256xf32>
    %dot_general3A_67 = arith.constant dense<0.000000e+00> : vector<400x256xf32>
    %dot_general3A_68 = tpu.matmul %mul3A_63, %get3A_66, %dot_general3A_67 {dimension_numbers = #tpu.dot_dimension_numbers<[1], [0], [0], [1], [0, 0, 1, 1], [], []>, transpose_lhs_hint = false} : vector<400x128xf32>, vector<128x256xf32>, vector<400x256xf32> -> vector<400x256xf32>
    %add3A_69 = arith.addf %add3A_55, %dot_general3A_68 : vector<400x256xf32>
    %mul3A_70 = arith.constant 2.500000e-01 : f32
    %mul3A_71 = vector.broadcast %mul3A_70 : f32 to vector<400x256xf32>
    %mul3A_72 = arith.mulf %add3A_69, %mul3A_71 : vector<400x256xf32>
    %get3A_73 = arith.constant 0 : index
    %get3A_74 = arith.constant 0 : index
    %get3A_75 = vector.load %arg4[%get3A_73, %get3A_74] : memref<1x256xf32, #tpu.memory_space<vmem>>, vector<1x256xf32>
    %add3A_76 = vector.broadcast %get3A_75 : vector<1x256xf32> to vector<400x256xf32>
    %add3A_77 = arith.addf %mul3A_72, %add3A_76 : vector<400x256xf32>
    %swap3A = arith.constant 0 : index
    %swap3A_78 = arith.constant 0 : index
    %swap3A_79 = vector.load %arg11[%swap3A, %swap3A_78] : memref<400x256xf32, #tpu.memory_space<vmem>>, vector<400x256xf32>
    tpu.vector_store %arg11[%swap3A, %swap3A_78], %add3A_77 {strides = array<i32>} : memref<400x256xf32, #tpu.memory_space<vmem>>, vector<400x256xf32>,
    %get3A_80 = arith.constant 0 : index
    %get3A_81 = arith.constant 0 : index
    %get3A_82 = vector.load %arg5[%get3A_80, %get3A_81] : memref<256x256xf32, #tpu.memory_space<vmem>>, vector<256x256xf32>
    %dot_general3A_83 = arith.constant dense<0.000000e+00> : vector<400x256xf32>
    %dot_general3A_84 = tpu.matmul %add3A_77, %get3A_82, %dot_general3A_83 {dimension_numbers = #tpu.dot_dimension_numbers<[1], [0], [0], [1], [0, 0, 1, 1], [], []>, transpose_lhs_hint = false} : vector<400x256xf32>, vector<256x256xf32>, vector<400x256xf32> -> vector<400x256xf32>
    %get3A_85 = arith.constant 0 : index
    %get3A_86 = arith.constant 0 : index
    %get3A_87 = vector.load %arg6[%get3A_85, %get3A_86] : memref<1x256xf32, #tpu.memory_space<vmem>>, vector<1x256xf32>
    %add3A_88 = vector.broadcast %get3A_87 : vector<1x256xf32> to vector<400x256xf32>
    %add3A_89 = arith.addf %dot_general3A_84, %add3A_88 : vector<400x256xf32>
    %max3A = arith.constant 0.000000e+00 : f32
    %max3A_90 = vector.broadcast %max3A : f32 to vector<400x256xf32>
    %max3A_91 = arith.maximumf %add3A_89, %max3A_90 : vector<400x256xf32>
    %get3A_92 = arith.constant 0 : index
    %get3A_93 = arith.constant 0 : index
    %get3A_94 = vector.load %arg7[%get3A_92, %get3A_93] : memref<256x1xf32, #tpu.memory_space<vmem>>, vector<256x1xf32>
    %dot_general3A_95 = arith.constant dense<0.000000e+00> : vector<400x1xf32>
    %dot_general3A_96 = tpu.matmul %max3A_91, %get3A_94, %dot_general3A_95 {dimension_numbers = #tpu.dot_dimension_numbers<[1], [0], [0], [1], [0, 0, 1, 1], [], []>, transpose_lhs_hint = false} : vector<400x256xf32>, vector<256x1xf32>, vector<400x1xf32> -> vector<400x1xf32>
    %get3A_97 = arith.constant 0 : index
    %get3A_98 = arith.constant 0 : index
    %get3A_99 = vector.load %arg8[%get3A_97, %get3A_98] : memref<1x1xf32, #tpu.memory_space<vmem>>, vector<1x1xf32>
    %get3A_100 = vector.extract %get3A_99[0, 0] : f32 from vector<1x1xf32>
    %add3A_101 = vector.broadcast %get3A_100 : f32 to vector<400x1xf32>
    %add3A_102 = arith.addf %dot_general3A_96, %add3A_101 : vector<400x1xf32>
    %reduce_max3A = vector.shape_cast %add3A_102 : vector<400x1xf32> to vector<1x400x1xf32>
    %reduce_max3A_103 = arith.constant dense<0xFF800000> : vector<1xf32>
    %reduce_max3A_104 = vector.multi_reduction <maximumf>, %reduce_max3A, %reduce_max3A_103 [1, 2] : vector<1x400x1xf32> to vector<1xf32>
    %reduce_max3A_105 = vector.shape_cast %reduce_max3A_104 : vector<1xf32> to vector<1x1x1xf32>
    %reduce_max3A_106 = vector.extract %reduce_max3A_105[0, 0, 0] : f32 from vector<1x1x1xf32>
    %get3A_107 = arith.constant 0 : index
    %get3A_108 = arith.constant 0 : index
    %get3A_109 = memref.load %arg13[%get3A_107, %get3A_108] : memref<1x1xf32, #tpu.memory_space<smem>>
    %max3A_110 = arith.maximumf %get3A_109, %reduce_max3A_106 : f32
    %sub3A = arith.subf %get3A_109, %max3A_110 : f32
    %exp3A = math.exp %sub3A : f32
    %sub3A_111 = vector.broadcast %max3A_110 : f32 to vector<400x1xf32>
    %sub3A_112 = arith.subf %add3A_102, %sub3A_111 : vector<400x1xf32>
    %exp3A_113 = math.exp %sub3A_112 : vector<400x1xf32>
    %get3A_114 = arith.constant 0 : index
    %get3A_115 = arith.constant 0 : index
    %get3A_116 = memref.load %arg14[%get3A_114, %get3A_115] : memref<1x1xf32, #tpu.memory_space<smem>>
    %mul3A_117 = arith.mulf %get3A_116, %exp3A : f32
    %reduce_sum3A = vector.shape_cast %exp3A_113 : vector<400x1xf32> to vector<1x400x1xf32>
    %reduce_sum3A_118 = arith.constant dense<0.000000e+00> : vector<1xf32>
    %reduce_sum3A_119 = vector.multi_reduction <add>, %reduce_sum3A, %reduce_sum3A_118 [1, 2] : vector<1x400x1xf32> to vector<1xf32>
    %reduce_sum3A_120 = vector.shape_cast %reduce_sum3A_119 : vector<1xf32> to vector<1x1x1xf32>
    %reduce_sum3A_121 = vector.extract %reduce_sum3A_120[0, 0, 0] : f32 from vector<1x1x1xf32>
    %add3A_122 = arith.addf %mul3A_117, %reduce_sum3A_121 : f32
    %swap3A_123 = arith.constant 0 : index
    %swap3A_124 = arith.constant 0 : index
    %swap3A_125 = memref.load %arg14[%swap3A_123, %swap3A_124] : memref<1x1xf32, #tpu.memory_space<smem>>
    memref.store %add3A_122, %arg14[%swap3A_123, %swap3A_124] : memref<1x1xf32, #tpu.memory_space<smem>>
    %get3A_126 = arith.constant 0 : index
    %get3A_127 = arith.constant 0 : index
    %get3A_128 = vector.load %arg15[%get3A_126, %get3A_127] : memref<1x256xf32, #tpu.memory_space<vmem>>, vector<1x256xf32>
    %mul3A_129 = vector.broadcast %exp3A : f32 to vector<1x256xf32>
    %mul3A_130 = arith.mulf %get3A_128, %mul3A_129 : vector<1x256xf32>
    %mul3A_131 = vector.broadcast %exp3A_113 : vector<400x1xf32> to vector<400x256xf32>
    %mul3A_132 = arith.mulf %mul3A_131, %add3A_77 : vector<400x256xf32>
    %reduce_sum3A_133 = arith.constant dense<0.000000e+00> : vector<256xf32>
    %reduce_sum3A_134 = vector.multi_reduction <add>, %mul3A_132, %reduce_sum3A_133 [0] : vector<400x256xf32> to vector<256xf32>
    %broadcast_in_dim3A_135 = vector.shape_cast %reduce_sum3A_134 : vector<256xf32> to vector<1x256xf32>
    %add3A_136 = arith.addf %mul3A_130, %broadcast_in_dim3A_135 : vector<1x256xf32>
    %swap3A_137 = arith.constant 0 : index
    %swap3A_138 = arith.constant 0 : index
    %swap3A_139 = vector.load %arg15[%swap3A_137, %swap3A_138] : memref<1x256xf32, #tpu.memory_space<vmem>>, vector<1x256xf32>
    tpu.vector_store %arg15[%swap3A_137, %swap3A_138], %add3A_136 {strides = array<i32>} : memref<1x256xf32, #tpu.memory_space<vmem>>, vector<1x256xf32>,
    %swap3A_140 = arith.constant 0 : index
    %swap3A_141 = arith.constant 0 : index
    %swap3A_142 = memref.load %arg13[%swap3A_140, %swap3A_141] : memref<1x1xf32, #tpu.memory_space<smem>>
    memref.store %max3A_110, %arg13[%swap3A_140, %swap3A_141] : memref<1x1xf32, #tpu.memory_space<smem>>
    %eq3A_143 = arith.constant 24 : i32
    %eq3A_144 = arith.cmpi eq, %arg0, %eq3A_143 : i32
    %convert_element_type3A_145 = arith.extui %eq3A_144 : i1 to i32
    %cond3A_146 = arith.constant 0 : i32
    %cond3A_147 = arith.cmpi ne, %convert_element_type3A_145, %cond3A_146 : i32
    scf.if %cond3A_147 {
      %get3A_148 = arith.constant 0 : index
      %get3A_149 = arith.constant 0 : index
      %get3A_150 = vector.load %arg15[%get3A_148, %get3A_149] : memref<1x256xf32, #tpu.memory_space<vmem>>, vector<1x256xf32>
      %get3A_151 = arith.constant 0 : index
      %get3A_152 = arith.constant 0 : index
      %get3A_153 = memref.load %arg14[%get3A_151, %get3A_152] : memref<1x1xf32, #tpu.memory_space<smem>>
      %div3A_154 = vector.broadcast %get3A_153 : f32 to vector<1x256xf32>
      %div3A_155 = arith.divf %get3A_150, %div3A_154 : vector<1x256xf32>
      %get3A_156 = arith.constant 0 : index
      %get3A_157 = arith.constant 0 : index
      %get3A_158 = vector.load %arg9[%get3A_156, %get3A_157] : memref<256x256xf32, #tpu.memory_space<vmem>>, vector<256x256xf32>
      %dot_general3A_159 = arith.constant dense<0.000000e+00> : vector<1x256xf32>
      %dot_general3A_160 = tpu.matmul %div3A_155, %get3A_158, %dot_general3A_159 {dimension_numbers = #tpu.dot_dimension_numbers<[1], [0], [0], [1], [0, 0, 1, 1], [], []>, transpose_lhs_hint = false} : vector<1x256xf32>, vector<256x256xf32>, vector<1x256xf32> -> vector<1x256xf32>
      %get3A_161 = arith.constant 0 : index
      %get3A_162 = arith.constant 0 : index
      %get3A_163 = vector.load %arg10[%get3A_161, %get3A_162] : memref<1x256xf32, #tpu.memory_space<vmem>>, vector<1x256xf32>
      %add3A_164 = arith.addf %dot_general3A_160, %get3A_163 : vector<1x256xf32>
      %max3A_165 = arith.constant 0.000000e+00 : f32
      %max3A_166 = vector.broadcast %max3A_165 : f32 to vector<1x256xf32>
      %max3A_167 = arith.maximumf %add3A_164, %max3A_166 : vector<1x256xf32>
      %swap3A_168 = arith.constant 0 : index
      %swap3A_169 = arith.constant 0 : index
      %swap3A_170 = vector.load %arg12[%swap3A_168, %swap3A_169] : memref<1x256xf32, #tpu.memory_space<vmem>>, vector<1x256xf32>
      tpu.vector_store %arg12[%swap3A_168, %swap3A_169], %max3A_167 {strides = array<i32>} : memref<1x256xf32, #tpu.memory_space<vmem>>, vector<1x256xf32>,
    } else {
    }
    return
  }
  func.func @transform_0(%arg0: i32) -> (i32, i32, i32) {
    %c0_i32 = arith.constant 0 : i32
    %c0_i32_0 = arith.constant 0 : i32
    %c0_i32_1 = arith.constant 0 : i32
    return %c0_i32, %arg0, %c0_i32_0 : i32, i32, i32
  }
  func.func @transform_1(%arg0: i32) -> (i32, i32, i32) {
    %c0_i32 = arith.constant 0 : i32
    %c0_i32_0 = arith.constant 0 : i32
    %c0_i32_1 = arith.constant 0 : i32
    return %c0_i32, %arg0, %c0_i32_0 : i32, i32, i32
  }
  func.func @transform_2(%arg0: i32) -> (i32, i32) {
    %c0_i32 = arith.constant 0 : i32
    %c0_i32_0 = arith.constant 0 : i32
    %c0_i32_1 = arith.constant 0 : i32
    return %c0_i32, %c0_i32_0 : i32, i32
  }
  func.func @transform_3(%arg0: i32) -> (i32, i32) {
    %c0_i32 = arith.constant 0 : i32
    %c0_i32_0 = arith.constant 0 : i32
    %c0_i32_1 = arith.constant 0 : i32
    return %c0_i32, %c0_i32_0 : i32, i32
  }
  func.func @transform_4(%arg0: i32) -> (i32, i32) {
    %c0_i32 = arith.constant 0 : i32
    %c0_i32_0 = arith.constant 0 : i32
    %c0_i32_1 = arith.constant 0 : i32
    return %c0_i32, %c0_i32_0 : i32, i32
  }
  func.func @transform_5(%arg0: i32) -> (i32, i32) {
    %c0_i32 = arith.constant 0 : i32
    %c0_i32_0 = arith.constant 0 : i32
    %c0_i32_1 = arith.constant 0 : i32
    return %c0_i32, %c0_i32_0 : i32, i32
  }
  func.func @transform_6(%arg0: i32) -> (i32, i32) {
    %c0_i32 = arith.constant 0 : i32
    %c0_i32_0 = arith.constant 0 : i32
    %c0_i32_1 = arith.constant 0 : i32
    return %c0_i32, %c0_i32_0 : i32, i32
  }
  func.func @transform_7(%arg0: i32) -> (i32, i32) {
    %c0_i32 = arith.constant 0 : i32
    %c0_i32_0 = arith.constant 0 : i32
    %c0_i32_1 = arith.constant 0 : i32
    return %c0_i32, %c0_i32_0 : i32, i32
  }
  func.func @transform_8(%arg0: i32) -> (i32, i32) {
    %c0_i32 = arith.constant 0 : i32
    %c0_i32_0 = arith.constant 0 : i32
    %c0_i32_1 = arith.constant 0 : i32
    return %c0_i32, %c0_i32_0 : i32, i32
  }
  func.func @transform_9(%arg0: i32) -> (i32, i32) {
    %c0_i32 = arith.constant 0 : i32
    %c0_i32_0 = arith.constant 0 : i32
    %c0_i32_1 = arith.constant 0 : i32
    return %c0_i32, %c0_i32_0 : i32, i32
  }
  func.func @transform_10(%arg0: i32) -> (i32, i32) {
    %c0_i32 = arith.constant 0 : i32
    %c0_i32_0 = arith.constant 0 : i32
    return %arg0, %c0_i32 : i32, i32
  }
  func.func @transform_11(%arg0: i32) -> (i32, i32) {
    %c0_i32 = arith.constant 0 : i32
    %c0_i32_0 = arith.constant 0 : i32
    %c0_i32_1 = arith.constant 0 : i32
    return %c0_i32, %c0_i32_0 : i32, i32
  }
}

</mosaic_0001>

<sc_bundles>
// kernel: kernel.10.cloned.1.call-start
scs
__scs_entry_jumppad:
0x0: {  	(pc) =	sbr.rel $0x88, $3  }
0x1: {  	(tag) =	ssettag $0x0;
	lr =	simm.s32 $0x1  }
0x2: {  	[smem:$0x3F91] =	sst lr;
	_ =	strace $0xD0000000  }
0x3: {  	_ = 	snop  }
0x4: {  	_ = 	snop  }
0x5: {  	_ = 	snop  }
0x6: {  	_ = 	snop  }
0x7: {  	_ = 	snop  }
__scs_overlays_trampoline_lowered:
0x8: {  	[smem:$0x3FA0] =	sst s0  }
0x9: {  	[smem:$0x3FA1] =	sst s1  }
0xa: {  	[smem:$0x3FA2] =	sst s2  }
0xb: {  	[smem:$0x3FA3] =	sst s3  }
0xc: {  	[smem:$0x3FA4] =	sst s4  }
0xd: {  	[smem:$0x3FA5] =	sst s5  }
0xe: {  	[smem:$0x3FA6] =	sst s6  }
0xf: {  	[smem:$0x3FA7] =	sst s7  }
0x10: {  	[smem:$0x3FA8] =	sst s8  }
0x11: {  	[smem:$0x3FA9] =	sst s9;
	s0 =	simm.s32 @!p0 $0x0  }
0x12: {  	s1 =	sld [smem:$0x3F8F];
	s0 =	simm.s32 @p0 $0x1  }
0x13: {  	[smem:$0x3FAA] =	sst s0;
	s0 =	simm.s32 @!p1 $0x0  }
0x14: {  	s2 =	sld [smem:$0x3F8E];
	s0 =	simm.s32 @p1 $0x1  }
0x15: {  	[smem:$0x3FAB] =	sst s0;
	s0 =	simm.s32 @!p2 $0x0  }
0x16: {  	s3 =	sld [smem:$0x3FDB];
	s0 =	simm.s32 @p2 $0x1  }
0x17: {  	s4 =	simm.s32 $0x1BF5;
	[smem:$0x3FAD] =	sst s0  }
0x18: {  	s0 =	sld [smem:$0x3F90];
	_ =	swait.ge [sflag:s4], $0x0  }
0x19: {  	s7 =	sld [smem:$0x3F91]  }
0x1a: {  	s8 =	sadd.s32 $0xFFFFE003, lr  }
0x1b: {  	s9 =	sadd.s32 $0xFFFFFEF7, lr;
	s5 =	simm.s32 $0xFFFFFFFF;
	p2 =	slt.u32 s8, $0xFFFFF086  }
0x1c: {  	p1 =	slt.u32 s9, $0xF7A;
	s5 =	simm.s32 @!p2 $0x0  }
0x1d: {  	s5 =	simm.s32 @p1 $0x1;
	p0 =	seq.s32 s7, s2  }
0x1e: {  	s7 =	smul.u32 @!p0 $0xF7A, s2;
	p2 =	seq.s32 @!p0 s5, $0x0  }
0x1f: {  	s9 =	smul.u32 $0xF7A, s1;
	s8 =	simm.s32 @!p0 $0x1BF5;
	p2 =	por !p2, p0  }
0x20: {  	[sflag:s8] =	ssyncset.s32 @!p0 $0xFFFFF086;
	s6 =	sadd.s32 @!p0 s3, s7;
	s7 =	simm.s32 @!p0 $0x108  }
0x21: {  	s3 =	sadd.s32 s3, s9;
	s6 =	sadd.s32 @!p0 $0x88, s6;
	s7 =	simm.s32 @p2 $0x1082  }
0x22: {  	[simem:s7], [sflag:s8] =	dma.local @!p0 [hbm:s6], $0xF7A  }
0x23: {  	s9 =	sor.u32 $0xD0000000, s2;
	s6 =	simm.s32 $0x108;
	_ =	swait.ge @!p0 [sflag:s8], $0x0  }
0x24: {  	s3 =	sadd.s32 $0x88, s3;
	s6 =	simm.s32 @!p1 $0x1082;
	[sflag:s4] =	ssyncset.s32 $0xFFFFF086  }
0x25: {  	[simem:s6], [sflag:s4] =	dma.local [hbm:s3], $0xF7A  }
0x26: {  	[smem:$0x3F91] =	sst s1;
	(tag) =	ssettag s2;
	_ =	strace s9  }
0x27: {  	s1 =	sld [smem:$0x3FA1]  }
0x28: {  	s2 =	sld [smem:$0x3FA2]  }
0x29: {  	s4 =	sld [smem:$0x3FA4]  }
0x2a: {  	p0 =	seq.s32 s5, $0x0;
	s5 =	sld [smem:$0x3FA5]  }
0x2b: {  	s6 =	sld [smem:$0x3FA6]  }
0x2c: {  	s7 =	sld [smem:$0x3FA7]  }
0x2d: {  	s3 =	simm.s32 $0x108;
	s8 =	sld [smem:$0x3FA8]  }
0x2e: {  	s3 =	simm.s32 @!p0 $0x1082;
	s9 =	sld [smem:$0x3FA9]  }
0x2f: {  	lr =	sadd.s32 s0, s3;
	s0 =	sld [smem:$0x3FA0]  }
0x30: {  	s3 =	sld [smem:$0x3FA3]  }
0x31: {  	[smem:$0x3FAC] =	sst s10  }
0x32: {  	s10 =	sld [smem:$0x3FAA];
	_ =	sdelay $0x3  }
0x33: {  	p0 =	seq.s32 s10, $0x1;
	s10 =	sld [smem:$0x3FAC];
	_ =	sdelay $0x3  }
0x34: {  	[smem:$0x3FAC] =	sst s10  }
0x35: {  	s10 =	sld [smem:$0x3FAB];
	_ =	sdelay $0x3  }
0x36: {  	p1 =	seq.s32 s10, $0x1;
	s10 =	sld [smem:$0x3FAC];
	_ =	sdelay $0x3  }
0x37: {  	[smem:$0x3FAC] =	sst s10  }
0x38: {  	s10 =	sld [smem:$0x3FAD]  }
0x39: {  	_ = 	snop;
	(pc) =	sbr.ind lr, $3  }
0x3a: {  	_ = 	snop  }
0x3b: {  	_ = 	snop  }
0x3c: {  	p2 =	seq.s32 s10, $0x1;
	s10 =	sld [smem:$0x3FAC]  }
0x3d: {  	_ =	shalt  }
0x3e: {  	_ =	shalt  }
0x3f: {  	_ =	shalt  }
0x40: {  	_ =	shalt  }
0x41: {  	_ =	shalt  }
0x42: {  	_ =	shalt  }
0x43: {  	_ =	shalt  }
0x44: {  	_ =	shalt  }
0x45: {  	_ =	shalt  }
0x46: {  	_ =	shalt  }
0x47: {  	_ =	shalt  }
0x48: {  	_ =	shalt  }
0x49: {  	_ =	shalt  }
0x4a: {  	_ =	shalt  }
0x4b: {  	_ =	shalt  }
0x4c: {  	_ =	shalt  }
0x4d: {  	_ =	shalt  }
0x4e: {  	_ =	shalt  }
0x4f: {  	_ =	shalt  }
0x50: {  	_ =	shalt  }
0x51: {  	_ =	shalt  }
0x52: {  	_ =	shalt  }
0x53: {  	_ =	shalt  }
0x54: {  	_ =	shalt  }
0x55: {  	_ =	shalt  }
0x56: {  	_ =	shalt  }
0x57: {  	_ =	shalt  }
0x58: {  	_ =	shalt  }
0x59: {  	_ =	shalt  }
0x5a: {  	_ =	shalt  }
0x5b: {  	_ =	shalt  }
0x5c: {  	_ =	shalt  }
0x5d: {  	_ =	shalt  }
0x5e: {  	_ =	shalt  }
0x5f: {  	_ =	shalt  }
0x60: {  	_ =	shalt  }
0x61: {  	_ =	shalt  }
0x62: {  	_ =	shalt  }
0x63: {  	_ =	shalt  }
0x64: {  	_ =	shalt  }
0x65: {  	_ =	shalt  }
0x66: {  	_ =	shalt  }
0x67: {  	_ =	shalt  }
0x68: {  	_ =	shalt  }
0x69: {  	_ =	shalt  }
0x6a: {  	_ =	shalt  }
0x6b: {  	_ =	shalt  }
0x6c: {  	_ =	shalt  }
0x6d: {  	_ =	shalt  }
0x6e: {  	_ =	shalt  }
0x6f: {  	_ =	shalt  }
0x70: {  	_ =	shalt  }
0x71: {  	_ =	shalt  }
0x72: {  	_ =	shalt  }
0x73: {  	_ =	shalt  }
0x74: {  	_ =	shalt  }
0x75: {  	_ =	shalt  }
0x76: {  	_ =	shalt  }
0x77: {  	_ =	shalt  }
0x78: {  	_ =	shalt  }
0x79: {  	_ =	shalt  }
0x7a: {  	_ =	shalt  }
0x7b: {  	_ =	shalt  }
0x7c: {  	_ =	shalt  }
0x7d: {  	_ =	shalt  }
0x7e: {  	_ =	shalt  }
0x7f: {  	_ =	shalt  }
0x80: {  	_ =	shalt  }
0x81: {  	_ =	shalt  }
0x82: {  	_ =	shalt  }
0x83: {  	_ =	shalt  }
0x84: {  	_ =	shalt  }
0x85: {  	_ =	shalt  }
0x86: {  	_ =	shalt  }
0x87: {  	_ =	shalt  }
.Lfunc_end0:
.L_simem_size_0:
called_computation_lowered:
.L_overlay_start_0:
0x88: {  	s2 =	sld [smem:$0x3FD9]  }
0x89: {  	s3 =	sld [smem:$0x3FFE];
	_ =	sdelay $0x1  }
0x8a: {  	s1 =	srdreg.scid  }
0x8b: {  	s0 =	sand.u32 $0x1, s1  }
0x8c: {  	s14 =	sshll.u32 s0, $0xA;
	s2 =	sadd.s32 s3, s2  }
0x8d: {  	s2 =	sadd.s32 s2, s14  }
0x8e: {  	[smem:$0x3FB8] =	sst s2  }
0x8f: {  	_ = 	snop  }
0x90: {  	s2 =	sld [smem:$0x3FD0];
	_ =	sdelay $0x2  }
0x91: {  	s15 =	simm.s32 $0xA;
	s4 =	simm.s32 $0x10  }
0x92: {  	[smem:s4], [sflag:s15] =	dma.local [hbm:s2], $0x1  }
0x93: {  	_ =	swait.eq [sflag:s15], $0x1  }
0x94: {  	[sflag:s15] =	ssyncset.done $0x0  }
0x95: {  	[sflag:s15] =	ssyncadd.s32 $0xFFFFFFFF  }
0x96: {  	s16 =	sld [smem:$0x11];
	(tm) =	ssettm $0x1  }
0x97: {  	s17 =	sld [smem:$0x3FFB];
	_ =	sdelay $0x3  }
0x98: {  	_ =	strace s17  }
0x99: {  	s3 =	sld [smem:$0x3FFC];
	_ =	sdelay $0x3  }
0x9a: {  	_ =	strace s3  }
0x9b: {  	s3 =	sld [smem:$0x3FFD];
	_ =	sdelay $0x3  }
0x9c: {  	_ =	strace s3  }
0x9d: {  	_ =	strace $0x8FFFFFFF  }
0x9e: {  	s18 =	sld [smem:$0x3FDB];
	_ =	sdelay $0x1  }
0x9f: {  	s19 =	simm.s32 $_scs_section_size  }
0xa0: {  	s5 =	simm.s32 $_size__tile_overlayer_lowered;
	s6 =	simm.s32 $_tile_overlayer_lowered  }
0xa1: {  	s22 =	simm.s32 $0x1BFF;
	s21 =	sshll.u32 s6, $0x1;
	s3 =	sadd.s32 s19, s18  }
0xa2: {  	s7 =	simm.s32 $0x0;
	s20 =	sshll.u32 s5, $0x1;
	s5 =	sadd.s32 s21, s3  }
0xa3: {  	[timem:s7], [sflag:s22] =	dma.local [hbm:s5], s20  }
0xa4: {  	_ =	swait.ge [sflag:s22], s20  }
0xa5: {  	s4 =	ssub.s32 $0x0, s20;
	[sflag:s22] =	ssyncset.done $0x0  }
0xa6: {  	[sflag:s22] =	ssyncadd.s32 s4;
	_ =	sdelay $0x1  }
0xa7: {  	s23 =	simm.s32 $0x1B8B  }
0xa8: {  	_ =	swait.ge [sflag:s23], $0x1  }
0xa9: {  	[sflag:s23] =	ssyncset.done $0x0  }
0xaa: {  	s25 =	simm.s32 $0x1B8E;
	s24 =	sld [smem:$0x3FFE];
	[sflag:s23] =	ssyncadd.s32 $0xFFFFFFFF  }
0xab: {  	s26 =	simm.s32 $execute0_lowered;
	[smem:$0x3FD2] =	sst s25  }
0xac: {  	s5 =	sshll.u32 s26, $0x1;
	_ =	strace $0x80000046;
	[dreg:$0x1] =	wrdreg $0xFFFFFFFF  }
0xad: {  	s28 =	simm.s32 $_size_execute0_lowered;
	s3 =	sadd.s32 s3, s5;
	[dreg:$0x0] =	wrdreg $0x0  }
0xae: {  	s5 =	sshll.u32 s28, $0x1;
	[dreg:$0x2] =	wrdreg s3  }
0xaf: {  	[dreg:$0x3] =	wrdreg s5  }
0xb0: {  	[dreg:$0x4] =	wrdreg $0xC0  }
0xb1: {  	_ =	task [dreg:s7], $0x5FFFF  }
0xb2: {  	[dreg:$0x1] =	wrdreg $0xFFFFFFFF  }
0xb3: {  	[dreg:$0x0] =	wrdreg $0x60  }
0xb4: {  	[dreg:$0x2] =	wrdreg s24  }
0xb5: {  	[dreg:$0x3] =	wrdreg s16  }
0xb6: {  	[dreg:$0x4] =	wrdreg $0x8800  }
0xb7: {  	[dreg:$0x5] =	wrdreg $0x9  }
0xb8: {  	_ =	task.clear_ibuf [dreg:s7], $0x6FFFF;
	_ =	strace $0x90000046  }
0xb9: {  	s29 =	simm.s32 $0x9;
	_ =	strace $0x80000048  }
0xba: {  	_ =	swait.ge [sflag:s29], $0x1  }
0xbb: {  	[sflag:s29] =	ssyncadd.s32 $0xFFFFFFFF  }
0xbc: {  	_ =	strace $0x90000048  }
0xbd: {  	_ =	sfence  }
0xbe: {  	s30 =	sld [smem:$0x0];
	_ =	sdelay $0x2  }
0xbf: {  	s31 =	sshll.u32 s1, $0xD;
	s1 =	sshrl.u32 s1, $0x2  }
0xc0: {  	s3 =	sand.u32 $0x4000, s31;
	s1 =	sadd.s32 s1, s30  }
0xc1: {  	s0 =	sor.u32 s3, s0;
	s1 =	sshll.u32 s1, $0x11  }
0xc2: {  	s0 =	sor.u32 s1, s0  }
0xc3: {  	s0 =	sadd.s32 $0x8F2B, s0  }
0xc4: {  	[sflag:s0] =	ssyncadd.remote.s32 $0x1  }
0xc5: {  	_ =	sfence.sel $0xFFFF  }
0xc6: {  	[dreg:$0x0] =	wrdreg $0xFFFFFFFF;
	(pc) =	sbr.abs _section_cstart, $3  }
0xc7: {  	[dreg:$0x1] =	wrdreg $0xFFFFFFFF  }
0xc8: {  	_ =	task.clear_ibuf [dreg:s7], $0x2FFFF;
	_ =	strace $0x9FFFFFFF  }
0xc9: {  	(tm) =	ssettm $0x7FFFFFFF  }
tec
execute0_lowered:
.L_overlay_start_1:
0x0: {  	(tag) =	ssettag $0x1  }
0x1: {  	s5 =	rddreg [dreg:$0x0]  }
0x2: {  	s1 =	srdreg.scid;
	s6 =	rddreg [dreg:$0x1]  }
0x3: {  	s0 =	stileid.u32;
	s2 =	rddreg [dreg:$0x2];
	s3 =	simm.s32 $0x0  }
0x4: {  	s4 =	sand.u32 $0x1, s1;
	s7 =	smul.u32 $0x2A00, s0;
	s1 =	rddreg [dreg:$0x3]  }
0x5: {  	s13 =	simm.s32 $0x0;
	[smem:$0x7FF] =	sst s3;
	s26 =	smul.u32 $0x2800, s0  }
0x6: {  	s31 =	sshll.u32 s0, $0x6;
	s8 =	smul.u32 $0x1500, s4;
	_ =	strace $0x80000047  }
0x7: {  	s28 =	ssub.s32 $0x2, s4;
	s10 =	smul.u32 $0x28000, s4;
	s4 =	sadd.s32 $0xCA00, s5  }
0x8: {  	s11 =	sshrl.u32 s26, $0x3;
	s12 =	sshrl.u32 s28, $0x1;
	s7 =	sadd.s32 s8, s7  }
0x9: {  	s29 =	sadd.s32 s26, s2;
	s10 =	sadd.s32 s26, s10;
	s7 =	sshrl.u32 s7, $0x3  }
0xa: {  	s30 =	sshrl.u32 s10, $0x3;
	s10 =	simm.s32 $0x1;
	s9 =	sadd.s32 s7, s5  }
0xb: {  	s5 =	sadd.s32 s11, s5;
	s7 =	ssub.s32 s28, s12;
	s6 =	sadd.s32 s6, s30  }
0xc: {  	s11 =	sor.u32 $0x1C01, s31;
	s12 =	sshrl.u32 s29, $0x3;
	s5 =	sadd.s32 $0x7A00, s5  }
0xd: {  	s7 =	smax.u32 s7, $0x1;
	s8 =	sadd.s32 $0x2600, s9;
	s9 =	simm.s32 $0x80  }
.LBB2_1:
0xe: {  	[tilespmem:s9], [sflag:$0x1] =	stream.linear.gather [hbm4b:s4+s3], $0x800, $0x38;
	[tilespmem:$0x3080] =	vst v63  }
0xf: {  	_ =	swait.ge [sflag:s10], $0x800  }
0x10: {  	[sflag:s10] =	ssyncset.done $0x0  }
0x11: {  	[sflag:s10] =	ssyncadd.s32 $0xFFFFF800  }
0x12: {  	[spmem:s12], [sflag:s11] =	dma.local [hbm:s5], $0x500  }
0x13: {  	_ =	swait.ge [sflag:s10], $0x500  }
0x14: {  	[sflag:s10] =	ssyncset.done $0x0  }
0x15: {  	[sflag:s10] =	ssyncadd.s32 $0xFFFFFB00  }
0x16: {  	s14 =	sadd.s32 $0x0, s8;
	[bflag:$0x0] =	sbarrier.arrive $0xFFFF  }
0x17: {  	[tilespmem:s3], [sflag:$0x1] =	stream.linear.gather [hbm4b:s14+s3], $0x80, $0x38;
	[tilespmem:$0x3080] =	vst v63  }
0x18: {  	_ =	swait.ge [sflag:s10], $0x80  }
0x19: {  	[sflag:s10] =	ssyncset.done $0x0  }
0x1a: {  	[sflag:s10] =	ssyncadd.s32 $0xFFFFFF80  }
0x1b: {  	[spmem:s2] =	stream.indirect.scatter.add.f32 [tilespmem:s9], [sflag:$0x1], $0x10, s3, s9, $0xb8;
	[tilespmem:$0x3080] =	vst v63  }
0x1c: {  	_ =	swait.ge [sflag:s10], $0x800  }
0x1d: {  	s15 =	simm.s32 $0x20;
	s14 =	simm.s32 $0x10;
	[sflag:s10] =	ssyncset.done $0x0  }
.LBB2_2:
0x1e: {  	s16 =	sadd.s32 s14, s8  }
0x1f: {  	[sflag:s10] =	ssyncadd.s32 $0xFFFFF800;
	s14 =	smov.u32 s15;
	s17 =	sadd.s32 $0x10, s15  }
0x20: {  	[tilespmem:s3], [sflag:$0x1] =	stream.linear.gather [hbm4b:s16+s3], $0x80, $0x38;
	[tilespmem:$0x3080] =	vst v63  }
0x21: {  	p0 =	sne.s32 s15, $0x290;
	_ =	swait.ge [sflag:s10], $0x80  }
.Ltmp0:
0x22: {  	[sflag:s10] =	ssyncset.done $0x0;
	(pc) =	sbr.rel @p0 .LBB2_2-.Ltmp0, $4  }
0x23: {  	[sflag:s10] =	ssyncadd.s32 $0xFFFFFF80  }
0x24: {  	[spmem:s2] =	stream.indirect.scatter.add.f32 [tilespmem:s9], [sflag:$0x1], $0x10, s3, s9, $0xb8;
	[tilespmem:$0x3080] =	vst v63  }
0x25: {  	_ =	swait.ge [sflag:s10], $0x800  }
0x26: {  	s15 =	smov.u32 s17;
	[sflag:s10] =	ssyncset.done $0x0  }
0x27: {  	s14 =	sadd.s32 s14, s8;
	[sflag:s10] =	ssyncadd.s32 $0xFFFFF800  }
0x28: {  	[tilespmem:s3], [sflag:$0x1] =	stream.linear.gather [hbm4b:s14+s3], $0x80, $0x38;
	[tilespmem:$0x3080] =	vst v63  }
0x29: {  	_ =	swait.ge [sflag:s10], $0x80  }
0x2a: {  	[sflag:s10] =	ssyncset.done $0x0  }
0x2b: {  	[sflag:s10] =	ssyncadd.s32 $0xFFFFFF80  }
0x2c: {  	[spmem:s2] =	stream.indirect.scatter.add.f32 [tilespmem:s9], [sflag:$0x1], $0x10, s3, s9, $0xb8;
	[tilespmem:$0x3080] =	vst v63  }
0x2d: {  	_ =	swait.ge [sflag:s10], $0x800  }
0x2e: {  	s13 =	sadd.s32 $0x1, s13;
	[sflag:s10] =	ssyncset.done $0x0  }
0x2f: {  	p0 =	sne.s32 s13, s7;
	[sflag:s10] =	ssyncadd.s32 $0xFFFFF800  }
.Ltmp1:
0x30: {  	[bflag:$0x0] =	sbarrier.arrive $0xFFFF;
	(pc) =	sbr.rel @p0 .LBB2_1-.Ltmp1, $4  }
0x31: {  	[hbm:s6], [sflag:s11] =	dma.local [spmem:s12], $0x500  }
0x32: {  	_ =	swait.ge [sflag:s10], $0x500  }
0x33: {  	[sflag:s10] =	ssyncset.done $0x0  }
0x34: {  	[sflag:s10] =	ssyncadd.s32 $0xFFFFFB00  }
0x35: {  	_ =	sfence.sel $0x180000  }
0x36: {  	[bflag:$0x0] =	sbarrier.arrive $0xFFFF  }
0x37: {  	p0 =	sne.s32 s0, $0x0;
	_ =	strace $0x90000047  }
0x38: {  	s0 =	sadd.s32 @!p0 $0x100000, s1;
	[bflag:$0x2] =	sbarrier.arrive $0xFFFF  }
0x39: {  	[sflag:s0] =	ssyncadd.tile.s32 @!p0 $0x1;
	_ =	shalt  }
.Lfunc_end2:
_tile_overlayer_lowered:
.L_overlay_start_2:
0x3a: {  	(tag) =	ssettag $0x2  }
0x3b: {  	s0 =	rddreg [dreg:$0x0];
	s2 =	stileid.u32  }
0x3c: {  	s1 =	rddreg [dreg:$0x1];
	p0 =	sne.s32 s2, $0x0  }
0x3d: {  	s3 =	rddreg [dreg:$0x2];
	[bflag:$0x3] =	sbarrier.arrive $0xFFFF;
	s2 =	simm.s32 @!p0 $0x1C01  }
0x3e: {  	[timem:s3], [sflag:s2] =	dma.local @!p0 [hbm:s0], s1  }
0x3f: {  	s0 =	simm.s32 @!p0 $0x1  }
0x40: {  	_ =	swait.ge @!p0 [sflag:s0], s1  }
0x41: {  	s1 =	ssub.s32 @!p0 $0x0, s1;
	[sflag:s0] =	ssyncset.done @!p0 $0x0  }
0x42: {  	[sflag:s0] =	ssyncadd.s32 @!p0 s1  }
0x43: {  	[bflag:$0x3] =	sbarrier.arrive $0xFFFF  }
0x44: {  	_ =	shalt  }

// kernel: kernel.13.cloned.1.call-start
scs
__scs_entry_jumppad:
0x0: {  	(pc) =	sbr.rel $0x88, $3  }
0x1: {  	(tag) =	ssettag $0x0;
	lr =	simm.s32 $0x1  }
0x2: {  	[smem:$0x3F91] =	sst lr;
	_ =	strace $0xD0000000  }
0x3: {  	_ = 	snop  }
0x4: {  	_ = 	snop  }
0x5: {  	_ = 	snop  }
0x6: {  	_ = 	snop  }
0x7: {  	_ = 	snop  }
__scs_overlays_trampoline_lowered:
0x8: {  	[smem:$0x3FA0] =	sst s0  }
0x9: {  	[smem:$0x3FA1] =	sst s1  }
0xa: {  	[smem:$0x3FA2] =	sst s2  }
0xb: {  	[smem:$0x3FA3] =	sst s3  }
0xc: {  	[smem:$0x3FA4] =	sst s4  }
0xd: {  	[smem:$0x3FA5] =	sst s5  }
0xe: {  	[smem:$0x3FA6] =	sst s6  }
0xf: {  	[smem:$0x3FA7] =	sst s7  }
0x10: {  	[smem:$0x3FA8] =	sst s8  }
0x11: {  	[smem:$0x3FA9] =	sst s9;
	s0 =	simm.s32 @!p0 $0x0  }
0x12: {  	s1 =	sld [smem:$0x3F8F];
	s0 =	simm.s32 @p0 $0x1  }
0x13: {  	[smem:$0x3FAA] =	sst s0;
	s0 =	simm.s32 @!p1 $0x0  }
0x14: {  	s2 =	sld [smem:$0x3F8E];
	s0 =	simm.s32 @p1 $0x1  }
0x15: {  	[smem:$0x3FAB] =	sst s0;
	s0 =	simm.s32 @!p2 $0x0  }
0x16: {  	s3 =	sld [smem:$0x3FDB];
	s0 =	simm.s32 @p2 $0x1  }
0x17: {  	s4 =	simm.s32 $0x1BF5;
	[smem:$0x3FAD] =	sst s0  }
0x18: {  	s0 =	sld [smem:$0x3F90];
	_ =	swait.ge [sflag:s4], $0x0  }
0x19: {  	s7 =	sld [smem:$0x3F91]  }
0x1a: {  	s8 =	sadd.s32 $0xFFFFE003, lr  }
0x1b: {  	s9 =	sadd.s32 $0xFFFFFEF7, lr;
	s5 =	simm.s32 $0xFFFFFFFF;
	p2 =	slt.u32 s8, $0xFFFFF086  }
0x1c: {  	p1 =	slt.u32 s9, $0xF7A;
	s5 =	simm.s32 @!p2 $0x0  }
0x1d: {  	s5 =	simm.s32 @p1 $0x1;
	p0 =	seq.s32 s7, s2  }
0x1e: {  	s7 =	smul.u32 @!p0 $0xF7A, s2;
	p2 =	seq.s32 @!p0 s5, $0x0  }
0x1f: {  	s9 =	smul.u32 $0xF7A, s1;
	s8 =	simm.s32 @!p0 $0x1BF5;
	p2 =	por !p2, p0  }
0x20: {  	[sflag:s8] =	ssyncset.s32 @!p0 $0xFFFFF086;
	s6 =	sadd.s32 @!p0 s3, s7;
	s7 =	simm.s32 @!p0 $0x108  }
0x21: {  	s3 =	sadd.s32 s3, s9;
	s6 =	sadd.s32 @!p0 $0x88, s6;
	s7 =	simm.s32 @p2 $0x1082  }
0x22: {  	[simem:s7], [sflag:s8] =	dma.local @!p0 [hbm:s6], $0xF7A  }
0x23: {  	s9 =	sor.u32 $0xD0000000, s2;
	s6 =	simm.s32 $0x108;
	_ =	swait.ge @!p0 [sflag:s8], $0x0  }
0x24: {  	s3 =	sadd.s32 $0x88, s3;
	s6 =	simm.s32 @!p1 $0x1082;
	[sflag:s4] =	ssyncset.s32 $0xFFFFF086  }
0x25: {  	[simem:s6], [sflag:s4] =	dma.local [hbm:s3], $0xF7A  }
0x26: {  	[smem:$0x3F91] =	sst s1;
	(tag) =	ssettag s2;
	_ =	strace s9  }
0x27: {  	s1 =	sld [smem:$0x3FA1]  }
0x28: {  	s2 =	sld [smem:$0x3FA2]  }
0x29: {  	s4 =	sld [smem:$0x3FA4]  }
0x2a: {  	p0 =	seq.s32 s5, $0x0;
	s5 =	sld [smem:$0x3FA5]  }
0x2b: {  	s6 =	sld [smem:$0x3FA6]  }
0x2c: {  	s7 =	sld [smem:$0x3FA7]  }
0x2d: {  	s3 =	simm.s32 $0x108;
	s8 =	sld [smem:$0x3FA8]  }
0x2e: {  	s3 =	simm.s32 @!p0 $0x1082;
	s9 =	sld [smem:$0x3FA9]  }
0x2f: {  	lr =	sadd.s32 s0, s3;
	s0 =	sld [smem:$0x3FA0]  }
0x30: {  	s3 =	sld [smem:$0x3FA3]  }
0x31: {  	[smem:$0x3FAC] =	sst s10  }
0x32: {  	s10 =	sld [smem:$0x3FAA];
	_ =	sdelay $0x3  }
0x33: {  	p0 =	seq.s32 s10, $0x1;
	s10 =	sld [smem:$0x3FAC];
	_ =	sdelay $0x3  }
0x34: {  	[smem:$0x3FAC] =	sst s10  }
0x35: {  	s10 =	sld [smem:$0x3FAB];
	_ =	sdelay $0x3  }
0x36: {  	p1 =	seq.s32 s10, $0x1;
	s10 =	sld [smem:$0x3FAC];
	_ =	sdelay $0x3  }
0x37: {  	[smem:$0x3FAC] =	sst s10  }
0x38: {  	s10 =	sld [smem:$0x3FAD]  }
0x39: {  	_ = 	snop;
	(pc) =	sbr.ind lr, $3  }
0x3a: {  	_ = 	snop  }
0x3b: {  	_ = 	snop  }
0x3c: {  	p2 =	seq.s32 s10, $0x1;
	s10 =	sld [smem:$0x3FAC]  }
0x3d: {  	_ =	shalt  }
0x3e: {  	_ =	shalt  }
0x3f: {  	_ =	shalt  }
0x40: {  	_ =	shalt  }
0x41: {  	_ =	shalt  }
0x42: {  	_ =	shalt  }
0x43: {  	_ =	shalt  }
0x44: {  	_ =	shalt  }
0x45: {  	_ =	shalt  }
0x46: {  	_ =	shalt  }
0x47: {  	_ =	shalt  }
0x48: {  	_ =	shalt  }
0x49: {  	_ =	shalt  }
0x4a: {  	_ =	shalt  }
0x4b: {  	_ =	shalt  }
0x4c: {  	_ =	shalt  }
0x4d: {  	_ =	shalt  }
0x4e: {  	_ =	shalt  }
0x4f: {  	_ =	shalt  }
0x50: {  	_ =	shalt  }
0x51: {  	_ =	shalt  }
0x52: {  	_ =	shalt  }
0x53: {  	_ =	shalt  }
0x54: {  	_ =	shalt  }
0x55: {  	_ =	shalt  }
0x56: {  	_ =	shalt  }
0x57: {  	_ =	shalt  }
0x58: {  	_ =	shalt  }
0x59: {  	_ =	shalt  }
0x5a: {  	_ =	shalt  }
0x5b: {  	_ =	shalt  }
0x5c: {  	_ =	shalt  }
0x5d: {  	_ =	shalt  }
0x5e: {  	_ =	shalt  }
0x5f: {  	_ =	shalt  }
0x60: {  	_ =	shalt  }
0x61: {  	_ =	shalt  }
0x62: {  	_ =	shalt  }
0x63: {  	_ =	shalt  }
0x64: {  	_ =	shalt  }
0x65: {  	_ =	shalt  }
0x66: {  	_ =	shalt  }
0x67: {  	_ =	shalt  }
0x68: {  	_ =	shalt  }
0x69: {  	_ =	shalt  }
0x6a: {  	_ =	shalt  }
0x6b: {  	_ =	shalt  }
0x6c: {  	_ =	shalt  }
0x6d: {  	_ =	shalt  }
0x6e: {  	_ =	shalt  }
0x6f: {  	_ =	shalt  }
0x70: {  	_ =	shalt  }
0x71: {  	_ =	shalt  }
0x72: {  	_ =	shalt  }
0x73: {  	_ =	shalt  }
0x74: {  	_ =	shalt  }
0x75: {  	_ =	shalt  }
0x76: {  	_ =	shalt  }
0x77: {  	_ =	shalt  }
0x78: {  	_ =	shalt  }
0x79: {  	_ =	shalt  }
0x7a: {  	_ =	shalt  }
0x7b: {  	_ =	shalt  }
0x7c: {  	_ =	shalt  }
0x7d: {  	_ =	shalt  }
0x7e: {  	_ =	shalt  }
0x7f: {  	_ =	shalt  }
0x80: {  	_ =	shalt  }
0x81: {  	_ =	shalt  }
0x82: {  	_ =	shalt  }
0x83: {  	_ =	shalt  }
0x84: {  	_ =	shalt  }
0x85: {  	_ =	shalt  }
0x86: {  	_ =	shalt  }
0x87: {  	_ =	shalt  }
.Lfunc_end0:
.L_simem_size_0:
called_computation.1_lowered:
.L_overlay_start_0:
0x88: {  	s2 =	sld [smem:$0x3FD9]  }
0x89: {  	s3 =	sld [smem:$0x3FFE];
	_ =	sdelay $0x1  }
0x8a: {  	s1 =	srdreg.scid  }
0x8b: {  	s0 =	sand.u32 $0x1, s1  }
0x8c: {  	s16 =	sshll.u32 s0, $0xA;
	s2 =	sadd.s32 s3, s2  }
0x8d: {  	s2 =	sadd.s32 s2, s16  }
0x8e: {  	[smem:$0x3FB8] =	sst s2  }
0x8f: {  	_ = 	snop  }
0x90: {  	(tm) =	ssettm $0x1  }
0x91: {  	s17 =	sld [smem:$0x3FFB];
	_ =	sdelay $0x3  }
0x92: {  	_ =	strace s17  }
0x93: {  	s2 =	sld [smem:$0x3FFC];
	_ =	sdelay $0x3  }
0x94: {  	_ =	strace s2  }
0x95: {  	s2 =	sld [smem:$0x3FFD];
	_ =	sdelay $0x3  }
0x96: {  	_ =	strace s2  }
0x97: {  	_ =	strace $0x8FFFFFFF  }
0x98: {  	s18 =	sld [smem:$0x3FDB];
	_ =	sdelay $0x1  }
0x99: {  	s19 =	simm.s32 $_scs_section_size  }
0x9a: {  	s4 =	simm.s32 $_size__tile_overlayer_lowered;
	s5 =	simm.s32 $_tile_overlayer_lowered  }
0x9b: {  	s22 =	simm.s32 $0x1BFF;
	s21 =	sshll.u32 s5, $0x1;
	s2 =	sadd.s32 s19, s18  }
0x9c: {  	s6 =	simm.s32 $0x0;
	s20 =	sshll.u32 s4, $0x1;
	s4 =	sadd.s32 s21, s2  }
0x9d: {  	[timem:s6], [sflag:s22] =	dma.local [hbm:s4], s20  }
0x9e: {  	_ =	swait.ge [sflag:s22], s20  }
0x9f: {  	s3 =	ssub.s32 $0x0, s20;
	[sflag:s22] =	ssyncset.done $0x0  }
0xa0: {  	[sflag:s22] =	ssyncadd.s32 s3;
	_ =	sdelay $0x1  }
0xa1: {  	s23 =	simm.s32 $0x1B8B  }
0xa2: {  	_ =	swait.ge [sflag:s23], $0x1  }
0xa3: {  	[sflag:s23] =	ssyncset.done $0x0  }
0xa4: {  	s25 =	simm.s32 $0x1B8E;
	s24 =	sld [smem:$0x3FFE];
	[sflag:s23] =	ssyncadd.s32 $0xFFFFFFFF  }
0xa5: {  	s26 =	simm.s32 $execute0_lowered;
	[smem:$0x3FD2] =	sst s25  }
0xa6: {  	s4 =	sshll.u32 s26, $0x1;
	_ =	strace $0x80000049;
	[dreg:$0x1] =	wrdreg $0xFFFFFFFF  }
0xa7: {  	s28 =	simm.s32 $_size_execute0_lowered;
	s2 =	sadd.s32 s2, s4;
	[dreg:$0x0] =	wrdreg $0x0  }
0xa8: {  	s4 =	sshll.u32 s28, $0x1;
	[dreg:$0x2] =	wrdreg s2  }
0xa9: {  	[dreg:$0x3] =	wrdreg s4  }
0xaa: {  	[dreg:$0x4] =	wrdreg $0xC0  }
0xab: {  	_ =	task [dreg:s6], $0x5FFFF  }
0xac: {  	[dreg:$0x1] =	wrdreg $0xFFFFFFFF  }
0xad: {  	[dreg:$0x0] =	wrdreg $0x60  }
0xae: {  	[dreg:$0x2] =	wrdreg s24  }
0xaf: {  	[dreg:$0x3] =	wrdreg $0x1B000  }
0xb0: {  	[dreg:$0x4] =	wrdreg $0x9  }
0xb1: {  	_ =	task.clear_ibuf [dreg:s6], $0x5FFFF;
	_ =	strace $0x90000049  }
0xb2: {  	s29 =	simm.s32 $0x9;
	_ =	strace $0x8000004B  }
0xb3: {  	_ =	swait.ge [sflag:s29], $0x1  }
0xb4: {  	[sflag:s29] =	ssyncadd.s32 $0xFFFFFFFF  }
0xb5: {  	_ =	strace $0x9000004B  }
0xb6: {  	_ =	sfence  }
0xb7: {  	s30 =	sld [smem:$0x0];
	_ =	sdelay $0x2  }
0xb8: {  	s31 =	sshll.u32 s1, $0xD;
	s1 =	sshrl.u32 s1, $0x2  }
0xb9: {  	s3 =	sand.u32 $0x4000, s31;
	s1 =	sadd.s32 s1, s30  }
0xba: {  	s0 =	sor.u32 s3, s0;
	s1 =	sshll.u32 s1, $0x11  }
0xbb: {  	s0 =	sor.u32 s1, s0  }
0xbc: {  	s0 =	sadd.s32 $0x8F2B, s0  }
0xbd: {  	[sflag:s0] =	ssyncadd.remote.s32 $0x1  }
0xbe: {  	_ =	sfence.sel $0xFFFF  }
0xbf: {  	[dreg:$0x0] =	wrdreg $0xFFFFFFFF;
	(pc) =	sbr.abs _section_cstart, $3  }
0xc0: {  	[dreg:$0x1] =	wrdreg $0xFFFFFFFF  }
0xc1: {  	_ =	task.clear_ibuf [dreg:s6], $0x2FFFF;
	_ =	strace $0x9FFFFFFF  }
0xc2: {  	(tm) =	ssettm $0x7FFFFFFF  }
0xc3: {  	_ =	shalt  }
tec
execute0_lowered:
.L_overlay_start_1:
0x0: {  	(tag) =	ssettag $0x1  }
0x1: {  	s0 =	rddreg [dreg:$0x0]  }
0x2: {  	s2 =	rddreg [dreg:$0x1]  }
0x3: {  	s3 =	simm.s32 $0x0;
	s13 =	stileid.u32;
	s1 =	srdreg.scid  }
0x4: {  	s28 =	simm.s32 $0x1;
	s29 =	simm.s32 $0x100;
	s30 =	simm.s32 $0x280  }
0x5: {  	s31 =	simm.s32 $0x1300;
	[smem:$0x7FF] =	sst s3;
	s7 =	smul.u32 $0x2800, s13  }
0x6: {  	s1 =	sand.u32 $0x1, s1;
	s4 =	sadd.s32 $0x12000, s0;
	s5 =	sadd.s32 $0xCC00, s0  }
0x7: {  	s6 =	sadd.s32 $0x2600, s0;
	s10 =	sshll.u32 s13, $0x1;
	s12 =	smul.u32 $0x2A00, s13  }
0x8: {  	s18 =	sshll.u32 s13, $0x6;
	_ =	strace $0x8000004A;
	s8 =	smul.u32 $0x28000, s1  }
0x9: {  	s11 =	ssub.s32 $0x2, s1;
	s10 =	sor.u32 s1, s10;
	s1 =	smul.u32 $0x1500, s1  }
0xa: {  	s9 =	sshrl.u32 s7, $0x3;
	s17 =	sshrl.u32 s11, $0x1;
	s10 =	smul.u32 $0x1500, s10  }
0xb: {  	s9 =	sadd.s32 s9, s0;
	s8 =	sadd.s32 s7, s8;
	s11 =	ssub.s32 s11, s17  }
0xc: {  	s7 =	sadd.s32 s7, s2;
	s1 =	sadd.s32 s1, s12;
	s8 =	sshrl.u32 s8, $0x3  }
0xd: {  	s10 =	sshrl.u32 s10, $0x3;
	s9 =	sadd.s32 $0x7A00, s9;
	s22 =	sadd.s32 $0x200, s1  }
0xe: {  	s24 =	sadd.s32 $0x100, s1;
	s25 =	smax.u32 s11, $0x1;
	s26 =	sadd.s32 $0x180, s1  }
0xf: {  	s1 =	simm.s32 $0x3;
	s11 =	simm.s32 $0x0;
	s0 =	sadd.s32 s8, s0  }
0x10: {  	[dreg:$0x3] =	wrdreg s9;
	s8 =	sor.u32 $0x1C07, s18;
	s19 =	sadd.s32 s5, s10  }
0x11: {  	s20 =	sadd.s32 s6, s10;
	s21 =	sor.u32 $0x10, s10;
	[dreg:$0x9] =	wrdreg s25  }
0x12: {  	s23 =	sshrl.u32 s22, $0x3;
	[dreg:$0xa] =	wrdreg s26;
	s22 =	simm.s32 $0x180  }
0x13: {  	s25 =	simm.s32 $0x200;
	s26 =	simm.s32 $0xB00;
	[dreg:$0x4] =	wrdreg s19  }
0x14: {  	[dreg:$0x5] =	wrdreg s20;
	s10 =	sadd.s32 s5, s21;
	s9 =	sadd.s32 s6, s21  }
0x15: {  	s0 =	sadd.s32 $0x17000, s0;
	s15 =	sadd.s32 s23, s6;
	s16 =	sadd.s32 s23, s5  }
.Ltmp0:
0x16: {  	s20 =	sshrl.u32 s7, $0x3;
	[dreg:$0x6] =	wrdreg s10;
	(pc) =	sbr.rel .LBB2_1-.Ltmp0, $4  }
0x17: {  	s21 =	simm.s32 $0x7;
	s23 =	simm.s32 $0x80;
	[dreg:$0x7] =	wrdreg s9  }
0x18: {  	s7 =	simm.s32 $0x4;
	[dreg:$0x8] =	wrdreg s0;
	s9 =	sshrl.u32 s24, $0x3  }
0x19: {  	s24 =	simm.s32 $0x300;
	s0 =	simm.s32 $0x2;
	s10 =	simm.s32 $0x6  }
0x1a: {  	s18 =	sadd.s32 s9, s6;
	s19 =	sadd.s32 s9, s5;
	s9 =	simm.s32 $0x5  }
.LBB2_4:
0x1b: {  	_ =	swait.ge [sflag:s1], $0x800  }
0x1c: {  	[sflag:s1] =	ssyncset.done $0x0  }
0x1d: {  	[sflag:s1] =	ssyncadd.s32 $0xFFFFF800  }
0x1e: {  	[spmem:s2] =	stream.indirect.scatter.add.f32 [tilespmem:s31], [sflag:$0x6], $0x10, s30, s23, $0xb8;
	[tilespmem:$0x4300] =	vst v63  }
0x1f: {  	_ =	swait.ge [sflag:s7], $0x800  }
0x20: {  	[sflag:s7] =	ssyncset.done $0x0  }
0x21: {  	[sflag:s7] =	ssyncadd.s32 $0xFFFFF800  }
0x22: {  	_ =	swait.ge [sflag:s9], $0x800  }
0x23: {  	[sflag:s9] =	ssyncset.done $0x0  }
0x24: {  	[sflag:s9] =	ssyncadd.s32 $0xFFFFF800  }
0x25: {  	_ =	swait.ge [sflag:s10], $0x800  }
0x26: {  	[sflag:s10] =	ssyncset.done $0x0  }
0x27: {  	[sflag:s10] =	ssyncadd.s32 $0xFFFFF800  }
0x28: {  	[bflag:$0x0] =	sbarrier.arrive $0xFFFF  }
0x29: {  	s12 =	rddreg [dreg:$0x8]  }
0x2a: {  	[hbm:s12], [sflag:s8] =	dma.local [spmem:s20], $0x500  }
0x2b: {  	_ =	swait.ge [sflag:s21], $0x500  }
0x2c: {  	s11 =	sadd.s32 $0x1, s11;
	s17 =	rddreg [dreg:$0x9]  }
0x2d: {  	p0 =	sne.s32 s11, s17  }
.Ltmp1:
0x2e: {  	_ = 	snop;
	(pc) =	sbr.rel @!p0 .LBB2_5-.Ltmp1, $3  }
0x2f: {  	_ =	sdelay $0x1  }
0x30: {  	[sflag:s21] =	ssyncset.done $0x0  }
0x31: {  	[sflag:s21] =	ssyncadd.s32 $0xFFFFFB00  }
.LBB2_1:
0x32: {  	s12 =	rddreg [dreg:$0x3]  }
0x33: {  	[spmem:s20], [sflag:s8] =	dma.local [hbm:s12], $0x500  }
0x34: {  	_ =	swait.ge [sflag:s21], $0x500  }
0x35: {  	[sflag:s21] =	ssyncset.done $0x0  }
0x36: {  	[sflag:s21] =	ssyncadd.s32 $0xFFFFFB00  }
0x37: {  	[bflag:$0x0] =	sbarrier.arrive $0xFFFF  }
0x38: {  	s17 =	rddreg [dreg:$0x4]  }
0x39: {  	[tilespmem:s3], [sflag:$0x7] =	stream.linear.gather [hbm4b:s17+s3], $0x80, $0x38;
	[tilespmem:$0x4300] =	vst v63  }
0x3a: {  	_ =	swait.ge [sflag:s21], $0x80  }
0x3b: {  	[sflag:s21] =	ssyncset.done $0x0  }
0x3c: {  	s13 =	rddreg [dreg:$0x5];
	[sflag:s21] =	ssyncadd.s32 $0xFFFFFF80  }
0x3d: {  	[tilespmem:s22], [sflag:$0x7] =	stream.linear.gather [hbm4b:s13+s3], $0x80, $0x38;
	[tilespmem:$0x4300] =	vst v63  }
0x3e: {  	_ =	swait.ge [sflag:s21], $0x80  }
0x3f: {  	[sflag:s21] =	ssyncset.done $0x0  }
0x40: {  	[sflag:s21] =	ssyncadd.s32 $0xFFFFFF80  }
0x41: {  	[tilespmem:s24], [sflag:$0x1] =	stream.indirect.gather [hbm4b:s4+s23], $0x10, s3, s23, $0xb8;
	[tilespmem:$0x4300] =	vst v63  }
0x42: {  	s14 =	rddreg [dreg:$0x6]  }
0x43: {  	[tilespmem:s23], [sflag:$0x7] =	stream.linear.gather [hbm4b:s14+s3], $0x80, $0x38;
	[tilespmem:$0x4300] =	vst v63  }
0x44: {  	_ =	swait.ge [sflag:s21], $0x80  }
0x45: {  	[sflag:s21] =	ssyncset.done $0x0  }
0x46: {  	s17 =	rddreg [dreg:$0x7];
	[sflag:s21] =	ssyncadd.s32 $0xFFFFFF80  }
0x47: {  	[tilespmem:s25], [sflag:$0x7] =	stream.linear.gather [hbm4b:s17+s3], $0x80, $0x38;
	[tilespmem:$0x4300] =	vst v63  }
0x48: {  	_ =	swait.ge [sflag:s21], $0x80  }
0x49: {  	[sflag:s21] =	ssyncset.done $0x0  }
0x4a: {  	s13 =	simm.s32 $0x0;
	s17 =	rddreg [dreg:$0xa];
	[sflag:s21] =	ssyncadd.s32 $0xFFFFFF80  }
0x4b: {  	[tilespmem:s26], [sflag:$0x2] =	stream.indirect.gather [hbm4b:s4+s23], $0x10, s23, s23, $0xb8;
	[tilespmem:$0x4300] =	vst v63  }
.LBB2_2:
0x4c: {  	_ =	swait.ge [sflag:s28], $0x800  }
0x4d: {  	p0 =	seq.s32 s13, $0x0;
	[sflag:s28] =	ssyncset.done $0x0  }
0x4e: {  	s14 =	simm.s32 @!p0 $0x6;
	[sflag:s28] =	ssyncadd.s32 $0xFFFFF800  }
0x4f: {  	[spmem:s2] =	stream.indirect.scatter.add.f32 [tilespmem:s24], [sflag:$0x4], $0x10, s22, s23, $0xb8;
	[tilespmem:$0x4300] =	vst v63  }
0x50: {  	_ =	swait.ge @!p0 [sflag:s14], $0x800  }
0x51: {  	[sflag:s14] =	ssyncset.done @!p0 $0x0  }
0x52: {  	s12 =	sadd.s32 s13, s19;
	[sflag:s14] =	ssyncadd.s32 @!p0 $0xFFFFF800  }
0x53: {  	[tilespmem:s29], [sflag:$0x7] =	stream.linear.gather [hbm4b:s12+s3], $0x80, $0x38;
	[tilespmem:$0x4300] =	vst v63  }
0x54: {  	_ =	swait.ge [sflag:s21], $0x80  }
0x55: {  	[sflag:s21] =	ssyncset.done $0x0  }
0x56: {  	s12 =	sadd.s32 s13, s18;
	[sflag:s21] =	ssyncadd.s32 $0xFFFFFF80  }
0x57: {  	[tilespmem:s30], [sflag:$0x7] =	stream.linear.gather [hbm4b:s12+s3], $0x80, $0x38;
	[tilespmem:$0x4300] =	vst v63  }
0x58: {  	_ =	swait.ge [sflag:s21], $0x80  }
0x59: {  	[sflag:s21] =	ssyncset.done $0x0  }
0x5a: {  	p0 =	seq.s32 s13, $0x270;
	[sflag:s21] =	ssyncadd.s32 $0xFFFFFF80  }
0x5b: {  	[tilespmem:s31], [sflag:$0x3] =	stream.indirect.gather [hbm4b:s4+s23], $0x10, s29, s23, $0xb8;
	[tilespmem:$0x4300] =	vst v63  }
.Ltmp2:
0x5c: {  	_ = 	snop;
	(pc) =	sbr.rel @p0 .LBB2_4-.Ltmp2, $4  }
0x5d: {  	_ =	swait.ge [sflag:s0], $0x800  }
0x5e: {  	[sflag:s0] =	ssyncset.done $0x0  }
0x5f: {  	[sflag:s0] =	ssyncadd.s32 $0xFFFFF800  }
0x60: {  	[spmem:s2] =	stream.indirect.scatter.add.f32 [tilespmem:s26], [sflag:$0x5], $0x10, s25, s23, $0xb8;
	[tilespmem:$0x4300] =	vst v63  }
0x61: {  	_ =	swait.ge [sflag:s7], $0x800  }
0x62: {  	s14 =	sshrl.u32 s17, $0x3;
	[sflag:s7] =	ssyncset.done $0x0  }
0x63: {  	s12 =	sadd.s32 s5, s14;
	[sflag:s7] =	ssyncadd.s32 $0xFFFFF800  }
0x64: {  	[tilespmem:s3], [sflag:$0x7] =	stream.linear.gather [hbm4b:s12+s3], $0x80, $0x38;
	[tilespmem:$0x4300] =	vst v63  }
0x65: {  	_ =	swait.ge [sflag:s21], $0x80  }
0x66: {  	[sflag:s21] =	ssyncset.done $0x0  }
0x67: {  	s14 =	sadd.s32 s6, s14;
	[sflag:s21] =	ssyncadd.s32 $0xFFFFFF80  }
0x68: {  	[tilespmem:s22], [sflag:$0x7] =	stream.linear.gather [hbm4b:s14+s3], $0x80, $0x38;
	[tilespmem:$0x4300] =	vst v63  }
0x69: {  	_ =	swait.ge [sflag:s21], $0x80  }
0x6a: {  	[sflag:s21] =	ssyncset.done $0x0  }
0x6b: {  	[sflag:s21] =	ssyncadd.s32 $0xFFFFFF80  }
0x6c: {  	[tilespmem:s24], [sflag:$0x1] =	stream.indirect.gather [hbm4b:s4+s23], $0x10, s3, s23, $0xb8;
	[tilespmem:$0x4300] =	vst v63  }
0x6d: {  	_ =	swait.ge [sflag:s1], $0x800  }
0x6e: {  	[sflag:s1] =	ssyncset.done $0x0  }
0x6f: {  	[sflag:s1] =	ssyncadd.s32 $0xFFFFF800  }
0x70: {  	[spmem:s2] =	stream.indirect.scatter.add.f32 [tilespmem:s31], [sflag:$0x6], $0x10, s30, s23, $0xb8;
	[tilespmem:$0x4300] =	vst v63  }
0x71: {  	_ =	swait.ge [sflag:s9], $0x800  }
0x72: {  	[sflag:s9] =	ssyncset.done $0x0  }
0x73: {  	s14 =	sadd.s32 s13, s16;
	[sflag:s9] =	ssyncadd.s32 $0xFFFFF800  }
0x74: {  	[tilespmem:s23], [sflag:$0x7] =	stream.linear.gather [hbm4b:s14+s3], $0x80, $0x38;
	[tilespmem:$0x4300] =	vst v63  }
0x75: {  	_ =	swait.ge [sflag:s21], $0x80  }
0x76: {  	[sflag:s21] =	ssyncset.done $0x0  }
0x77: {  	s14 =	sadd.s32 s13, s15;
	[sflag:s21] =	ssyncadd.s32 $0xFFFFFF80  }
0x78: {  	[tilespmem:s25], [sflag:$0x7] =	stream.linear.gather [hbm4b:s14+s3], $0x80, $0x38;
	[tilespmem:$0x4300] =	vst v63  }
.Ltmp3:
0x79: {  	_ = 	snop;
	(pc) =	sbr.rel .LBB2_2-.Ltmp3, $4  }
0x7a: {  	_ =	swait.ge [sflag:s21], $0x80  }
0x7b: {  	[sflag:s21] =	ssyncset.done $0x0  }
0x7c: {  	s17 =	sadd.s32 $0x180, s17;
	s13 =	sadd.s32 $0x30, s13;
	[sflag:s21] =	ssyncadd.s32 $0xFFFFFF80  }
0x7d: {  	[tilespmem:s26], [sflag:$0x2] =	stream.indirect.gather [hbm4b:s4+s23], $0x10, s23, s23, $0xb8;
	[tilespmem:$0x4300] =	vst v63  }
.LBB2_5:
0x7e: {  	_ =	sfence.sel $0x180000  }
0x7f: {  	[bflag:$0x0] =	sbarrier.arrive $0xFFFF  }
0x80: {  	_ =	strace $0x9000004A  }
0x81: {  	s0 =	stileid.u32;
	[bflag:$0x2] =	sbarrier.arrive $0xFFFF  }
0x82: {  	p0 =	sne.s32 s0, $0x0;
	s0 =	rddreg [dreg:$0x2]  }
0x83: {  	s0 =	sadd.s32 @!p0 $0x100000, s0  }
0x84: {  	[sflag:s0] =	ssyncadd.tile.s32 @!p0 $0x1;
	_ =	shalt  }
.Lfunc_end2:
_tile_overlayer_lowered:
.L_overlay_start_2:
0x85: {  	(tag) =	ssettag $0x2  }
0x86: {  	s0 =	rddreg [dreg:$0x0];
	s2 =	stileid.u32  }
0x87: {  	s1 =	rddreg [dreg:$0x1];
	p0 =	sne.s32 s2, $0x0  }
0x88: {  	s3 =	rddreg [dreg:$0x2];
	[bflag:$0x3] =	sbarrier.arrive $0xFFFF;
	s2 =	simm.s32 @!p0 $0x1C07  }
0x89: {  	[timem:s3], [sflag:s2] =	dma.local @!p0 [hbm:s0], s1  }
0x8a: {  	s0 =	simm.s32 @!p0 $0x7  }
0x8b: {  	_ =	swait.ge @!p0 [sflag:s0], s1  }
0x8c: {  	s1 =	ssub.s32 @!p0 $0x0, s1;
	[sflag:s0] =	ssyncset.done @!p0 $0x0  }
0x8d: {  	[sflag:s0] =	ssyncadd.s32 @!p0 s1  }
0x8e: {  	[bflag:$0x3] =	sbarrier.arrive $0xFFFF  }
0x8f: {  	_ =	shalt  }

// kernel: kernel.16.cloned.1.call-start
scs
__scs_entry_jumppad:
0x0: {  	(pc) =	sbr.rel $0x88, $3  }
0x1: {  	(tag) =	ssettag $0x0;
	lr =	simm.s32 $0x1  }
0x2: {  	[smem:$0x3F91] =	sst lr;
	_ =	strace $0xD0000000  }
0x3: {  	_ = 	snop  }
0x4: {  	_ = 	snop  }
0x5: {  	_ = 	snop  }
0x6: {  	_ = 	snop  }
0x7: {  	_ = 	snop  }
__scs_overlays_trampoline_lowered:
0x8: {  	[smem:$0x3FA0] =	sst s0  }
0x9: {  	[smem:$0x3FA1] =	sst s1  }
0xa: {  	[smem:$0x3FA2] =	sst s2  }
0xb: {  	[smem:$0x3FA3] =	sst s3  }
0xc: {  	[smem:$0x3FA4] =	sst s4  }
0xd: {  	[smem:$0x3FA5] =	sst s5  }
0xe: {  	[smem:$0x3FA6] =	sst s6  }
0xf: {  	[smem:$0x3FA7] =	sst s7  }
0x10: {  	[smem:$0x3FA8] =	sst s8  }
0x11: {  	[smem:$0x3FA9] =	sst s9;
	s0 =	simm.s32 @!p0 $0x0  }
0x12: {  	s1 =	sld [smem:$0x3F8F];
	s0 =	simm.s32 @p0 $0x1  }
0x13: {  	[smem:$0x3FAA] =	sst s0;
	s0 =	simm.s32 @!p1 $0x0  }
0x14: {  	s2 =	sld [smem:$0x3F8E];
	s0 =	simm.s32 @p1 $0x1  }
0x15: {  	[smem:$0x3FAB] =	sst s0;
	s0 =	simm.s32 @!p2 $0x0  }
0x16: {  	s3 =	sld [smem:$0x3FDB];
	s0 =	simm.s32 @p2 $0x1  }
0x17: {  	s4 =	simm.s32 $0x1BF5;
	[smem:$0x3FAD] =	sst s0  }
0x18: {  	s0 =	sld [smem:$0x3F90];
	_ =	swait.ge [sflag:s4], $0x0  }
0x19: {  	s7 =	sld [smem:$0x3F91]  }
0x1a: {  	s8 =	sadd.s32 $0xFFFFE003, lr  }
0x1b: {  	s9 =	sadd.s32 $0xFFFFFEF7, lr;
	s5 =	simm.s32 $0xFFFFFFFF;
	p2 =	slt.u32 s8, $0xFFFFF086  }
0x1c: {  	p1 =	slt.u32 s9, $0xF7A;
	s5 =	simm.s32 @!p2 $0x0  }
0x1d: {  	s5 =	simm.s32 @p1 $0x1;
	p0 =	seq.s32 s7, s2  }
0x1e: {  	s7 =	smul.u32 @!p0 $0xF7A, s2;
	p2 =	seq.s32 @!p0 s5, $0x0  }
0x1f: {  	s9 =	smul.u32 $0xF7A, s1;
	s8 =	simm.s32 @!p0 $0x1BF5;
	p2 =	por !p2, p0  }
0x20: {  	[sflag:s8] =	ssyncset.s32 @!p0 $0xFFFFF086;
	s6 =	sadd.s32 @!p0 s3, s7;
	s7 =	simm.s32 @!p0 $0x108  }
0x21: {  	s3 =	sadd.s32 s3, s9;
	s6 =	sadd.s32 @!p0 $0x88, s6;
	s7 =	simm.s32 @p2 $0x1082  }
0x22: {  	[simem:s7], [sflag:s8] =	dma.local @!p0 [hbm:s6], $0xF7A  }
0x23: {  	s9 =	sor.u32 $0xD0000000, s2;
	s6 =	simm.s32 $0x108;
	_ =	swait.ge @!p0 [sflag:s8], $0x0  }
0x24: {  	s3 =	sadd.s32 $0x88, s3;
	s6 =	simm.s32 @!p1 $0x1082;
	[sflag:s4] =	ssyncset.s32 $0xFFFFF086  }
0x25: {  	[simem:s6], [sflag:s4] =	dma.local [hbm:s3], $0xF7A  }
0x26: {  	[smem:$0x3F91] =	sst s1;
	(tag) =	ssettag s2;
	_ =	strace s9  }
0x27: {  	s1 =	sld [smem:$0x3FA1]  }
0x28: {  	s2 =	sld [smem:$0x3FA2]  }
0x29: {  	s4 =	sld [smem:$0x3FA4]  }
0x2a: {  	p0 =	seq.s32 s5, $0x0;
	s5 =	sld [smem:$0x3FA5]  }
0x2b: {  	s6 =	sld [smem:$0x3FA6]  }
0x2c: {  	s7 =	sld [smem:$0x3FA7]  }
0x2d: {  	s3 =	simm.s32 $0x108;
	s8 =	sld [smem:$0x3FA8]  }
0x2e: {  	s3 =	simm.s32 @!p0 $0x1082;
	s9 =	sld [smem:$0x3FA9]  }
0x2f: {  	lr =	sadd.s32 s0, s3;
	s0 =	sld [smem:$0x3FA0]  }
0x30: {  	s3 =	sld [smem:$0x3FA3]  }
0x31: {  	[smem:$0x3FAC] =	sst s10  }
0x32: {  	s10 =	sld [smem:$0x3FAA];
	_ =	sdelay $0x3  }
0x33: {  	p0 =	seq.s32 s10, $0x1;
	s10 =	sld [smem:$0x3FAC];
	_ =	sdelay $0x3  }
0x34: {  	[smem:$0x3FAC] =	sst s10  }
0x35: {  	s10 =	sld [smem:$0x3FAB];
	_ =	sdelay $0x3  }
0x36: {  	p1 =	seq.s32 s10, $0x1;
	s10 =	sld [smem:$0x3FAC];
	_ =	sdelay $0x3  }
0x37: {  	[smem:$0x3FAC] =	sst s10  }
0x38: {  	s10 =	sld [smem:$0x3FAD]  }
0x39: {  	_ = 	snop;
	(pc) =	sbr.ind lr, $3  }
0x3a: {  	_ = 	snop  }
0x3b: {  	_ = 	snop  }
0x3c: {  	p2 =	seq.s32 s10, $0x1;
	s10 =	sld [smem:$0x3FAC]  }
0x3d: {  	_ =	shalt  }
0x3e: {  	_ =	shalt  }
0x3f: {  	_ =	shalt  }
0x40: {  	_ =	shalt  }
0x41: {  	_ =	shalt  }
0x42: {  	_ =	shalt  }
0x43: {  	_ =	shalt  }
0x44: {  	_ =	shalt  }
0x45: {  	_ =	shalt  }
0x46: {  	_ =	shalt  }
0x47: {  	_ =	shalt  }
0x48: {  	_ =	shalt  }
0x49: {  	_ =	shalt  }
0x4a: {  	_ =	shalt  }
0x4b: {  	_ =	shalt  }
0x4c: {  	_ =	shalt  }
0x4d: {  	_ =	shalt  }
0x4e: {  	_ =	shalt  }
0x4f: {  	_ =	shalt  }
0x50: {  	_ =	shalt  }
0x51: {  	_ =	shalt  }
0x52: {  	_ =	shalt  }
0x53: {  	_ =	shalt  }
0x54: {  	_ =	shalt  }
0x55: {  	_ =	shalt  }
0x56: {  	_ =	shalt  }
0x57: {  	_ =	shalt  }
0x58: {  	_ =	shalt  }
0x59: {  	_ =	shalt  }
0x5a: {  	_ =	shalt  }
0x5b: {  	_ =	shalt  }
0x5c: {  	_ =	shalt  }
0x5d: {  	_ =	shalt  }
0x5e: {  	_ =	shalt  }
0x5f: {  	_ =	shalt  }
0x60: {  	_ =	shalt  }
0x61: {  	_ =	shalt  }
0x62: {  	_ =	shalt  }
0x63: {  	_ =	shalt  }
0x64: {  	_ =	shalt  }
0x65: {  	_ =	shalt  }
0x66: {  	_ =	shalt  }
0x67: {  	_ =	shalt  }
0x68: {  	_ =	shalt  }
0x69: {  	_ =	shalt  }
0x6a: {  	_ =	shalt  }
0x6b: {  	_ =	shalt  }
0x6c: {  	_ =	shalt  }
0x6d: {  	_ =	shalt  }
0x6e: {  	_ =	shalt  }
0x6f: {  	_ =	shalt  }
0x70: {  	_ =	shalt  }
0x71: {  	_ =	shalt  }
0x72: {  	_ =	shalt  }
0x73: {  	_ =	shalt  }
0x74: {  	_ =	shalt  }
0x75: {  	_ =	shalt  }
0x76: {  	_ =	shalt  }
0x77: {  	_ =	shalt  }
0x78: {  	_ =	shalt  }
0x79: {  	_ =	shalt  }
0x7a: {  	_ =	shalt  }
0x7b: {  	_ =	shalt  }
0x7c: {  	_ =	shalt  }
0x7d: {  	_ =	shalt  }
0x7e: {  	_ =	shalt  }
0x7f: {  	_ =	shalt  }
0x80: {  	_ =	shalt  }
0x81: {  	_ =	shalt  }
0x82: {  	_ =	shalt  }
0x83: {  	_ =	shalt  }
0x84: {  	_ =	shalt  }
0x85: {  	_ =	shalt  }
0x86: {  	_ =	shalt  }
0x87: {  	_ =	shalt  }
.Lfunc_end0:
.L_simem_size_0:
called_computation.2_lowered:
.L_overlay_start_0:
0x88: {  	s2 =	sld [smem:$0x3FD9]  }
0x89: {  	s3 =	sld [smem:$0x3FFE];
	_ =	sdelay $0x1  }
0x8a: {  	s1 =	srdreg.scid  }
0x8b: {  	s0 =	sand.u32 $0x1, s1  }
0x8c: {  	s16 =	sshll.u32 s0, $0xA;
	s2 =	sadd.s32 s3, s2  }
0x8d: {  	s2 =	sadd.s32 s2, s16  }
0x8e: {  	[smem:$0x3FB8] =	sst s2  }
0x8f: {  	_ = 	snop  }
0x90: {  	(tm) =	ssettm $0x1  }
0x91: {  	s17 =	sld [smem:$0x3FFB];
	_ =	sdelay $0x3  }
0x92: {  	_ =	strace s17  }
0x93: {  	s2 =	sld [smem:$0x3FFC];
	_ =	sdelay $0x3  }
0x94: {  	_ =	strace s2  }
0x95: {  	s2 =	sld [smem:$0x3FFD];
	_ =	sdelay $0x3  }
0x96: {  	_ =	strace s2  }
0x97: {  	_ =	strace $0x8FFFFFFF  }
0x98: {  	s18 =	sld [smem:$0x3FDB];
	_ =	sdelay $0x1  }
0x99: {  	s19 =	simm.s32 $_scs_section_size  }
0x9a: {  	s4 =	simm.s32 $_size__tile_overlayer_lowered;
	s5 =	simm.s32 $_tile_overlayer_lowered  }
0x9b: {  	s22 =	simm.s32 $0x1BFF;
	s21 =	sshll.u32 s5, $0x1;
	s2 =	sadd.s32 s19, s18  }
0x9c: {  	s6 =	simm.s32 $0x0;
	s20 =	sshll.u32 s4, $0x1;
	s4 =	sadd.s32 s21, s2  }
0x9d: {  	[timem:s6], [sflag:s22] =	dma.local [hbm:s4], s20  }
0x9e: {  	_ =	swait.ge [sflag:s22], s20  }
0x9f: {  	s3 =	ssub.s32 $0x0, s20;
	[sflag:s22] =	ssyncset.done $0x0  }
0xa0: {  	[sflag:s22] =	ssyncadd.s32 s3;
	_ =	sdelay $0x1  }
0xa1: {  	s23 =	simm.s32 $0x1B8B  }
0xa2: {  	_ =	swait.ge [sflag:s23], $0x1  }
0xa3: {  	[sflag:s23] =	ssyncset.done $0x0  }
0xa4: {  	s25 =	simm.s32 $0x1B8E;
	s24 =	sld [smem:$0x3FFE];
	[sflag:s23] =	ssyncadd.s32 $0xFFFFFFFF  }
0xa5: {  	s26 =	simm.s32 $execute0_lowered;
	[smem:$0x3FD2] =	sst s25  }
0xa6: {  	s4 =	sshll.u32 s26, $0x1;
	_ =	strace $0x8000004C;
	[dreg:$0x1] =	wrdreg $0xFFFFFFFF  }
0xa7: {  	s28 =	simm.s32 $_size_execute0_lowered;
	s2 =	sadd.s32 s2, s4;
	[dreg:$0x0] =	wrdreg $0x0  }
0xa8: {  	s4 =	sshll.u32 s28, $0x1;
	[dreg:$0x2] =	wrdreg s2  }
0xa9: {  	[dreg:$0x3] =	wrdreg s4  }
0xaa: {  	[dreg:$0x4] =	wrdreg $0xC0  }
0xab: {  	_ =	task [dreg:s6], $0x5FFFF  }
0xac: {  	[dreg:$0x1] =	wrdreg $0xFFFFFFFF  }
0xad: {  	[dreg:$0x0] =	wrdreg $0x60  }
0xae: {  	[dreg:$0x2] =	wrdreg s24  }
0xaf: {  	[dreg:$0x3] =	wrdreg $0x63000  }
0xb0: {  	[dreg:$0x4] =	wrdreg $0x9  }
0xb1: {  	_ =	task.clear_ibuf [dreg:s6], $0x5FFFF;
	_ =	strace $0x9000004C  }
0xb2: {  	s29 =	simm.s32 $0x9;
	_ =	strace $0x8000004E  }
0xb3: {  	_ =	swait.ge [sflag:s29], $0x1  }
0xb4: {  	[sflag:s29] =	ssyncadd.s32 $0xFFFFFFFF  }
0xb5: {  	_ =	strace $0x9000004E  }
0xb6: {  	_ =	sfence  }
0xb7: {  	s30 =	sld [smem:$0x0];
	_ =	sdelay $0x2  }
0xb8: {  	s31 =	sshll.u32 s1, $0xD;
	s1 =	sshrl.u32 s1, $0x2  }
0xb9: {  	s3 =	sand.u32 $0x4000, s31;
	s1 =	sadd.s32 s1, s30  }
0xba: {  	s0 =	sor.u32 s3, s0;
	s1 =	sshll.u32 s1, $0x11  }
0xbb: {  	s0 =	sor.u32 s1, s0  }
0xbc: {  	s0 =	sadd.s32 $0x8F2B, s0  }
0xbd: {  	[sflag:s0] =	ssyncadd.remote.s32 $0x1  }
0xbe: {  	_ =	sfence.sel $0xFFFF  }
0xbf: {  	[dreg:$0x0] =	wrdreg $0xFFFFFFFF;
	(pc) =	sbr.abs _section_cstart, $3  }
0xc0: {  	[dreg:$0x1] =	wrdreg $0xFFFFFFFF  }
0xc1: {  	_ =	task.clear_ibuf [dreg:s6], $0x2FFFF;
	_ =	strace $0x9FFFFFFF  }
0xc2: {  	(tm) =	ssettm $0x7FFFFFFF  }
0xc3: {  	_ =	shalt  }
tec
execute0_lowered:
.L_overlay_start_1:
0x0: {  	(tag) =	ssettag $0x1  }
0x1: {  	s0 =	rddreg [dreg:$0x0]  }
0x2: {  	s2 =	rddreg [dreg:$0x1]  }
0x3: {  	s3 =	simm.s32 $0x0;
	s13 =	stileid.u32;
	s1 =	srdreg.scid  }
0x4: {  	s28 =	simm.s32 $0x1;
	s29 =	simm.s32 $0x100;
	s30 =	simm.s32 $0x280  }
0x5: {  	s31 =	simm.s32 $0x4300;
	[smem:$0x7FF] =	sst s3;
	s7 =	smul.u32 $0xA000, s13  }
0x6: {  	s1 =	sand.u32 $0x1, s1;
	s4 =	sadd.s32 $0x12000, s0;
	s5 =	sadd.s32 $0xCC00, s0  }
0x7: {  	s6 =	sadd.s32 $0x2600, s0;
	s10 =	sshll.u32 s13, $0x1;
	s12 =	smul.u32 $0x2A00, s13  }
0x8: {  	s18 =	sshll.u32 s13, $0x6;
	_ =	strace $0x8000004D;
	s8 =	smul.u32 $0xA0000, s1  }
0x9: {  	s11 =	ssub.s32 $0x2, s1;
	s10 =	sor.u32 s1, s10;
	s1 =	smul.u32 $0x1500, s1  }
0xa: {  	s9 =	sshrl.u32 s7, $0x3;
	s17 =	sshrl.u32 s11, $0x1;
	s10 =	smul.u32 $0x1500, s10  }
0xb: {  	s9 =	sadd.s32 s9, s0;
	s8 =	sadd.s32 s7, s8;
	s11 =	ssub.s32 s11, s17  }
0xc: {  	s7 =	sadd.s32 s7, s2;
	s1 =	sadd.s32 s1, s12;
	s8 =	sshrl.u32 s8, $0x3  }
0xd: {  	s10 =	sshrl.u32 s10, $0x3;
	s9 =	sadd.s32 $0x26000, s9;
	s22 =	sadd.s32 $0x200, s1  }
0xe: {  	s24 =	sadd.s32 $0x100, s1;
	s25 =	smax.u32 s11, $0x1;
	s26 =	sadd.s32 $0x180, s1  }
0xf: {  	s1 =	simm.s32 $0x3;
	s11 =	simm.s32 $0x0;
	s0 =	sadd.s32 s8, s0  }
0x10: {  	[dreg:$0x3] =	wrdreg s9;
	s8 =	sor.u32 $0x1C07, s18;
	s19 =	sadd.s32 s5, s10  }
0x11: {  	s20 =	sadd.s32 s6, s10;
	s21 =	sor.u32 $0x10, s10;
	[dreg:$0x9] =	wrdreg s25  }
0x12: {  	s23 =	sshrl.u32 s22, $0x3;
	[dreg:$0xa] =	wrdreg s26;
	s22 =	simm.s32 $0x180  }
0x13: {  	s25 =	simm.s32 $0x200;
	s26 =	simm.s32 $0x2300;
	[dreg:$0x4] =	wrdreg s19  }
0x14: {  	[dreg:$0x5] =	wrdreg s20;
	s10 =	sadd.s32 s5, s21;
	s9 =	sadd.s32 s6, s21  }
0x15: {  	s0 =	sadd.s32 $0x3A000, s0;
	s15 =	sadd.s32 s23, s6;
	s16 =	sadd.s32 s23, s5  }
.Ltmp0:
0x16: {  	s20 =	sshrl.u32 s7, $0x3;
	[dreg:$0x6] =	wrdreg s10;
	(pc) =	sbr.rel .LBB2_1-.Ltmp0, $4  }
0x17: {  	s21 =	simm.s32 $0x7;
	s23 =	simm.s32 $0x80;
	[dreg:$0x7] =	wrdreg s9  }
0x18: {  	s7 =	simm.s32 $0x4;
	[dreg:$0x8] =	wrdreg s0;
	s9 =	sshrl.u32 s24, $0x3  }
0x19: {  	s24 =	simm.s32 $0x300;
	s0 =	simm.s32 $0x2;
	s10 =	simm.s32 $0x6  }
0x1a: {  	s18 =	sadd.s32 s9, s6;
	s19 =	sadd.s32 s9, s5;
	s9 =	simm.s32 $0x5  }
.LBB2_4:
0x1b: {  	_ =	swait.ge [sflag:s1], $0x2000  }
0x1c: {  	[sflag:s1] =	ssyncset.done $0x0  }
0x1d: {  	[sflag:s1] =	ssyncadd.s32 $0xFFFFE000  }
0x1e: {  	[spmem:s2] =	stream.indirect.scatter.add.f32 [tilespmem:s31], [sflag:$0x6], $0x40, s30, s23, $0xb8;
	[tilespmem:$0x10300] =	vst v63  }
0x1f: {  	_ =	swait.ge [sflag:s7], $0x2000  }
0x20: {  	[sflag:s7] =	ssyncset.done $0x0  }
0x21: {  	[sflag:s7] =	ssyncadd.s32 $0xFFFFE000  }
0x22: {  	_ =	swait.ge [sflag:s9], $0x2000  }
0x23: {  	[sflag:s9] =	ssyncset.done $0x0  }
0x24: {  	[sflag:s9] =	ssyncadd.s32 $0xFFFFE000  }
0x25: {  	_ =	swait.ge [sflag:s10], $0x2000  }
0x26: {  	[sflag:s10] =	ssyncset.done $0x0  }
0x27: {  	[sflag:s10] =	ssyncadd.s32 $0xFFFFE000  }
0x28: {  	[bflag:$0x0] =	sbarrier.arrive $0xFFFF  }
0x29: {  	s12 =	rddreg [dreg:$0x8]  }
0x2a: {  	[hbm:s12], [sflag:s8] =	dma.local [spmem:s20], $0x1400  }
0x2b: {  	_ =	swait.ge [sflag:s21], $0x1400  }
0x2c: {  	s11 =	sadd.s32 $0x1, s11;
	s17 =	rddreg [dreg:$0x9]  }
0x2d: {  	p0 =	sne.s32 s11, s17  }
.Ltmp1:
0x2e: {  	_ = 	snop;
	(pc) =	sbr.rel @!p0 .LBB2_5-.Ltmp1, $3  }
0x2f: {  	_ =	sdelay $0x1  }
0x30: {  	[sflag:s21] =	ssyncset.done $0x0  }
0x31: {  	[sflag:s21] =	ssyncadd.s32 $0xFFFFEC00  }
.LBB2_1:
0x32: {  	s12 =	rddreg [dreg:$0x3]  }
0x33: {  	[spmem:s20], [sflag:s8] =	dma.local [hbm:s12], $0x1400  }
0x34: {  	_ =	swait.ge [sflag:s21], $0x1400  }
0x35: {  	[sflag:s21] =	ssyncset.done $0x0  }
0x36: {  	[sflag:s21] =	ssyncadd.s32 $0xFFFFEC00  }
0x37: {  	[bflag:$0x0] =	sbarrier.arrive $0xFFFF  }
0x38: {  	s17 =	rddreg [dreg:$0x4]  }
0x39: {  	[tilespmem:s3], [sflag:$0x7] =	stream.linear.gather [hbm4b:s17+s3], $0x80, $0x38;
	[tilespmem:$0x10300] =	vst v63  }
0x3a: {  	_ =	swait.ge [sflag:s21], $0x80  }
0x3b: {  	[sflag:s21] =	ssyncset.done $0x0  }
0x3c: {  	s13 =	rddreg [dreg:$0x5];
	[sflag:s21] =	ssyncadd.s32 $0xFFFFFF80  }
0x3d: {  	[tilespmem:s22], [sflag:$0x7] =	stream.linear.gather [hbm4b:s13+s3], $0x80, $0x38;
	[tilespmem:$0x10300] =	vst v63  }
0x3e: {  	_ =	swait.ge [sflag:s21], $0x80  }
0x3f: {  	[sflag:s21] =	ssyncset.done $0x0  }
0x40: {  	[sflag:s21] =	ssyncadd.s32 $0xFFFFFF80  }
0x41: {  	[tilespmem:s24], [sflag:$0x1] =	stream.indirect.gather [hbm4b:s4+s23], $0x40, s3, s23, $0xb8;
	[tilespmem:$0x10300] =	vst v63  }
0x42: {  	s14 =	rddreg [dreg:$0x6]  }
0x43: {  	[tilespmem:s23], [sflag:$0x7] =	stream.linear.gather [hbm4b:s14+s3], $0x80, $0x38;
	[tilespmem:$0x10300] =	vst v63  }
0x44: {  	_ =	swait.ge [sflag:s21], $0x80  }
0x45: {  	[sflag:s21] =	ssyncset.done $0x0  }
0x46: {  	s17 =	rddreg [dreg:$0x7];
	[sflag:s21] =	ssyncadd.s32 $0xFFFFFF80  }
0x47: {  	[tilespmem:s25], [sflag:$0x7] =	stream.linear.gather [hbm4b:s17+s3], $0x80, $0x38;
	[tilespmem:$0x10300] =	vst v63  }
0x48: {  	_ =	swait.ge [sflag:s21], $0x80  }
0x49: {  	[sflag:s21] =	ssyncset.done $0x0  }
0x4a: {  	s13 =	simm.s32 $0x0;
	s17 =	rddreg [dreg:$0xa];
	[sflag:s21] =	ssyncadd.s32 $0xFFFFFF80  }
0x4b: {  	[tilespmem:s26], [sflag:$0x2] =	stream.indirect.gather [hbm4b:s4+s23], $0x40, s23, s23, $0xb8;
	[tilespmem:$0x10300] =	vst v63  }
.LBB2_2:
0x4c: {  	_ =	swait.ge [sflag:s28], $0x2000  }
0x4d: {  	p0 =	seq.s32 s13, $0x0;
	[sflag:s28] =	ssyncset.done $0x0  }
0x4e: {  	s14 =	simm.s32 @!p0 $0x6;
	[sflag:s28] =	ssyncadd.s32 $0xFFFFE000  }
0x4f: {  	[spmem:s2] =	stream.indirect.scatter.add.f32 [tilespmem:s24], [sflag:$0x4], $0x40, s22, s23, $0xb8;
	[tilespmem:$0x10300] =	vst v63  }
0x50: {  	_ =	swait.ge @!p0 [sflag:s14], $0x2000  }
0x51: {  	[sflag:s14] =	ssyncset.done @!p0 $0x0  }
0x52: {  	s12 =	sadd.s32 s13, s19;
	[sflag:s14] =	ssyncadd.s32 @!p0 $0xFFFFE000  }
0x53: {  	[tilespmem:s29], [sflag:$0x7] =	stream.linear.gather [hbm4b:s12+s3], $0x80, $0x38;
	[tilespmem:$0x10300] =	vst v63  }
0x54: {  	_ =	swait.ge [sflag:s21], $0x80  }
0x55: {  	[sflag:s21] =	ssyncset.done $0x0  }
0x56: {  	s12 =	sadd.s32 s13, s18;
	[sflag:s21] =	ssyncadd.s32 $0xFFFFFF80  }
0x57: {  	[tilespmem:s30], [sflag:$0x7] =	stream.linear.gather [hbm4b:s12+s3], $0x80, $0x38;
	[tilespmem:$0x10300] =	vst v63  }
0x58: {  	_ =	swait.ge [sflag:s21], $0x80  }
0x59: {  	[sflag:s21] =	ssyncset.done $0x0  }
0x5a: {  	p0 =	seq.s32 s13, $0x270;
	[sflag:s21] =	ssyncadd.s32 $0xFFFFFF80  }
0x5b: {  	[tilespmem:s31], [sflag:$0x3] =	stream.indirect.gather [hbm4b:s4+s23], $0x40, s29, s23, $0xb8;
	[tilespmem:$0x10300] =	vst v63  }
.Ltmp2:
0x5c: {  	_ = 	snop;
	(pc) =	sbr.rel @p0 .LBB2_4-.Ltmp2, $4  }
0x5d: {  	_ =	swait.ge [sflag:s0], $0x2000  }
0x5e: {  	[sflag:s0] =	ssyncset.done $0x0  }
0x5f: {  	[sflag:s0] =	ssyncadd.s32 $0xFFFFE000  }
0x60: {  	[spmem:s2] =	stream.indirect.scatter.add.f32 [tilespmem:s26], [sflag:$0x5], $0x40, s25, s23, $0xb8;
	[tilespmem:$0x10300] =	vst v63  }
0x61: {  	_ =	swait.ge [sflag:s7], $0x2000  }
0x62: {  	s14 =	sshrl.u32 s17, $0x3;
	[sflag:s7] =	ssyncset.done $0x0  }
0x63: {  	s12 =	sadd.s32 s5, s14;
	[sflag:s7] =	ssyncadd.s32 $0xFFFFE000  }
0x64: {  	[tilespmem:s3], [sflag:$0x7] =	stream.linear.gather [hbm4b:s12+s3], $0x80, $0x38;
	[tilespmem:$0x10300] =	vst v63  }
0x65: {  	_ =	swait.ge [sflag:s21], $0x80  }
0x66: {  	[sflag:s21] =	ssyncset.done $0x0  }
0x67: {  	s14 =	sadd.s32 s6, s14;
	[sflag:s21] =	ssyncadd.s32 $0xFFFFFF80  }
0x68: {  	[tilespmem:s22], [sflag:$0x7] =	stream.linear.gather [hbm4b:s14+s3], $0x80, $0x38;
	[tilespmem:$0x10300] =	vst v63  }
0x69: {  	_ =	swait.ge [sflag:s21], $0x80  }
0x6a: {  	[sflag:s21] =	ssyncset.done $0x0  }
0x6b: {  	[sflag:s21] =	ssyncadd.s32 $0xFFFFFF80  }
0x6c: {  	[tilespmem:s24], [sflag:$0x1] =	stream.indirect.gather [hbm4b:s4+s23], $0x40, s3, s23, $0xb8;
	[tilespmem:$0x10300] =	vst v63  }
0x6d: {  	_ =	swait.ge [sflag:s1], $0x2000  }
0x6e: {  	[sflag:s1] =	ssyncset.done $0x0  }
0x6f: {  	[sflag:s1] =	ssyncadd.s32 $0xFFFFE000  }
0x70: {  	[spmem:s2] =	stream.indirect.scatter.add.f32 [tilespmem:s31], [sflag:$0x6], $0x40, s30, s23, $0xb8;
	[tilespmem:$0x10300] =	vst v63  }
0x71: {  	_ =	swait.ge [sflag:s9], $0x2000  }
0x72: {  	[sflag:s9] =	ssyncset.done $0x0  }
0x73: {  	s14 =	sadd.s32 s13, s16;
	[sflag:s9] =	ssyncadd.s32 $0xFFFFE000  }
0x74: {  	[tilespmem:s23], [sflag:$0x7] =	stream.linear.gather [hbm4b:s14+s3], $0x80, $0x38;
	[tilespmem:$0x10300] =	vst v63  }
0x75: {  	_ =	swait.ge [sflag:s21], $0x80  }
0x76: {  	[sflag:s21] =	ssyncset.done $0x0  }
0x77: {  	s14 =	sadd.s32 s13, s15;
	[sflag:s21] =	ssyncadd.s32 $0xFFFFFF80  }
0x78: {  	[tilespmem:s25], [sflag:$0x7] =	stream.linear.gather [hbm4b:s14+s3], $0x80, $0x38;
	[tilespmem:$0x10300] =	vst v63  }
.Ltmp3:
0x79: {  	_ = 	snop;
	(pc) =	sbr.rel .LBB2_2-.Ltmp3, $4  }
0x7a: {  	_ =	swait.ge [sflag:s21], $0x80  }
0x7b: {  	[sflag:s21] =	ssyncset.done $0x0  }
0x7c: {  	s17 =	sadd.s32 $0x180, s17;
	s13 =	sadd.s32 $0x30, s13;
	[sflag:s21] =	ssyncadd.s32 $0xFFFFFF80  }
0x7d: {  	[tilespmem:s26], [sflag:$0x2] =	stream.indirect.gather [hbm4b:s4+s23], $0x40, s23, s23, $0xb8;
	[tilespmem:$0x10300] =	vst v63  }
.LBB2_5:
0x7e: {  	_ =	sfence.sel $0x180000  }
0x7f: {  	[bflag:$0x0] =	sbarrier.arrive $0xFFFF  }
0x80: {  	_ =	strace $0x9000004D  }
0x81: {  	s0 =	stileid.u32;
	[bflag:$0x2] =	sbarrier.arrive $0xFFFF  }
0x82: {  	p0 =	sne.s32 s0, $0x0;
	s0 =	rddreg [dreg:$0x2]  }
0x83: {  	s0 =	sadd.s32 @!p0 $0x100000, s0  }
0x84: {  	[sflag:s0] =	ssyncadd.tile.s32 @!p0 $0x1;
	_ =	shalt  }
.Lfunc_end2:
_tile_overlayer_lowered:
.L_overlay_start_2:
0x85: {  	(tag) =	ssettag $0x2  }
0x86: {  	s0 =	rddreg [dreg:$0x0];
	s2 =	stileid.u32  }
0x87: {  	s1 =	rddreg [dreg:$0x1];
	p0 =	sne.s32 s2, $0x0  }
0x88: {  	s3 =	rddreg [dreg:$0x2];
	[bflag:$0x3] =	sbarrier.arrive $0xFFFF;
	s2 =	simm.s32 @!p0 $0x1C07  }
0x89: {  	[timem:s3], [sflag:s2] =	dma.local @!p0 [hbm:s0], s1  }
0x8a: {  	s0 =	simm.s32 @!p0 $0x7  }
0x8b: {  	_ =	swait.ge @!p0 [sflag:s0], s1  }
0x8c: {  	s1 =	ssub.s32 @!p0 $0x0, s1;
	[sflag:s0] =	ssyncset.done @!p0 $0x0  }
0x8d: {  	[sflag:s0] =	ssyncadd.s32 @!p0 s1  }
0x8e: {  	[bflag:$0x3] =	sbarrier.arrive $0xFFFF  }
0x8f: {  	_ =	shalt  }

// kernel: kernel.19.cloned.1.call-start
scs
__scs_entry_jumppad:
0x0: {  	(pc) =	sbr.rel $0x88, $3  }
0x1: {  	(tag) =	ssettag $0x0;
	lr =	simm.s32 $0x1  }
0x2: {  	[smem:$0x3F91] =	sst lr;
	_ =	strace $0xD0000000  }
0x3: {  	_ = 	snop  }
0x4: {  	_ = 	snop  }
0x5: {  	_ = 	snop  }
0x6: {  	_ = 	snop  }
0x7: {  	_ = 	snop  }
__scs_overlays_trampoline_lowered:
0x8: {  	[smem:$0x3FA0] =	sst s0  }
0x9: {  	[smem:$0x3FA1] =	sst s1  }
0xa: {  	[smem:$0x3FA2] =	sst s2  }
0xb: {  	[smem:$0x3FA3] =	sst s3  }
0xc: {  	[smem:$0x3FA4] =	sst s4  }
0xd: {  	[smem:$0x3FA5] =	sst s5  }
0xe: {  	[smem:$0x3FA6] =	sst s6  }
0xf: {  	[smem:$0x3FA7] =	sst s7  }
0x10: {  	[smem:$0x3FA8] =	sst s8  }
0x11: {  	[smem:$0x3FA9] =	sst s9;
	s0 =	simm.s32 @!p0 $0x0  }
0x12: {  	s1 =	sld [smem:$0x3F8F];
	s0 =	simm.s32 @p0 $0x1  }
0x13: {  	[smem:$0x3FAA] =	sst s0;
	s0 =	simm.s32 @!p1 $0x0  }
0x14: {  	s2 =	sld [smem:$0x3F8E];
	s0 =	simm.s32 @p1 $0x1  }
0x15: {  	[smem:$0x3FAB] =	sst s0;
	s0 =	simm.s32 @!p2 $0x0  }
0x16: {  	s3 =	sld [smem:$0x3FDB];
	s0 =	simm.s32 @p2 $0x1  }
0x17: {  	s4 =	simm.s32 $0x1BF5;
	[smem:$0x3FAD] =	sst s0  }
0x18: {  	s0 =	sld [smem:$0x3F90];
	_ =	swait.ge [sflag:s4], $0x0  }
0x19: {  	s7 =	sld [smem:$0x3F91]  }
0x1a: {  	s8 =	sadd.s32 $0xFFFFE003, lr  }
0x1b: {  	s9 =	sadd.s32 $0xFFFFFEF7, lr;
	s5 =	simm.s32 $0xFFFFFFFF;
	p2 =	slt.u32 s8, $0xFFFFF086  }
0x1c: {  	p1 =	slt.u32 s9, $0xF7A;
	s5 =	simm.s32 @!p2 $0x0  }
0x1d: {  	s5 =	simm.s32 @p1 $0x1;
	p0 =	seq.s32 s7, s2  }
0x1e: {  	s7 =	smul.u32 @!p0 $0xF7A, s2;
	p2 =	seq.s32 @!p0 s5, $0x0  }
0x1f: {  	s9 =	smul.u32 $0xF7A, s1;
	s8 =	simm.s32 @!p0 $0x1BF5;
	p2 =	por !p2, p0  }
0x20: {  	[sflag:s8] =	ssyncset.s32 @!p0 $0xFFFFF086;
	s6 =	sadd.s32 @!p0 s3, s7;
	s7 =	simm.s32 @!p0 $0x108  }
0x21: {  	s3 =	sadd.s32 s3, s9;
	s6 =	sadd.s32 @!p0 $0x88, s6;
	s7 =	simm.s32 @p2 $0x1082  }
0x22: {  	[simem:s7], [sflag:s8] =	dma.local @!p0 [hbm:s6], $0xF7A  }
0x23: {  	s9 =	sor.u32 $0xD0000000, s2;
	s6 =	simm.s32 $0x108;
	_ =	swait.ge @!p0 [sflag:s8], $0x0  }
0x24: {  	s3 =	sadd.s32 $0x88, s3;
	s6 =	simm.s32 @!p1 $0x1082;
	[sflag:s4] =	ssyncset.s32 $0xFFFFF086  }
0x25: {  	[simem:s6], [sflag:s4] =	dma.local [hbm:s3], $0xF7A  }
0x26: {  	[smem:$0x3F91] =	sst s1;
	(tag) =	ssettag s2;
	_ =	strace s9  }
0x27: {  	s1 =	sld [smem:$0x3FA1]  }
0x28: {  	s2 =	sld [smem:$0x3FA2]  }
0x29: {  	s4 =	sld [smem:$0x3FA4]  }
0x2a: {  	p0 =	seq.s32 s5, $0x0;
	s5 =	sld [smem:$0x3FA5]  }
0x2b: {  	s6 =	sld [smem:$0x3FA6]  }
0x2c: {  	s7 =	sld [smem:$0x3FA7]  }
0x2d: {  	s3 =	simm.s32 $0x108;
	s8 =	sld [smem:$0x3FA8]  }
0x2e: {  	s3 =	simm.s32 @!p0 $0x1082;
	s9 =	sld [smem:$0x3FA9]  }
0x2f: {  	lr =	sadd.s32 s0, s3;
	s0 =	sld [smem:$0x3FA0]  }
0x30: {  	s3 =	sld [smem:$0x3FA3]  }
0x31: {  	[smem:$0x3FAC] =	sst s10  }
0x32: {  	s10 =	sld [smem:$0x3FAA];
	_ =	sdelay $0x3  }
0x33: {  	p0 =	seq.s32 s10, $0x1;
	s10 =	sld [smem:$0x3FAC];
	_ =	sdelay $0x3  }
0x34: {  	[smem:$0x3FAC] =	sst s10  }
0x35: {  	s10 =	sld [smem:$0x3FAB];
	_ =	sdelay $0x3  }
0x36: {  	p1 =	seq.s32 s10, $0x1;
	s10 =	sld [smem:$0x3FAC];
	_ =	sdelay $0x3  }
0x37: {  	[smem:$0x3FAC] =	sst s10  }
0x38: {  	s10 =	sld [smem:$0x3FAD]  }
0x39: {  	_ = 	snop;
	(pc) =	sbr.ind lr, $3  }
0x3a: {  	_ = 	snop  }
0x3b: {  	_ = 	snop  }
0x3c: {  	p2 =	seq.s32 s10, $0x1;
	s10 =	sld [smem:$0x3FAC]  }
0x3d: {  	_ =	shalt  }
0x3e: {  	_ =	shalt  }
0x3f: {  	_ =	shalt  }
0x40: {  	_ =	shalt  }
0x41: {  	_ =	shalt  }
0x42: {  	_ =	shalt  }
0x43: {  	_ =	shalt  }
0x44: {  	_ =	shalt  }
0x45: {  	_ =	shalt  }
0x46: {  	_ =	shalt  }
0x47: {  	_ =	shalt  }
0x48: {  	_ =	shalt  }
0x49: {  	_ =	shalt  }
0x4a: {  	_ =	shalt  }
0x4b: {  	_ =	shalt  }
0x4c: {  	_ =	shalt  }
0x4d: {  	_ =	shalt  }
0x4e: {  	_ =	shalt  }
0x4f: {  	_ =	shalt  }
0x50: {  	_ =	shalt  }
0x51: {  	_ =	shalt  }
0x52: {  	_ =	shalt  }
0x53: {  	_ =	shalt  }
0x54: {  	_ =	shalt  }
0x55: {  	_ =	shalt  }
0x56: {  	_ =	shalt  }
0x57: {  	_ =	shalt  }
0x58: {  	_ =	shalt  }
0x59: {  	_ =	shalt  }
0x5a: {  	_ =	shalt  }
0x5b: {  	_ =	shalt  }
0x5c: {  	_ =	shalt  }
0x5d: {  	_ =	shalt  }
0x5e: {  	_ =	shalt  }
0x5f: {  	_ =	shalt  }
0x60: {  	_ =	shalt  }
0x61: {  	_ =	shalt  }
0x62: {  	_ =	shalt  }
0x63: {  	_ =	shalt  }
0x64: {  	_ =	shalt  }
0x65: {  	_ =	shalt  }
0x66: {  	_ =	shalt  }
0x67: {  	_ =	shalt  }
0x68: {  	_ =	shalt  }
0x69: {  	_ =	shalt  }
0x6a: {  	_ =	shalt  }
0x6b: {  	_ =	shalt  }
0x6c: {  	_ =	shalt  }
0x6d: {  	_ =	shalt  }
0x6e: {  	_ =	shalt  }
0x6f: {  	_ =	shalt  }
0x70: {  	_ =	shalt  }
0x71: {  	_ =	shalt  }
0x72: {  	_ =	shalt  }
0x73: {  	_ =	shalt  }
0x74: {  	_ =	shalt  }
0x75: {  	_ =	shalt  }
0x76: {  	_ =	shalt  }
0x77: {  	_ =	shalt  }
0x78: {  	_ =	shalt  }
0x79: {  	_ =	shalt  }
0x7a: {  	_ =	shalt  }
0x7b: {  	_ =	shalt  }
0x7c: {  	_ =	shalt  }
0x7d: {  	_ =	shalt  }
0x7e: {  	_ =	shalt  }
0x7f: {  	_ =	shalt  }
0x80: {  	_ =	shalt  }
0x81: {  	_ =	shalt  }
0x82: {  	_ =	shalt  }
0x83: {  	_ =	shalt  }
0x84: {  	_ =	shalt  }
0x85: {  	_ =	shalt  }
0x86: {  	_ =	shalt  }
0x87: {  	_ =	shalt  }
.Lfunc_end0:
.L_simem_size_0:
called_computation.3_lowered:
.L_overlay_start_0:
0x88: {  	s2 =	sld [smem:$0x3FD9]  }
0x89: {  	s3 =	sld [smem:$0x3FFE];
	_ =	sdelay $0x1  }
0x8a: {  	s1 =	srdreg.scid  }
0x8b: {  	s0 =	sand.u32 $0x1, s1  }
0x8c: {  	s14 =	sshll.u32 s0, $0xA;
	s2 =	sadd.s32 s3, s2  }
0x8d: {  	s2 =	sadd.s32 s2, s14  }
0x8e: {  	[smem:$0x3FB8] =	sst s2  }
0x8f: {  	_ = 	snop  }
0x90: {  	s2 =	sld [smem:$0x3FD0];
	_ =	sdelay $0x2  }
0x91: {  	s15 =	simm.s32 $0xA;
	s4 =	simm.s32 $0x10  }
0x92: {  	[smem:s4], [sflag:s15] =	dma.local [hbm:s2], $0x1  }
0x93: {  	_ =	swait.eq [sflag:s15], $0x1  }
0x94: {  	[sflag:s15] =	ssyncset.done $0x0  }
0x95: {  	[sflag:s15] =	ssyncadd.s32 $0xFFFFFFFF  }
0x96: {  	s16 =	sld [smem:$0x11];
	(tm) =	ssettm $0x1  }
0x97: {  	s17 =	sld [smem:$0x3FFB];
	_ =	sdelay $0x3  }
0x98: {  	_ =	strace s17  }
0x99: {  	s3 =	sld [smem:$0x3FFC];
	_ =	sdelay $0x3  }
0x9a: {  	_ =	strace s3  }
0x9b: {  	s3 =	sld [smem:$0x3FFD];
	_ =	sdelay $0x3  }
0x9c: {  	_ =	strace s3  }
0x9d: {  	_ =	strace $0x8FFFFFFF  }
0x9e: {  	s18 =	sld [smem:$0x3FDB];
	_ =	sdelay $0x1  }
0x9f: {  	s19 =	simm.s32 $_scs_section_size  }
0xa0: {  	s5 =	simm.s32 $_size__tile_overlayer_lowered;
	s6 =	simm.s32 $_tile_overlayer_lowered  }
0xa1: {  	s22 =	simm.s32 $0x1BFF;
	s21 =	sshll.u32 s6, $0x1;
	s3 =	sadd.s32 s19, s18  }
0xa2: {  	s7 =	simm.s32 $0x0;
	s20 =	sshll.u32 s5, $0x1;
	s5 =	sadd.s32 s21, s3  }
0xa3: {  	[timem:s7], [sflag:s22] =	dma.local [hbm:s5], s20  }
0xa4: {  	_ =	swait.ge [sflag:s22], s20  }
0xa5: {  	s4 =	ssub.s32 $0x0, s20;
	[sflag:s22] =	ssyncset.done $0x0  }
0xa6: {  	[sflag:s22] =	ssyncadd.s32 s4;
	_ =	sdelay $0x1  }
0xa7: {  	s23 =	simm.s32 $0x1B8B  }
0xa8: {  	_ =	swait.ge [sflag:s23], $0x1  }
0xa9: {  	[sflag:s23] =	ssyncset.done $0x0  }
0xaa: {  	s25 =	simm.s32 $0x1B8E;
	s24 =	sld [smem:$0x3FFE];
	[sflag:s23] =	ssyncadd.s32 $0xFFFFFFFF  }
0xab: {  	s26 =	simm.s32 $execute0_lowered;
	[smem:$0x3FD2] =	sst s25  }
0xac: {  	s5 =	sshll.u32 s26, $0x1;
	_ =	strace $0x8000004F;
	[dreg:$0x1] =	wrdreg $0xFFFFFFFF  }
0xad: {  	s28 =	simm.s32 $_size_execute0_lowered;
	s3 =	sadd.s32 s3, s5;
	[dreg:$0x0] =	wrdreg $0x0  }
0xae: {  	s5 =	sshll.u32 s28, $0x1;
	[dreg:$0x2] =	wrdreg s3  }
0xaf: {  	[dreg:$0x3] =	wrdreg s5  }
0xb0: {  	[dreg:$0x4] =	wrdreg $0xC0  }
0xb1: {  	_ =	task [dreg:s7], $0x5FFFF  }
0xb2: {  	[dreg:$0x1] =	wrdreg $0xFFFFFFFF  }
0xb3: {  	[dreg:$0x0] =	wrdreg $0x60  }
0xb4: {  	[dreg:$0x2] =	wrdreg s16  }
0xb5: {  	[dreg:$0x3] =	wrdreg s24  }
0xb6: {  	[dreg:$0x4] =	wrdreg $0x42000  }
0xb7: {  	[dreg:$0x5] =	wrdreg $0x9  }
0xb8: {  	_ =	task.clear_ibuf [dreg:s7], $0x6FFFF;
	_ =	strace $0x9000004F  }
0xb9: {  	s29 =	simm.s32 $0x9;
	_ =	strace $0x80000051  }
0xba: {  	_ =	swait.ge [sflag:s29], $0x1  }
0xbb: {  	[sflag:s29] =	ssyncadd.s32 $0xFFFFFFFF  }
0xbc: {  	_ =	strace $0x90000051  }
0xbd: {  	_ =	sfence  }
0xbe: {  	s30 =	sld [smem:$0x0];
	_ =	sdelay $0x2  }
0xbf: {  	s31 =	sshll.u32 s1, $0xD;
	s1 =	sshrl.u32 s1, $0x2  }
0xc0: {  	s3 =	sand.u32 $0x4000, s31;
	s1 =	sadd.s32 s1, s30  }
0xc1: {  	s0 =	sor.u32 s3, s0;
	s1 =	sshll.u32 s1, $0x11  }
0xc2: {  	s0 =	sor.u32 s1, s0  }
0xc3: {  	s0 =	sadd.s32 $0x8F2B, s0  }
0xc4: {  	[sflag:s0] =	ssyncadd.remote.s32 $0x1  }
0xc5: {  	_ =	sfence.sel $0xFFFF  }
0xc6: {  	[dreg:$0x0] =	wrdreg $0xFFFFFFFF;
	(pc) =	sbr.abs _section_cstart, $3  }
0xc7: {  	[dreg:$0x1] =	wrdreg $0xFFFFFFFF  }
0xc8: {  	_ =	task.clear_ibuf [dreg:s7], $0x2FFFF;
	_ =	strace $0x9FFFFFFF  }
0xc9: {  	(tm) =	ssettm $0x7FFFFFFF  }
tec
execute0_lowered:
.L_overlay_start_1:
0x0: {  	(tag) =	ssettag $0x1  }
0x1: {  	s1 =	rddreg [dreg:$0x0]  }
0x2: {  	s0 =	rddreg [dreg:$0x1]  }
0x3: {  	s2 =	rddreg [dreg:$0x2];
	s4 =	simm.s32 $0x0;
	s16 =	stileid.u32  }
0x4: {  	s8 =	srdreg.scid;
	s30 =	simm.s32 $0x180;
	s31 =	simm.s32 $0xA00  }
0x5: {  	s28 =	simm.s32 $0x3200;
	s29 =	simm.s32 $0x2;
	[smem:$0x7FF] =	sst s4  }
0x6: {  	s5 =	sadd.s32 $0x12000, s0;
	s3 =	smul.u32 $0x2800, s16;
	s6 =	sadd.s32 $0x17000, s0  }
0x7: {  	s7 =	sadd.s32 $0xCC00, s0;
	s10 =	sand.u32 $0x1, s8;
	s8 =	sadd.s32 $0x2600, s0  }
0x8: {  	s13 =	sshll.u32 s16, $0x1;
	s21 =	sshll.u32 s16, $0x6;
	_ =	strace $0x80000050  }
0x9: {  	s11 =	smul.u32 $0x28000, s10;
	s14 =	ssub.s32 $0x2, s10;
	s10 =	sor.u32 s10, s13  }
0xa: {  	s13 =	sor.u32 $0x1C03, s21;
	s9 =	sshrl.u32 s3, $0x3;
	s15 =	smul.u32 $0x1500, s10  }
0xb: {  	s26 =	sshrl.u32 s14, $0x1;
	s17 =	smul.u32 $0x15000, s10;
	s10 =	simm.s32 $0x3A00  }
0xc: {  	[dreg:$0x6] =	wrdreg s13;
	s12 =	sadd.s32 s9, s0;
	s9 =	sadd.s32 $0x26000, s0  }
0xd: {  	s11 =	sadd.s32 s3, s11;
	s14 =	ssub.s32 s14, s26;
	s3 =	sadd.s32 s3, s2  }
0xe: {  	s11 =	sshrl.u32 s11, $0x3;
	[dreg:$0x4] =	wrdreg s3;
	s20 =	sadd.s32 $0x7A00, s12  }
0xf: {  	s22 =	sshrl.u32 s15, $0x3;
	s18 =	sadd.s32 $0x100, s15;
	s19 =	sor.u32 $0x80, s15  }
0x10: {  	s26 =	smax.u32 s14, $0x1;
	s0 =	sadd.s32 s11, s0;
	[dreg:$0x5] =	wrdreg s20  }
0x11: {  	s23 =	sadd.s32 s7, s22;
	s24 =	sor.u32 $0x10, s22;
	[dreg:$0xc] =	wrdreg s26  }
0x12: {  	s12 =	sadd.s32 s8, s22;
	s20 =	sadd.s32 $0x180, s15;
	[dreg:$0x7] =	wrdreg s23  }
.Ltmp0:
0x13: {  	[dreg:$0x8] =	wrdreg s12;
	s25 =	sadd.s32 s7, s24;
	(pc) =	sbr.rel .LBB2_1-.Ltmp0, $4  }
0x14: {  	s26 =	simm.s32 $0x1;
	s3 =	sadd.s32 s8, s24;
	[dreg:$0x9] =	wrdreg s25  }
0x15: {  	s11 =	simm.s32 $0x0;
	s0 =	sadd.s32 $0x1C000, s0;
	[dreg:$0xa] =	wrdreg s3  }
0x16: {  	s23 =	simm.s32 $0x3;
	s24 =	simm.s32 $0x100;
	[dreg:$0xb] =	wrdreg s0  }
0x17: {  	vm0 =	vmmov $0xf;
	s25 =	simm.s32 $0x80;
	s0 =	simm.s32 $0x1A00;
	s3 =	simm.s32 $0x2A00  }
.LBB2_8:
0x18: {  	[bflag:$0x0] =	sbarrier.arrive $0xFFFF  }
0x19: {  	s13 =	rddreg [dreg:$0x6]  }
0x1a: {  	s12 =	rddreg [dreg:$0xb]  }
0x1b: {  	s14 =	rddreg [dreg:$0xd]  }
0x1c: {  	[hbm:s12], [sflag:s13] =	dma.local [spmem:s14], $0x500  }
0x1d: {  	_ =	swait.ge [sflag:s23], $0x500  }
0x1e: {  	s11 =	sadd.s32 $0x1, s11;
	s22 =	rddreg [dreg:$0xc]  }
0x1f: {  	p0 =	sne.s32 s11, s22  }
.Ltmp1:
0x20: {  	_ = 	snop;
	(pc) =	sbr.rel @!p0 .LBB2_9-.Ltmp1, $3  }
0x21: {  	_ =	sdelay $0x1  }
0x22: {  	[sflag:s23] =	ssyncset.done $0x0  }
0x23: {  	[sflag:s23] =	ssyncadd.s32 $0xFFFFFB00  }
.LBB2_1:
0x24: {  	s12 =	rddreg [dreg:$0x4]  }
0x25: {  	s21 =	rddreg [dreg:$0x5];
	s14 =	sshrl.u32 s12, $0x3  }
0x26: {  	[dreg:$0xd] =	wrdreg s14  }
0x27: {  	[spmem:s14], [sflag:s13] =	dma.local [hbm:s21], $0x500  }
0x28: {  	_ =	swait.ge [sflag:s23], $0x500  }
0x29: {  	[sflag:s23] =	ssyncset.done $0x0  }
0x2a: {  	[sflag:s23] =	ssyncadd.s32 $0xFFFFFB00  }
0x2b: {  	[bflag:$0x0] =	sbarrier.arrive $0xFFFF  }
0x2c: {  	s22 =	rddreg [dreg:$0x7]  }
0x2d: {  	[tilespmem:s4], [sflag:$0x3] =	stream.linear.gather [hbm4b:s22+s4], $0x80, $0x38;
	[tilespmem:$0x6A00] =	vst v63  }
0x2e: {  	_ =	swait.ge [sflag:s23], $0x80  }
0x2f: {  	[sflag:s23] =	ssyncset.done $0x0  }
0x30: {  	s13 =	rddreg [dreg:$0x8];
	[sflag:s23] =	ssyncadd.s32 $0xFFFFFF80  }
0x31: {  	[tilespmem:s24], [sflag:$0x3] =	stream.linear.gather [hbm4b:s13+s4], $0x80, $0x38;
	[tilespmem:$0x6A00] =	vst v63  }
0x32: {  	_ =	swait.ge [sflag:s23], $0x80  }
0x33: {  	[sflag:s23] =	ssyncset.done $0x0  }
0x34: {  	s14 =	simm.s32 $0x200;
	[sflag:s23] =	ssyncadd.s32 $0xFFFFFF80  }
0x35: {  	[tilespmem:s14], [sflag:$0x1] =	stream.indirect.gather [hbm4b:s1+s25], $0x10, s4, s25, $0xb8;
	[tilespmem:$0x6A00] =	vst v63  }
0x36: {  	s15 =	simm.s32 $0x1200  }
0x37: {  	[tilespmem:s15], [sflag:$0x1] =	stream.indirect.gather [hbm4b:s5+s25], $0x10, s24, s25, $0xb8;
	[tilespmem:$0x6A00] =	vst v63  }
0x38: {  	s16 =	simm.s32 $0x2200  }
0x39: {  	[tilespmem:s16], [sflag:$0x1] =	stream.indirect.gather [hbm4b:s6+s25], $0x10, s24, s25, $0xb8;
	[tilespmem:$0x6A00] =	vst v63  }
0x3a: {  	s21 =	rddreg [dreg:$0x9]  }
0x3b: {  	[tilespmem:s25], [sflag:$0x3] =	stream.linear.gather [hbm4b:s21+s4], $0x80, $0x38;
	[tilespmem:$0x6A00] =	vst v63  }
0x3c: {  	_ =	swait.ge [sflag:s23], $0x80  }
0x3d: {  	[sflag:s23] =	ssyncset.done $0x0  }
0x3e: {  	s22 =	rddreg [dreg:$0xa];
	[sflag:s23] =	ssyncadd.s32 $0xFFFFFF80  }
0x3f: {  	[tilespmem:s30], [sflag:$0x3] =	stream.linear.gather [hbm4b:s22+s4], $0x80, $0x38;
	[tilespmem:$0x6A00] =	vst v63  }
0x40: {  	_ =	swait.ge [sflag:s23], $0x80  }
0x41: {  	[sflag:s23] =	ssyncset.done $0x0  }
0x42: {  	[sflag:s23] =	ssyncadd.s32 $0xFFFFFF80  }
0x43: {  	[tilespmem:s31], [sflag:$0x2] =	stream.indirect.gather [hbm4b:s1+s25], $0x10, s25, s25, $0xb8;
	[tilespmem:$0x6A00] =	vst v63  }
0x44: {  	_ = 	snop  }
0x45: {  	[tilespmem:s0], [sflag:$0x2] =	stream.indirect.gather [hbm4b:s5+s25], $0x10, s30, s25, $0xb8;
	[tilespmem:$0x6A00] =	vst v63  }
0x46: {  	s14 =	simm.s32 $0x0  }
0x47: {  	[tilespmem:s3], [sflag:$0x2] =	stream.indirect.gather [hbm4b:s6+s25], $0x10, s30, s25, $0xb8;
	[tilespmem:$0x6A00] =	vst v63  }
.LBB2_2:
0x48: {  	_ =	swait.ge [sflag:s26], $0x800  }
0x49: {  	[sflag:s26] =	ssyncset.done $0x0  }
0x4a: {  	[sflag:s26] =	ssyncadd.s32 $0xFFFFF800  }
0x4b: {  	_ =	swait.ge [sflag:s26], $0x800  }
0x4c: {  	[sflag:s26] =	ssyncset.done $0x0  }
0x4d: {  	[sflag:s26] =	ssyncadd.s32 $0xFFFFF800  }
0x4e: {  	_ =	swait.ge [sflag:s26], $0x800  }
0x4f: {  	[sflag:s26] =	ssyncset.done $0x0  }
0x50: {  	s12 =	simm.s32 $0x220;
	[sflag:s26] =	ssyncadd.s32 $0xFFFFF800  }
0x51: {  	s13 =	simm.s32 $0x1220;
	v0 =	vld [tilespmem:s12+$0x10]  }
0x52: {  	v1 =	vld [tilespmem:s13+$0x10]  }
0x53: {  	v2 =	vld [tilespmem:s13+$0xFFFFFFE0]  }
0x54: {  	v3 =	vld [tilespmem:s12+$0xFFFFFFF0]  }
0x55: {  	v4 =	vld [tilespmem:s13+$0xFFFFFFF0]  }
0x56: {  	s15 =	simm.s32 $0x2220;
	v5 =	vld [tilespmem:s12+$0x0]  }
0x57: {  	v6 =	vld [tilespmem:s15+$0x10]  }
0x58: {  	v7 =	vld [tilespmem:s13+$0x0]  }
0x59: {  	v8 =	vld [tilespmem:s12+$0xFFFFFFE0]  }
0x5a: {  	v9 =	vld [tilespmem:s15+$0xFFFFFFE0];
	v0 =	vadd.f32 v1, v0  }
0x5b: {  	s16 =	simm.s32 $0x1260;
	v10 =	vld [tilespmem:s15+$0x0]  }
0x5c: {  	v13 =	vld [tilespmem:s16+$0xFFFFFFF0];
	v11 =	vmul.f32 $2.000000030e-01, v0  }
0x5d: {  	v1 =	vld [tilespmem:s15+$0xFFFFFFF0];
	v3 =	vadd.f32 v4, v3  }
0x5e: {  	s15 =	simm.s32 $0x260;
	v4 =	vld [tilespmem:s16+$0x10];
	v5 =	vadd.f32 v7, v5;
	v0 =	vmax.f32 v0, v11  }
0x5f: {  	v2 =	vadd.f32 v2, v8;
	v12 =	vld [tilespmem:s15+$0x10];
	v11 =	vmul.f32 $2.000000030e-01, v3;
	v0 =	vsub.f32 v0, v6  }
0x60: {  	v7 =	vld [tilespmem:s16+$0xFFFFFFE0];
	v8 =	vmul.f32 $2.000000030e-01, v5  }
0x61: {  	v14 =	vld [tilespmem:s15+$0x0];
	v3 =	vmax.f32 v3, v11;
	v11 =	vmul.f32 $2.000000030e-01, v2;
	v0 =	vmul.f32 $1.442695020e+00, v0  }
0x62: {  	v6 =	vld [tilespmem:s15+$0xFFFFFFF0];
	v1 =	vsub.f32 v3, v1;
	v3 =	vmax.f32 v5, v8  }
0x63: {  	(erf) = vpow2.f32 v0;
	v0 =	vmax.f32 v2, v11;
	v2 =	vsub.f32 v3, v10;
	v3 =	vld [tilespmem:s16+$0x0]  }
0x64: {  	s21 =	simm.s32 $0x2260;
	v4 =	vadd.f32 v4, v12;
	v8 =	vld [tilespmem:s15+$0xFFFFFFE0]  }
0x65: {  	v5 =	vld [tilespmem:s21+$0x10];
	v1 =	vmul.f32 $1.442695020e+00, v1  }
0x66: {  	v10 =	vmul.f32 $2.000000030e-01, v4  }
0x67: {  	v0 =	vsub.f32 v0, v9;
	v6 =	vadd.f32 v13, v6;
	(erf) = vpow2.f32 v1;
	v1 =	vld [tilespmem:s21+$0xFFFFFFF0]  }
0x68: {  	s15 =	simm.s32 $0x12A0;
	v2 =	vmul.f32 $1.442695020e+00, v2;
	v4 =	vmax.f32 v4, v10;
	v3 =	vadd.f32 v3, v14  }
0x69: {  	s22 =	simm.s32 $0x2A0;
	v58 =	vld [tilespmem:s15+$0x10];
	v0 =	vmul.f32 $1.442695020e+00, v0;
	v57 =	vmul.f32 $2.000000030e-01, v6;
	v7 =	vadd.f32 v7, v8  }
0x6a: {  	v11 =	vld [tilespmem:s22+$0x10];
	v4 =	vsub.f32 v4, v5;
	(erf) = vpow2.f32 v2;
	v8 =	vmul.f32 $2.000000030e-01, v3  }
0x6b: {  	v2 =	vld [tilespmem:s21+$0x0];
	(erf) = vpow2.f32 v0;
	v5 =	vmax.f32 v6, v57  }
0x6c: {  	v9 =	vld [tilespmem:s21+$0xFFFFFFE0];
	v5 =	vsub.f32 v5, v1;
	v1 =	vmax.f32 v3, v8;
	v3 =	vmul.f32 $1.442695020e+00, v4  }
0x6d: {  	v0 =	vld [tilespmem:s15+$0xFFFFFFE0]  }
0x6e: {  	v6 =	vld [tilespmem:s22+$0xFFFFFFF0];
	v59 =	vmul.f32 $2.000000030e-01, v7;
	v10 =	vpop (erf);
	(erf) = vpow2.f32 v3  }
0x6f: {  	v8 =	vld [tilespmem:s15+$0xFFFFFFF0]  }
0x70: {  	s21 =	simm.s32 $0x22A0;
	v7 =	vmax.f32 v7, v59;
	v5 =	vmul.f32 $1.442695020e+00, v5;
	v2 =	vsub.f32 v1, v2;
	v1 =	vld [tilespmem:s22+$0x0]  }
0x71: {  	v7 =	vsub.f32 v7, v9;
	v4 =	vnsel vm0, $0x0, v10;
	v10 =	vadd.f32 v58, v11;
	v11 =	vld [tilespmem:s21+$0x10]  }
0x72: {  	s16 =	simm.s32 $0x3220;
	v60 =	vpop (erf);
	v3 =	vld [tilespmem:s15+$0x0];
	v9 =	vmul.f32 $1.442695020e+00, v2;
	(erf) = vpow2.f32 v5  }
0x73: {  	v63 =	vmul.f32 $1.442695020e+00, v7;
	[tilespmem:s16+$0x10] =	vst v4;
	v4 =	vld [tilespmem:s22+$0xFFFFFFE0];
	v2 =	vnsel vm0, $0x0, v60;
	v5 =	vmul.f32 $2.000000030e-01, v10;
	v61 =	vpop (erf)  }
0x74: {  	v7 =	vld [tilespmem:s21+$0xFFFFFFF0];
	[tilespmem:s16+$0xFFFFFFF0] =	vst v2;
	v12 =	vnsel vm0, $0x0, v61;
	v62 =	vpop (erf);
	v6 =	vadd.f32 v8, v6;
	(erf) = vpow2.f32 v9  }
0x75: {  	v2 =	vld [tilespmem:s21+$0xFFFFFFE0];
	v9 =	vmax.f32 v10, v5;
	v8 =	vnsel vm0, $0x0, v62;
	[tilespmem:s16+$0x0] =	vst v12;
	(erf) = vpow2.f32 v63  }
0x76: {  	s12 =	simm.s32 $0x2E0;
	s22 =	simm.s32 $0x8;
	v5 =	vld [tilespmem:s21+$0x0];
	v9 =	vsub.f32 v9, v11;
	[tilespmem:s16+$0xFFFFFFE0] =	vst v8;
	v8 =	vmul.f32 $2.000000030e-01, v6  }
.LBB2_3:
0x77: {  	v10 =	vld [tilespmem:s12+$0x10];
	v1 =	vadd.f32 v3, v1;
	s15 =	sadd.s32 $0x40, s15;
	v3 =	vpop (erf)  }
0x78: {  	s22 =	sadd.s32 $0x4, s22;
	s16 =	sadd.s32 $0x40, s16;
	v11 =	vld [tilespmem:s15+$0x10];
	v4 =	vadd.f32 v0, v4;
	v13 =	vmul.f32 $1.442695020e+00, v9;
	v3 =	vnsel vm0, $0x0, v3  }
0x79: {  	p0 =	slt.u32 s22, $0x7C;
	v6 =	vmax.f32 v6, v8;
	v0 =	vld [tilespmem:s15+$0xFFFFFFE0];
	v8 =	vmul.f32 $2.000000030e-01, v1;
	[tilespmem:s16+$0x10] =	vst v3  }
0x7a: {  	v12 =	vld [tilespmem:s12+$0xFFFFFFF0];
	v3 =	vmul.f32 $2.000000030e-01, v4;
	v6 =	vsub.f32 v6, v7;
	(erf) = vpow2.f32 v13  }
0x7b: {  	v7 =	vld [tilespmem:s15+$0xFFFFFFF0];
	v8 =	vmax.f32 v1, v8;
	v9 =	vpop (erf)  }
0x7c: {  	s21 =	sadd.s32 $0x40, s21;
	v1 =	vld [tilespmem:s12+$0x0];
	v3 =	vmax.f32 v4, v3;
	v4 =	vmul.f32 $1.442695020e+00, v6;
	v5 =	vsub.f32 v8, v5  }
0x7d: {  	v6 =	vnsel vm0, $0x0, v9;
	v8 =	vadd.f32 v11, v10;
	v10 =	vld [tilespmem:s21+$0x10];
	v2 =	vsub.f32 v3, v2;
	v9 =	vpop (erf)  }
.Ltmp2:
0x7e: {  	v3 =	vld [tilespmem:s15+$0x0];
	v5 =	vmul.f32 $1.442695020e+00, v5;
	(erf) = vpow2.f32 v4;
	[tilespmem:s16+$0xFFFFFFF0] =	vst v6;
	v6 =	vnsel vm0, $0x0, v9;
	v9 =	vpop (erf);
	(pc) =	sbr.rel @p0 .LBB2_3-.Ltmp2, $4  }
0x7f: {  	v4 =	vld [tilespmem:s12+$0xFFFFFFE0];
	v11 =	vmul.f32 $2.000000030e-01, v8;
	v13 =	vmul.f32 $1.442695020e+00, v2;
	v9 =	vnsel vm0, $0x0, v9;
	[tilespmem:s16+$0x0] =	vst v6  }
0x80: {  	v2 =	vld [tilespmem:s21+$0xFFFFFFE0];
	v6 =	vadd.f32 v7, v12;
	(erf) = vpow2.f32 v5;
	[tilespmem:s16+$0xFFFFFFE0] =	vst v9  }
0x81: {  	v7 =	vld [tilespmem:s21+$0xFFFFFFF0];
	v9 =	vmax.f32 v8, v11;
	(erf) = vpow2.f32 v13  }
0x82: {  	s12 =	sadd.s32 $0x40, s12;
	v8 =	vmul.f32 $2.000000030e-01, v6;
	v5 =	vld [tilespmem:s21+$0x0];
	v9 =	vsub.f32 v9, v10  }
0x83: {  	_ = 	snop  }
0x84: {  	v0 =	vadd.f32 v0, v4  }
0x85: {  	v1 =	vadd.f32 v3, v1  }
0x86: {  	v4 =	vmax.f32 v6, v8;
	v6 =	vmul.f32 $2.000000030e-01, v0  }
0x87: {  	v3 =	vmul.f32 $2.000000030e-01, v1  }
0x88: {  	v0 =	vmax.f32 v0, v6  }
0x89: {  	v4 =	vsub.f32 v4, v7;
	v1 =	vmax.f32 v1, v3;
	v0 =	vsub.f32 v0, v2  }
0x8a: {  	v3 =	vmul.f32 $1.442695020e+00, v9;
	v1 =	vsub.f32 v1, v5  }
0x8b: {  	v4 =	vmul.f32 $1.442695020e+00, v4;
	v0 =	vmul.f32 $1.442695020e+00, v0  }
0x8c: {  	(erf) = vpow2.f32 v3;
	v1 =	vmul.f32 $1.442695020e+00, v1  }
0x8d: {  	(erf) = vpow2.f32 v4  }
0x8e: {  	(erf) = vpow2.f32 v1  }
0x8f: {  	(erf) = vpow2.f32 v0;
	v0 =	vpop (erf)  }
0x90: {  	s12 =	sadd.s32 $0x40, s16;
	v1 =	vpop (erf);
	v0 =	vnsel vm0, $0x0, v0  }
0x91: {  	v2 =	vpop (erf);
	[tilespmem:s12+$0x10] =	vst v0;
	v0 =	vnsel vm0, $0x0, v1  }
0x92: {  	v1 =	vpop (erf);
	[tilespmem:s12+$0xFFFFFFF0] =	vst v0;
	v0 =	vnsel vm0, $0x0, v2  }
0x93: {  	v1 =	vnsel vm0, $0x0, v1;
	_ =	sdelay $0x1  }
0x94: {  	[tilespmem:s12+$0x0] =	vst v0;
	v0 =	vpop (erf)  }
0x95: {  	[tilespmem:s12+$0xFFFFFFE0] =	vst v1;
	s12 =	sadd.s32 $0x40, s12;
	v0 =	vnsel vm0, $0x0, v0;
	v1 =	vpop (erf)  }
0x96: {  	s13 =	sshll.u32 s14, $0xC;
	[tilespmem:s12+$0x10] =	vst v0;
	v0 =	vnsel vm0, $0x0, v1;
	v1 =	vpop (erf)  }
0x97: {  	s13 =	sadd.s32 s17, s13;
	[tilespmem:s12+$0xFFFFFFF0] =	vst v0;
	v0 =	vnsel vm0, $0x0, v1;
	v1 =	vpop (erf)  }
0x98: {  	s13 =	sshrl.u32 s13, $0x3;
	v1 =	vnsel vm0, $0x0, v1;
	[tilespmem:s12+$0x0] =	vst v0  }
0x99: {  	s15 =	sadd.s32 s9, s13;
	[tilespmem:s12+$0xFFFFFFE0] =	vst v1  }
0x9a: {  	[hbm4b:s15+s4] =	stream.linear.scatter [tilespmem:s28], [sflag:$0x3], $0x800, $0x38;
	[tilespmem:$0x6A00] =	vst v63  }
0x9b: {  	_ =	swait.ge [sflag:s23], $0x800  }
0x9c: {  	[sflag:s23] =	ssyncset.done $0x0  }
0x9d: {  	p0 =	seq.s32 s14, $0x14;
	s15 =	sshll.u32 s14, $0x8;
	[sflag:s23] =	ssyncadd.s32 $0xFFFFF800  }
0x9e: {  	[spmem:s2] =	stream.indirect.scatter.add.f32 [tilespmem:s28], [sflag:$0x3], $0x10, s24, s25, $0xb8;
	[tilespmem:$0x6A00] =	vst v63  }
0x9f: {  	s12 =	sadd.s32 @!p0 s15, s18;
	_ =	swait.ge [sflag:s23], $0x800  }
0xa0: {  	s12 =	sshrl.u32 @!p0 s12, $0x3;
	[sflag:s23] =	ssyncset.done $0x0  }
0xa1: {  	s16 =	simm.s32 @!p0 $0x0;
	s13 =	sadd.s32 @!p0 s7, s12;
	[sflag:s23] =	ssyncadd.s32 $0xFFFFF800  }
0xa2: {  	[tilespmem:s16], [sflag:$0x3] =	stream.linear.gather @!p0 [hbm4b:s13+s16], $0x80, $0x38;
	[tilespmem:$0x6A00] =	vst v63  }
0xa3: {  	s13 =	simm.s32 @!p0 $0x3  }
0xa4: {  	_ =	swait.ge @!p0 [sflag:s13], $0x80  }
0xa5: {  	[sflag:s13] =	ssyncset.done @!p0 $0x0  }
0xa6: {  	s21 =	simm.s32 @!p0 $0x100;
	s12 =	sadd.s32 @!p0 s8, s12;
	[sflag:s13] =	ssyncadd.s32 @!p0 $0xFFFFFF80  }
0xa7: {  	[tilespmem:s21], [sflag:$0x3] =	stream.linear.gather @!p0 [hbm4b:s12+s16], $0x80, $0x38;
	[tilespmem:$0x6A00] =	vst v63  }
0xa8: {  	_ =	swait.ge @!p0 [sflag:s13], $0x80  }
0xa9: {  	[sflag:s13] =	ssyncset.done @!p0 $0x0  }
0xaa: {  	s12 =	simm.s32 @!p0 $0x80;
	[sflag:s13] =	ssyncadd.s32 @!p0 $0xFFFFFF80;
	s13 =	simm.s32 @!p0 $0x200  }
0xab: {  	[tilespmem:s13], [sflag:$0x1] =	stream.indirect.gather @!p0 [hbm4b:s1+s12], $0x10, s16, s12, $0xb8;
	[tilespmem:$0x6A00] =	vst v63  }
0xac: {  	s13 =	simm.s32 @!p0 $0x1200  }
0xad: {  	[tilespmem:s13], [sflag:$0x1] =	stream.indirect.gather @!p0 [hbm4b:s5+s12], $0x10, s21, s12, $0xb8;
	[tilespmem:$0x6A00] =	vst v63  }
0xae: {  	s13 =	simm.s32 @!p0 $0x2200  }
0xaf: {  	[tilespmem:s13], [sflag:$0x1] =	stream.indirect.gather @!p0 [hbm4b:s6+s12], $0x10, s21, s12, $0xb8;
	[tilespmem:$0x6A00] =	vst v63  }
0xb0: {  	_ =	swait.ge [sflag:s29], $0x800  }
0xb1: {  	[sflag:s29] =	ssyncset.done $0x0  }
0xb2: {  	[sflag:s29] =	ssyncadd.s32 $0xFFFFF800  }
0xb3: {  	_ =	swait.ge [sflag:s29], $0x800  }
0xb4: {  	[sflag:s29] =	ssyncset.done $0x0  }
0xb5: {  	[sflag:s29] =	ssyncadd.s32 $0xFFFFF800  }
0xb6: {  	_ =	swait.ge [sflag:s29], $0x800  }
0xb7: {  	[sflag:s29] =	ssyncset.done $0x0  }
0xb8: {  	s16 =	simm.s32 $0xA20;
	[sflag:s29] =	ssyncadd.s32 $0xFFFFF800  }
0xb9: {  	s21 =	simm.s32 $0x1A20;
	v0 =	vld [tilespmem:s16+$0x10]  }
0xba: {  	v1 =	vld [tilespmem:s21+$0x10]  }
0xbb: {  	v2 =	vld [tilespmem:s21+$0xFFFFFFE0]  }
0xbc: {  	v3 =	vld [tilespmem:s16+$0xFFFFFFF0]  }
0xbd: {  	v4 =	vld [tilespmem:s21+$0xFFFFFFF0]  }
0xbe: {  	s22 =	simm.s32 $0x2A20;
	v5 =	vld [tilespmem:s16+$0x0]  }
0xbf: {  	v6 =	vld [tilespmem:s22+$0x10]  }
0xc0: {  	v7 =	vld [tilespmem:s21+$0x0]  }
0xc1: {  	v8 =	vld [tilespmem:s16+$0xFFFFFFE0]  }
0xc2: {  	v9 =	vld [tilespmem:s22+$0xFFFFFFE0];
	v0 =	vadd.f32 v1, v0  }
0xc3: {  	v10 =	vld [tilespmem:s22+$0x0];
	s16 =	simm.s32 $0xA60  }
0xc4: {  	v12 =	vld [tilespmem:s16+$0x10];
	v11 =	vmul.f32 $2.000000030e-01, v0  }
0xc5: {  	s21 =	simm.s32 $0x1A60;
	v1 =	vld [tilespmem:s22+$0xFFFFFFF0];
	v3 =	vadd.f32 v4, v3  }
0xc6: {  	v13 =	vld [tilespmem:s21+$0xFFFFFFF0];
	v5 =	vadd.f32 v7, v5;
	v0 =	vmax.f32 v0, v11  }
0xc7: {  	v4 =	vld [tilespmem:s21+$0x10];
	v2 =	vadd.f32 v2, v8;
	v11 =	vmul.f32 $2.000000030e-01, v3;
	v0 =	vsub.f32 v0, v6  }
0xc8: {  	v14 =	vld [tilespmem:s16+$0x0];
	v8 =	vmul.f32 $2.000000030e-01, v5  }
0xc9: {  	v7 =	vld [tilespmem:s21+$0xFFFFFFE0];
	v3 =	vmax.f32 v3, v11;
	v11 =	vmul.f32 $2.000000030e-01, v2;
	v0 =	vmul.f32 $1.442695020e+00, v0  }
0xca: {  	v6 =	vld [tilespmem:s16+$0xFFFFFFF0];
	v1 =	vsub.f32 v3, v1;
	v3 =	vmax.f32 v5, v8  }
0xcb: {  	(erf) = vpow2.f32 v0;
	v0 =	vmax.f32 v2, v11;
	v2 =	vsub.f32 v3, v10;
	v3 =	vld [tilespmem:s21+$0x0]  }
0xcc: {  	s22 =	simm.s32 $0x2A60;
	v4 =	vadd.f32 v4, v12;
	v8 =	vld [tilespmem:s16+$0xFFFFFFE0]  }
0xcd: {  	v5 =	vld [tilespmem:s22+$0x10];
	v1 =	vmul.f32 $1.442695020e+00, v1  }
0xce: {  	v10 =	vmul.f32 $2.000000030e-01, v4  }
0xcf: {  	v0 =	vsub.f32 v0, v9;
	v6 =	vadd.f32 v13, v6;
	(erf) = vpow2.f32 v1;
	v1 =	vld [tilespmem:s22+$0xFFFFFFF0]  }
0xd0: {  	s16 =	simm.s32 $0x1AA0;
	v2 =	vmul.f32 $1.442695020e+00, v2;
	v4 =	vmax.f32 v4, v10;
	v3 =	vadd.f32 v3, v14  }
0xd1: {  	s13 =	simm.s32 $0xAA0;
	v58 =	vld [tilespmem:s16+$0x10];
	v0 =	vmul.f32 $1.442695020e+00, v0;
	v57 =	vmul.f32 $2.000000030e-01, v6;
	v7 =	vadd.f32 v7, v8  }
0xd2: {  	v11 =	vld [tilespmem:s13+$0x10];
	v4 =	vsub.f32 v4, v5;
	(erf) = vpow2.f32 v2;
	v8 =	vmul.f32 $2.000000030e-01, v3  }
0xd3: {  	v2 =	vld [tilespmem:s22+$0x0];
	(erf) = vpow2.f32 v0;
	v5 =	vmax.f32 v6, v57  }
0xd4: {  	v9 =	vld [tilespmem:s22+$0xFFFFFFE0];
	v5 =	vsub.f32 v5, v1;
	v1 =	vmax.f32 v3, v8;
	v3 =	vmul.f32 $1.442695020e+00, v4  }
0xd5: {  	v0 =	vld [tilespmem:s16+$0xFFFFFFE0]  }
0xd6: {  	v6 =	vld [tilespmem:s13+$0xFFFFFFF0];
	v59 =	vmul.f32 $2.000000030e-01, v7;
	v10 =	vpop (erf);
	(erf) = vpow2.f32 v3  }
0xd7: {  	v8 =	vld [tilespmem:s16+$0xFFFFFFF0]  }
0xd8: {  	s22 =	simm.s32 $0x2AA0;
	v7 =	vmax.f32 v7, v59;
	v5 =	vmul.f32 $1.442695020e+00, v5;
	v2 =	vsub.f32 v1, v2;
	v1 =	vld [tilespmem:s13+$0x0]  }
0xd9: {  	v7 =	vsub.f32 v7, v9;
	v4 =	vnsel vm0, $0x0, v10;
	v10 =	vadd.f32 v58, v11;
	v11 =	vld [tilespmem:s22+$0x10]  }
0xda: {  	s21 =	simm.s32 $0x3A20;
	v60 =	vpop (erf);
	v3 =	vld [tilespmem:s16+$0x0];
	v9 =	vmul.f32 $1.442695020e+00, v2;
	(erf) = vpow2.f32 v5  }
0xdb: {  	v63 =	vmul.f32 $1.442695020e+00, v7;
	[tilespmem:s21+$0x10] =	vst v4;
	v4 =	vld [tilespmem:s13+$0xFFFFFFE0];
	v2 =	vnsel vm0, $0x0, v60;
	v5 =	vmul.f32 $2.000000030e-01, v10;
	v61 =	vpop (erf)  }
0xdc: {  	v7 =	vld [tilespmem:s22+$0xFFFFFFF0];
	[tilespmem:s21+$0xFFFFFFF0] =	vst v2;
	v12 =	vnsel vm0, $0x0, v61;
	v62 =	vpop (erf);
	v6 =	vadd.f32 v8, v6;
	(erf) = vpow2.f32 v9  }
0xdd: {  	v2 =	vld [tilespmem:s22+$0xFFFFFFE0];
	v9 =	vmax.f32 v10, v5;
	v8 =	vnsel vm0, $0x0, v62;
	[tilespmem:s21+$0x0] =	vst v12;
	(erf) = vpow2.f32 v63  }
0xde: {  	s12 =	simm.s32 $0x8;
	s13 =	simm.s32 $0xAE0;
	v5 =	vld [tilespmem:s22+$0x0];
	v9 =	vsub.f32 v9, v11;
	[tilespmem:s21+$0xFFFFFFE0] =	vst v8;
	v8 =	vmul.f32 $2.000000030e-01, v6  }
.LBB2_5:
0xdf: {  	v10 =	vld [tilespmem:s13+$0x10];
	v1 =	vadd.f32 v3, v1;
	s16 =	sadd.s32 $0x40, s16;
	v3 =	vpop (erf)  }
0xe0: {  	s12 =	sadd.s32 $0x4, s12;
	s21 =	sadd.s32 $0x40, s21;
	v11 =	vld [tilespmem:s16+$0x10];
	v4 =	vadd.f32 v0, v4;
	v13 =	vmul.f32 $1.442695020e+00, v9;
	v3 =	vnsel vm0, $0x0, v3  }
0xe1: {  	p1 =	slt.u32 s12, $0x7C;
	v6 =	vmax.f32 v6, v8;
	v0 =	vld [tilespmem:s16+$0xFFFFFFE0];
	v8 =	vmul.f32 $2.000000030e-01, v1;
	[tilespmem:s21+$0x10] =	vst v3  }
0xe2: {  	v12 =	vld [tilespmem:s13+$0xFFFFFFF0];
	v3 =	vmul.f32 $2.000000030e-01, v4;
	v6 =	vsub.f32 v6, v7;
	(erf) = vpow2.f32 v13  }
0xe3: {  	v7 =	vld [tilespmem:s16+$0xFFFFFFF0];
	v8 =	vmax.f32 v1, v8;
	v9 =	vpop (erf)  }
0xe4: {  	s22 =	sadd.s32 $0x40, s22;
	v1 =	vld [tilespmem:s13+$0x0];
	v3 =	vmax.f32 v4, v3;
	v4 =	vmul.f32 $1.442695020e+00, v6;
	v5 =	vsub.f32 v8, v5  }
0xe5: {  	v6 =	vnsel vm0, $0x0, v9;
	v8 =	vadd.f32 v11, v10;
	v10 =	vld [tilespmem:s22+$0x10];
	v2 =	vsub.f32 v3, v2;
	v9 =	vpop (erf)  }
.Ltmp3:
0xe6: {  	v3 =	vld [tilespmem:s16+$0x0];
	v5 =	vmul.f32 $1.442695020e+00, v5;
	(erf) = vpow2.f32 v4;
	[tilespmem:s21+$0xFFFFFFF0] =	vst v6;
	v6 =	vnsel vm0, $0x0, v9;
	v9 =	vpop (erf);
	(pc) =	sbr.rel @p1 .LBB2_5-.Ltmp3, $4  }
0xe7: {  	v4 =	vld [tilespmem:s13+$0xFFFFFFE0];
	v11 =	vmul.f32 $2.000000030e-01, v8;
	v13 =	vmul.f32 $1.442695020e+00, v2;
	v9 =	vnsel vm0, $0x0, v9;
	[tilespmem:s21+$0x0] =	vst v6  }
0xe8: {  	v2 =	vld [tilespmem:s22+$0xFFFFFFE0];
	v6 =	vadd.f32 v7, v12;
	(erf) = vpow2.f32 v5;
	[tilespmem:s21+$0xFFFFFFE0] =	vst v9  }
0xe9: {  	v7 =	vld [tilespmem:s22+$0xFFFFFFF0];
	v9 =	vmax.f32 v8, v11;
	(erf) = vpow2.f32 v13  }
0xea: {  	s13 =	sadd.s32 $0x40, s13;
	v8 =	vmul.f32 $2.000000030e-01, v6;
	v5 =	vld [tilespmem:s22+$0x0];
	v9 =	vsub.f32 v9, v10  }
0xeb: {  	v1 =	vadd.f32 v3, v1  }
0xec: {  	v0 =	vadd.f32 v0, v4  }
0xed: {  	v3 =	vmul.f32 $2.000000030e-01, v1  }
0xee: {  	v49 =	vmax.f32 v6, v8;
	v50 =	vmul.f32 $2.000000030e-01, v0  }
0xef: {  	v4 =	vsub.f32 v49, v7;
	v1 =	vmax.f32 v1, v3  }
0xf0: {  	v51 =	vmul.f32 $1.442695020e+00, v9;
	v0 =	vmax.f32 v0, v50;
	v1 =	vsub.f32 v1, v5  }
0xf1: {  	v4 =	vmul.f32 $1.442695020e+00, v4;
	v0 =	vsub.f32 v0, v2  }
0xf2: {  	(erf) = vpow2.f32 v51;
	v1 =	vmul.f32 $1.442695020e+00, v1  }
0xf3: {  	(erf) = vpow2.f32 v4;
	v0 =	vmul.f32 $1.442695020e+00, v0  }
0xf4: {  	(erf) = vpow2.f32 v1  }
0xf5: {  	(erf) = vpow2.f32 v0  }
0xf6: {  	v52 =	vpop (erf)  }
0xf7: {  	v53 =	vpop (erf)  }
0xf8: {  	s12 =	sadd.s32 $0x40, s21;
	v55 =	vnsel vm0, $0x0, v53;
	v54 =	vpop (erf)  }
0xf9: {  	[tilespmem:s12+$0xFFFFFFF0] =	vst v55;
	v56 =	vpop (erf);
	v57 =	vnsel vm0, $0x0, v54  }
0xfa: {  	[tilespmem:s12+$0x0] =	vst v57;
	v1 =	vnsel vm0, $0x0, v56  }
0xfb: {  	v0 =	vnsel vm0, $0x0, v52;
	[tilespmem:s12+$0xFFFFFFE0] =	vst v1;
	v58 =	vpop (erf)  }
0xfc: {  	[tilespmem:s12+$0x10] =	vst v0;
	s12 =	sadd.s32 $0x40, s12;
	v0 =	vnsel vm0, $0x0, v58;
	v59 =	vpop (erf)  }
0xfd: {  	s13 =	sadd.s32 s15, s19;
	[tilespmem:s12+$0x10] =	vst v0;
	v60 =	vnsel vm0, $0x0, v59;
	v61 =	vpop (erf)  }
0xfe: {  	s13 =	sshll.u32 s13, $0x1;
	[tilespmem:s12+$0xFFFFFFF0] =	vst v60;
	v62 =	vnsel vm0, $0x0, v61;
	v63 =	vpop (erf)  }
0xff: {  	s13 =	sand.u32 $0x1FFFFF00, s13;
	v1 =	vnsel vm0, $0x0, v63;
	[tilespmem:s12+$0x0] =	vst v62  }
0x100: {  	s22 =	sadd.s32 s9, s13;
	[tilespmem:s12+$0xFFFFFFE0] =	vst v1  }
0x101: {  	[hbm4b:s22+s4] =	stream.linear.scatter [tilespmem:s10], [sflag:$0x3], $0x800, $0x38;
	[tilespmem:$0x6A00] =	vst v63  }
0x102: {  	_ =	swait.ge [sflag:s23], $0x800  }
0x103: {  	[sflag:s23] =	ssyncset.done $0x0  }
.Ltmp4:
0x104: {  	[sflag:s23] =	ssyncadd.s32 $0xFFFFF800;
	(pc) =	sbr.rel @p0 .LBB2_8-.Ltmp4, $4  }
0x105: {  	[spmem:s2] =	stream.indirect.scatter.add.f32 [tilespmem:s10], [sflag:$0x3], $0x10, s30, s25, $0xb8;
	[tilespmem:$0x6A00] =	vst v63  }
0x106: {  	_ =	swait.ge [sflag:s23], $0x800  }
0x107: {  	[sflag:s23] =	ssyncset.done $0x0  }
0x108: {  	[sflag:s23] =	ssyncadd.s32 $0xFFFFF800  }
0x109: {  	s12 =	sadd.s32 s15, s20  }
0x10a: {  	s12 =	sshrl.u32 s12, $0x3  }
0x10b: {  	s13 =	sadd.s32 s7, s12  }
0x10c: {  	[tilespmem:s25], [sflag:$0x3] =	stream.linear.gather [hbm4b:s13+s4], $0x80, $0x38;
	[tilespmem:$0x6A00] =	vst v63  }
0x10d: {  	_ =	swait.ge [sflag:s23], $0x80  }
0x10e: {  	[sflag:s23] =	ssyncset.done $0x0  }
0x10f: {  	s12 =	sadd.s32 s8, s12;
	[sflag:s23] =	ssyncadd.s32 $0xFFFFFF80  }
0x110: {  	[tilespmem:s30], [sflag:$0x3] =	stream.linear.gather [hbm4b:s12+s4], $0x80, $0x38;
	[tilespmem:$0x6A00] =	vst v63  }
0x111: {  	_ =	swait.ge [sflag:s23], $0x80  }
0x112: {  	[sflag:s23] =	ssyncset.done $0x0  }
0x113: {  	[sflag:s23] =	ssyncadd.s32 $0xFFFFFF80  }
0x114: {  	[tilespmem:s31], [sflag:$0x2] =	stream.indirect.gather [hbm4b:s1+s25], $0x10, s25, s25, $0xb8;
	[tilespmem:$0x6A00] =	vst v63  }
.Ltmp5:
0x115: {  	_ = 	snop;
	(pc) =	sbr.rel .LBB2_2-.Ltmp5, $4  }
0x116: {  	_ = 	snop  }
0x117: {  	[tilespmem:s0], [sflag:$0x2] =	stream.indirect.gather [hbm4b:s5+s25], $0x10, s30, s25, $0xb8;
	[tilespmem:$0x6A00] =	vst v63  }
0x118: {  	s14 =	sadd.s32 $0x1, s14  }
0x119: {  	[tilespmem:s3], [sflag:$0x2] =	stream.indirect.gather [hbm4b:s6+s25], $0x10, s30, s25, $0xb8;
	[tilespmem:$0x6A00] =	vst v63  }
.LBB2_9:
0x11a: {  	_ =	sfence.sel $0x180000  }
0x11b: {  	[bflag:$0x0] =	sbarrier.arrive $0xFFFF  }
0x11c: {  	_ =	strace $0x90000050  }
0x11d: {  	s0 =	stileid.u32;
	[bflag:$0x2] =	sbarrier.arrive $0xFFFF  }
0x11e: {  	p0 =	sne.s32 s0, $0x0;
	s0 =	rddreg [dreg:$0x3]  }
0x11f: {  	s0 =	sadd.s32 @!p0 $0x100000, s0  }
0x120: {  	[sflag:s0] =	ssyncadd.tile.s32 @!p0 $0x1;
	_ =	shalt  }
.Lfunc_end2:
_tile_overlayer_lowered:
.L_overlay_start_2:
0x121: {  	(tag) =	ssettag $0x2  }
0x122: {  	s0 =	rddreg [dreg:$0x0];
	s2 =	stileid.u32  }
0x123: {  	s1 =	rddreg [dreg:$0x1];
	p0 =	sne.s32 s2, $0x0  }
0x124: {  	s3 =	rddreg [dreg:$0x2];
	[bflag:$0x3] =	sbarrier.arrive $0xFFFF;
	s2 =	simm.s32 @!p0 $0x1C03  }
0x125: {  	[timem:s3], [sflag:s2] =	dma.local @!p0 [hbm:s0], s1  }
0x126: {  	s0 =	simm.s32 @!p0 $0x3  }
0x127: {  	_ =	swait.ge @!p0 [sflag:s0], s1  }
0x128: {  	s1 =	ssub.s32 @!p0 $0x0, s1;
	[sflag:s0] =	ssyncset.done @!p0 $0x0  }
0x129: {  	[sflag:s0] =	ssyncadd.s32 @!p0 s1  }
0x12a: {  	[bflag:$0x3] =	sbarrier.arrive $0xFFFF  }
0x12b: {  	_ =	shalt  }

// kernel: kernel.22.cloned.1.call-start
scs
__scs_entry_jumppad:
0x0: {  	(pc) =	sbr.rel $0x88, $3  }
0x1: {  	(tag) =	ssettag $0x0;
	lr =	simm.s32 $0x1  }
0x2: {  	[smem:$0x3F91] =	sst lr;
	_ =	strace $0xD0000000  }
0x3: {  	_ = 	snop  }
0x4: {  	_ = 	snop  }
0x5: {  	_ = 	snop  }
0x6: {  	_ = 	snop  }
0x7: {  	_ = 	snop  }
__scs_overlays_trampoline_lowered:
0x8: {  	[smem:$0x3FA0] =	sst s0  }
0x9: {  	[smem:$0x3FA1] =	sst s1  }
0xa: {  	[smem:$0x3FA2] =	sst s2  }
0xb: {  	[smem:$0x3FA3] =	sst s3  }
0xc: {  	[smem:$0x3FA4] =	sst s4  }
0xd: {  	[smem:$0x3FA5] =	sst s5  }
0xe: {  	[smem:$0x3FA6] =	sst s6  }
0xf: {  	[smem:$0x3FA7] =	sst s7  }
0x10: {  	[smem:$0x3FA8] =	sst s8  }
0x11: {  	[smem:$0x3FA9] =	sst s9;
	s0 =	simm.s32 @!p0 $0x0  }
0x12: {  	s1 =	sld [smem:$0x3F8F];
	s0 =	simm.s32 @p0 $0x1  }
0x13: {  	[smem:$0x3FAA] =	sst s0;
	s0 =	simm.s32 @!p1 $0x0  }
0x14: {  	s2 =	sld [smem:$0x3F8E];
	s0 =	simm.s32 @p1 $0x1  }
0x15: {  	[smem:$0x3FAB] =	sst s0;
	s0 =	simm.s32 @!p2 $0x0  }
0x16: {  	s3 =	sld [smem:$0x3FDB];
	s0 =	simm.s32 @p2 $0x1  }
0x17: {  	s4 =	simm.s32 $0x1BF5;
	[smem:$0x3FAD] =	sst s0  }
0x18: {  	s0 =	sld [smem:$0x3F90];
	_ =	swait.ge [sflag:s4], $0x0  }
0x19: {  	s7 =	sld [smem:$0x3F91]  }
0x1a: {  	s8 =	sadd.s32 $0xFFFFE003, lr  }
0x1b: {  	s9 =	sadd.s32 $0xFFFFFEF7, lr;
	s5 =	simm.s32 $0xFFFFFFFF;
	p2 =	slt.u32 s8, $0xFFFFF086  }
0x1c: {  	p1 =	slt.u32 s9, $0xF7A;
	s5 =	simm.s32 @!p2 $0x0  }
0x1d: {  	s5 =	simm.s32 @p1 $0x1;
	p0 =	seq.s32 s7, s2  }
0x1e: {  	s7 =	smul.u32 @!p0 $0xF7A, s2;
	p2 =	seq.s32 @!p0 s5, $0x0  }
0x1f: {  	s9 =	smul.u32 $0xF7A, s1;
	s8 =	simm.s32 @!p0 $0x1BF5;
	p2 =	por !p2, p0  }
0x20: {  	[sflag:s8] =	ssyncset.s32 @!p0 $0xFFFFF086;
	s6 =	sadd.s32 @!p0 s3, s7;
	s7 =	simm.s32 @!p0 $0x108  }
0x21: {  	s3 =	sadd.s32 s3, s9;
	s6 =	sadd.s32 @!p0 $0x88, s6;
	s7 =	simm.s32 @p2 $0x1082  }
0x22: {  	[simem:s7], [sflag:s8] =	dma.local @!p0 [hbm:s6], $0xF7A  }
0x23: {  	s9 =	sor.u32 $0xD0000000, s2;
	s6 =	simm.s32 $0x108;
	_ =	swait.ge @!p0 [sflag:s8], $0x0  }
0x24: {  	s3 =	sadd.s32 $0x88, s3;
	s6 =	simm.s32 @!p1 $0x1082;
	[sflag:s4] =	ssyncset.s32 $0xFFFFF086  }
0x25: {  	[simem:s6], [sflag:s4] =	dma.local [hbm:s3], $0xF7A  }
0x26: {  	[smem:$0x3F91] =	sst s1;
	(tag) =	ssettag s2;
	_ =	strace s9  }
0x27: {  	s1 =	sld [smem:$0x3FA1]  }
0x28: {  	s2 =	sld [smem:$0x3FA2]  }
0x29: {  	s4 =	sld [smem:$0x3FA4]  }
0x2a: {  	p0 =	seq.s32 s5, $0x0;
	s5 =	sld [smem:$0x3FA5]  }
0x2b: {  	s6 =	sld [smem:$0x3FA6]  }
0x2c: {  	s7 =	sld [smem:$0x3FA7]  }
0x2d: {  	s3 =	simm.s32 $0x108;
	s8 =	sld [smem:$0x3FA8]  }
0x2e: {  	s3 =	simm.s32 @!p0 $0x1082;
	s9 =	sld [smem:$0x3FA9]  }
0x2f: {  	lr =	sadd.s32 s0, s3;
	s0 =	sld [smem:$0x3FA0]  }
0x30: {  	s3 =	sld [smem:$0x3FA3]  }
0x31: {  	[smem:$0x3FAC] =	sst s10  }
0x32: {  	s10 =	sld [smem:$0x3FAA];
	_ =	sdelay $0x3  }
0x33: {  	p0 =	seq.s32 s10, $0x1;
	s10 =	sld [smem:$0x3FAC];
	_ =	sdelay $0x3  }
0x34: {  	[smem:$0x3FAC] =	sst s10  }
0x35: {  	s10 =	sld [smem:$0x3FAB];
	_ =	sdelay $0x3  }
0x36: {  	p1 =	seq.s32 s10, $0x1;
	s10 =	sld [smem:$0x3FAC];
	_ =	sdelay $0x3  }
0x37: {  	[smem:$0x3FAC] =	sst s10  }
0x38: {  	s10 =	sld [smem:$0x3FAD]  }
0x39: {  	_ = 	snop;
	(pc) =	sbr.ind lr, $3  }
0x3a: {  	_ = 	snop  }
0x3b: {  	_ = 	snop  }
0x3c: {  	p2 =	seq.s32 s10, $0x1;
	s10 =	sld [smem:$0x3FAC]  }
0x3d: {  	_ =	shalt  }
0x3e: {  	_ =	shalt  }
0x3f: {  	_ =	shalt  }
0x40: {  	_ =	shalt  }
0x41: {  	_ =	shalt  }
0x42: {  	_ =	shalt  }
0x43: {  	_ =	shalt  }
0x44: {  	_ =	shalt  }
0x45: {  	_ =	shalt  }
0x46: {  	_ =	shalt  }
0x47: {  	_ =	shalt  }
0x48: {  	_ =	shalt  }
0x49: {  	_ =	shalt  }
0x4a: {  	_ =	shalt  }
0x4b: {  	_ =	shalt  }
0x4c: {  	_ =	shalt  }
0x4d: {  	_ =	shalt  }
0x4e: {  	_ =	shalt  }
0x4f: {  	_ =	shalt  }
0x50: {  	_ =	shalt  }
0x51: {  	_ =	shalt  }
0x52: {  	_ =	shalt  }
0x53: {  	_ =	shalt  }
0x54: {  	_ =	shalt  }
0x55: {  	_ =	shalt  }
0x56: {  	_ =	shalt  }
0x57: {  	_ =	shalt  }
0x58: {  	_ =	shalt  }
0x59: {  	_ =	shalt  }
0x5a: {  	_ =	shalt  }
0x5b: {  	_ =	shalt  }
0x5c: {  	_ =	shalt  }
0x5d: {  	_ =	shalt  }
0x5e: {  	_ =	shalt  }
0x5f: {  	_ =	shalt  }
0x60: {  	_ =	shalt  }
0x61: {  	_ =	shalt  }
0x62: {  	_ =	shalt  }
0x63: {  	_ =	shalt  }
0x64: {  	_ =	shalt  }
0x65: {  	_ =	shalt  }
0x66: {  	_ =	shalt  }
0x67: {  	_ =	shalt  }
0x68: {  	_ =	shalt  }
0x69: {  	_ =	shalt  }
0x6a: {  	_ =	shalt  }
0x6b: {  	_ =	shalt  }
0x6c: {  	_ =	shalt  }
0x6d: {  	_ =	shalt  }
0x6e: {  	_ =	shalt  }
0x6f: {  	_ =	shalt  }
0x70: {  	_ =	shalt  }
0x71: {  	_ =	shalt  }
0x72: {  	_ =	shalt  }
0x73: {  	_ =	shalt  }
0x74: {  	_ =	shalt  }
0x75: {  	_ =	shalt  }
0x76: {  	_ =	shalt  }
0x77: {  	_ =	shalt  }
0x78: {  	_ =	shalt  }
0x79: {  	_ =	shalt  }
0x7a: {  	_ =	shalt  }
0x7b: {  	_ =	shalt  }
0x7c: {  	_ =	shalt  }
0x7d: {  	_ =	shalt  }
0x7e: {  	_ =	shalt  }
0x7f: {  	_ =	shalt  }
0x80: {  	_ =	shalt  }
0x81: {  	_ =	shalt  }
0x82: {  	_ =	shalt  }
0x83: {  	_ =	shalt  }
0x84: {  	_ =	shalt  }
0x85: {  	_ =	shalt  }
0x86: {  	_ =	shalt  }
0x87: {  	_ =	shalt  }
.Lfunc_end0:
.L_simem_size_0:
called_computation.4_lowered:
.L_overlay_start_0:
0x88: {  	s2 =	sld [smem:$0x3FD9]  }
0x89: {  	s3 =	sld [smem:$0x3FFE];
	_ =	sdelay $0x1  }
0x8a: {  	s1 =	srdreg.scid  }
0x8b: {  	s0 =	sand.u32 $0x1, s1  }
0x8c: {  	s14 =	sshll.u32 s0, $0xA;
	s2 =	sadd.s32 s3, s2  }
0x8d: {  	s2 =	sadd.s32 s2, s14  }
0x8e: {  	[smem:$0x3FB8] =	sst s2  }
0x8f: {  	_ = 	snop  }
0x90: {  	s2 =	sld [smem:$0x3FD0];
	_ =	sdelay $0x2  }
0x91: {  	s15 =	simm.s32 $0xA;
	s4 =	simm.s32 $0x10  }
0x92: {  	[smem:s4], [sflag:s15] =	dma.local [hbm:s2], $0x1  }
0x93: {  	_ =	swait.eq [sflag:s15], $0x1  }
0x94: {  	[sflag:s15] =	ssyncset.done $0x0  }
0x95: {  	[sflag:s15] =	ssyncadd.s32 $0xFFFFFFFF  }
0x96: {  	s16 =	sld [smem:$0x11];
	(tm) =	ssettm $0x1  }
0x97: {  	s17 =	sld [smem:$0x3FFB];
	_ =	sdelay $0x3  }
0x98: {  	_ =	strace s17  }
0x99: {  	s3 =	sld [smem:$0x3FFC];
	_ =	sdelay $0x3  }
0x9a: {  	_ =	strace s3  }
0x9b: {  	s3 =	sld [smem:$0x3FFD];
	_ =	sdelay $0x3  }
0x9c: {  	_ =	strace s3  }
0x9d: {  	_ =	strace $0x8FFFFFFF  }
0x9e: {  	s18 =	sld [smem:$0x3FDB];
	_ =	sdelay $0x1  }
0x9f: {  	s19 =	simm.s32 $_scs_section_size  }
0xa0: {  	s5 =	simm.s32 $_size__tile_overlayer_lowered;
	s6 =	simm.s32 $_tile_overlayer_lowered  }
0xa1: {  	s22 =	simm.s32 $0x1BFF;
	s21 =	sshll.u32 s6, $0x1;
	s3 =	sadd.s32 s19, s18  }
0xa2: {  	s7 =	simm.s32 $0x0;
	s20 =	sshll.u32 s5, $0x1;
	s5 =	sadd.s32 s21, s3  }
0xa3: {  	[timem:s7], [sflag:s22] =	dma.local [hbm:s5], s20  }
0xa4: {  	_ =	swait.ge [sflag:s22], s20  }
0xa5: {  	s4 =	ssub.s32 $0x0, s20;
	[sflag:s22] =	ssyncset.done $0x0  }
0xa6: {  	[sflag:s22] =	ssyncadd.s32 s4;
	_ =	sdelay $0x1  }
0xa7: {  	s23 =	simm.s32 $0x1B8B  }
0xa8: {  	_ =	swait.ge [sflag:s23], $0x1  }
0xa9: {  	[sflag:s23] =	ssyncset.done $0x0  }
0xaa: {  	s25 =	simm.s32 $0x1B8E;
	s24 =	sld [smem:$0x3FFE];
	[sflag:s23] =	ssyncadd.s32 $0xFFFFFFFF  }
0xab: {  	s26 =	simm.s32 $execute0_lowered;
	[smem:$0x3FD2] =	sst s25  }
0xac: {  	s5 =	sshll.u32 s26, $0x1;
	_ =	strace $0x80000052;
	[dreg:$0x1] =	wrdreg $0xFFFFFFFF  }
0xad: {  	s28 =	simm.s32 $_size_execute0_lowered;
	s3 =	sadd.s32 s3, s5;
	[dreg:$0x0] =	wrdreg $0x0  }
0xae: {  	s5 =	sshll.u32 s28, $0x1;
	[dreg:$0x2] =	wrdreg s3  }
0xaf: {  	[dreg:$0x3] =	wrdreg s5  }
0xb0: {  	[dreg:$0x4] =	wrdreg $0xC0  }
0xb1: {  	_ =	task [dreg:s7], $0x5FFFF  }
0xb2: {  	[dreg:$0x1] =	wrdreg $0xFFFFFFFF  }
0xb3: {  	[dreg:$0x0] =	wrdreg $0x60  }
0xb4: {  	[dreg:$0x2] =	wrdreg s24  }
0xb5: {  	[dreg:$0x3] =	wrdreg s16  }
0xb6: {  	[dreg:$0x4] =	wrdreg $0xB2000  }
0xb7: {  	[dreg:$0x5] =	wrdreg $0x9  }
0xb8: {  	_ =	task.clear_ibuf [dreg:s7], $0x6FFFF;
	_ =	strace $0x90000052  }
0xb9: {  	s29 =	simm.s32 $0x9;
	_ =	strace $0x80000054  }
0xba: {  	_ =	swait.ge [sflag:s29], $0x1  }
0xbb: {  	[sflag:s29] =	ssyncadd.s32 $0xFFFFFFFF  }
0xbc: {  	_ =	strace $0x90000054  }
0xbd: {  	_ =	sfence  }
0xbe: {  	s30 =	sld [smem:$0x0];
	_ =	sdelay $0x2  }
0xbf: {  	s31 =	sshll.u32 s1, $0xD;
	s1 =	sshrl.u32 s1, $0x2  }
0xc0: {  	s3 =	sand.u32 $0x4000, s31;
	s1 =	sadd.s32 s1, s30  }
0xc1: {  	s0 =	sor.u32 s3, s0;
	s1 =	sshll.u32 s1, $0x11  }
0xc2: {  	s0 =	sor.u32 s1, s0  }
0xc3: {  	s0 =	sadd.s32 $0x8F2B, s0  }
0xc4: {  	[sflag:s0] =	ssyncadd.remote.s32 $0x1  }
0xc5: {  	_ =	sfence.sel $0xFFFF  }
0xc6: {  	[dreg:$0x0] =	wrdreg $0xFFFFFFFF;
	(pc) =	sbr.abs _section_cstart, $3  }
0xc7: {  	[dreg:$0x1] =	wrdreg $0xFFFFFFFF  }
0xc8: {  	_ =	task.clear_ibuf [dreg:s7], $0x2FFFF;
	_ =	strace $0x9FFFFFFF  }
0xc9: {  	(tm) =	ssettm $0x7FFFFFFF  }
tec
execute0_lowered:
.L_overlay_start_1:
0x0: {  	(tag) =	ssettag $0x1  }
0x1: {  	s0 =	rddreg [dreg:$0x0]  }
0x2: {  	s1 =	rddreg [dreg:$0x1]  }
0x3: {  	s2 =	rddreg [dreg:$0x2]  }
0x4: {  	s3 =	simm.s32 $0x0;
	s4 =	srdreg.scid;
	s16 =	stileid.u32  }
0x5: {  	s28 =	simm.s32 $0x1200;
	s29 =	simm.s32 $0x2A00;
	s30 =	simm.s32 $0x1  }
0x6: {  	s31 =	simm.s32 $0x5;
	[smem:$0x7FF] =	sst s3;
	s10 =	sand.u32 $0x1, s4  }
0x7: {  	s11 =	smul.u32 $0x14000, s16;
	s12 =	sadd.s32 $0x98000, s0;
	s14 =	sadd.s32 $0x8E000, s0  }
0x8: {  	s4 =	sadd.s32 $0x84000, s0;
	s5 =	sadd.s32 $0x7A000, s0;
	s6 =	sadd.s32 $0x26000, s0  }
0x9: {  	s18 =	sshll.u32 s16, $0x6;
	_ =	strace $0x80000053;
	s7 =	smul.u32 $0x280000, s10  }
0xa: {  	s13 =	ssub.s32 $0x2, s10;
	s21 =	sor.u32 $0x1C07, s18;
	p0 =	seq.s32 s10, $0x0  }
0xb: {  	s15 =	sshrl.u32 s13, $0x1;
	s17 =	sshrl.u32 s11, $0x3;
	s4 =	smov.u32 @p0 s12  }
0xc: {  	s5 =	smov.u32 @p0 s14;
	s12 =	simm.s32 $0x0;
	[dreg:$0x5] =	wrdreg s21  }
0xd: {  	s8 =	sadd.s32 s11, s7;
	s7 =	sadd.s32 $0xCC00, s0;
	s15 =	ssub.s32 s13, s15  }
0xe: {  	s11 =	sadd.s32 s11, s2;
	s1 =	sadd.s32 s1, s17;
	s9 =	sshrl.u32 s8, $0x3  }
0xf: {  	s8 =	sadd.s32 $0x2600, s0;
	[dreg:$0x4] =	wrdreg s1;
	s26 =	smax.u32 s15, $0x1  }
0x10: {  	s11 =	sshrl.u32 s11, $0x3;
	s0 =	sadd.s32 s9, s0;
	s9 =	smul.u32 $0x2A00, s16  }
0x11: {  	s16 =	smul.u32 $0x5400, s16;
	[dreg:$0xc] =	wrdreg s26;
	s26 =	simm.s32 $0x6  }
0x12: {  	[dreg:$0xd] =	wrdreg s11;
	s25 =	sadd.s32 $0xA2000, s0;
	s0 =	sadd.s32 $0xCA000, s0  }
0x13: {  	s19 =	sshrl.u32 s9, $0x3;
	s13 =	sor.u32 $0x80, s9;
	s20 =	sadd.s32 s6, s16  }
0x14: {  	s17 =	sor.u32 $0x100, s9;
	s18 =	sor.u32 $0x180, s9;
	[dreg:$0xa] =	wrdreg s25  }
0x15: {  	[dreg:$0xb] =	wrdreg s0;
	s0 =	simm.s32 $0x100;
	s25 =	simm.s32 $0x2  }
.Ltmp0:
0x16: {  	s1 =	sadd.s32 s7, s19;
	[dreg:$0x7] =	wrdreg s20;
	(pc) =	sbr.rel .LBB2_1-.Ltmp0, $4  }
0x17: {  	s22 =	sshrl.u32 s13, $0x3;
	s23 =	sshll.u32 s13, $0x1;
	s19 =	simm.s32 $0x180  }
0x18: {  	s20 =	simm.s32 $0x7200;
	[dreg:$0x6] =	wrdreg s1;
	s1 =	sadd.s32 s7, s22  }
0x19: {  	s24 =	sadd.s32 s6, s23;
	s23 =	simm.s32 $0x7;
	[dreg:$0x8] =	wrdreg s1  }
0x1a: {  	[dreg:$0x9] =	wrdreg s24;
	s24 =	simm.s32 $0x80;
	s1 =	simm.s32 $0x3200  }
.LBB2_15:
0x1b: {  	s10 =	simm.s32 $0x3  }
0x1c: {  	_ =	swait.ge [sflag:s10], $0x4000  }
0x1d: {  	[sflag:s10] =	ssyncset.done $0x0  }
0x1e: {  	s15 =	simm.s32 $0x4;
	[sflag:s10] =	ssyncadd.s32 $0xFFFFC000  }
0x1f: {  	_ =	swait.ge [sflag:s15], $0x4000  }
0x20: {  	[sflag:s15] =	ssyncset.done $0x0  }
0x21: {  	[sflag:s15] =	ssyncadd.s32 $0xFFFFC000  }
0x22: {  	[bflag:$0x0] =	sbarrier.arrive $0xFFFF  }
0x23: {  	s21 =	rddreg [dreg:$0x5]  }
0x24: {  	s16 =	rddreg [dreg:$0xb]  }
0x25: {  	s11 =	rddreg [dreg:$0xd]  }
0x26: {  	[hbm:s16], [sflag:s21] =	dma.local [spmem:s11], $0x2800  }
0x27: {  	_ =	swait.ge [sflag:s23], $0x2800  }
0x28: {  	s12 =	rddreg [dreg:$0xe]  }
0x29: {  	s22 =	rddreg [dreg:$0xc];
	s12 =	sadd.s32 $0x1, s12  }
0x2a: {  	p0 =	sne.s32 s12, s22  }
.Ltmp1:
0x2b: {  	_ = 	snop;
	(pc) =	sbr.rel @!p0 .LBB2_16-.Ltmp1, $3  }
0x2c: {  	[sflag:s23] =	ssyncset.done $0x0  }
0x2d: {  	[sflag:s23] =	ssyncadd.s32 $0xFFFFD800  }
0x2e: {  	[bflag:$0x0] =	sbarrier.arrive $0xFFFF;
	_ =	sdelay $0x1  }
.LBB2_1:
0x2f: {  	[dreg:$0xe] =	wrdreg s12  }
0x30: {  	s10 =	rddreg [dreg:$0x4]  }
0x31: {  	[spmem:s11], [sflag:s21] =	dma.local [hbm:s10], $0x2800  }
0x32: {  	_ =	swait.ge [sflag:s23], $0x2800  }
0x33: {  	[sflag:s23] =	ssyncset.done $0x0  }
0x34: {  	[sflag:s23] =	ssyncadd.s32 $0xFFFFD800  }
0x35: {  	[bflag:$0x0] =	sbarrier.arrive $0xFFFF  }
0x36: {  	s12 =	rddreg [dreg:$0x6]  }
0x37: {  	[tilespmem:s3], [sflag:$0x7] =	stream.linear.gather [hbm4b:s12+s3], $0x80, $0x38;
	[tilespmem:$0x1F200] =	vst v63  }
0x38: {  	_ =	swait.ge [sflag:s23], $0x80  }
0x39: {  	[sflag:s23] =	ssyncset.done $0x0  }
0x3a: {  	s14 =	simm.s32 $0x200;
	[sflag:s23] =	ssyncadd.s32 $0xFFFFFF80  }
0x3b: {  	[tilespmem:s14], [sflag:$0x1] =	stream.indirect.gather [hbm4b:s4+s24], $0x20, s3, s24, $0xb8;
	[tilespmem:$0x1F200] =	vst v63  }
0x3c: {  	s16 =	simm.s32 $0x2200;
	s15 =	rddreg [dreg:$0x7]  }
0x3d: {  	[tilespmem:s16], [sflag:$0x5] =	stream.linear.gather [hbm4b:s15+s3], $0x800, $0x38;
	[tilespmem:$0x1F200] =	vst v63  }
0x3e: {  	s21 =	rddreg [dreg:$0x8]  }
0x3f: {  	[tilespmem:s24], [sflag:$0x7] =	stream.linear.gather [hbm4b:s21+s3], $0x80, $0x38;
	[tilespmem:$0x1F200] =	vst v63  }
0x40: {  	_ =	swait.ge [sflag:s23], $0x80  }
0x41: {  	[sflag:s23] =	ssyncset.done $0x0  }
0x42: {  	[sflag:s23] =	ssyncadd.s32 $0xFFFFFF80  }
0x43: {  	[tilespmem:s28], [sflag:$0x2] =	stream.indirect.gather [hbm4b:s4+s24], $0x20, s24, s24, $0xb8;
	[tilespmem:$0x1F200] =	vst v63  }
0x44: {  	s14 =	simm.s32 $0x0;
	s22 =	rddreg [dreg:$0x9]  }
0x45: {  	[tilespmem:s29], [sflag:$0x6] =	stream.linear.gather [hbm4b:s22+s3], $0x800, $0x38;
	[tilespmem:$0x1F200] =	vst v63  }
.LBB2_2:
0x46: {  	_ =	swait.ge [sflag:s30], $0x1000  }
0x47: {  	[sflag:s30] =	ssyncset.done $0x0  }
0x48: {  	[sflag:s30] =	ssyncadd.s32 $0xFFFFF000  }
0x49: {  	_ =	swait.ge [sflag:s31], $0x800  }
0x4a: {  	p0 =	seq.s32 s14, $0x0;
	[sflag:s31] =	ssyncset.done $0x0  }
0x4b: {  	s10 =	simm.s32 @!p0 $0x3;
	[sflag:s31] =	ssyncadd.s32 $0xFFFFF800  }
0x4c: {  	_ =	swait.ge @!p0 [sflag:s10], $0x4000  }
0x4d: {  	[sflag:s10] =	ssyncset.done @!p0 $0x0  }
0x4e: {  	s22 =	simm.s32 $0x2240;
	[sflag:s10] =	ssyncadd.s32 @!p0 $0xFFFFC000  }
0x4f: {  	v4 =	vld [tilespmem:s22+$0x30]  }
0x50: {  	v3 =	vld [tilespmem:s22+$0xFFFFFFD0]  }
0x51: {  	v5 =	vld [tilespmem:s22+$0xFFFFFFC0]  }
0x52: {  	s16 =	simm.s32 $0x280;
	v6 =	vld [tilespmem:s22+$0xFFFFFFE0]  }
0x53: {  	v0 =	vld [tilespmem:s16+$0x70]  }
0x54: {  	v7 =	vld [tilespmem:s16+$0xFFFFFF80];
	v2 =	vbroadcast v4, $0x0;
	v1 =	vbroadcast v4, $0x3  }
0x55: {  	v8 =	vbroadcast v3, $0x0;
	v9 =	vbroadcast v3, $0x1  }
0x56: {  	v10 =	vld [tilespmem:s16+$0xFFFFFF90];
	v11 =	vbroadcast v3, $0x2;
	v13 =	vbroadcast v3, $0x3  }
0x57: {  	v14 =	vbroadcast v5, $0x0;
	v16 =	vbroadcast v6, $0x0  }
0x58: {  	v18 =	vbroadcast v5, $0x1;
	v12 =	vmul.f32 v0, v1  }
0x59: {  	s21 =	simm.s32 $0x3400;
	v17 =	vbroadcast v6, $0x1;
	v19 =	vmul.f32 v14, v7  }
0x5a: {  	v3 =	vld [tilespmem:s16+$0x60];
	v21 =	vbroadcast v5, $0x2;
	v22 =	vmul.f32 v18, v7;
	[tilespmem:s21+$0x1F0] =	vst v12  }
0x5b: {  	v15 =	vld [tilespmem:s22+$0xFFFFFFF0];
	v20 =	vbroadcast v6, $0x2;
	v18 =	vmul.f32 v10, v18;
	[tilespmem:s21+$0xFFFFFE00] =	vst v19  }
0x5c: {  	v6 =	vbroadcast v6, $0x3;
	v23 =	vmul.f32 v21, v7;
	v19 =	vld [tilespmem:s16+$0xFFFFFFA0];
	[tilespmem:s21+$0xFFFFFE20] =	vst v22  }
0x5d: {  	v5 =	vbroadcast v5, $0x3;
	v12 =	vmul.f32 v10, v14;
	[tilespmem:s21+$0xFFFFFE30] =	vst v18  }
0x5e: {  	v30 =	vbroadcast v4, $0x1;
	v21 =	vmul.f32 v10, v21;
	v14 =	vld [tilespmem:s22+$0x0];
	[tilespmem:s21+$0xFFFFFE40] =	vst v23  }
0x5f: {  	v4 =	vbroadcast v4, $0x2;
	v7 =	vmul.f32 v5, v7;
	[tilespmem:s21+$0xFFFFFE10] =	vst v12;
	v12 =	vld [tilespmem:s16+$0xFFFFFFB0]  }
0x60: {  	v5 =	vmul.f32 v10, v5;
	v22 =	vbroadcast v15, $0x0;
	[tilespmem:s21+$0xFFFFFE50] =	vst v21  }
0x61: {  	v18 =	vbroadcast v15, $0x1;
	[tilespmem:s21+$0xFFFFFE60] =	vst v7;
	v21 =	vmul.f32 v8, v19  }
0x62: {  	v23 =	vbroadcast v15, $0x2;
	[tilespmem:s21+$0xFFFFFE70] =	vst v5;
	v25 =	vmul.f32 v9, v19  }
0x63: {  	v15 =	vbroadcast v15, $0x3;
	v5 =	vld [tilespmem:s22+$0x20];
	v27 =	vmul.f32 v11, v19;
	[tilespmem:s21+$0xFFFFFE80] =	vst v21  }
0x64: {  	v7 =	vbroadcast v14, $0x0;
	v8 =	vmul.f32 v12, v8;
	v21 =	vld [tilespmem:s16+$0xFFFFFFC0];
	[tilespmem:s21+$0xFFFFFEA0] =	vst v25  }
0x65: {  	v10 =	vld [tilespmem:s22+$0x10];
	v24 =	vbroadcast v14, $0x1;
	v19 =	vmul.f32 v13, v19;
	[tilespmem:s21+$0xFFFFFEC0] =	vst v27  }
0x66: {  	v26 =	vbroadcast v14, $0x2;
	v9 =	vmul.f32 v12, v9;
	[tilespmem:s21+$0xFFFFFE90] =	vst v8;
	v8 =	vld [tilespmem:s16+$0xFFFFFFD0]  }
0x67: {  	v14 =	vbroadcast v14, $0x3;
	v11 =	vmul.f32 v12, v11;
	[tilespmem:s21+$0xFFFFFEE0] =	vst v19  }
0x68: {  	v28 =	vbroadcast v5, $0x1;
	v12 =	vmul.f32 v12, v13;
	[tilespmem:s21+$0xFFFFFEB0] =	vst v9  }
0x69: {  	v29 =	vbroadcast v5, $0x2;
	[tilespmem:s21+$0xFFFFFED0] =	vst v11;
	v11 =	vmul.f32 v16, v21  }
0x6a: {  	v25 =	vbroadcast v10, $0x0;
	[tilespmem:s21+$0xFFFFFEF0] =	vst v12;
	v19 =	vmul.f32 v17, v21  }
0x6b: {  	v27 =	vbroadcast v10, $0x2;
	v12 =	vld [tilespmem:s16+$0xFFFFFFE0];
	v16 =	vmul.f32 v8, v16;
	[tilespmem:s21+$0xFFFFFF00] =	vst v11  }
0x6c: {  	v13 =	vbroadcast v5, $0x0;
	v17 =	vmul.f32 v8, v17;
	[tilespmem:s21+$0xFFFFFF20] =	vst v19  }
0x6d: {  	v5 =	vbroadcast v5, $0x3;
	v11 =	vld [tilespmem:s16+$0xFFFFFFF0];
	v19 =	vmul.f32 v8, v20;
	[tilespmem:s21+$0xFFFFFF10] =	vst v16  }
0x6e: {  	v9 =	vbroadcast v10, $0x1;
	v16 =	vmul.f32 v20, v21;
	[tilespmem:s21+$0xFFFFFF30] =	vst v17  }
0x6f: {  	v34 =	vld [tilespmem:s16+$0x40];
	v10 =	vbroadcast v10, $0x3;
	v20 =	vmul.f32 v6, v21;
	[tilespmem:s21+$0xFFFFFF50] =	vst v19  }
0x70: {  	v17 =	vld [tilespmem:s16+$0x0];
	v6 =	vmul.f32 v8, v6;
	v8 =	vmul.f32 v22, v12;
	[tilespmem:s21+$0xFFFFFF40] =	vst v16  }
0x71: {  	v21 =	vmul.f32 v18, v12;
	[tilespmem:s21+$0xFFFFFF60] =	vst v20;
	v20 =	vmul.f32 v23, v12  }
0x72: {  	v36 =	vld [tilespmem:s16+$0x50];
	[tilespmem:s21+$0xFFFFFF70] =	vst v6;
	v12 =	vmul.f32 v15, v12;
	v19 =	vmul.f32 v11, v22  }
0x73: {  	[tilespmem:s21+$0xFFFFFF80] =	vst v8;
	v18 =	vmul.f32 v11, v18;
	v22 =	vmul.f32 v11, v23  }
0x74: {  	v16 =	vld [tilespmem:s16+$0x10];
	v11 =	vmul.f32 v11, v15;
	[tilespmem:s21+$0xFFFFFFE0] =	vst v12;
	v12 =	vmul.f32 v5, v34  }
0x75: {  	[tilespmem:s21+$0xFFFFFFA0] =	vst v21;
	v15 =	vmul.f32 v7, v17;
	v31 =	vmul.f32 v24, v17  }
0x76: {  	v6 =	vld [tilespmem:s16+$0x20];
	[tilespmem:s21+$0xFFFFFFC0] =	vst v20;
	v33 =	vmul.f32 v26, v17;
	v35 =	vmul.f32 v14, v17  }
0x77: {  	v8 =	vld [tilespmem:s16+$0x30];
	[tilespmem:s21+$0xFFFFFFB0] =	vst v18;
	v18 =	vmul.f32 v13, v34;
	v17 =	vmul.f32 v36, v13  }
0x78: {  	[tilespmem:s21+$0xFFFFFFF0] =	vst v11;
	v13 =	vmul.f32 v36, v29;
	v11 =	vmul.f32 v36, v5  }
0x79: {  	[tilespmem:s21+$0xFFFFFF90] =	vst v19;
	v5 =	vmul.f32 v4, v3;
	v7 =	vmul.f32 v16, v7  }
0x7a: {  	[tilespmem:s21+$0xFFFFFFD0] =	vst v22;
	v32 =	vmul.f32 v16, v24;
	v26 =	vmul.f32 v16, v26  }
0x7b: {  	v37 =	vmul.f32 v16, v14;
	v38 =	vmul.f32 v25, v6;
	[tilespmem:s21+$0x0] =	vst v15  }
0x7c: {  	v25 =	vmul.f32 v8, v25;
	v23 =	vmul.f32 v9, v6;
	[tilespmem:s21+$0x20] =	vst v31  }
0x7d: {  	v24 =	vmul.f32 v8, v9;
	v21 =	vmul.f32 v27, v6;
	[tilespmem:s21+$0x40] =	vst v33  }
0x7e: {  	v22 =	vmul.f32 v8, v27;
	v20 =	vmul.f32 v10, v6;
	[tilespmem:s21+$0x60] =	vst v35  }
0x7f: {  	v19 =	vmul.f32 v8, v10;
	v16 =	vmul.f32 v28, v34;
	[tilespmem:s21+$0x10] =	vst v7  }
0x80: {  	v15 =	vmul.f32 v36, v28;
	v14 =	vmul.f32 v29, v34;
	[tilespmem:s21+$0x30] =	vst v32  }
0x81: {  	v9 =	vmul.f32 v2, v3;
	v10 =	vmul.f32 v0, v2;
	[tilespmem:s21+$0x50] =	vst v26  }
0x82: {  	s15 =	sshll.u32 s14, $0x8;
	s12 =	simm.s32 $0x22C0;
	v8 =	vmul.f32 v0, v30;
	v6 =	vmul.f32 v0, v4;
	[tilespmem:s21+$0x70] =	vst v37  }
0x83: {  	s11 =	simm.s32 $0x3400;
	s10 =	sadd.s32 s9, s15;
	s22 =	simm.s32 $0x0;
	v4 =	vmul.f32 v1, v3;
	v7 =	vmul.f32 v30, v3;
	[tilespmem:s21+$0x80] =	vst v38  }
.LBB2_3:
0x84: {  	v26 =	vld [tilespmem:s12+$0x30];
	s22 =	sadd.s32 $0x8, s22;
	[tilespmem:s21+$0x90] =	vst v25  }
0x85: {  	s16 =	sadd.s32 $0x100, s16;
	v3 =	vld [tilespmem:s12+$0xFFFFFFD0];
	p1 =	slt.u32 s22, $0x78;
	[tilespmem:s21+$0xA0] =	vst v23  }
0x86: {  	v0 =	vld [tilespmem:s16+$0x70];
	[tilespmem:s21+$0xB0] =	vst v24  }
0x87: {  	v23 =	vld [tilespmem:s12+$0xFFFFFFE0];
	[tilespmem:s21+$0xC0] =	vst v21  }
0x88: {  	v21 =	vld [tilespmem:s12+$0xFFFFFFF0];
	[tilespmem:s21+$0xD0] =	vst v22  }
0x89: {  	v22 =	vld [tilespmem:s12+$0x0];
	v2 =	vbroadcast v26, $0x0;
	v1 =	vbroadcast v26, $0x3;
	[tilespmem:s21+$0xE0] =	vst v20  }
0x8a: {  	v20 =	vbroadcast v3, $0x0;
	v24 =	vbroadcast v3, $0x1;
	v25 =	vld [tilespmem:s12+$0x10];
	[tilespmem:s21+$0xF0] =	vst v19  }
0x8b: {  	v19 =	vbroadcast v3, $0x2;
	v27 =	vld [tilespmem:s12+$0x20];
	v28 =	vmul.f32 v0, v1;
	[tilespmem:s21+$0x100] =	vst v18  }
0x8c: {  	v29 =	vbroadcast v3, $0x3;
	s21 =	sadd.s32 $0x400, s21;
	v18 =	vld [tilespmem:s12+$0xFFFFFFC0];
	v30 =	vbroadcast v23, $0x0;
	[tilespmem:s11+$0x110] =	vst v17  }
0x8d: {  	v17 =	vbroadcast v23, $0x1;
	v31 =	vbroadcast v23, $0x2;
	v3 =	vld [tilespmem:s16+$0x60];
	[tilespmem:s21+$0x1F0] =	vst v28  }
0x8e: {  	v23 =	vbroadcast v23, $0x3;
	v32 =	vbroadcast v21, $0x0;
	v28 =	vld [tilespmem:s16+$0xFFFFFF80];
	[tilespmem:s11+$0x120] =	vst v16  }
0x8f: {  	v33 =	vbroadcast v21, $0x1;
	v34 =	vbroadcast v21, $0x2;
	v16 =	vld [tilespmem:s16+$0xFFFFFF90];
	[tilespmem:s11+$0x130] =	vst v15  }
0x90: {  	v21 =	vbroadcast v21, $0x3;
	v35 =	vbroadcast v22, $0x0;
	v15 =	vld [tilespmem:s16+$0xFFFFFFA0];
	[tilespmem:s11+$0x140] =	vst v14  }
0x91: {  	v14 =	vbroadcast v18, $0x0;
	v36 =	vbroadcast v18, $0x1;
	v37 =	vld [tilespmem:s16+$0xFFFFFFB0];
	[tilespmem:s11+$0x150] =	vst v13  }
0x92: {  	v13 =	vbroadcast v18, $0x2;
	v18 =	vbroadcast v18, $0x3;
	v38 =	vld [tilespmem:s16+$0xFFFFFFC0];
	[tilespmem:s11+$0x160] =	vst v12  }
0x93: {  	v39 =	vbroadcast v22, $0x1;
	v40 =	vbroadcast v22, $0x2;
	v12 =	vld [tilespmem:s16+$0xFFFFFFD0];
	[tilespmem:s11+$0x170] =	vst v11  }
0x94: {  	v22 =	vbroadcast v22, $0x3;
	v41 =	vbroadcast v25, $0x0;
	v11 =	vld [tilespmem:s16+$0xFFFFFFE0];
	[tilespmem:s11+$0x180] =	vst v9  }
0x95: {  	v42 =	vbroadcast v25, $0x1;
	v43 =	vbroadcast v25, $0x2;
	v9 =	vld [tilespmem:s16+$0xFFFFFFF0];
	[tilespmem:s11+$0x190] =	vst v10  }
0x96: {  	v44 =	vbroadcast v25, $0x3;
	v45 =	vbroadcast v27, $0x0;
	v10 =	vld [tilespmem:s16+$0x0];
	[tilespmem:s11+$0x1A0] =	vst v7  }
0x97: {  	v46 =	vbroadcast v27, $0x1;
	v47 =	vbroadcast v27, $0x2;
	v7 =	vld [tilespmem:s16+$0x10];
	[tilespmem:s11+$0x1B0] =	vst v8  }
0x98: {  	v48 =	vbroadcast v26, $0x1;
	v27 =	vbroadcast v27, $0x3;
	v8 =	vld [tilespmem:s16+$0x20];
	[tilespmem:s11+$0x1C0] =	vst v5  }
0x99: {  	v26 =	vbroadcast v26, $0x2;
	v5 =	vmul.f32 v14, v28;
	v49 =	vld [tilespmem:s16+$0x30];
	[tilespmem:s11+$0x1D0] =	vst v6  }
0x9a: {  	v6 =	vmul.f32 v16, v14;
	v14 =	vmul.f32 v36, v28;
	v50 =	vld [tilespmem:s16+$0x40];
	[tilespmem:s11+$0x1E0] =	vst v4;
	s11 =	smov.u32 s21  }
0x9b: {  	v4 =	vmul.f32 v16, v36;
	[tilespmem:s21+$0xFFFFFE00] =	vst v5;
	v5 =	vmul.f32 v13, v28;
	v36 =	vld [tilespmem:s16+$0x50]  }
0x9c: {  	[tilespmem:s21+$0xFFFFFE10] =	vst v6;
	v6 =	vmul.f32 v16, v13;
	v13 =	vmul.f32 v18, v28  }
0x9d: {  	[tilespmem:s21+$0xFFFFFE20] =	vst v14;
	v14 =	vmul.f32 v16, v18;
	v16 =	vmul.f32 v20, v15  }
0x9e: {  	v18 =	vmul.f32 v24, v15;
	[tilespmem:s21+$0xFFFFFE30] =	vst v4;
	v4 =	vmul.f32 v37, v20  }
0x9f: {  	v20 =	vmul.f32 v19, v15;
	[tilespmem:s21+$0xFFFFFE40] =	vst v5;
	v5 =	vmul.f32 v37, v24  }
0xa0: {  	v15 =	vmul.f32 v29, v15;
	[tilespmem:s21+$0xFFFFFE50] =	vst v6;
	v6 =	vmul.f32 v37, v19  }
0xa1: {  	v19 =	vmul.f32 v30, v38;
	[tilespmem:s21+$0xFFFFFE60] =	vst v13;
	v13 =	vmul.f32 v37, v29  }
0xa2: {  	v24 =	vmul.f32 v17, v38;
	[tilespmem:s21+$0xFFFFFE70] =	vst v14;
	v14 =	vmul.f32 v12, v30  }
0xa3: {  	[tilespmem:s21+$0xFFFFFE80] =	vst v16;
	v16 =	vmul.f32 v12, v17;
	v17 =	vmul.f32 v31, v38  }
0xa4: {  	v28 =	vmul.f32 v23, v38;
	[tilespmem:s21+$0xFFFFFE90] =	vst v4;
	v4 =	vmul.f32 v12, v31  }
0xa5: {  	v29 =	vmul.f32 v32, v11;
	v12 =	vmul.f32 v12, v23;
	[tilespmem:s21+$0xFFFFFEA0] =	vst v18  }
0xa6: {  	v30 =	vmul.f32 v33, v11;
	[tilespmem:s21+$0xFFFFFEB0] =	vst v5;
	v5 =	vmul.f32 v9, v32  }
0xa7: {  	v31 =	vmul.f32 v9, v33;
	v32 =	vmul.f32 v34, v11;
	[tilespmem:s21+$0xFFFFFEC0] =	vst v20  }
0xa8: {  	v33 =	vmul.f32 v21, v11;
	[tilespmem:s21+$0xFFFFFED0] =	vst v6;
	v6 =	vmul.f32 v9, v34  }
0xa9: {  	v37 =	vmul.f32 v35, v10;
	v34 =	vmul.f32 v9, v21;
	[tilespmem:s21+$0xFFFFFEE0] =	vst v15  }
0xaa: {  	v35 =	vmul.f32 v7, v35;
	v38 =	vmul.f32 v39, v10;
	[tilespmem:s21+$0xFFFFFEF0] =	vst v13  }
0xab: {  	v51 =	vmul.f32 v40, v10;
	v39 =	vmul.f32 v7, v39;
	[tilespmem:s21+$0xFFFFFF00] =	vst v19  }
0xac: {  	v52 =	vmul.f32 v22, v10;
	v40 =	vmul.f32 v7, v40;
	[tilespmem:s21+$0xFFFFFF10] =	vst v14  }
0xad: {  	v53 =	vmul.f32 v7, v22;
	v54 =	vmul.f32 v41, v8;
	[tilespmem:s21+$0xFFFFFF20] =	vst v24  }
0xae: {  	v25 =	vmul.f32 v49, v41;
	v23 =	vmul.f32 v42, v8;
	[tilespmem:s21+$0xFFFFFF30] =	vst v16  }
0xaf: {  	v21 =	vmul.f32 v43, v8;
	v24 =	vmul.f32 v49, v42;
	[tilespmem:s21+$0xFFFFFF40] =	vst v17  }
0xb0: {  	v22 =	vmul.f32 v49, v43;
	v20 =	vmul.f32 v44, v8;
	[tilespmem:s21+$0xFFFFFF50] =	vst v4  }
0xb1: {  	v18 =	vmul.f32 v45, v50;
	v19 =	vmul.f32 v49, v44;
	[tilespmem:s21+$0xFFFFFF60] =	vst v28  }
0xb2: {  	v16 =	vmul.f32 v46, v50;
	v17 =	vmul.f32 v36, v45;
	[tilespmem:s21+$0xFFFFFF70] =	vst v12  }
0xb3: {  	v15 =	vmul.f32 v36, v46;
	v14 =	vmul.f32 v47, v50;
	[tilespmem:s21+$0xFFFFFF80] =	vst v29  }
0xb4: {  	v13 =	vmul.f32 v36, v47;
	v12 =	vmul.f32 v27, v50;
	[tilespmem:s21+$0xFFFFFF90] =	vst v5  }
0xb5: {  	v11 =	vmul.f32 v36, v27;
	v9 =	vmul.f32 v2, v3;
	[tilespmem:s21+$0xFFFFFFA0] =	vst v30  }
0xb6: {  	v10 =	vmul.f32 v0, v2;
	v7 =	vmul.f32 v48, v3;
	[tilespmem:s21+$0xFFFFFFB0] =	vst v31  }
0xb7: {  	v8 =	vmul.f32 v0, v48;
	v5 =	vmul.f32 v26, v3;
	[tilespmem:s21+$0xFFFFFFC0] =	vst v32  }
0xb8: {  	v4 =	vmul.f32 v1, v3;
	[tilespmem:s21+$0xFFFFFFD0] =	vst v6;
	v6 =	vmul.f32 v0, v26  }
0xb9: {  	[tilespmem:s21+$0xFFFFFFE0] =	vst v33  }
0xba: {  	[tilespmem:s21+$0xFFFFFFF0] =	vst v34  }
0xbb: {  	[tilespmem:s21+$0x0] =	vst v37  }
0xbc: {  	[tilespmem:s21+$0x10] =	vst v35  }
0xbd: {  	[tilespmem:s21+$0x20] =	vst v38  }
0xbe: {  	[tilespmem:s21+$0x30] =	vst v39  }
.Ltmp2:
0xbf: {  	[tilespmem:s21+$0x40] =	vst v51;
	(pc) =	sbr.rel @p1 .LBB2_3-.Ltmp2, $4  }
0xc0: {  	[tilespmem:s21+$0x50] =	vst v40  }
0xc1: {  	[tilespmem:s21+$0x60] =	vst v52  }
0xc2: {  	[tilespmem:s21+$0x70] =	vst v53  }
0xc3: {  	s12 =	sadd.s32 $0x80, s12;
	[tilespmem:s21+$0x80] =	vst v54  }
0xc4: {  	[tilespmem:s21+$0x90] =	vst v25  }
0xc5: {  	[tilespmem:s21+$0xA0] =	vst v23  }
0xc6: {  	[tilespmem:s21+$0xB0] =	vst v24  }
0xc7: {  	[tilespmem:s21+$0xC0] =	vst v21  }
0xc8: {  	[tilespmem:s21+$0xD0] =	vst v22  }
0xc9: {  	[tilespmem:s21+$0xE0] =	vst v20  }
0xca: {  	[tilespmem:s21+$0xF0] =	vst v19  }
0xcb: {  	[tilespmem:s21+$0x100] =	vst v18  }
0xcc: {  	[tilespmem:s11+$0x180] =	vst v9  }
0xcd: {  	[tilespmem:s11+$0x190] =	vst v10  }
0xce: {  	[tilespmem:s11+$0x1A0] =	vst v7  }
0xcf: {  	[tilespmem:s11+$0x1B0] =	vst v8  }
0xd0: {  	[tilespmem:s11+$0x1C0] =	vst v5  }
0xd1: {  	[tilespmem:s11+$0x1D0] =	vst v6  }
0xd2: {  	[tilespmem:s11+$0x1E0] =	vst v4  }
0xd3: {  	[tilespmem:s11+$0x110] =	vst v17  }
0xd4: {  	[tilespmem:s11+$0x120] =	vst v16  }
0xd5: {  	[tilespmem:s11+$0x130] =	vst v15  }
0xd6: {  	[tilespmem:s11+$0x140] =	vst v14  }
0xd7: {  	[tilespmem:s11+$0x150] =	vst v13  }
0xd8: {  	s10 =	sshrl.u32 s10, $0x3;
	[tilespmem:s11+$0x160] =	vst v12  }
0xd9: {  	[tilespmem:s11+$0x170] =	vst v11;
	s10 =	sadd.s32 s8, s10  }
0xda: {  	[tilespmem:s0], [sflag:$0x7] =	stream.linear.gather [hbm4b:s10+s3], $0x80, $0x38;
	[tilespmem:$0x1F200] =	vst v63  }
0xdb: {  	p1 =	seq.s32 s14, $0x29;
	_ =	swait.ge [sflag:s23], $0x80  }
0xdc: {  	s10 =	sadd.s32 @!p1 s15, s17;
	[sflag:s23] =	ssyncset.done $0x0  }
0xdd: {  	s11 =	sshrl.u32 @!p1 s10, $0x3;
	[sflag:s23] =	ssyncadd.s32 $0xFFFFFF80  }
0xde: {  	[spmem:s2] =	stream.indirect.scatter.add.f32 [tilespmem:s1], [sflag:$0x3], $0x80, s0, s24, $0xb8;
	[tilespmem:$0x1F200] =	vst v63  }
0xdf: {  	s12 =	simm.s32 @!p1 $0x0;
	s11 =	sadd.s32 @!p1 s7, s11  }
0xe0: {  	[tilespmem:s12], [sflag:$0x7] =	stream.linear.gather @!p1 [hbm4b:s11+s12], $0x80, $0x38;
	[tilespmem:$0x1F200] =	vst v63  }
0xe1: {  	s11 =	simm.s32 @!p1 $0x7  }
0xe2: {  	_ =	swait.ge @!p1 [sflag:s11], $0x80  }
0xe3: {  	s16 =	simm.s32 @!p1 $0x200;
	[sflag:s11] =	ssyncset.done @!p1 $0x0  }
0xe4: {  	s10 =	sshll.u32 @!p1 s10, $0x1;
	[sflag:s11] =	ssyncadd.s32 @!p1 $0xFFFFFF80;
	s11 =	simm.s32 @!p1 $0x80  }
0xe5: {  	[tilespmem:s16], [sflag:$0x1] =	stream.indirect.gather @!p1 [hbm4b:s4+s11], $0x20, s12, s11, $0xb8;
	[tilespmem:$0x1F200] =	vst v63  }
0xe6: {  	s10 =	sadd.s32 @!p1 s6, s10;
	s11 =	simm.s32 @!p1 $0x2200  }
0xe7: {  	[tilespmem:s11], [sflag:$0x5] =	stream.linear.gather @!p1 [hbm4b:s10+s12], $0x800, $0x38;
	[tilespmem:$0x1F200] =	vst v63  }
0xe8: {  	_ =	swait.ge [sflag:s25], $0x1000  }
0xe9: {  	[sflag:s25] =	ssyncset.done $0x0  }
0xea: {  	[sflag:s25] =	ssyncadd.s32 $0xFFFFF000  }
0xeb: {  	_ =	swait.ge [sflag:s26], $0x800  }
0xec: {  	[sflag:s26] =	ssyncset.done $0x0  }
0xed: {  	s10 =	simm.s32 @!p0 $0x4;
	[sflag:s26] =	ssyncadd.s32 $0xFFFFF800  }
0xee: {  	_ =	swait.ge @!p0 [sflag:s10], $0x4000  }
0xef: {  	[sflag:s10] =	ssyncset.done @!p0 $0x0  }
0xf0: {  	s22 =	simm.s32 $0x2A40;
	[sflag:s10] =	ssyncadd.s32 @!p0 $0xFFFFC000  }
0xf1: {  	v4 =	vld [tilespmem:s22+$0x30]  }
0xf2: {  	v3 =	vld [tilespmem:s22+$0xFFFFFFD0]  }
0xf3: {  	v5 =	vld [tilespmem:s22+$0xFFFFFFC0]  }
0xf4: {  	s16 =	simm.s32 $0x1280;
	v6 =	vld [tilespmem:s22+$0xFFFFFFE0]  }
0xf5: {  	v0 =	vld [tilespmem:s16+$0x70]  }
0xf6: {  	v7 =	vld [tilespmem:s16+$0xFFFFFF80];
	v2 =	vbroadcast v4, $0x0;
	v1 =	vbroadcast v4, $0x3  }
0xf7: {  	v8 =	vbroadcast v3, $0x0;
	v9 =	vbroadcast v3, $0x1  }
0xf8: {  	v10 =	vld [tilespmem:s16+$0xFFFFFF90];
	v11 =	vbroadcast v3, $0x2;
	v13 =	vbroadcast v3, $0x3  }
0xf9: {  	v14 =	vbroadcast v5, $0x0;
	v16 =	vbroadcast v6, $0x0  }
0xfa: {  	v18 =	vbroadcast v5, $0x1;
	v12 =	vmul.f32 v0, v1  }
0xfb: {  	s21 =	simm.s32 $0x7400;
	v17 =	vbroadcast v6, $0x1;
	v19 =	vmul.f32 v14, v7  }
0xfc: {  	v3 =	vld [tilespmem:s16+$0x60];
	v21 =	vbroadcast v5, $0x2;
	v22 =	vmul.f32 v18, v7;
	[tilespmem:s21+$0x1F0] =	vst v12  }
0xfd: {  	v15 =	vld [tilespmem:s22+$0xFFFFFFF0];
	v20 =	vbroadcast v6, $0x2;
	v18 =	vmul.f32 v10, v18;
	[tilespmem:s21+$0xFFFFFE00] =	vst v19  }
0xfe: {  	v6 =	vbroadcast v6, $0x3;
	v23 =	vmul.f32 v21, v7;
	v19 =	vld [tilespmem:s16+$0xFFFFFFA0];
	[tilespmem:s21+$0xFFFFFE20] =	vst v22  }
0xff: {  	v5 =	vbroadcast v5, $0x3;
	v12 =	vmul.f32 v10, v14;
	[tilespmem:s21+$0xFFFFFE30] =	vst v18  }
0x100: {  	v30 =	vbroadcast v4, $0x1;
	v21 =	vmul.f32 v10, v21;
	v14 =	vld [tilespmem:s22+$0x0];
	[tilespmem:s21+$0xFFFFFE40] =	vst v23  }
0x101: {  	v4 =	vbroadcast v4, $0x2;
	v7 =	vmul.f32 v5, v7;
	[tilespmem:s21+$0xFFFFFE10] =	vst v12;
	v12 =	vld [tilespmem:s16+$0xFFFFFFB0]  }
0x102: {  	v5 =	vmul.f32 v10, v5;
	v22 =	vbroadcast v15, $0x0;
	[tilespmem:s21+$0xFFFFFE50] =	vst v21  }
0x103: {  	v18 =	vbroadcast v15, $0x1;
	[tilespmem:s21+$0xFFFFFE60] =	vst v7;
	v21 =	vmul.f32 v8, v19  }
0x104: {  	v23 =	vbroadcast v15, $0x2;
	[tilespmem:s21+$0xFFFFFE70] =	vst v5;
	v25 =	vmul.f32 v9, v19  }
0x105: {  	v15 =	vbroadcast v15, $0x3;
	v5 =	vld [tilespmem:s22+$0x20];
	v27 =	vmul.f32 v11, v19;
	[tilespmem:s21+$0xFFFFFE80] =	vst v21  }
0x106: {  	v7 =	vbroadcast v14, $0x0;
	v8 =	vmul.f32 v12, v8;
	v21 =	vld [tilespmem:s16+$0xFFFFFFC0];
	[tilespmem:s21+$0xFFFFFEA0] =	vst v25  }
0x107: {  	v10 =	vld [tilespmem:s22+$0x10];
	v24 =	vbroadcast v14, $0x1;
	v19 =	vmul.f32 v13, v19;
	[tilespmem:s21+$0xFFFFFEC0] =	vst v27  }
0x108: {  	v26 =	vbroadcast v14, $0x2;
	v9 =	vmul.f32 v12, v9;
	[tilespmem:s21+$0xFFFFFE90] =	vst v8;
	v8 =	vld [tilespmem:s16+$0xFFFFFFD0]  }
0x109: {  	v14 =	vbroadcast v14, $0x3;
	v11 =	vmul.f32 v12, v11;
	[tilespmem:s21+$0xFFFFFEE0] =	vst v19  }
0x10a: {  	v28 =	vbroadcast v5, $0x1;
	v12 =	vmul.f32 v12, v13;
	[tilespmem:s21+$0xFFFFFEB0] =	vst v9  }
0x10b: {  	v29 =	vbroadcast v5, $0x2;
	[tilespmem:s21+$0xFFFFFED0] =	vst v11;
	v11 =	vmul.f32 v16, v21  }
0x10c: {  	v25 =	vbroadcast v10, $0x0;
	[tilespmem:s21+$0xFFFFFEF0] =	vst v12;
	v19 =	vmul.f32 v17, v21  }
0x10d: {  	v27 =	vbroadcast v10, $0x2;
	v12 =	vld [tilespmem:s16+$0xFFFFFFE0];
	v16 =	vmul.f32 v8, v16;
	[tilespmem:s21+$0xFFFFFF00] =	vst v11  }
0x10e: {  	v13 =	vbroadcast v5, $0x0;
	v17 =	vmul.f32 v8, v17;
	[tilespmem:s21+$0xFFFFFF20] =	vst v19  }
0x10f: {  	v5 =	vbroadcast v5, $0x3;
	v11 =	vld [tilespmem:s16+$0xFFFFFFF0];
	v19 =	vmul.f32 v8, v20;
	[tilespmem:s21+$0xFFFFFF10] =	vst v16  }
0x110: {  	v9 =	vbroadcast v10, $0x1;
	v16 =	vmul.f32 v20, v21;
	[tilespmem:s21+$0xFFFFFF30] =	vst v17  }
0x111: {  	v34 =	vld [tilespmem:s16+$0x40];
	v10 =	vbroadcast v10, $0x3;
	v20 =	vmul.f32 v6, v21;
	[tilespmem:s21+$0xFFFFFF50] =	vst v19  }
0x112: {  	v17 =	vld [tilespmem:s16+$0x0];
	v6 =	vmul.f32 v8, v6;
	v8 =	vmul.f32 v22, v12;
	[tilespmem:s21+$0xFFFFFF40] =	vst v16  }
0x113: {  	v21 =	vmul.f32 v18, v12;
	[tilespmem:s21+$0xFFFFFF60] =	vst v20;
	v20 =	vmul.f32 v23, v12  }
0x114: {  	v36 =	vld [tilespmem:s16+$0x50];
	[tilespmem:s21+$0xFFFFFF70] =	vst v6;
	v12 =	vmul.f32 v15, v12;
	v19 =	vmul.f32 v11, v22  }
0x115: {  	[tilespmem:s21+$0xFFFFFF80] =	vst v8;
	v18 =	vmul.f32 v11, v18;
	v22 =	vmul.f32 v11, v23  }
0x116: {  	v16 =	vld [tilespmem:s16+$0x10];
	v11 =	vmul.f32 v11, v15;
	[tilespmem:s21+$0xFFFFFFE0] =	vst v12;
	v12 =	vmul.f32 v5, v34  }
0x117: {  	[tilespmem:s21+$0xFFFFFFA0] =	vst v21;
	v15 =	vmul.f32 v7, v17;
	v31 =	vmul.f32 v24, v17  }
0x118: {  	v6 =	vld [tilespmem:s16+$0x20];
	[tilespmem:s21+$0xFFFFFFC0] =	vst v20;
	v33 =	vmul.f32 v26, v17;
	v35 =	vmul.f32 v14, v17  }
0x119: {  	v8 =	vld [tilespmem:s16+$0x30];
	[tilespmem:s21+$0xFFFFFFB0] =	vst v18;
	v18 =	vmul.f32 v13, v34;
	v17 =	vmul.f32 v36, v13  }
0x11a: {  	[tilespmem:s21+$0xFFFFFFF0] =	vst v11;
	v13 =	vmul.f32 v36, v29;
	v11 =	vmul.f32 v36, v5  }
0x11b: {  	[tilespmem:s21+$0xFFFFFF90] =	vst v19;
	v5 =	vmul.f32 v4, v3;
	v7 =	vmul.f32 v16, v7  }
0x11c: {  	[tilespmem:s21+$0xFFFFFFD0] =	vst v22;
	v32 =	vmul.f32 v16, v24;
	v26 =	vmul.f32 v16, v26  }
0x11d: {  	v37 =	vmul.f32 v16, v14;
	v38 =	vmul.f32 v25, v6;
	[tilespmem:s21+$0x0] =	vst v15  }
0x11e: {  	v25 =	vmul.f32 v8, v25;
	v23 =	vmul.f32 v9, v6;
	[tilespmem:s21+$0x20] =	vst v31  }
0x11f: {  	v24 =	vmul.f32 v8, v9;
	v21 =	vmul.f32 v27, v6;
	[tilespmem:s21+$0x40] =	vst v33  }
0x120: {  	v22 =	vmul.f32 v8, v27;
	v20 =	vmul.f32 v10, v6;
	[tilespmem:s21+$0x60] =	vst v35  }
0x121: {  	v19 =	vmul.f32 v8, v10;
	v16 =	vmul.f32 v28, v34;
	[tilespmem:s21+$0x10] =	vst v7  }
0x122: {  	v15 =	vmul.f32 v36, v28;
	v14 =	vmul.f32 v29, v34;
	[tilespmem:s21+$0x30] =	vst v32  }
0x123: {  	v10 =	vmul.f32 v2, v3;
	v9 =	vmul.f32 v0, v2;
	[tilespmem:s21+$0x50] =	vst v26  }
0x124: {  	s12 =	simm.s32 $0x2AC0;
	v8 =	vmul.f32 v0, v30;
	v6 =	vmul.f32 v0, v4;
	[tilespmem:s21+$0x70] =	vst v37  }
0x125: {  	s11 =	simm.s32 $0x7400;
	s10 =	sadd.s32 s15, s13;
	s22 =	simm.s32 $0x0;
	v4 =	vmul.f32 v1, v3;
	v7 =	vmul.f32 v30, v3;
	[tilespmem:s21+$0x80] =	vst v38  }
.LBB2_5:
0x126: {  	v26 =	vld [tilespmem:s12+$0x30];
	s22 =	sadd.s32 $0x8, s22;
	[tilespmem:s21+$0x90] =	vst v25  }
0x127: {  	s16 =	sadd.s32 $0x100, s16;
	v3 =	vld [tilespmem:s12+$0xFFFFFFD0];
	p0 =	slt.u32 s22, $0x78;
	[tilespmem:s21+$0xA0] =	vst v23  }
0x128: {  	v0 =	vld [tilespmem:s16+$0x70];
	[tilespmem:s21+$0xB0] =	vst v24  }
0x129: {  	v23 =	vld [tilespmem:s12+$0xFFFFFFE0];
	[tilespmem:s21+$0xC0] =	vst v21  }
0x12a: {  	v21 =	vld [tilespmem:s12+$0xFFFFFFF0];
	[tilespmem:s21+$0xD0] =	vst v22  }
0x12b: {  	v22 =	vld [tilespmem:s12+$0x0];
	v2 =	vbroadcast v26, $0x0;
	v1 =	vbroadcast v26, $0x3;
	[tilespmem:s21+$0xE0] =	vst v20  }
0x12c: {  	v20 =	vbroadcast v3, $0x0;
	v24 =	vbroadcast v3, $0x1;
	v25 =	vld [tilespmem:s12+$0x10];
	[tilespmem:s21+$0xF0] =	vst v19  }
0x12d: {  	v19 =	vbroadcast v3, $0x2;
	v27 =	vld [tilespmem:s12+$0x20];
	v28 =	vmul.f32 v0, v1;
	[tilespmem:s21+$0x100] =	vst v18  }
0x12e: {  	v29 =	vbroadcast v3, $0x3;
	s21 =	sadd.s32 $0x400, s21;
	v18 =	vld [tilespmem:s12+$0xFFFFFFC0];
	v30 =	vbroadcast v23, $0x0;
	[tilespmem:s11+$0x110] =	vst v17  }
0x12f: {  	v17 =	vbroadcast v23, $0x1;
	v31 =	vbroadcast v23, $0x2;
	v3 =	vld [tilespmem:s16+$0x60];
	[tilespmem:s21+$0x1F0] =	vst v28  }
0x130: {  	v23 =	vbroadcast v23, $0x3;
	v32 =	vbroadcast v21, $0x0;
	v28 =	vld [tilespmem:s16+$0xFFFFFF80];
	[tilespmem:s11+$0x120] =	vst v16  }
0x131: {  	v33 =	vbroadcast v21, $0x1;
	v34 =	vbroadcast v21, $0x2;
	v16 =	vld [tilespmem:s16+$0xFFFFFF90];
	[tilespmem:s11+$0x130] =	vst v15  }
0x132: {  	v21 =	vbroadcast v21, $0x3;
	v35 =	vbroadcast v22, $0x0;
	v15 =	vld [tilespmem:s16+$0xFFFFFFA0];
	[tilespmem:s11+$0x140] =	vst v14  }
0x133: {  	v14 =	vbroadcast v18, $0x0;
	v36 =	vbroadcast v18, $0x1;
	v37 =	vld [tilespmem:s16+$0xFFFFFFB0];
	[tilespmem:s11+$0x150] =	vst v13  }
0x134: {  	v13 =	vbroadcast v18, $0x2;
	v18 =	vbroadcast v18, $0x3;
	v38 =	vld [tilespmem:s16+$0xFFFFFFC0];
	[tilespmem:s11+$0x160] =	vst v12  }
0x135: {  	v39 =	vbroadcast v22, $0x1;
	v40 =	vbroadcast v22, $0x2;
	v12 =	vld [tilespmem:s16+$0xFFFFFFD0];
	[tilespmem:s11+$0x170] =	vst v11  }
0x136: {  	v22 =	vbroadcast v22, $0x3;
	v41 =	vbroadcast v25, $0x0;
	v11 =	vld [tilespmem:s16+$0xFFFFFFE0];
	[tilespmem:s11+$0x180] =	vst v10  }
0x137: {  	v42 =	vbroadcast v25, $0x1;
	v43 =	vbroadcast v25, $0x2;
	v10 =	vld [tilespmem:s16+$0xFFFFFFF0];
	[tilespmem:s11+$0x190] =	vst v9  }
0x138: {  	v44 =	vbroadcast v25, $0x3;
	v45 =	vbroadcast v27, $0x0;
	v9 =	vld [tilespmem:s16+$0x0];
	[tilespmem:s11+$0x1A0] =	vst v7  }
0x139: {  	v46 =	vbroadcast v27, $0x1;
	v47 =	vbroadcast v27, $0x2;
	v7 =	vld [tilespmem:s16+$0x10];
	[tilespmem:s11+$0x1B0] =	vst v8  }
0x13a: {  	v48 =	vbroadcast v26, $0x1;
	v27 =	vbroadcast v27, $0x3;
	v8 =	vld [tilespmem:s16+$0x20];
	[tilespmem:s11+$0x1C0] =	vst v5  }
0x13b: {  	v26 =	vbroadcast v26, $0x2;
	v5 =	vmul.f32 v14, v28;
	v49 =	vld [tilespmem:s16+$0x30];
	[tilespmem:s11+$0x1D0] =	vst v6  }
0x13c: {  	v6 =	vmul.f32 v16, v14;
	v14 =	vmul.f32 v36, v28;
	v50 =	vld [tilespmem:s16+$0x40];
	[tilespmem:s11+$0x1E0] =	vst v4;
	s11 =	smov.u32 s21  }
0x13d: {  	v4 =	vmul.f32 v16, v36;
	[tilespmem:s21+$0xFFFFFE00] =	vst v5;
	v5 =	vmul.f32 v13, v28;
	v36 =	vld [tilespmem:s16+$0x50]  }
0x13e: {  	[tilespmem:s21+$0xFFFFFE10] =	vst v6;
	v6 =	vmul.f32 v16, v13;
	v13 =	vmul.f32 v18, v28  }
0x13f: {  	[tilespmem:s21+$0xFFFFFE20] =	vst v14;
	v14 =	vmul.f32 v16, v18;
	v16 =	vmul.f32 v20, v15  }
0x140: {  	v18 =	vmul.f32 v24, v15;
	[tilespmem:s21+$0xFFFFFE30] =	vst v4;
	v4 =	vmul.f32 v37, v20  }
0x141: {  	v20 =	vmul.f32 v19, v15;
	[tilespmem:s21+$0xFFFFFE40] =	vst v5;
	v5 =	vmul.f32 v37, v24  }
0x142: {  	v15 =	vmul.f32 v29, v15;
	[tilespmem:s21+$0xFFFFFE50] =	vst v6;
	v6 =	vmul.f32 v37, v19  }
0x143: {  	v19 =	vmul.f32 v30, v38;
	[tilespmem:s21+$0xFFFFFE60] =	vst v13;
	v13 =	vmul.f32 v37, v29  }
0x144: {  	v24 =	vmul.f32 v17, v38;
	[tilespmem:s21+$0xFFFFFE70] =	vst v14;
	v14 =	vmul.f32 v12, v30  }
0x145: {  	[tilespmem:s21+$0xFFFFFE80] =	vst v16;
	v16 =	vmul.f32 v12, v17;
	v17 =	vmul.f32 v31, v38  }
0x146: {  	v28 =	vmul.f32 v23, v38;
	[tilespmem:s21+$0xFFFFFE90] =	vst v4;
	v4 =	vmul.f32 v12, v31  }
0x147: {  	v29 =	vmul.f32 v32, v11;
	v12 =	vmul.f32 v12, v23;
	[tilespmem:s21+$0xFFFFFEA0] =	vst v18  }
0x148: {  	v30 =	vmul.f32 v33, v11;
	[tilespmem:s21+$0xFFFFFEB0] =	vst v5;
	v5 =	vmul.f32 v10, v32  }
0x149: {  	v31 =	vmul.f32 v10, v33;
	v32 =	vmul.f32 v34, v11;
	[tilespmem:s21+$0xFFFFFEC0] =	vst v20  }
0x14a: {  	v33 =	vmul.f32 v21, v11;
	[tilespmem:s21+$0xFFFFFED0] =	vst v6;
	v6 =	vmul.f32 v10, v34  }
0x14b: {  	v37 =	vmul.f32 v35, v9;
	v34 =	vmul.f32 v10, v21;
	[tilespmem:s21+$0xFFFFFEE0] =	vst v15  }
0x14c: {  	v35 =	vmul.f32 v7, v35;
	v38 =	vmul.f32 v39, v9;
	[tilespmem:s21+$0xFFFFFEF0] =	vst v13  }
0x14d: {  	v51 =	vmul.f32 v40, v9;
	v39 =	vmul.f32 v7, v39;
	[tilespmem:s21+$0xFFFFFF00] =	vst v19  }
0x14e: {  	v52 =	vmul.f32 v22, v9;
	v40 =	vmul.f32 v7, v40;
	[tilespmem:s21+$0xFFFFFF10] =	vst v14  }
0x14f: {  	v53 =	vmul.f32 v7, v22;
	v54 =	vmul.f32 v41, v8;
	[tilespmem:s21+$0xFFFFFF20] =	vst v24  }
0x150: {  	v25 =	vmul.f32 v49, v41;
	v23 =	vmul.f32 v42, v8;
	[tilespmem:s21+$0xFFFFFF30] =	vst v16  }
0x151: {  	v21 =	vmul.f32 v43, v8;
	v24 =	vmul.f32 v49, v42;
	[tilespmem:s21+$0xFFFFFF40] =	vst v17  }
0x152: {  	v22 =	vmul.f32 v49, v43;
	v20 =	vmul.f32 v44, v8;
	[tilespmem:s21+$0xFFFFFF50] =	vst v4  }
0x153: {  	v18 =	vmul.f32 v45, v50;
	v19 =	vmul.f32 v49, v44;
	[tilespmem:s21+$0xFFFFFF60] =	vst v28  }
0x154: {  	v16 =	vmul.f32 v46, v50;
	v17 =	vmul.f32 v36, v45;
	[tilespmem:s21+$0xFFFFFF70] =	vst v12  }
0x155: {  	v15 =	vmul.f32 v36, v46;
	v14 =	vmul.f32 v47, v50;
	[tilespmem:s21+$0xFFFFFF80] =	vst v29  }
0x156: {  	v13 =	vmul.f32 v36, v47;
	v12 =	vmul.f32 v27, v50;
	[tilespmem:s21+$0xFFFFFF90] =	vst v5  }
0x157: {  	v11 =	vmul.f32 v36, v27;
	v10 =	vmul.f32 v2, v3;
	[tilespmem:s21+$0xFFFFFFA0] =	vst v30  }
0x158: {  	v9 =	vmul.f32 v0, v2;
	v7 =	vmul.f32 v48, v3;
	[tilespmem:s21+$0xFFFFFFB0] =	vst v31  }
0x159: {  	v8 =	vmul.f32 v0, v48;
	v5 =	vmul.f32 v26, v3;
	[tilespmem:s21+$0xFFFFFFC0] =	vst v32  }
0x15a: {  	v4 =	vmul.f32 v1, v3;
	[tilespmem:s21+$0xFFFFFFD0] =	vst v6;
	v6 =	vmul.f32 v0, v26  }
0x15b: {  	[tilespmem:s21+$0xFFFFFFE0] =	vst v33  }
0x15c: {  	[tilespmem:s21+$0xFFFFFFF0] =	vst v34  }
0x15d: {  	[tilespmem:s21+$0x0] =	vst v37  }
0x15e: {  	[tilespmem:s21+$0x10] =	vst v35  }
0x15f: {  	[tilespmem:s21+$0x20] =	vst v38  }
0x160: {  	[tilespmem:s21+$0x30] =	vst v39  }
.Ltmp3:
0x161: {  	[tilespmem:s21+$0x40] =	vst v51;
	(pc) =	sbr.rel @p0 .LBB2_5-.Ltmp3, $4  }
0x162: {  	[tilespmem:s21+$0x50] =	vst v40  }
0x163: {  	[tilespmem:s21+$0x60] =	vst v52  }
0x164: {  	[tilespmem:s21+$0x70] =	vst v53  }
0x165: {  	s12 =	sadd.s32 $0x80, s12;
	[tilespmem:s21+$0x80] =	vst v54  }
0x166: {  	[tilespmem:s21+$0x90] =	vst v25  }
0x167: {  	[tilespmem:s21+$0xA0] =	vst v23  }
0x168: {  	[tilespmem:s21+$0xB0] =	vst v24  }
0x169: {  	[tilespmem:s21+$0xC0] =	vst v21  }
0x16a: {  	[tilespmem:s21+$0xD0] =	vst v22  }
0x16b: {  	[tilespmem:s21+$0xE0] =	vst v20  }
0x16c: {  	[tilespmem:s21+$0xF0] =	vst v19  }
0x16d: {  	[tilespmem:s21+$0x100] =	vst v18  }
0x16e: {  	[tilespmem:s11+$0x180] =	vst v10  }
0x16f: {  	[tilespmem:s11+$0x190] =	vst v9  }
0x170: {  	[tilespmem:s11+$0x1A0] =	vst v7  }
0x171: {  	[tilespmem:s11+$0x1B0] =	vst v8  }
0x172: {  	[tilespmem:s11+$0x1C0] =	vst v5  }
0x173: {  	[tilespmem:s11+$0x1D0] =	vst v6  }
0x174: {  	[tilespmem:s11+$0x1E0] =	vst v4  }
0x175: {  	[tilespmem:s11+$0x110] =	vst v17  }
0x176: {  	[tilespmem:s11+$0x120] =	vst v16  }
0x177: {  	[tilespmem:s11+$0x130] =	vst v15  }
0x178: {  	[tilespmem:s11+$0x140] =	vst v14  }
0x179: {  	[tilespmem:s11+$0x150] =	vst v13  }
0x17a: {  	s10 =	sshrl.u32 s10, $0x3;
	[tilespmem:s11+$0x160] =	vst v12  }
0x17b: {  	[tilespmem:s11+$0x170] =	vst v11;
	s10 =	sadd.s32 s8, s10  }
0x17c: {  	[tilespmem:s19], [sflag:$0x7] =	stream.linear.gather [hbm4b:s10+s3], $0x80, $0x38;
	[tilespmem:$0x1F200] =	vst v63  }
.Ltmp4:
0x17d: {  	_ = 	snop;
	(pc) =	sbr.rel @p1 .LBB2_8-.Ltmp4, $4  }
0x17e: {  	_ =	swait.ge [sflag:s23], $0x80  }
0x17f: {  	[sflag:s23] =	ssyncset.done $0x0  }
0x180: {  	[sflag:s23] =	ssyncadd.s32 $0xFFFFFF80  }
0x181: {  	[spmem:s2] =	stream.indirect.scatter.add.f32 [tilespmem:s20], [sflag:$0x4], $0x80, s19, s24, $0xb8;
	[tilespmem:$0x1F200] =	vst v63  }
0x182: {  	s10 =	sadd.s32 s15, s18  }
0x183: {  	s11 =	sshrl.u32 s10, $0x3  }
0x184: {  	s11 =	sadd.s32 s7, s11  }
0x185: {  	[tilespmem:s24], [sflag:$0x7] =	stream.linear.gather [hbm4b:s11+s3], $0x80, $0x38;
	[tilespmem:$0x1F200] =	vst v63  }
0x186: {  	_ =	swait.ge [sflag:s23], $0x80  }
.Ltmp5:
0x187: {  	[sflag:s23] =	ssyncset.done $0x0;
	(pc) =	sbr.rel .LBB2_2-.Ltmp5, $4  }
0x188: {  	s10 =	sshll.u32 s10, $0x1;
	[sflag:s23] =	ssyncadd.s32 $0xFFFFFF80  }
0x189: {  	[tilespmem:s28], [sflag:$0x2] =	stream.indirect.gather [hbm4b:s4+s24], $0x20, s24, s24, $0xb8;
	[tilespmem:$0x1F200] =	vst v63  }
0x18a: {  	s14 =	sadd.s32 $0x1, s14;
	s10 =	sadd.s32 s6, s10  }
0x18b: {  	[tilespmem:s29], [sflag:$0x6] =	stream.linear.gather [hbm4b:s10+s3], $0x800, $0x38;
	[tilespmem:$0x1F200] =	vst v63  }
.LBB2_8:
0x18c: {  	s10 =	simm.s32 $0x3  }
0x18d: {  	_ =	swait.ge [sflag:s10], $0x4000  }
0x18e: {  	[sflag:s10] =	ssyncset.done $0x0  }
0x18f: {  	s16 =	simm.s32 $0x4;
	[sflag:s10] =	ssyncadd.s32 $0xFFFFC000  }
0x190: {  	_ =	swait.ge [sflag:s16], $0x4000  }
0x191: {  	[sflag:s16] =	ssyncset.done $0x0  }
0x192: {  	[sflag:s16] =	ssyncadd.s32 $0xFFFFC000  }
0x193: {  	[bflag:$0x0] =	sbarrier.arrive $0xFFFF  }
0x194: {  	s11 =	rddreg [dreg:$0x5]  }
0x195: {  	s21 =	rddreg [dreg:$0xa]  }
0x196: {  	s12 =	rddreg [dreg:$0xd]  }
0x197: {  	[hbm:s21], [sflag:s11] =	dma.local [spmem:s12], $0x2800  }
0x198: {  	_ =	swait.ge [sflag:s23], $0x2800  }
0x199: {  	[sflag:s23] =	ssyncset.done $0x0  }
0x19a: {  	[sflag:s23] =	ssyncadd.s32 $0xFFFFD800  }
0x19b: {  	[bflag:$0x0] =	sbarrier.arrive $0xFFFF  }
0x19c: {  	s22 =	rddreg [dreg:$0x4]  }
0x19d: {  	[spmem:s12], [sflag:s11] =	dma.local [hbm:s22], $0x2800  }
0x19e: {  	_ =	swait.ge [sflag:s23], $0x2800  }
0x19f: {  	[sflag:s23] =	ssyncset.done $0x0  }
0x1a0: {  	[sflag:s23] =	ssyncadd.s32 $0xFFFFD800  }
0x1a1: {  	[bflag:$0x0] =	sbarrier.arrive $0xFFFF  }
0x1a2: {  	s14 =	simm.s32 $0x0;
	s11 =	rddreg [dreg:$0x6]  }
0x1a3: {  	[tilespmem:s14], [sflag:$0x7] =	stream.linear.gather [hbm4b:s11+s14], $0x80, $0x38;
	[tilespmem:$0x1F200] =	vst v63  }
0x1a4: {  	_ =	swait.ge [sflag:s23], $0x80  }
0x1a5: {  	[sflag:s23] =	ssyncset.done $0x0  }
0x1a6: {  	s12 =	simm.s32 $0x200;
	[sflag:s23] =	ssyncadd.s32 $0xFFFFFF80  }
0x1a7: {  	[tilespmem:s12], [sflag:$0x1] =	stream.indirect.gather [hbm4b:s5+s24], $0x20, s14, s24, $0xb8;
	[tilespmem:$0x1F200] =	vst v63  }
0x1a8: {  	s16 =	simm.s32 $0x2200;
	s15 =	rddreg [dreg:$0x7]  }
0x1a9: {  	[tilespmem:s16], [sflag:$0x5] =	stream.linear.gather [hbm4b:s15+s14], $0x800, $0x38;
	[tilespmem:$0x1F200] =	vst v63  }
0x1aa: {  	s21 =	rddreg [dreg:$0x8]  }
0x1ab: {  	[tilespmem:s24], [sflag:$0x7] =	stream.linear.gather [hbm4b:s21+s14], $0x80, $0x38;
	[tilespmem:$0x1F200] =	vst v63  }
0x1ac: {  	_ =	swait.ge [sflag:s23], $0x80  }
0x1ad: {  	[sflag:s23] =	ssyncset.done $0x0  }
0x1ae: {  	[sflag:s23] =	ssyncadd.s32 $0xFFFFFF80  }
0x1af: {  	[tilespmem:s28], [sflag:$0x2] =	stream.indirect.gather [hbm4b:s5+s24], $0x20, s24, s24, $0xb8;
	[tilespmem:$0x1F200] =	vst v63  }
0x1b0: {  	s22 =	rddreg [dreg:$0x9]  }
0x1b1: {  	[tilespmem:s29], [sflag:$0x6] =	stream.linear.gather [hbm4b:s22+s14], $0x800, $0x38;
	[tilespmem:$0x1F200] =	vst v63  }
.LBB2_9:
0x1b2: {  	_ =	swait.ge [sflag:s30], $0x1000  }
0x1b3: {  	[sflag:s30] =	ssyncset.done $0x0  }
0x1b4: {  	[sflag:s30] =	ssyncadd.s32 $0xFFFFF000  }
0x1b5: {  	_ =	swait.ge [sflag:s31], $0x800  }
0x1b6: {  	p0 =	seq.s32 s14, $0x0;
	[sflag:s31] =	ssyncset.done $0x0  }
0x1b7: {  	s10 =	simm.s32 @!p0 $0x3;
	[sflag:s31] =	ssyncadd.s32 $0xFFFFF800  }
0x1b8: {  	_ =	swait.ge @!p0 [sflag:s10], $0x4000  }
0x1b9: {  	[sflag:s10] =	ssyncset.done @!p0 $0x0  }
0x1ba: {  	s22 =	simm.s32 $0x2240;
	[sflag:s10] =	ssyncadd.s32 @!p0 $0xFFFFC000  }
0x1bb: {  	v4 =	vld [tilespmem:s22+$0x30]  }
0x1bc: {  	v3 =	vld [tilespmem:s22+$0xFFFFFFD0]  }
0x1bd: {  	v5 =	vld [tilespmem:s22+$0xFFFFFFC0]  }
0x1be: {  	s16 =	simm.s32 $0x280;
	v6 =	vld [tilespmem:s22+$0xFFFFFFE0]  }
0x1bf: {  	v0 =	vld [tilespmem:s16+$0x70]  }
0x1c0: {  	v7 =	vld [tilespmem:s16+$0xFFFFFF80];
	v2 =	vbroadcast v4, $0x0;
	v1 =	vbroadcast v4, $0x3  }
0x1c1: {  	v8 =	vbroadcast v3, $0x0;
	v9 =	vbroadcast v3, $0x1  }
0x1c2: {  	v10 =	vld [tilespmem:s16+$0xFFFFFF90];
	v11 =	vbroadcast v3, $0x2;
	v13 =	vbroadcast v3, $0x3  }
0x1c3: {  	v14 =	vbroadcast v5, $0x0;
	v16 =	vbroadcast v6, $0x0  }
0x1c4: {  	v18 =	vbroadcast v5, $0x1;
	v12 =	vmul.f32 v0, v1  }
0x1c5: {  	s21 =	simm.s32 $0x3400;
	v17 =	vbroadcast v6, $0x1;
	v19 =	vmul.f32 v14, v7  }
0x1c6: {  	v3 =	vld [tilespmem:s16+$0x60];
	v21 =	vbroadcast v5, $0x2;
	v22 =	vmul.f32 v18, v7;
	[tilespmem:s21+$0x1F0] =	vst v12  }
0x1c7: {  	v15 =	vld [tilespmem:s22+$0xFFFFFFF0];
	v20 =	vbroadcast v6, $0x2;
	v18 =	vmul.f32 v10, v18;
	[tilespmem:s21+$0xFFFFFE00] =	vst v19  }
0x1c8: {  	v6 =	vbroadcast v6, $0x3;
	v23 =	vmul.f32 v21, v7;
	v19 =	vld [tilespmem:s16+$0xFFFFFFA0];
	[tilespmem:s21+$0xFFFFFE20] =	vst v22  }
0x1c9: {  	v5 =	vbroadcast v5, $0x3;
	v12 =	vmul.f32 v10, v14;
	[tilespmem:s21+$0xFFFFFE30] =	vst v18  }
0x1ca: {  	v30 =	vbroadcast v4, $0x1;
	v21 =	vmul.f32 v10, v21;
	v14 =	vld [tilespmem:s22+$0x0];
	[tilespmem:s21+$0xFFFFFE40] =	vst v23  }
0x1cb: {  	v4 =	vbroadcast v4, $0x2;
	v7 =	vmul.f32 v5, v7;
	[tilespmem:s21+$0xFFFFFE10] =	vst v12;
	v12 =	vld [tilespmem:s16+$0xFFFFFFB0]  }
0x1cc: {  	v5 =	vmul.f32 v10, v5;
	v22 =	vbroadcast v15, $0x0;
	[tilespmem:s21+$0xFFFFFE50] =	vst v21  }
0x1cd: {  	v18 =	vbroadcast v15, $0x1;
	[tilespmem:s21+$0xFFFFFE60] =	vst v7;
	v21 =	vmul.f32 v8, v19  }
0x1ce: {  	v23 =	vbroadcast v15, $0x2;
	[tilespmem:s21+$0xFFFFFE70] =	vst v5;
	v25 =	vmul.f32 v9, v19  }
0x1cf: {  	v15 =	vbroadcast v15, $0x3;
	v5 =	vld [tilespmem:s22+$0x20];
	v27 =	vmul.f32 v11, v19;
	[tilespmem:s21+$0xFFFFFE80] =	vst v21  }
0x1d0: {  	v7 =	vbroadcast v14, $0x0;
	v8 =	vmul.f32 v12, v8;
	v21 =	vld [tilespmem:s16+$0xFFFFFFC0];
	[tilespmem:s21+$0xFFFFFEA0] =	vst v25  }
0x1d1: {  	v10 =	vld [tilespmem:s22+$0x10];
	v24 =	vbroadcast v14, $0x1;
	v19 =	vmul.f32 v13, v19;
	[tilespmem:s21+$0xFFFFFEC0] =	vst v27  }
0x1d2: {  	v26 =	vbroadcast v14, $0x2;
	v9 =	vmul.f32 v12, v9;
	[tilespmem:s21+$0xFFFFFE90] =	vst v8;
	v8 =	vld [tilespmem:s16+$0xFFFFFFD0]  }
0x1d3: {  	v14 =	vbroadcast v14, $0x3;
	v11 =	vmul.f32 v12, v11;
	[tilespmem:s21+$0xFFFFFEE0] =	vst v19  }
0x1d4: {  	v28 =	vbroadcast v5, $0x1;
	v12 =	vmul.f32 v12, v13;
	[tilespmem:s21+$0xFFFFFEB0] =	vst v9  }
0x1d5: {  	v29 =	vbroadcast v5, $0x2;
	[tilespmem:s21+$0xFFFFFED0] =	vst v11;
	v11 =	vmul.f32 v16, v21  }
0x1d6: {  	v25 =	vbroadcast v10, $0x0;
	[tilespmem:s21+$0xFFFFFEF0] =	vst v12;
	v19 =	vmul.f32 v17, v21  }
0x1d7: {  	v27 =	vbroadcast v10, $0x2;
	v12 =	vld [tilespmem:s16+$0xFFFFFFE0];
	v16 =	vmul.f32 v8, v16;
	[tilespmem:s21+$0xFFFFFF00] =	vst v11  }
0x1d8: {  	v13 =	vbroadcast v5, $0x0;
	v17 =	vmul.f32 v8, v17;
	[tilespmem:s21+$0xFFFFFF20] =	vst v19  }
0x1d9: {  	v5 =	vbroadcast v5, $0x3;
	v11 =	vld [tilespmem:s16+$0xFFFFFFF0];
	v19 =	vmul.f32 v8, v20;
	[tilespmem:s21+$0xFFFFFF10] =	vst v16  }
0x1da: {  	v9 =	vbroadcast v10, $0x1;
	v16 =	vmul.f32 v20, v21;
	[tilespmem:s21+$0xFFFFFF30] =	vst v17  }
0x1db: {  	v34 =	vld [tilespmem:s16+$0x40];
	v10 =	vbroadcast v10, $0x3;
	v20 =	vmul.f32 v6, v21;
	[tilespmem:s21+$0xFFFFFF50] =	vst v19  }
0x1dc: {  	v17 =	vld [tilespmem:s16+$0x0];
	v6 =	vmul.f32 v8, v6;
	v8 =	vmul.f32 v22, v12;
	[tilespmem:s21+$0xFFFFFF40] =	vst v16  }
0x1dd: {  	v21 =	vmul.f32 v18, v12;
	[tilespmem:s21+$0xFFFFFF60] =	vst v20;
	v20 =	vmul.f32 v23, v12  }
0x1de: {  	v36 =	vld [tilespmem:s16+$0x50];
	[tilespmem:s21+$0xFFFFFF70] =	vst v6;
	v12 =	vmul.f32 v15, v12;
	v19 =	vmul.f32 v11, v22  }
0x1df: {  	[tilespmem:s21+$0xFFFFFF80] =	vst v8;
	v18 =	vmul.f32 v11, v18;
	v22 =	vmul.f32 v11, v23  }
0x1e0: {  	v16 =	vld [tilespmem:s16+$0x10];
	v11 =	vmul.f32 v11, v15;
	[tilespmem:s21+$0xFFFFFFE0] =	vst v12;
	v12 =	vmul.f32 v5, v34  }
0x1e1: {  	[tilespmem:s21+$0xFFFFFFA0] =	vst v21;
	v15 =	vmul.f32 v7, v17;
	v31 =	vmul.f32 v24, v17  }
0x1e2: {  	v6 =	vld [tilespmem:s16+$0x20];
	[tilespmem:s21+$0xFFFFFFC0] =	vst v20;
	v33 =	vmul.f32 v26, v17;
	v35 =	vmul.f32 v14, v17  }
0x1e3: {  	v8 =	vld [tilespmem:s16+$0x30];
	[tilespmem:s21+$0xFFFFFFB0] =	vst v18;
	v18 =	vmul.f32 v13, v34;
	v17 =	vmul.f32 v36, v13  }
0x1e4: {  	[tilespmem:s21+$0xFFFFFFF0] =	vst v11;
	v13 =	vmul.f32 v36, v29;
	v11 =	vmul.f32 v36, v5  }
0x1e5: {  	[tilespmem:s21+$0xFFFFFF90] =	vst v19;
	v5 =	vmul.f32 v4, v3;
	v7 =	vmul.f32 v16, v7  }
0x1e6: {  	[tilespmem:s21+$0xFFFFFFD0] =	vst v22;
	v32 =	vmul.f32 v16, v24;
	v26 =	vmul.f32 v16, v26  }
0x1e7: {  	v37 =	vmul.f32 v16, v14;
	v38 =	vmul.f32 v25, v6;
	[tilespmem:s21+$0x0] =	vst v15  }
0x1e8: {  	v25 =	vmul.f32 v8, v25;
	v23 =	vmul.f32 v9, v6;
	[tilespmem:s21+$0x20] =	vst v31  }
0x1e9: {  	v24 =	vmul.f32 v8, v9;
	v21 =	vmul.f32 v27, v6;
	[tilespmem:s21+$0x40] =	vst v33  }
0x1ea: {  	v22 =	vmul.f32 v8, v27;
	v20 =	vmul.f32 v10, v6;
	[tilespmem:s21+$0x60] =	vst v35  }
0x1eb: {  	v19 =	vmul.f32 v8, v10;
	v16 =	vmul.f32 v28, v34;
	[tilespmem:s21+$0x10] =	vst v7  }
0x1ec: {  	v15 =	vmul.f32 v36, v28;
	v14 =	vmul.f32 v29, v34;
	[tilespmem:s21+$0x30] =	vst v32  }
0x1ed: {  	v9 =	vmul.f32 v2, v3;
	v10 =	vmul.f32 v0, v2;
	[tilespmem:s21+$0x50] =	vst v26  }
0x1ee: {  	s15 =	sshll.u32 s14, $0x8;
	s12 =	simm.s32 $0x22C0;
	v8 =	vmul.f32 v0, v30;
	v6 =	vmul.f32 v0, v4;
	[tilespmem:s21+$0x70] =	vst v37  }
0x1ef: {  	s11 =	simm.s32 $0x3400;
	s10 =	sadd.s32 s9, s15;
	s22 =	simm.s32 $0x0;
	v4 =	vmul.f32 v1, v3;
	v7 =	vmul.f32 v30, v3;
	[tilespmem:s21+$0x80] =	vst v38  }
.LBB2_10:
0x1f0: {  	v26 =	vld [tilespmem:s12+$0x30];
	s22 =	sadd.s32 $0x8, s22;
	[tilespmem:s21+$0x90] =	vst v25  }
0x1f1: {  	s16 =	sadd.s32 $0x100, s16;
	v3 =	vld [tilespmem:s12+$0xFFFFFFD0];
	p1 =	slt.u32 s22, $0x78;
	[tilespmem:s21+$0xA0] =	vst v23  }
0x1f2: {  	v0 =	vld [tilespmem:s16+$0x70];
	[tilespmem:s21+$0xB0] =	vst v24  }
0x1f3: {  	v23 =	vld [tilespmem:s12+$0xFFFFFFE0];
	[tilespmem:s21+$0xC0] =	vst v21  }
0x1f4: {  	v21 =	vld [tilespmem:s12+$0xFFFFFFF0];
	[tilespmem:s21+$0xD0] =	vst v22  }
0x1f5: {  	v22 =	vld [tilespmem:s12+$0x0];
	v2 =	vbroadcast v26, $0x0;
	v1 =	vbroadcast v26, $0x3;
	[tilespmem:s21+$0xE0] =	vst v20  }
0x1f6: {  	v20 =	vbroadcast v3, $0x0;
	v24 =	vbroadcast v3, $0x1;
	v25 =	vld [tilespmem:s12+$0x10];
	[tilespmem:s21+$0xF0] =	vst v19  }
0x1f7: {  	v19 =	vbroadcast v3, $0x2;
	v27 =	vld [tilespmem:s12+$0x20];
	v28 =	vmul.f32 v0, v1;
	[tilespmem:s21+$0x100] =	vst v18  }
0x1f8: {  	v29 =	vbroadcast v3, $0x3;
	s21 =	sadd.s32 $0x400, s21;
	v18 =	vld [tilespmem:s12+$0xFFFFFFC0];
	v30 =	vbroadcast v23, $0x0;
	[tilespmem:s11+$0x110] =	vst v17  }
0x1f9: {  	v17 =	vbroadcast v23, $0x1;
	v31 =	vbroadcast v23, $0x2;
	v3 =	vld [tilespmem:s16+$0x60];
	[tilespmem:s21+$0x1F0] =	vst v28  }
0x1fa: {  	v23 =	vbroadcast v23, $0x3;
	v32 =	vbroadcast v21, $0x0;
	v28 =	vld [tilespmem:s16+$0xFFFFFF80];
	[tilespmem:s11+$0x120] =	vst v16  }
0x1fb: {  	v33 =	vbroadcast v21, $0x1;
	v34 =	vbroadcast v21, $0x2;
	v16 =	vld [tilespmem:s16+$0xFFFFFF90];
	[tilespmem:s11+$0x130] =	vst v15  }
0x1fc: {  	v21 =	vbroadcast v21, $0x3;
	v35 =	vbroadcast v22, $0x0;
	v15 =	vld [tilespmem:s16+$0xFFFFFFA0];
	[tilespmem:s11+$0x140] =	vst v14  }
0x1fd: {  	v14 =	vbroadcast v18, $0x0;
	v36 =	vbroadcast v18, $0x1;
	v37 =	vld [tilespmem:s16+$0xFFFFFFB0];
	[tilespmem:s11+$0x150] =	vst v13  }
0x1fe: {  	v13 =	vbroadcast v18, $0x2;
	v18 =	vbroadcast v18, $0x3;
	v38 =	vld [tilespmem:s16+$0xFFFFFFC0];
	[tilespmem:s11+$0x160] =	vst v12  }
0x1ff: {  	v39 =	vbroadcast v22, $0x1;
	v40 =	vbroadcast v22, $0x2;
	v12 =	vld [tilespmem:s16+$0xFFFFFFD0];
	[tilespmem:s11+$0x170] =	vst v11  }
0x200: {  	v22 =	vbroadcast v22, $0x3;
	v41 =	vbroadcast v25, $0x0;
	v11 =	vld [tilespmem:s16+$0xFFFFFFE0];
	[tilespmem:s11+$0x180] =	vst v9  }
0x201: {  	v42 =	vbroadcast v25, $0x1;
	v43 =	vbroadcast v25, $0x2;
	v9 =	vld [tilespmem:s16+$0xFFFFFFF0];
	[tilespmem:s11+$0x190] =	vst v10  }
0x202: {  	v44 =	vbroadcast v25, $0x3;
	v45 =	vbroadcast v27, $0x0;
	v10 =	vld [tilespmem:s16+$0x0];
	[tilespmem:s11+$0x1A0] =	vst v7  }
0x203: {  	v46 =	vbroadcast v27, $0x1;
	v47 =	vbroadcast v27, $0x2;
	v7 =	vld [tilespmem:s16+$0x10];
	[tilespmem:s11+$0x1B0] =	vst v8  }
0x204: {  	v48 =	vbroadcast v26, $0x1;
	v27 =	vbroadcast v27, $0x3;
	v8 =	vld [tilespmem:s16+$0x20];
	[tilespmem:s11+$0x1C0] =	vst v5  }
0x205: {  	v26 =	vbroadcast v26, $0x2;
	v5 =	vmul.f32 v14, v28;
	v49 =	vld [tilespmem:s16+$0x30];
	[tilespmem:s11+$0x1D0] =	vst v6  }
0x206: {  	v6 =	vmul.f32 v16, v14;
	v14 =	vmul.f32 v36, v28;
	v50 =	vld [tilespmem:s16+$0x40];
	[tilespmem:s11+$0x1E0] =	vst v4;
	s11 =	smov.u32 s21  }
0x207: {  	v4 =	vmul.f32 v16, v36;
	[tilespmem:s21+$0xFFFFFE00] =	vst v5;
	v5 =	vmul.f32 v13, v28;
	v36 =	vld [tilespmem:s16+$0x50]  }
0x208: {  	[tilespmem:s21+$0xFFFFFE10] =	vst v6;
	v6 =	vmul.f32 v16, v13;
	v13 =	vmul.f32 v18, v28  }
0x209: {  	[tilespmem:s21+$0xFFFFFE20] =	vst v14;
	v14 =	vmul.f32 v16, v18;
	v16 =	vmul.f32 v20, v15  }
0x20a: {  	v18 =	vmul.f32 v24, v15;
	[tilespmem:s21+$0xFFFFFE30] =	vst v4;
	v4 =	vmul.f32 v37, v20  }
0x20b: {  	v20 =	vmul.f32 v19, v15;
	[tilespmem:s21+$0xFFFFFE40] =	vst v5;
	v5 =	vmul.f32 v37, v24  }
0x20c: {  	v15 =	vmul.f32 v29, v15;
	[tilespmem:s21+$0xFFFFFE50] =	vst v6;
	v6 =	vmul.f32 v37, v19  }
0x20d: {  	v19 =	vmul.f32 v30, v38;
	[tilespmem:s21+$0xFFFFFE60] =	vst v13;
	v13 =	vmul.f32 v37, v29  }
0x20e: {  	v24 =	vmul.f32 v17, v38;
	[tilespmem:s21+$0xFFFFFE70] =	vst v14;
	v14 =	vmul.f32 v12, v30  }
0x20f: {  	[tilespmem:s21+$0xFFFFFE80] =	vst v16;
	v16 =	vmul.f32 v12, v17;
	v17 =	vmul.f32 v31, v38  }
0x210: {  	v28 =	vmul.f32 v23, v38;
	[tilespmem:s21+$0xFFFFFE90] =	vst v4;
	v4 =	vmul.f32 v12, v31  }
0x211: {  	v29 =	vmul.f32 v32, v11;
	v12 =	vmul.f32 v12, v23;
	[tilespmem:s21+$0xFFFFFEA0] =	vst v18  }
0x212: {  	v30 =	vmul.f32 v33, v11;
	[tilespmem:s21+$0xFFFFFEB0] =	vst v5;
	v5 =	vmul.f32 v9, v32  }
0x213: {  	v31 =	vmul.f32 v9, v33;
	v32 =	vmul.f32 v34, v11;
	[tilespmem:s21+$0xFFFFFEC0] =	vst v20  }
0x214: {  	v33 =	vmul.f32 v21, v11;
	[tilespmem:s21+$0xFFFFFED0] =	vst v6;
	v6 =	vmul.f32 v9, v34  }
0x215: {  	v37 =	vmul.f32 v35, v10;
	v34 =	vmul.f32 v9, v21;
	[tilespmem:s21+$0xFFFFFEE0] =	vst v15  }
0x216: {  	v35 =	vmul.f32 v7, v35;
	v38 =	vmul.f32 v39, v10;
	[tilespmem:s21+$0xFFFFFEF0] =	vst v13  }
0x217: {  	v51 =	vmul.f32 v40, v10;
	v39 =	vmul.f32 v7, v39;
	[tilespmem:s21+$0xFFFFFF00] =	vst v19  }
0x218: {  	v52 =	vmul.f32 v22, v10;
	v40 =	vmul.f32 v7, v40;
	[tilespmem:s21+$0xFFFFFF10] =	vst v14  }
0x219: {  	v53 =	vmul.f32 v7, v22;
	v54 =	vmul.f32 v41, v8;
	[tilespmem:s21+$0xFFFFFF20] =	vst v24  }
0x21a: {  	v25 =	vmul.f32 v49, v41;
	v23 =	vmul.f32 v42, v8;
	[tilespmem:s21+$0xFFFFFF30] =	vst v16  }
0x21b: {  	v21 =	vmul.f32 v43, v8;
	v24 =	vmul.f32 v49, v42;
	[tilespmem:s21+$0xFFFFFF40] =	vst v17  }
0x21c: {  	v22 =	vmul.f32 v49, v43;
	v20 =	vmul.f32 v44, v8;
	[tilespmem:s21+$0xFFFFFF50] =	vst v4  }
0x21d: {  	v18 =	vmul.f32 v45, v50;
	v19 =	vmul.f32 v49, v44;
	[tilespmem:s21+$0xFFFFFF60] =	vst v28  }
0x21e: {  	v16 =	vmul.f32 v46, v50;
	v17 =	vmul.f32 v36, v45;
	[tilespmem:s21+$0xFFFFFF70] =	vst v12  }
0x21f: {  	v15 =	vmul.f32 v36, v46;
	v14 =	vmul.f32 v47, v50;
	[tilespmem:s21+$0xFFFFFF80] =	vst v29  }
0x220: {  	v13 =	vmul.f32 v36, v47;
	v12 =	vmul.f32 v27, v50;
	[tilespmem:s21+$0xFFFFFF90] =	vst v5  }
0x221: {  	v11 =	vmul.f32 v36, v27;
	v9 =	vmul.f32 v2, v3;
	[tilespmem:s21+$0xFFFFFFA0] =	vst v30  }
0x222: {  	v10 =	vmul.f32 v0, v2;
	v7 =	vmul.f32 v48, v3;
	[tilespmem:s21+$0xFFFFFFB0] =	vst v31  }
0x223: {  	v8 =	vmul.f32 v0, v48;
	v5 =	vmul.f32 v26, v3;
	[tilespmem:s21+$0xFFFFFFC0] =	vst v32  }
0x224: {  	v4 =	vmul.f32 v1, v3;
	[tilespmem:s21+$0xFFFFFFD0] =	vst v6;
	v6 =	vmul.f32 v0, v26  }
0x225: {  	[tilespmem:s21+$0xFFFFFFE0] =	vst v33  }
0x226: {  	[tilespmem:s21+$0xFFFFFFF0] =	vst v34  }
0x227: {  	[tilespmem:s21+$0x0] =	vst v37  }
0x228: {  	[tilespmem:s21+$0x10] =	vst v35  }
0x229: {  	[tilespmem:s21+$0x20] =	vst v38  }
0x22a: {  	[tilespmem:s21+$0x30] =	vst v39  }
.Ltmp6:
0x22b: {  	[tilespmem:s21+$0x40] =	vst v51;
	(pc) =	sbr.rel @p1 .LBB2_10-.Ltmp6, $4  }
0x22c: {  	[tilespmem:s21+$0x50] =	vst v40  }
0x22d: {  	[tilespmem:s21+$0x60] =	vst v52  }
0x22e: {  	[tilespmem:s21+$0x70] =	vst v53  }
0x22f: {  	s12 =	sadd.s32 $0x80, s12;
	[tilespmem:s21+$0x80] =	vst v54  }
0x230: {  	[tilespmem:s21+$0x90] =	vst v25  }
0x231: {  	[tilespmem:s21+$0xA0] =	vst v23  }
0x232: {  	[tilespmem:s21+$0xB0] =	vst v24  }
0x233: {  	[tilespmem:s21+$0xC0] =	vst v21  }
0x234: {  	[tilespmem:s21+$0xD0] =	vst v22  }
0x235: {  	[tilespmem:s21+$0xE0] =	vst v20  }
0x236: {  	[tilespmem:s21+$0xF0] =	vst v19  }
0x237: {  	[tilespmem:s21+$0x100] =	vst v18  }
0x238: {  	[tilespmem:s11+$0x180] =	vst v9  }
0x239: {  	[tilespmem:s11+$0x190] =	vst v10  }
0x23a: {  	[tilespmem:s11+$0x1A0] =	vst v7  }
0x23b: {  	[tilespmem:s11+$0x1B0] =	vst v8  }
0x23c: {  	[tilespmem:s11+$0x1C0] =	vst v5  }
0x23d: {  	[tilespmem:s11+$0x1D0] =	vst v6  }
0x23e: {  	[tilespmem:s11+$0x1E0] =	vst v4  }
0x23f: {  	[tilespmem:s11+$0x110] =	vst v17  }
0x240: {  	[tilespmem:s11+$0x120] =	vst v16  }
0x241: {  	[tilespmem:s11+$0x130] =	vst v15  }
0x242: {  	[tilespmem:s11+$0x140] =	vst v14  }
0x243: {  	[tilespmem:s11+$0x150] =	vst v13  }
0x244: {  	s10 =	sshrl.u32 s10, $0x3;
	[tilespmem:s11+$0x160] =	vst v12  }
0x245: {  	[tilespmem:s11+$0x170] =	vst v11;
	s10 =	sadd.s32 s8, s10  }
0x246: {  	[tilespmem:s0], [sflag:$0x7] =	stream.linear.gather [hbm4b:s10+s3], $0x80, $0x38;
	[tilespmem:$0x1F200] =	vst v63  }
0x247: {  	p1 =	seq.s32 s14, $0x29;
	_ =	swait.ge [sflag:s23], $0x80  }
0x248: {  	s10 =	sadd.s32 @!p1 s15, s17;
	[sflag:s23] =	ssyncset.done $0x0  }
0x249: {  	s11 =	sshrl.u32 @!p1 s10, $0x3;
	[sflag:s23] =	ssyncadd.s32 $0xFFFFFF80  }
0x24a: {  	[spmem:s2] =	stream.indirect.scatter.add.f32 [tilespmem:s1], [sflag:$0x3], $0x80, s0, s24, $0xb8;
	[tilespmem:$0x1F200] =	vst v63  }
0x24b: {  	s12 =	simm.s32 @!p1 $0x0;
	s11 =	sadd.s32 @!p1 s7, s11  }
0x24c: {  	[tilespmem:s12], [sflag:$0x7] =	stream.linear.gather @!p1 [hbm4b:s11+s12], $0x80, $0x38;
	[tilespmem:$0x1F200] =	vst v63  }
0x24d: {  	s11 =	simm.s32 @!p1 $0x7  }
0x24e: {  	_ =	swait.ge @!p1 [sflag:s11], $0x80  }
0x24f: {  	s16 =	simm.s32 @!p1 $0x200;
	[sflag:s11] =	ssyncset.done @!p1 $0x0  }
0x250: {  	s10 =	sshll.u32 @!p1 s10, $0x1;
	[sflag:s11] =	ssyncadd.s32 @!p1 $0xFFFFFF80;
	s11 =	simm.s32 @!p1 $0x80  }
0x251: {  	[tilespmem:s16], [sflag:$0x1] =	stream.indirect.gather @!p1 [hbm4b:s5+s11], $0x20, s12, s11, $0xb8;
	[tilespmem:$0x1F200] =	vst v63  }
0x252: {  	s10 =	sadd.s32 @!p1 s6, s10;
	s11 =	simm.s32 @!p1 $0x2200  }
0x253: {  	[tilespmem:s11], [sflag:$0x5] =	stream.linear.gather @!p1 [hbm4b:s10+s12], $0x800, $0x38;
	[tilespmem:$0x1F200] =	vst v63  }
0x254: {  	_ =	swait.ge [sflag:s25], $0x1000  }
0x255: {  	[sflag:s25] =	ssyncset.done $0x0  }
0x256: {  	[sflag:s25] =	ssyncadd.s32 $0xFFFFF000  }
0x257: {  	_ =	swait.ge [sflag:s26], $0x800  }
0x258: {  	[sflag:s26] =	ssyncset.done $0x0  }
0x259: {  	s10 =	simm.s32 @!p0 $0x4;
	[sflag:s26] =	ssyncadd.s32 $0xFFFFF800  }
0x25a: {  	_ =	swait.ge @!p0 [sflag:s10], $0x4000  }
0x25b: {  	[sflag:s10] =	ssyncset.done @!p0 $0x0  }
0x25c: {  	s22 =	simm.s32 $0x2A40;
	[sflag:s10] =	ssyncadd.s32 @!p0 $0xFFFFC000  }
0x25d: {  	v4 =	vld [tilespmem:s22+$0x30]  }
0x25e: {  	v3 =	vld [tilespmem:s22+$0xFFFFFFD0]  }
0x25f: {  	v5 =	vld [tilespmem:s22+$0xFFFFFFC0]  }
0x260: {  	s16 =	simm.s32 $0x1280;
	v6 =	vld [tilespmem:s22+$0xFFFFFFE0]  }
0x261: {  	v0 =	vld [tilespmem:s16+$0x70]  }
0x262: {  	v7 =	vld [tilespmem:s16+$0xFFFFFF80];
	v2 =	vbroadcast v4, $0x0;
	v1 =	vbroadcast v4, $0x3  }
0x263: {  	v8 =	vbroadcast v3, $0x0;
	v9 =	vbroadcast v3, $0x1  }
0x264: {  	v10 =	vld [tilespmem:s16+$0xFFFFFF90];
	v11 =	vbroadcast v3, $0x2;
	v13 =	vbroadcast v3, $0x3  }
0x265: {  	v14 =	vbroadcast v5, $0x0;
	v16 =	vbroadcast v6, $0x0  }
0x266: {  	v18 =	vbroadcast v5, $0x1;
	v12 =	vmul.f32 v0, v1  }
0x267: {  	s21 =	simm.s32 $0x7400;
	v17 =	vbroadcast v6, $0x1;
	v19 =	vmul.f32 v14, v7  }
0x268: {  	v3 =	vld [tilespmem:s16+$0x60];
	v21 =	vbroadcast v5, $0x2;
	v22 =	vmul.f32 v18, v7;
	[tilespmem:s21+$0x1F0] =	vst v12  }
0x269: {  	v15 =	vld [tilespmem:s22+$0xFFFFFFF0];
	v20 =	vbroadcast v6, $0x2;
	v18 =	vmul.f32 v10, v18;
	[tilespmem:s21+$0xFFFFFE00] =	vst v19  }
0x26a: {  	v6 =	vbroadcast v6, $0x3;
	v23 =	vmul.f32 v21, v7;
	v19 =	vld [tilespmem:s16+$0xFFFFFFA0];
	[tilespmem:s21+$0xFFFFFE20] =	vst v22  }
0x26b: {  	v5 =	vbroadcast v5, $0x3;
	v12 =	vmul.f32 v10, v14;
	[tilespmem:s21+$0xFFFFFE30] =	vst v18  }
0x26c: {  	v30 =	vbroadcast v4, $0x1;
	v21 =	vmul.f32 v10, v21;
	v14 =	vld [tilespmem:s22+$0x0];
	[tilespmem:s21+$0xFFFFFE40] =	vst v23  }
0x26d: {  	v4 =	vbroadcast v4, $0x2;
	v7 =	vmul.f32 v5, v7;
	[tilespmem:s21+$0xFFFFFE10] =	vst v12;
	v12 =	vld [tilespmem:s16+$0xFFFFFFB0]  }
0x26e: {  	v5 =	vmul.f32 v10, v5;
	v22 =	vbroadcast v15, $0x0;
	[tilespmem:s21+$0xFFFFFE50] =	vst v21  }
0x26f: {  	v18 =	vbroadcast v15, $0x1;
	[tilespmem:s21+$0xFFFFFE60] =	vst v7;
	v21 =	vmul.f32 v8, v19  }
0x270: {  	v23 =	vbroadcast v15, $0x2;
	[tilespmem:s21+$0xFFFFFE70] =	vst v5;
	v25 =	vmul.f32 v9, v19  }
0x271: {  	v15 =	vbroadcast v15, $0x3;
	v5 =	vld [tilespmem:s22+$0x20];
	v27 =	vmul.f32 v11, v19;
	[tilespmem:s21+$0xFFFFFE80] =	vst v21  }
0x272: {  	v7 =	vbroadcast v14, $0x0;
	v8 =	vmul.f32 v12, v8;
	v21 =	vld [tilespmem:s16+$0xFFFFFFC0];
	[tilespmem:s21+$0xFFFFFEA0] =	vst v25  }
0x273: {  	v10 =	vld [tilespmem:s22+$0x10];
	v24 =	vbroadcast v14, $0x1;
	v19 =	vmul.f32 v13, v19;
	[tilespmem:s21+$0xFFFFFEC0] =	vst v27  }
0x274: {  	v26 =	vbroadcast v14, $0x2;
	v9 =	vmul.f32 v12, v9;
	[tilespmem:s21+$0xFFFFFE90] =	vst v8;
	v8 =	vld [tilespmem:s16+$0xFFFFFFD0]  }
0x275: {  	v14 =	vbroadcast v14, $0x3;
	v11 =	vmul.f32 v12, v11;
	[tilespmem:s21+$0xFFFFFEE0] =	vst v19  }
0x276: {  	v28 =	vbroadcast v5, $0x1;
	v12 =	vmul.f32 v12, v13;
	[tilespmem:s21+$0xFFFFFEB0] =	vst v9  }
0x277: {  	v29 =	vbroadcast v5, $0x2;
	[tilespmem:s21+$0xFFFFFED0] =	vst v11;
	v11 =	vmul.f32 v16, v21  }
0x278: {  	v25 =	vbroadcast v10, $0x0;
	[tilespmem:s21+$0xFFFFFEF0] =	vst v12;
	v19 =	vmul.f32 v17, v21  }
0x279: {  	v27 =	vbroadcast v10, $0x2;
	v12 =	vld [tilespmem:s16+$0xFFFFFFE0];
	v16 =	vmul.f32 v8, v16;
	[tilespmem:s21+$0xFFFFFF00] =	vst v11  }
0x27a: {  	v13 =	vbroadcast v5, $0x0;
	v17 =	vmul.f32 v8, v17;
	[tilespmem:s21+$0xFFFFFF20] =	vst v19  }
0x27b: {  	v5 =	vbroadcast v5, $0x3;
	v11 =	vld [tilespmem:s16+$0xFFFFFFF0];
	v19 =	vmul.f32 v8, v20;
	[tilespmem:s21+$0xFFFFFF10] =	vst v16  }
0x27c: {  	v9 =	vbroadcast v10, $0x1;
	v16 =	vmul.f32 v20, v21;
	[tilespmem:s21+$0xFFFFFF30] =	vst v17  }
0x27d: {  	v34 =	vld [tilespmem:s16+$0x40];
	v10 =	vbroadcast v10, $0x3;
	v20 =	vmul.f32 v6, v21;
	[tilespmem:s21+$0xFFFFFF50] =	vst v19  }
0x27e: {  	v17 =	vld [tilespmem:s16+$0x0];
	v6 =	vmul.f32 v8, v6;
	v8 =	vmul.f32 v22, v12;
	[tilespmem:s21+$0xFFFFFF40] =	vst v16  }
0x27f: {  	v21 =	vmul.f32 v18, v12;
	[tilespmem:s21+$0xFFFFFF60] =	vst v20;
	v20 =	vmul.f32 v23, v12  }
0x280: {  	v36 =	vld [tilespmem:s16+$0x50];
	[tilespmem:s21+$0xFFFFFF70] =	vst v6;
	v12 =	vmul.f32 v15, v12;
	v19 =	vmul.f32 v11, v22  }
0x281: {  	[tilespmem:s21+$0xFFFFFF80] =	vst v8;
	v18 =	vmul.f32 v11, v18;
	v22 =	vmul.f32 v11, v23  }
0x282: {  	v16 =	vld [tilespmem:s16+$0x10];
	v11 =	vmul.f32 v11, v15;
	[tilespmem:s21+$0xFFFFFFE0] =	vst v12;
	v12 =	vmul.f32 v5, v34  }
0x283: {  	[tilespmem:s21+$0xFFFFFFA0] =	vst v21;
	v15 =	vmul.f32 v7, v17;
	v31 =	vmul.f32 v24, v17  }
0x284: {  	v6 =	vld [tilespmem:s16+$0x20];
	[tilespmem:s21+$0xFFFFFFC0] =	vst v20;
	v33 =	vmul.f32 v26, v17;
	v35 =	vmul.f32 v14, v17  }
0x285: {  	v8 =	vld [tilespmem:s16+$0x30];
	[tilespmem:s21+$0xFFFFFFB0] =	vst v18;
	v18 =	vmul.f32 v13, v34;
	v17 =	vmul.f32 v36, v13  }
0x286: {  	[tilespmem:s21+$0xFFFFFFF0] =	vst v11;
	v13 =	vmul.f32 v36, v29;
	v11 =	vmul.f32 v36, v5  }
0x287: {  	[tilespmem:s21+$0xFFFFFF90] =	vst v19;
	v5 =	vmul.f32 v4, v3;
	v7 =	vmul.f32 v16, v7  }
0x288: {  	[tilespmem:s21+$0xFFFFFFD0] =	vst v22;
	v32 =	vmul.f32 v16, v24;
	v26 =	vmul.f32 v16, v26  }
0x289: {  	v37 =	vmul.f32 v16, v14;
	v38 =	vmul.f32 v25, v6;
	[tilespmem:s21+$0x0] =	vst v15  }
0x28a: {  	v25 =	vmul.f32 v8, v25;
	v23 =	vmul.f32 v9, v6;
	[tilespmem:s21+$0x20] =	vst v31  }
0x28b: {  	v24 =	vmul.f32 v8, v9;
	v21 =	vmul.f32 v27, v6;
	[tilespmem:s21+$0x40] =	vst v33  }
0x28c: {  	v22 =	vmul.f32 v8, v27;
	v20 =	vmul.f32 v10, v6;
	[tilespmem:s21+$0x60] =	vst v35  }
0x28d: {  	v19 =	vmul.f32 v8, v10;
	v16 =	vmul.f32 v28, v34;
	[tilespmem:s21+$0x10] =	vst v7  }
0x28e: {  	v15 =	vmul.f32 v36, v28;
	v14 =	vmul.f32 v29, v34;
	[tilespmem:s21+$0x30] =	vst v32  }
0x28f: {  	v10 =	vmul.f32 v2, v3;
	v9 =	vmul.f32 v0, v2;
	[tilespmem:s21+$0x50] =	vst v26  }
0x290: {  	s12 =	simm.s32 $0x2AC0;
	v8 =	vmul.f32 v0, v30;
	v6 =	vmul.f32 v0, v4;
	[tilespmem:s21+$0x70] =	vst v37  }
0x291: {  	s11 =	simm.s32 $0x7400;
	s10 =	sadd.s32 s15, s13;
	s22 =	simm.s32 $0x0;
	v4 =	vmul.f32 v1, v3;
	v7 =	vmul.f32 v30, v3;
	[tilespmem:s21+$0x80] =	vst v38  }
.LBB2_12:
0x292: {  	v26 =	vld [tilespmem:s12+$0x30];
	s22 =	sadd.s32 $0x8, s22;
	[tilespmem:s21+$0x90] =	vst v25  }
0x293: {  	s16 =	sadd.s32 $0x100, s16;
	v3 =	vld [tilespmem:s12+$0xFFFFFFD0];
	p0 =	slt.u32 s22, $0x78;
	[tilespmem:s21+$0xA0] =	vst v23  }
0x294: {  	v0 =	vld [tilespmem:s16+$0x70];
	[tilespmem:s21+$0xB0] =	vst v24  }
0x295: {  	v23 =	vld [tilespmem:s12+$0xFFFFFFE0];
	[tilespmem:s21+$0xC0] =	vst v21  }
0x296: {  	v21 =	vld [tilespmem:s12+$0xFFFFFFF0];
	[tilespmem:s21+$0xD0] =	vst v22  }
0x297: {  	v22 =	vld [tilespmem:s12+$0x0];
	v2 =	vbroadcast v26, $0x0;
	v1 =	vbroadcast v26, $0x3;
	[tilespmem:s21+$0xE0] =	vst v20  }
0x298: {  	v20 =	vbroadcast v3, $0x0;
	v24 =	vbroadcast v3, $0x1;
	v25 =	vld [tilespmem:s12+$0x10];
	[tilespmem:s21+$0xF0] =	vst v19  }
0x299: {  	v19 =	vbroadcast v3, $0x2;
	v27 =	vld [tilespmem:s12+$0x20];
	v28 =	vmul.f32 v0, v1;
	[tilespmem:s21+$0x100] =	vst v18  }
0x29a: {  	v29 =	vbroadcast v3, $0x3;
	s21 =	sadd.s32 $0x400, s21;
	v18 =	vld [tilespmem:s12+$0xFFFFFFC0];
	v30 =	vbroadcast v23, $0x0;
	[tilespmem:s11+$0x110] =	vst v17  }
0x29b: {  	v17 =	vbroadcast v23, $0x1;
	v31 =	vbroadcast v23, $0x2;
	v3 =	vld [tilespmem:s16+$0x60];
	[tilespmem:s21+$0x1F0] =	vst v28  }
0x29c: {  	v23 =	vbroadcast v23, $0x3;
	v32 =	vbroadcast v21, $0x0;
	v28 =	vld [tilespmem:s16+$0xFFFFFF80];
	[tilespmem:s11+$0x120] =	vst v16  }
0x29d: {  	v33 =	vbroadcast v21, $0x1;
	v34 =	vbroadcast v21, $0x2;
	v16 =	vld [tilespmem:s16+$0xFFFFFF90];
	[tilespmem:s11+$0x130] =	vst v15  }
0x29e: {  	v21 =	vbroadcast v21, $0x3;
	v35 =	vbroadcast v22, $0x0;
	v15 =	vld [tilespmem:s16+$0xFFFFFFA0];
	[tilespmem:s11+$0x140] =	vst v14  }
0x29f: {  	v14 =	vbroadcast v18, $0x0;
	v36 =	vbroadcast v18, $0x1;
	v37 =	vld [tilespmem:s16+$0xFFFFFFB0];
	[tilespmem:s11+$0x150] =	vst v13  }
0x2a0: {  	v13 =	vbroadcast v18, $0x2;
	v18 =	vbroadcast v18, $0x3;
	v38 =	vld [tilespmem:s16+$0xFFFFFFC0];
	[tilespmem:s11+$0x160] =	vst v12  }
0x2a1: {  	v39 =	vbroadcast v22, $0x1;
	v40 =	vbroadcast v22, $0x2;
	v12 =	vld [tilespmem:s16+$0xFFFFFFD0];
	[tilespmem:s11+$0x170] =	vst v11  }
0x2a2: {  	v22 =	vbroadcast v22, $0x3;
	v41 =	vbroadcast v25, $0x0;
	v11 =	vld [tilespmem:s16+$0xFFFFFFE0];
	[tilespmem:s11+$0x180] =	vst v10  }
0x2a3: {  	v42 =	vbroadcast v25, $0x1;
	v43 =	vbroadcast v25, $0x2;
	v10 =	vld [tilespmem:s16+$0xFFFFFFF0];
	[tilespmem:s11+$0x190] =	vst v9  }
0x2a4: {  	v44 =	vbroadcast v25, $0x3;
	v45 =	vbroadcast v27, $0x0;
	v9 =	vld [tilespmem:s16+$0x0];
	[tilespmem:s11+$0x1A0] =	vst v7  }
0x2a5: {  	v46 =	vbroadcast v27, $0x1;
	v47 =	vbroadcast v27, $0x2;
	v7 =	vld [tilespmem:s16+$0x10];
	[tilespmem:s11+$0x1B0] =	vst v8  }
0x2a6: {  	v48 =	vbroadcast v26, $0x1;
	v27 =	vbroadcast v27, $0x3;
	v8 =	vld [tilespmem:s16+$0x20];
	[tilespmem:s11+$0x1C0] =	vst v5  }
0x2a7: {  	v26 =	vbroadcast v26, $0x2;
	v5 =	vmul.f32 v14, v28;
	v49 =	vld [tilespmem:s16+$0x30];
	[tilespmem:s11+$0x1D0] =	vst v6  }
0x2a8: {  	v6 =	vmul.f32 v16, v14;
	v14 =	vmul.f32 v36, v28;
	v50 =	vld [tilespmem:s16+$0x40];
	[tilespmem:s11+$0x1E0] =	vst v4;
	s11 =	smov.u32 s21  }
0x2a9: {  	v4 =	vmul.f32 v16, v36;
	[tilespmem:s21+$0xFFFFFE00] =	vst v5;
	v5 =	vmul.f32 v13, v28;
	v36 =	vld [tilespmem:s16+$0x50]  }
0x2aa: {  	[tilespmem:s21+$0xFFFFFE10] =	vst v6;
	v6 =	vmul.f32 v16, v13;
	v13 =	vmul.f32 v18, v28  }
0x2ab: {  	[tilespmem:s21+$0xFFFFFE20] =	vst v14;
	v14 =	vmul.f32 v16, v18;
	v16 =	vmul.f32 v20, v15  }
0x2ac: {  	v18 =	vmul.f32 v24, v15;
	[tilespmem:s21+$0xFFFFFE30] =	vst v4;
	v4 =	vmul.f32 v37, v20  }
0x2ad: {  	v20 =	vmul.f32 v19, v15;
	[tilespmem:s21+$0xFFFFFE40] =	vst v5;
	v5 =	vmul.f32 v37, v24  }
0x2ae: {  	v15 =	vmul.f32 v29, v15;
	[tilespmem:s21+$0xFFFFFE50] =	vst v6;
	v6 =	vmul.f32 v37, v19  }
0x2af: {  	v19 =	vmul.f32 v30, v38;
	[tilespmem:s21+$0xFFFFFE60] =	vst v13;
	v13 =	vmul.f32 v37, v29  }
0x2b0: {  	v24 =	vmul.f32 v17, v38;
	[tilespmem:s21+$0xFFFFFE70] =	vst v14;
	v14 =	vmul.f32 v12, v30  }
0x2b1: {  	[tilespmem:s21+$0xFFFFFE80] =	vst v16;
	v16 =	vmul.f32 v12, v17;
	v17 =	vmul.f32 v31, v38  }
0x2b2: {  	v28 =	vmul.f32 v23, v38;
	[tilespmem:s21+$0xFFFFFE90] =	vst v4;
	v4 =	vmul.f32 v12, v31  }
0x2b3: {  	v29 =	vmul.f32 v32, v11;
	v12 =	vmul.f32 v12, v23;
	[tilespmem:s21+$0xFFFFFEA0] =	vst v18  }
0x2b4: {  	v30 =	vmul.f32 v33, v11;
	[tilespmem:s21+$0xFFFFFEB0] =	vst v5;
	v5 =	vmul.f32 v10, v32  }
0x2b5: {  	v31 =	vmul.f32 v10, v33;
	v32 =	vmul.f32 v34, v11;
	[tilespmem:s21+$0xFFFFFEC0] =	vst v20  }
0x2b6: {  	v33 =	vmul.f32 v21, v11;
	[tilespmem:s21+$0xFFFFFED0] =	vst v6;
	v6 =	vmul.f32 v10, v34  }
0x2b7: {  	v37 =	vmul.f32 v35, v9;
	v34 =	vmul.f32 v10, v21;
	[tilespmem:s21+$0xFFFFFEE0] =	vst v15  }
0x2b8: {  	v35 =	vmul.f32 v7, v35;
	v38 =	vmul.f32 v39, v9;
	[tilespmem:s21+$0xFFFFFEF0] =	vst v13  }
0x2b9: {  	v51 =	vmul.f32 v40, v9;
	v39 =	vmul.f32 v7, v39;
	[tilespmem:s21+$0xFFFFFF00] =	vst v19  }
0x2ba: {  	v52 =	vmul.f32 v22, v9;
	v40 =	vmul.f32 v7, v40;
	[tilespmem:s21+$0xFFFFFF10] =	vst v14  }
0x2bb: {  	v53 =	vmul.f32 v7, v22;
	v54 =	vmul.f32 v41, v8;
	[tilespmem:s21+$0xFFFFFF20] =	vst v24  }
0x2bc: {  	v25 =	vmul.f32 v49, v41;
	v23 =	vmul.f32 v42, v8;
	[tilespmem:s21+$0xFFFFFF30] =	vst v16  }
0x2bd: {  	v21 =	vmul.f32 v43, v8;
	v24 =	vmul.f32 v49, v42;
	[tilespmem:s21+$0xFFFFFF40] =	vst v17  }
0x2be: {  	v22 =	vmul.f32 v49, v43;
	v20 =	vmul.f32 v44, v8;
	[tilespmem:s21+$0xFFFFFF50] =	vst v4  }
0x2bf: {  	v18 =	vmul.f32 v45, v50;
	v19 =	vmul.f32 v49, v44;
	[tilespmem:s21+$0xFFFFFF60] =	vst v28  }
0x2c0: {  	v16 =	vmul.f32 v46, v50;
	v17 =	vmul.f32 v36, v45;
	[tilespmem:s21+$0xFFFFFF70] =	vst v12  }
0x2c1: {  	v15 =	vmul.f32 v36, v46;
	v14 =	vmul.f32 v47, v50;
	[tilespmem:s21+$0xFFFFFF80] =	vst v29  }
0x2c2: {  	v13 =	vmul.f32 v36, v47;
	v12 =	vmul.f32 v27, v50;
	[tilespmem:s21+$0xFFFFFF90] =	vst v5  }
0x2c3: {  	v11 =	vmul.f32 v36, v27;
	v10 =	vmul.f32 v2, v3;
	[tilespmem:s21+$0xFFFFFFA0] =	vst v30  }
0x2c4: {  	v9 =	vmul.f32 v0, v2;
	v7 =	vmul.f32 v48, v3;
	[tilespmem:s21+$0xFFFFFFB0] =	vst v31  }
0x2c5: {  	v8 =	vmul.f32 v0, v48;
	v5 =	vmul.f32 v26, v3;
	[tilespmem:s21+$0xFFFFFFC0] =	vst v32  }
0x2c6: {  	v4 =	vmul.f32 v1, v3;
	[tilespmem:s21+$0xFFFFFFD0] =	vst v6;
	v6 =	vmul.f32 v0, v26  }
0x2c7: {  	[tilespmem:s21+$0xFFFFFFE0] =	vst v33  }
0x2c8: {  	[tilespmem:s21+$0xFFFFFFF0] =	vst v34  }
0x2c9: {  	[tilespmem:s21+$0x0] =	vst v37  }
0x2ca: {  	[tilespmem:s21+$0x10] =	vst v35  }
0x2cb: {  	[tilespmem:s21+$0x20] =	vst v38  }
0x2cc: {  	[tilespmem:s21+$0x30] =	vst v39  }
.Ltmp7:
0x2cd: {  	[tilespmem:s21+$0x40] =	vst v51;
	(pc) =	sbr.rel @p0 .LBB2_12-.Ltmp7, $4  }
0x2ce: {  	[tilespmem:s21+$0x50] =	vst v40  }
0x2cf: {  	[tilespmem:s21+$0x60] =	vst v52  }
0x2d0: {  	[tilespmem:s21+$0x70] =	vst v53  }
0x2d1: {  	s12 =	sadd.s32 $0x80, s12;
	[tilespmem:s21+$0x80] =	vst v54  }
0x2d2: {  	[tilespmem:s21+$0x90] =	vst v25  }
0x2d3: {  	[tilespmem:s21+$0xA0] =	vst v23  }
0x2d4: {  	[tilespmem:s21+$0xB0] =	vst v24  }
0x2d5: {  	[tilespmem:s21+$0xC0] =	vst v21  }
0x2d6: {  	[tilespmem:s21+$0xD0] =	vst v22  }
0x2d7: {  	[tilespmem:s21+$0xE0] =	vst v20  }
0x2d8: {  	[tilespmem:s21+$0xF0] =	vst v19  }
0x2d9: {  	[tilespmem:s21+$0x100] =	vst v18  }
0x2da: {  	[tilespmem:s11+$0x180] =	vst v10  }
0x2db: {  	[tilespmem:s11+$0x190] =	vst v9  }
0x2dc: {  	[tilespmem:s11+$0x1A0] =	vst v7  }
0x2dd: {  	[tilespmem:s11+$0x1B0] =	vst v8  }
0x2de: {  	[tilespmem:s11+$0x1C0] =	vst v5  }
0x2df: {  	[tilespmem:s11+$0x1D0] =	vst v6  }
0x2e0: {  	[tilespmem:s11+$0x1E0] =	vst v4  }
0x2e1: {  	[tilespmem:s11+$0x110] =	vst v17  }
0x2e2: {  	[tilespmem:s11+$0x120] =	vst v16  }
0x2e3: {  	[tilespmem:s11+$0x130] =	vst v15  }
0x2e4: {  	[tilespmem:s11+$0x140] =	vst v14  }
0x2e5: {  	[tilespmem:s11+$0x150] =	vst v13  }
0x2e6: {  	s10 =	sshrl.u32 s10, $0x3;
	[tilespmem:s11+$0x160] =	vst v12  }
0x2e7: {  	[tilespmem:s11+$0x170] =	vst v11;
	s10 =	sadd.s32 s8, s10  }
0x2e8: {  	[tilespmem:s19], [sflag:$0x7] =	stream.linear.gather [hbm4b:s10+s3], $0x80, $0x38;
	[tilespmem:$0x1F200] =	vst v63  }
.Ltmp8:
0x2e9: {  	_ = 	snop;
	(pc) =	sbr.rel @p1 .LBB2_15-.Ltmp8, $4  }
0x2ea: {  	_ =	swait.ge [sflag:s23], $0x80  }
0x2eb: {  	[sflag:s23] =	ssyncset.done $0x0  }
0x2ec: {  	[sflag:s23] =	ssyncadd.s32 $0xFFFFFF80  }
0x2ed: {  	[spmem:s2] =	stream.indirect.scatter.add.f32 [tilespmem:s20], [sflag:$0x4], $0x80, s19, s24, $0xb8;
	[tilespmem:$0x1F200] =	vst v63  }
0x2ee: {  	s10 =	sadd.s32 s15, s18  }
0x2ef: {  	s11 =	sshrl.u32 s10, $0x3  }
0x2f0: {  	s11 =	sadd.s32 s7, s11  }
0x2f1: {  	[tilespmem:s24], [sflag:$0x7] =	stream.linear.gather [hbm4b:s11+s3], $0x80, $0x38;
	[tilespmem:$0x1F200] =	vst v63  }
0x2f2: {  	_ =	swait.ge [sflag:s23], $0x80  }
.Ltmp9:
0x2f3: {  	[sflag:s23] =	ssyncset.done $0x0;
	(pc) =	sbr.rel .LBB2_9-.Ltmp9, $4  }
0x2f4: {  	s10 =	sshll.u32 s10, $0x1;
	[sflag:s23] =	ssyncadd.s32 $0xFFFFFF80  }
0x2f5: {  	[tilespmem:s28], [sflag:$0x2] =	stream.indirect.gather [hbm4b:s5+s24], $0x20, s24, s24, $0xb8;
	[tilespmem:$0x1F200] =	vst v63  }
0x2f6: {  	s14 =	sadd.s32 $0x1, s14;
	s10 =	sadd.s32 s6, s10  }
0x2f7: {  	[tilespmem:s29], [sflag:$0x6] =	stream.linear.gather [hbm4b:s10+s3], $0x800, $0x38;
	[tilespmem:$0x1F200] =	vst v63  }
.LBB2_16:
0x2f8: {  	_ =	sfence.sel $0x180000  }
0x2f9: {  	[bflag:$0x0] =	sbarrier.arrive $0xFFFF  }
0x2fa: {  	_ =	strace $0x90000053  }
0x2fb: {  	s0 =	stileid.u32;
	[bflag:$0x2] =	sbarrier.arrive $0xFFFF  }
0x2fc: {  	p0 =	sne.s32 s0, $0x0;
	s0 =	rddreg [dreg:$0x3]  }
0x2fd: {  	s0 =	sadd.s32 @!p0 $0x100000, s0  }
0x2fe: {  	[sflag:s0] =	ssyncadd.tile.s32 @!p0 $0x1;
	_ =	shalt  }
.Lfunc_end2:
_tile_overlayer_lowered:
.L_overlay_start_2:
0x2ff: {  	(tag) =	ssettag $0x2  }
0x300: {  	s0 =	rddreg [dreg:$0x0];
	s2 =	stileid.u32  }
0x301: {  	s1 =	rddreg [dreg:$0x1];
	p0 =	sne.s32 s2, $0x0  }
0x302: {  	s3 =	rddreg [dreg:$0x2];
	[bflag:$0x3] =	sbarrier.arrive $0xFFFF;
	s2 =	simm.s32 @!p0 $0x1C07  }
0x303: {  	[timem:s3], [sflag:s2] =	dma.local @!p0 [hbm:s0], s1  }
0x304: {  	s0 =	simm.s32 @!p0 $0x7  }
0x305: {  	_ =	swait.ge @!p0 [sflag:s0], s1  }
0x306: {  	s1 =	ssub.s32 @!p0 $0x0, s1;
	[sflag:s0] =	ssyncset.done @!p0 $0x0  }
0x307: {  	[sflag:s0] =	ssyncadd.s32 @!p0 s1  }
0x308: {  	[bflag:$0x3] =	sbarrier.arrive $0xFFFF  }
0x309: {  	_ =	shalt  }

</sc_bundles>
